<compile_context>
chip_gen: v7x
topology: tpu7x:2x2x1
jax: 0.10.2.dev20260603
libtpu: 0.0.44.dev20260713+nightly
codegen_flags: <defaults>
</compile_context>

<pallas_src>
import functools

import jax
import jax.numpy as jnp
from jax import lax
from jax.experimental import pallas as pl
from jax.experimental.pallas import tpu as pltpu
from jax.experimental.pallas import tpu_sc as plsc

N = 10000
E = 320000
D = 128
H = 128

NC = 2
NS = 16
NW = NC * NS
EC = E // NW
CH = 40
NCHUNK = EC // CH
NCPB = 10
NSB = NCHUNK // NCPB
IDXW = NCPB * CH
NPAD = 10112
STRIPE = NPAD // NS
RB = 1000
DEN_B = 10
FRB = 128
NFB = NPAD // FRB


def _proj_body(x_ref, ws_ref, wd_ref, avs_ref, avd_ref,
               xs_ref, asrc_ref, adst_ref, mb_ref):
    i = pl.program_id(0)
    xb = x_ref[...]
    xs = jnp.dot(xb, ws_ref[...], preferred_element_type=jnp.float32)
    xd = jnp.dot(xb, wd_ref[...], preferred_element_type=jnp.float32)
    xs_ref[...] = xs
    a_s = jnp.sum(xs * avs_ref[...], axis=1, keepdims=True)
    a_d = jnp.sum(xd * avd_ref[...], axis=1, keepdims=True)
    asrc_ref[...] = a_s
    adst_ref[...] = a_d
    bm = jnp.concatenate(
        [jnp.full((1, H), jnp.max(a_s), jnp.float32),
         jnp.full((1, H), jnp.max(a_d), jnp.float32)], axis=0)

    @pl.when(i == 0)
    def _():
        mb_ref[...] = bm

    @pl.when(i != 0)
    def _():
        mb_ref[...] = jnp.maximum(mb_ref[...], bm)


_proj_call = pl.pallas_call(
    _proj_body,
    grid=(N // RB,),
    in_specs=[
        pl.BlockSpec((RB, D), lambda i: (i, 0)),
        pl.BlockSpec((D, H), lambda i: (0, 0)),
        pl.BlockSpec((D, H), lambda i: (0, 0)),
        pl.BlockSpec((1, H), lambda i: (0, 0)),
        pl.BlockSpec((1, H), lambda i: (0, 0)),
    ],
    out_specs=[
        pl.BlockSpec((RB, H), lambda i: (i, 0)),
        pl.BlockSpec((RB, 1), lambda i: (i, 0)),
        pl.BlockSpec((RB, 1), lambda i: (i, 0)),
        pl.BlockSpec((2, H), lambda i: (0, 0)),
    ],
    out_shape=[
        jax.ShapeDtypeStruct((N, H), jnp.float32),
        jax.ShapeDtypeStruct((N, 1), jnp.float32),
        jax.ShapeDtypeStruct((N, 1), jnp.float32),
        jax.ShapeDtypeStruct((2, H), jnp.float32),
    ],
)


def _sc_body(asrc_hbm, adst_hbm, src_hbm, dst_hbm, xs_hbm, mb_hbm,
             num_out, den_out,
             asrc_v, adst_v, cur_src, cur_dst, nxt_src, nxt_dst,
             srcb0, srcb1, dstb0, dstb1, exb,
             den_v, rows0, rows1, mb_v,
             num_sh, sem_g0, sem_g1, sem_s0, sem_s1, sem_i):
    c = lax.axis_index("c")
    s = lax.axis_index("s")
    w = c * NS + s
    rows = (rows0, rows1)
    srcb = (srcb0, srcb1)
    dstb = (dstb0, dstb1)
    sem_g = (sem_g0, sem_g1)
    sem_s = (sem_s0, sem_s1)

    pltpu.sync_copy(asrc_hbm, asrc_v)
    pltpu.sync_copy(adst_hbm, adst_v)
    pltpu.sync_copy(mb_hbm, mb_v)

    zeros16 = jnp.zeros((16,), jnp.float32)

    @pl.loop(0, DEN_B)
    def _zero_den(i):
        @pl.loop(0, 1024 // 16)
        def _(g):
            den_v[i, pl.ds(g * 16, 16)] = zeros16

    @pl.loop(0, CH)
    def _zero_rows(r):
        for h in range(H // 16):
            rows0[r, pl.ds(h * 16, 16)] = zeros16

    base = s * STRIPE
    nfull, rem = STRIPE // CH, STRIPE % CH

    @pl.loop(0, nfull)
    def _zero_sh(i):
        pltpu.sync_copy(rows0, num_sh.at[pl.ds(base + i * CH, CH)])

    if rem:
        pltpu.sync_copy(rows0.at[pl.ds(0, rem)],
                        num_sh.at[pl.ds(base + nfull * CH, rem)])

    plsc.subcore_barrier()

    m0 = mb_v[pl.ds(0, 16)] + mb_v[pl.ds(H, 16)]
    mb = jnp.maximum(m0, 0.2 * m0)

    iota16 = lax.iota(jnp.int32, 16)

    def start_idx(sbn):
        pltpu.async_copy(src_hbm.at[w, sbn], nxt_src, sem_i)
        pltpu.async_copy(dst_hbm.at[w, sbn], nxt_dst, sem_i)

    def wait_idx():
        pltpu.make_async_copy(src_hbm.at[w, 0], nxt_src, sem_i).wait()
        pltpu.make_async_copy(dst_hbm.at[w, 0], nxt_dst, sem_i).wait()

    def adopt_idx():
        for g in range(IDXW // 16):
            cur_src[pl.ds(g * 16, 16)] = nxt_src[pl.ds(g * 16, 16)]
            cur_dst[pl.ds(g * 16, 16)] = nxt_dst[pl.ds(g * 16, 16)]

    def stage(b, q):
        for o in (0, 16, 24):
            idxv = jnp.full((16,), q * CH + o, jnp.int32) + iota16
            srcb[b][pl.ds(o, 16)] = plsc.load_gather(cur_src, [idxv])
            dstb[b][pl.ds(o, 16)] = plsc.load_gather(cur_dst, [idxv])

    def start_gather(b):
        pltpu.async_copy(xs_hbm.at[srcb[b]], rows[b], sem_g[b])

    def wait_gather(b):
        pltpu.make_async_copy(xs_hbm.at[srcb[b]], rows[b], sem_g[b]).wait()

    def start_scatter(b):
        pltpu.async_copy(rows[b], num_sh.at[dstb[b]], sem_s[b], add=True)

    def wait_scatter(b):
        pltpu.make_async_copy(rows[b], num_sh.at[dstb[b]], sem_s[b]).wait()

    tail_mask = iota16 >= 8

    def score(b):
        offs = (0, 16, 24)
        masks = (None, None, tail_mask)
        for o, m in zip(offs, masks):
            sidx = srcb[b][pl.ds(o, 16)]
            didx = dstb[b][pl.ds(o, 16)]
            a1 = plsc.load_gather(asrc_v, [sidx])
            a2 = plsc.load_gather(adst_v, [didx])
            t = a1 + a2
            e = jnp.maximum(t, 0.2 * t)
            ex = jnp.exp(e - mb)
            exb[pl.ds(o, 16)] = ex
            dblk = lax.shift_right_logical(didx, 10)
            dpos = lax.bitwise_and(didx, 1023)
            if m is None:
                plsc.addupdate_scatter(den_v, [dblk, dpos], ex)
            else:
                plsc.addupdate_scatter(den_v, [dblk, dpos], ex, mask=m)

    def scale(b):
        rows_b = rows[b]

        @pl.loop(0, CH, unroll=4)
        def _scale(r):
            rv = jnp.full((16,), r, jnp.int32)
            sc = plsc.load_gather(exb, [rv])
            for h in range(H // 16):
                rows_b[r, pl.ds(h * 16, 16)] = (
                    rows_b[r, pl.ds(h * 16, 16)] * sc)

    start_idx(0)
    wait_idx()
    adopt_idx()
    start_idx(1)
    stage(0, 0)
    start_gather(0)

    @pl.loop(0, NCHUNK - 2, step=2)
    def _pipe(jj):
        for b in (0, 1):
            j = jj + b
            nb = 1 - b
            j1 = j + 1
            sb1 = lax.div(j1, NCPB)
            q1 = j1 - sb1 * NCPB
            score(b)
            if b == 0:
                @pl.when(jj > 0)
                def _():
                    wait_scatter(nb)
            else:
                wait_scatter(nb)
            wait_gather(b)

            @pl.when(q1 == 0)
            def _():
                wait_idx()
                adopt_idx()

                @pl.when(sb1 + 1 < NSB)
                def _():
                    start_idx(sb1 + 1)

            stage(nb, q1)
            start_gather(nb)
            scale(b)
            start_scatter(b)

    score(0)
    wait_scatter(1)
    wait_gather(0)
    stage(1, NCPB - 1)
    start_gather(1)
    scale(0)
    start_scatter(0)
    score(1)
    wait_scatter(0)
    wait_gather(1)
    scale(1)
    start_scatter(1)
    wait_scatter(1)

    for i in range(DEN_B):
        pltpu.async_copy(den_v.at[i], den_out.at[i, w], sem_i)
    for i in range(DEN_B):
        pltpu.make_async_copy(den_v.at[i], den_out.at[i, w], sem_i).wait()
    plsc.subcore_barrier()
    pltpu.sync_copy(num_sh.at[pl.ds(s * STRIPE, STRIPE)],
                    num_out.at[c, pl.ds(s * STRIPE, STRIPE)])


_sc_call = functools.partial(
    pl.kernel,
    out_type=(
        jax.ShapeDtypeStruct((NC, NPAD, H), jnp.float32),
        jax.ShapeDtypeStruct((DEN_B, NW, 1024), jnp.float32),
    ),
    mesh=plsc.VectorSubcoreMesh(core_axis_name="c", subcore_axis_name="s",
                                num_cores=NC, num_subcores=NS),
    compiler_params=pltpu.CompilerParams(needs_layout_passes=False),
    scratch_types=[
        pltpu.VMEM((N,), jnp.float32),
        pltpu.VMEM((N,), jnp.float32),
        pltpu.VMEM((IDXW,), jnp.int32),
        pltpu.VMEM((IDXW,), jnp.int32),
        pltpu.VMEM((IDXW,), jnp.int32),
        pltpu.VMEM((IDXW,), jnp.int32),
        pltpu.VMEM((CH,), jnp.int32),
        pltpu.VMEM((CH,), jnp.int32),
        pltpu.VMEM((CH,), jnp.int32),
        pltpu.VMEM((CH,), jnp.int32),
        pltpu.VMEM((CH,), jnp.float32),
        pltpu.VMEM((DEN_B, 1024), jnp.float32),
        pltpu.VMEM((CH, H), jnp.float32),
        pltpu.VMEM((CH, H), jnp.float32),
        pltpu.VMEM((2 * H,), jnp.float32),
        pltpu.VMEM_SHARED((NPAD, H), jnp.float32),
        pltpu.SemaphoreType.DMA,
        pltpu.SemaphoreType.DMA,
        pltpu.SemaphoreType.DMA,
        pltpu.SemaphoreType.DMA,
        pltpu.SemaphoreType.DMA,
    ],
)(_sc_body)


def _fin_body(num_ref, den_ref, bias_ref, out_ref):
    n = num_ref[0] + num_ref[1]
    dsum = jnp.sum(den_ref[0], axis=0)
    out_ref[...] = jnp.maximum(
        n / (dsum[:, None] + 1e-16) + bias_ref[...], 0.0)


_fin_call = pl.pallas_call(
    _fin_body,
    grid=(NFB,),
    in_specs=[
        pl.BlockSpec((NC, FRB, H), lambda i: (0, i, 0)),
        pl.BlockSpec((1, NW, FRB), lambda i: (i // 8, 0, i % 8)),
        pl.BlockSpec((1, H), lambda i: (0, 0)),
    ],
    out_specs=pl.BlockSpec((FRB, H), lambda i: (i, 0)),
    out_shape=jax.ShapeDtypeStruct((N, H), jnp.float32),
)


def kernel(x, edge_index, W_src, W_dst, att_src, att_dst, bias):
    xs, a_src, a_dst, mb2 = _proj_call(
        x, W_src, W_dst, att_src.reshape(1, H), att_dst.reshape(1, H))
    src = edge_index[0].reshape(NW, NSB, IDXW)
    dst = edge_index[1].reshape(NW, NSB, IDXW)
    num, den = _sc_call(a_src.reshape(N), a_dst.reshape(N), src, dst, xs,
                        mb2.reshape(2 * H))
    return _fin_call(num, den, bias.reshape(1, H))

# --- scband reference (transcript-rebuilt; emitter-appended) ---
"""Pipeline reference for scband-gnnencoder-85461259256118 (READ-ONLY COPY).

The authoritative reference and input builder live on the scoring server;
editing this copy changes nothing except your own understanding.
"""

import jax, jax.numpy as jnp
import numpy as np

N = 10000
E = 320000
D = 128
H = 128


def setup_inputs(seed: int = 0) -> dict:
    key = jax.random.key(seed)
    ks = jax.random.split(key, 8)
    x = jax.random.normal(ks[0], (N, D), dtype=jnp.float32)
    edge_index = jax.random.randint(ks[1], (2, E), 0, N, dtype=jnp.int32)
    # GATConv (heads=1, concat default) parameters: separate src/dst linear ((-1,-1) in_channels)
    W_src = jax.random.normal(ks[2], (D, H), dtype=jnp.float32) * (1.0 / np.sqrt(D))
    W_dst = jax.random.normal(ks[3], (D, H), dtype=jnp.float32) * (1.0 / np.sqrt(D))
    att_src = jax.random.normal(ks[4], (H,), dtype=jnp.float32) * (1.0 / np.sqrt(H))
    att_dst = jax.random.normal(ks[5], (H,), dtype=jnp.float32) * (1.0 / np.sqrt(H))
    bias = jnp.zeros((H,), dtype=jnp.float32)
    return {"x": x, "edge_index": edge_index, "W_src": W_src, "W_dst": W_dst,
            "att_src": att_src, "att_dst": att_dst, "bias": bias}


def reference(x, edge_index, W_src, W_dst, att_src, att_dst, bias):
    # GNNEncoder with num_layers=1, single edge type, GATConv(heads=1), aggr='sum',
    # dropout inactive (eval mode), followed by relu activation.
    src = edge_index[0]
    dst = edge_index[1]
    xs = x @ W_src            # [N, H] source-side projection
    xd = x @ W_dst            # [N, H] dest-side projection
    a_src = xs @ att_src      # [N]
    a_dst = xd @ att_dst      # [N]
    e = a_src[src] + a_dst[dst]                 # [E] gather
    e = jax.nn.leaky_relu(e, negative_slope=0.2)
    # segment softmax over destination nodes
    e_max = jax.ops.segment_max(e, dst, num_segments=N)
    e_max = jnp.where(jnp.isfinite(e_max), e_max, 0.0)
    ex = jnp.exp(e - e_max[dst])
    denom = jax.ops.segment_sum(ex, dst, num_segments=N)
    alpha = ex / (denom[dst] + 1e-16)           # [E]
    msg = xs[src] * alpha[:, None]              # [E, H] gather + scale
    out = jax.ops.segment_sum(msg, dst, num_segments=N)  # scatter-add
    out = out + bias
    out = jax.nn.relu(out)
    return out

if __name__ == "__main__":
    import jax
    _d = setup_inputs()
    print(jax.jit(kernel)(*tuple(_d.values())))

</pallas_src>

<mosaic_0001>
#map = affine_map<(d0, d1) -> (0)>
#map1 = affine_map<(d0, d1) -> (0, 0, 0)>
#map2 = affine_map<(d0, d1) -> (0, 0)>
module attributes {stable_mosaic.version = 14 : i64} {
  func.func @_sc_body(%arg0: i32, %arg1: i32, %arg2: memref<10000xf32, #tpu.memory_space<hbm>>, %arg3: memref<10000xf32, #tpu.memory_space<hbm>>, %arg4: memref<32x25x400xi32, #tpu.memory_space<hbm>>, %arg5: memref<32x25x400xi32, #tpu.memory_space<hbm>>, %arg6: memref<10000x128xf32, #tpu.memory_space<hbm>>, %arg7: memref<256xf32, #tpu.memory_space<hbm>>, %arg8: memref<2x10112x128xf32, #tpu.memory_space<hbm>>, %arg9: memref<10x32x1024xf32, #tpu.memory_space<hbm>>, %arg10: memref<10000xf32, #tpu.memory_space<vmem>>, %arg11: memref<10000xf32, #tpu.memory_space<vmem>>, %arg12: memref<400xi32, #tpu.memory_space<vmem>>, %arg13: memref<400xi32, #tpu.memory_space<vmem>>, %arg14: memref<400xi32, #tpu.memory_space<vmem>>, %arg15: memref<400xi32, #tpu.memory_space<vmem>>, %arg16: memref<40xi32, #tpu.memory_space<vmem>>, %arg17: memref<40xi32, #tpu.memory_space<vmem>>, %arg18: memref<40xi32, #tpu.memory_space<vmem>>, %arg19: memref<40xi32, #tpu.memory_space<vmem>>, %arg20: memref<40xf32, #tpu.memory_space<vmem>>, %arg21: memref<10x1024xf32, #tpu.memory_space<vmem>>, %arg22: memref<40x128xf32, #tpu.memory_space<vmem>>, %arg23: memref<40x128xf32, #tpu.memory_space<vmem>>, %arg24: memref<256xf32, #tpu.memory_space<vmem>>, %arg25: memref<10112x128xf32, #tpu.memory_space<vmem_shared>>, %arg26: memref<!tpu.dma_semaphore, #tpu.memory_space<semaphore_mem>>, %arg27: memref<!tpu.dma_semaphore, #tpu.memory_space<semaphore_mem>>, %arg28: memref<!tpu.dma_semaphore, #tpu.memory_space<semaphore_mem>>, %arg29: memref<!tpu.dma_semaphore, #tpu.memory_space<semaphore_mem>>, %arg30: memref<!tpu.dma_semaphore, #tpu.memory_space<semaphore_mem>>) attributes {dimension_semantics = [#tpu.dimension_semantics<core_parallel>, #tpu.dimension_semantics<subcore_parallel>], iteration_bounds = array<i64: 2, 16>, scalar_prefetch = 0 : i64, scratch_operands = 21 : i64, tpu.core_type = #tpu.core_type<sc_vector_subcore>, window_params = [{transform_indices = #map}, {transform_indices = #map}, {transform_indices = #map1}, {transform_indices = #map1}, {transform_indices = #map2}, {transform_indices = #map}, {transform_indices = #map1}, {transform_indices = #map1}]} {
    %mul3A = arith.constant 16 : i32
    %mul3A_0 = arith.muli %arg0, %mul3A : i32
    %add3A = arith.addi %mul3A_0, %arg1 : i32
    "tpu.region"() ({
      %run_scoped3A = tpu.sem_alloc : memref<!tpu.dma_semaphore, #tpu.memory_space<semaphore_mem>>
      tpu.enqueue_dma source(%arg2 : memref<10000xf32, #tpu.memory_space<hbm>>) target(%arg10 : memref<10000xf32, #tpu.memory_space<vmem>>) target_semaphore(%run_scoped3A : memref<!tpu.dma_semaphore, #tpu.memory_space<semaphore_mem>>)
      tpu.wait_dma2 semaphore(%run_scoped3A : memref<!tpu.dma_semaphore, #tpu.memory_space<semaphore_mem>>) src(%arg2 : memref<10000xf32, #tpu.memory_space<hbm>>) dst(%arg10 : memref<10000xf32, #tpu.memory_space<vmem>>)
      tpu.yield
    }) : () -> ()
    "tpu.region"() ({
      %run_scoped3A = tpu.sem_alloc : memref<!tpu.dma_semaphore, #tpu.memory_space<semaphore_mem>>
      tpu.enqueue_dma source(%arg3 : memref<10000xf32, #tpu.memory_space<hbm>>) target(%arg11 : memref<10000xf32, #tpu.memory_space<vmem>>) target_semaphore(%run_scoped3A : memref<!tpu.dma_semaphore, #tpu.memory_space<semaphore_mem>>)
      tpu.wait_dma2 semaphore(%run_scoped3A : memref<!tpu.dma_semaphore, #tpu.memory_space<semaphore_mem>>) src(%arg3 : memref<10000xf32, #tpu.memory_space<hbm>>) dst(%arg11 : memref<10000xf32, #tpu.memory_space<vmem>>)
      tpu.yield
    }) : () -> ()
    "tpu.region"() ({
      %run_scoped3A = tpu.sem_alloc : memref<!tpu.dma_semaphore, #tpu.memory_space<semaphore_mem>>
      tpu.enqueue_dma source(%arg7 : memref<256xf32, #tpu.memory_space<hbm>>) target(%arg24 : memref<256xf32, #tpu.memory_space<vmem>>) target_semaphore(%run_scoped3A : memref<!tpu.dma_semaphore, #tpu.memory_space<semaphore_mem>>)
      tpu.wait_dma2 semaphore(%run_scoped3A : memref<!tpu.dma_semaphore, #tpu.memory_space<semaphore_mem>>) src(%arg7 : memref<256xf32, #tpu.memory_space<hbm>>) dst(%arg24 : memref<256xf32, #tpu.memory_space<vmem>>)
      tpu.yield
    }) : () -> ()
    %broadcast_in_dim3A = arith.constant 0.000000e+00 : f32
    %broadcast_in_dim3A_1 = vector.broadcast %broadcast_in_dim3A : f32 to vector<16xf32>
    %scan3A = arith.constant 0 : i32
    %scan3A_2 = arith.constant 10 : i32
    %scan3A_3 = arith.addi %scan3A, %scan3A_2 : i32
    %scan3A_4 = arith.constant 1 : i32
    scf.for %scan3A_770 = %scan3A to %scan3A_3 step %scan3A_4  : i32 {
      %mul3A_771 = arith.constant 1 : i32
      %mul3A_772 = arith.muli %scan3A_770, %mul3A_771 : i32
      %add3A_773 = arith.constant 0 : i32
      %add3A_774 = arith.addi %add3A_773, %mul3A_772 : i32
      %scan3A_775 = arith.constant 0 : i32
      %scan3A_776 = arith.constant 64 : i32
      %scan3A_777 = arith.addi %scan3A_775, %scan3A_776 : i32
      %scan3A_778 = arith.constant 1 : i32
      scf.for %scan3A_780 = %scan3A_775 to %scan3A_777 step %scan3A_778  : i32 {
        %mul3A_781 = arith.constant 1 : i32
        %mul3A_782 = arith.muli %scan3A_780, %mul3A_781 : i32
        %add3A_783 = arith.constant 0 : i32
        %add3A_784 = arith.addi %add3A_783, %mul3A_782 : i32
        %mul3A_785 = arith.constant 16 : i32
        %mul3A_786 = arith.muli %add3A_784, %mul3A_785 : i32
        %swap3A_787 = arith.index_cast %add3A_774 : i32 to index
        %swap3A_788 = arith.index_cast %mul3A_786 : i32 to index
        %swap3A_789 = tpu.vector_load %arg21[%swap3A_787, %swap3A_788] {strides = array<i32>} : memref<10x1024xf32, #tpu.memory_space<vmem>>, vector<16xf32>,
        tpu.vector_store %arg21[%swap3A_787, %swap3A_788], %broadcast_in_dim3A_1 {strides = array<i32>} : memref<10x1024xf32, #tpu.memory_space<vmem>>, vector<16xf32>,
      }
      %scan3A_779 = arith.constant 64 : i32
    }
    %scan3A_5 = arith.constant 10 : i32
    %scan3A_6 = arith.constant 0 : i32
    %scan3A_7 = arith.constant 40 : i32
    %scan3A_8 = arith.addi %scan3A_6, %scan3A_7 : i32
    %scan3A_9 = arith.constant 1 : i32
    scf.for %scan3A_770 = %scan3A_6 to %scan3A_8 step %scan3A_9  : i32 {
      %mul3A_771 = arith.constant 1 : i32
      %mul3A_772 = arith.muli %scan3A_770, %mul3A_771 : i32
      %add3A_773 = arith.constant 0 : i32
      %add3A_774 = arith.addi %add3A_773, %mul3A_772 : i32
      %swap3A_775 = arith.index_cast %add3A_774 : i32 to index
      %swap3A_776 = arith.constant 0 : index
      %swap3A_777 = tpu.vector_load %arg22[%swap3A_775, %swap3A_776] {strides = array<i32>} : memref<40x128xf32, #tpu.memory_space<vmem>>, vector<16xf32>,
      tpu.vector_store %arg22[%swap3A_775, %swap3A_776], %broadcast_in_dim3A_1 {strides = array<i32>} : memref<40x128xf32, #tpu.memory_space<vmem>>, vector<16xf32>,
      %swap3A_778 = arith.index_cast %add3A_774 : i32 to index
      %swap3A_779 = arith.constant 16 : index
      %swap3A_780 = tpu.vector_load %arg22[%swap3A_778, %swap3A_779] {strides = array<i32>} : memref<40x128xf32, #tpu.memory_space<vmem>>, vector<16xf32>,
      tpu.vector_store %arg22[%swap3A_778, %swap3A_779], %broadcast_in_dim3A_1 {strides = array<i32>} : memref<40x128xf32, #tpu.memory_space<vmem>>, vector<16xf32>,
      %swap3A_781 = arith.index_cast %add3A_774 : i32 to index
      %swap3A_782 = arith.constant 32 : index
      %swap3A_783 = tpu.vector_load %arg22[%swap3A_781, %swap3A_782] {strides = array<i32>} : memref<40x128xf32, #tpu.memory_space<vmem>>, vector<16xf32>,
      tpu.vector_store %arg22[%swap3A_781, %swap3A_782], %broadcast_in_dim3A_1 {strides = array<i32>} : memref<40x128xf32, #tpu.memory_space<vmem>>, vector<16xf32>,
      %swap3A_784 = arith.index_cast %add3A_774 : i32 to index
      %swap3A_785 = arith.constant 48 : index
      %swap3A_786 = tpu.vector_load %arg22[%swap3A_784, %swap3A_785] {strides = array<i32>} : memref<40x128xf32, #tpu.memory_space<vmem>>, vector<16xf32>,
      tpu.vector_store %arg22[%swap3A_784, %swap3A_785], %broadcast_in_dim3A_1 {strides = array<i32>} : memref<40x128xf32, #tpu.memory_space<vmem>>, vector<16xf32>,
      %swap3A_787 = arith.index_cast %add3A_774 : i32 to index
      %swap3A_788 = arith.constant 64 : index
      %swap3A_789 = tpu.vector_load %arg22[%swap3A_787, %swap3A_788] {strides = array<i32>} : memref<40x128xf32, #tpu.memory_space<vmem>>, vector<16xf32>,
      tpu.vector_store %arg22[%swap3A_787, %swap3A_788], %broadcast_in_dim3A_1 {strides = array<i32>} : memref<40x128xf32, #tpu.memory_space<vmem>>, vector<16xf32>,
      %swap3A_790 = arith.index_cast %add3A_774 : i32 to index
      %swap3A_791 = arith.constant 80 : index
      %swap3A_792 = tpu.vector_load %arg22[%swap3A_790, %swap3A_791] {strides = array<i32>} : memref<40x128xf32, #tpu.memory_space<vmem>>, vector<16xf32>,
      tpu.vector_store %arg22[%swap3A_790, %swap3A_791], %broadcast_in_dim3A_1 {strides = array<i32>} : memref<40x128xf32, #tpu.memory_space<vmem>>, vector<16xf32>,
      %swap3A_793 = arith.index_cast %add3A_774 : i32 to index
      %swap3A_794 = arith.constant 96 : index
      %swap3A_795 = tpu.vector_load %arg22[%swap3A_793, %swap3A_794] {strides = array<i32>} : memref<40x128xf32, #tpu.memory_space<vmem>>, vector<16xf32>,
      tpu.vector_store %arg22[%swap3A_793, %swap3A_794], %broadcast_in_dim3A_1 {strides = array<i32>} : memref<40x128xf32, #tpu.memory_space<vmem>>, vector<16xf32>,
      %swap3A_796 = arith.index_cast %add3A_774 : i32 to index
      %swap3A_797 = arith.constant 112 : index
      %swap3A_798 = tpu.vector_load %arg22[%swap3A_796, %swap3A_797] {strides = array<i32>} : memref<40x128xf32, #tpu.memory_space<vmem>>, vector<16xf32>,
      tpu.vector_store %arg22[%swap3A_796, %swap3A_797], %broadcast_in_dim3A_1 {strides = array<i32>} : memref<40x128xf32, #tpu.memory_space<vmem>>, vector<16xf32>,
    }
    %scan3A_10 = arith.constant 40 : i32
    %mul3A_11 = arith.constant 632 : i32
    %mul3A_12 = arith.muli %arg1, %mul3A_11 : i32
    %scan3A_13 = arith.constant 0 : i32
    %scan3A_14 = arith.constant 15 : i32
    %scan3A_15 = arith.addi %scan3A_13, %scan3A_14 : i32
    %scan3A_16 = arith.constant 1 : i32
    scf.for %scan3A_770 = %scan3A_13 to %scan3A_15 step %scan3A_16  : i32 {
      %mul3A_771 = arith.constant 1 : i32
      %mul3A_772 = arith.muli %scan3A_770, %mul3A_771 : i32
      %add3A_773 = arith.constant 0 : i32
      %add3A_774 = arith.addi %add3A_773, %mul3A_772 : i32
      %mul3A_775 = arith.constant 40 : i32
      %mul3A_776 = arith.muli %add3A_774, %mul3A_775 : i32
      %add3A_777 = arith.addi %mul3A_12, %mul3A_776 : i32
      "tpu.region"() ({
        %run_scoped3A = tpu.sem_alloc : memref<!tpu.dma_semaphore, #tpu.memory_space<semaphore_mem>>
        %dma_start3A_778 = arith.constant 0 : i32
        %dma_start3A_779 = tpu.memref_slice %arg25[%add3A_777, %dma_start3A_778] : memref<10112x128xf32, #tpu.memory_space<vmem_shared>> -> memref<40x128xf32, #tpu.memory_space<vmem_shared>>
        %dma_start3A_780 = arith.constant 0 : i32
        %dma_start3A_781 = tpu.memref_slice %arg25[%add3A_777, %dma_start3A_780] : memref<10112x128xf32, #tpu.memory_space<vmem_shared>> -> memref<40x128xf32, #tpu.memory_space<vmem_shared>>
        tpu.enqueue_dma source(%arg22 : memref<40x128xf32, #tpu.memory_space<vmem>>) target(%dma_start3A_781 : memref<40x128xf32, #tpu.memory_space<vmem_shared>>) target_semaphore(%run_scoped3A : memref<!tpu.dma_semaphore, #tpu.memory_space<semaphore_mem>>)
        %dma_wait3A_782 = arith.constant 0 : i32
        %dma_wait3A_783 = tpu.memref_slice %arg25[%add3A_777, %dma_wait3A_782] : memref<10112x128xf32, #tpu.memory_space<vmem_shared>> -> memref<40x128xf32, #tpu.memory_space<vmem_shared>>
        %dma_wait3A_784 = arith.constant 0 : i32
        %dma_wait3A_785 = tpu.memref_slice %arg25[%add3A_777, %dma_wait3A_784] : memref<10112x128xf32, #tpu.memory_space<vmem_shared>> -> memref<40x128xf32, #tpu.memory_space<vmem_shared>>
        tpu.wait_dma2 semaphore(%run_scoped3A : memref<!tpu.dma_semaphore, #tpu.memory_space<semaphore_mem>>) src(%arg22 : memref<40x128xf32, #tpu.memory_space<vmem>>) dst(%dma_wait3A_785 : memref<40x128xf32, #tpu.memory_space<vmem_shared>>)
        tpu.yield
      }) : () -> ()
    }
    %scan3A_17 = arith.constant 15 : i32
    %add3A_18 = arith.constant 600 : i32
    %add3A_19 = arith.addi %mul3A_12, %add3A_18 : i32
    "tpu.region"() ({
      %run_scoped3A = tpu.sem_alloc : memref<!tpu.dma_semaphore, #tpu.memory_space<semaphore_mem>>
      %dma_start3A_770 = arith.constant 0 : i32
      %dma_start3A_771 = arith.constant 0 : i32
      %dma_start3A_772 = tpu.memref_slice %arg22[%dma_start3A_770, %dma_start3A_771] : memref<40x128xf32, #tpu.memory_space<vmem>> -> memref<32x128xf32, #tpu.memory_space<vmem>>
      %dma_start3A_773 = arith.constant 0 : i32
      %dma_start3A_774 = tpu.memref_slice %arg25[%add3A_19, %dma_start3A_773] : memref<10112x128xf32, #tpu.memory_space<vmem_shared>> -> memref<32x128xf32, #tpu.memory_space<vmem_shared>>
      %dma_start3A_775 = arith.constant 0 : i32
      %dma_start3A_776 = tpu.memref_slice %arg25[%add3A_19, %dma_start3A_775] : memref<10112x128xf32, #tpu.memory_space<vmem_shared>> -> memref<32x128xf32, #tpu.memory_space<vmem_shared>>
      %dma_start3A_777 = arith.constant 0 : i32
      %dma_start3A_778 = arith.constant 0 : i32
      %dma_start3A_779 = tpu.memref_slice %arg22[%dma_start3A_777, %dma_start3A_778] : memref<40x128xf32, #tpu.memory_space<vmem>> -> memref<32x128xf32, #tpu.memory_space<vmem>>
      tpu.enqueue_dma source(%dma_start3A_779 : memref<32x128xf32, #tpu.memory_space<vmem>>) target(%dma_start3A_776 : memref<32x128xf32, #tpu.memory_space<vmem_shared>>) target_semaphore(%run_scoped3A : memref<!tpu.dma_semaphore, #tpu.memory_space<semaphore_mem>>)
      %dma_wait3A_780 = arith.constant 0 : i32
      %dma_wait3A_781 = arith.constant 0 : i32
      %dma_wait3A_782 = tpu.memref_slice %arg22[%dma_wait3A_780, %dma_wait3A_781] : memref<40x128xf32, #tpu.memory_space<vmem>> -> memref<32x128xf32, #tpu.memory_space<vmem>>
      %dma_wait3A_783 = arith.constant 0 : i32
      %dma_wait3A_784 = tpu.memref_slice %arg25[%add3A_19, %dma_wait3A_783] : memref<10112x128xf32, #tpu.memory_space<vmem_shared>> -> memref<32x128xf32, #tpu.memory_space<vmem_shared>>
      %dma_wait3A_785 = arith.constant 0 : i32
      %dma_wait3A_786 = tpu.memref_slice %arg25[%add3A_19, %dma_wait3A_785] : memref<10112x128xf32, #tpu.memory_space<vmem_shared>> -> memref<32x128xf32, #tpu.memory_space<vmem_shared>>
      %dma_wait3A_787 = arith.constant 0 : i32
      %dma_wait3A_788 = arith.constant 0 : i32
      %dma_wait3A_789 = tpu.memref_slice %arg22[%dma_wait3A_787, %dma_wait3A_788] : memref<40x128xf32, #tpu.memory_space<vmem>> -> memref<32x128xf32, #tpu.memory_space<vmem>>
      tpu.wait_dma2 semaphore(%run_scoped3A : memref<!tpu.dma_semaphore, #tpu.memory_space<semaphore_mem>>) src(%dma_wait3A_789 : memref<32x128xf32, #tpu.memory_space<vmem>>) dst(%dma_wait3A_786 : memref<32x128xf32, #tpu.memory_space<vmem_shared>>)
      tpu.yield
    }) : () -> ()
    %barrier3A = arith.constant 0 : index
    tpu.barrier barrier_id(%barrier3A)
    %get3A = arith.constant 0 : index
    %get3A_20 = tpu.vector_load %arg24[%get3A] {strides = array<i32>} : memref<256xf32, #tpu.memory_space<vmem>>, vector<16xf32>,
    %get3A_21 = arith.constant 128 : index
    %get3A_22 = tpu.vector_load %arg24[%get3A_21] {strides = array<i32>} : memref<256xf32, #tpu.memory_space<vmem>>, vector<16xf32>,
    %add3A_23 = arith.addf %get3A_20, %get3A_22 : vector<16xf32>
    %mul3A_24 = arith.constant 2.000000e-01 : f32
    %mul3A_25 = vector.broadcast %mul3A_24 : f32 to vector<16xf32>
    %mul3A_26 = arith.mulf %mul3A_25, %add3A_23 : vector<16xf32>
    %max3A = arith.maximumf %add3A_23, %mul3A_26 : vector<16xf32>
    %iota3A = tpu.iota {dimensions = array<i32: 0>} : vector<16xi32>
    %ge3A = arith.constant 8 : i32
    %ge3A_27 = vector.broadcast %ge3A : i32 to vector<16xi32>
    %ge3A_28 = arith.cmpi sge, %iota3A, %ge3A_27 : vector<16xi32>
    %dma_start3A = arith.constant 0 : i32
    %dma_start3A_29 = arith.constant 0 : i32
    %dma_start3A_30 = tpu.memref_slice %arg4[%add3A, %dma_start3A, %dma_start3A_29] : memref<32x25x400xi32, #tpu.memory_space<hbm>> -> memref<1x1x400xi32, #tpu.memory_space<hbm>>
    %dma_start3A_31 = tpu.memref_squeeze %dma_start3A_30 : memref<1x1x400xi32, #tpu.memory_space<hbm>> -> memref<400xi32, #tpu.memory_space<hbm>>
    %dma_start3A_32 = arith.constant 0 : i32
    %dma_start3A_33 = tpu.memref_slice %arg4[%add3A, %dma_start3A, %dma_start3A_32] : memref<32x25x400xi32, #tpu.memory_space<hbm>> -> memref<1x1x400xi32, #tpu.memory_space<hbm>>
    %dma_start3A_34 = tpu.memref_squeeze %dma_start3A_33 : memref<1x1x400xi32, #tpu.memory_space<hbm>> -> memref<400xi32, #tpu.memory_space<hbm>>
    tpu.enqueue_dma source(%dma_start3A_34 : memref<400xi32, #tpu.memory_space<hbm>>) target(%arg14 : memref<400xi32, #tpu.memory_space<vmem>>) target_semaphore(%arg30 : memref<!tpu.dma_semaphore, #tpu.memory_space<semaphore_mem>>)
    %dma_start3A_35 = arith.constant 0 : i32
    %dma_start3A_36 = arith.constant 0 : i32
    %dma_start3A_37 = tpu.memref_slice %arg5[%add3A, %dma_start3A_35, %dma_start3A_36] : memref<32x25x400xi32, #tpu.memory_space<hbm>> -> memref<1x1x400xi32, #tpu.memory_space<hbm>>
    %dma_start3A_38 = tpu.memref_squeeze %dma_start3A_37 : memref<1x1x400xi32, #tpu.memory_space<hbm>> -> memref<400xi32, #tpu.memory_space<hbm>>
    %dma_start3A_39 = arith.constant 0 : i32
    %dma_start3A_40 = tpu.memref_slice %arg5[%add3A, %dma_start3A_35, %dma_start3A_39] : memref<32x25x400xi32, #tpu.memory_space<hbm>> -> memref<1x1x400xi32, #tpu.memory_space<hbm>>
    %dma_start3A_41 = tpu.memref_squeeze %dma_start3A_40 : memref<1x1x400xi32, #tpu.memory_space<hbm>> -> memref<400xi32, #tpu.memory_space<hbm>>
    tpu.enqueue_dma source(%dma_start3A_41 : memref<400xi32, #tpu.memory_space<hbm>>) target(%arg15 : memref<400xi32, #tpu.memory_space<vmem>>) target_semaphore(%arg30 : memref<!tpu.dma_semaphore, #tpu.memory_space<semaphore_mem>>)
    %dma_wait3A = arith.constant 0 : i32
    %dma_wait3A_42 = arith.constant 0 : i32
    %dma_wait3A_43 = tpu.memref_slice %arg4[%add3A, %dma_wait3A, %dma_wait3A_42] : memref<32x25x400xi32, #tpu.memory_space<hbm>> -> memref<1x1x400xi32, #tpu.memory_space<hbm>>
    %dma_wait3A_44 = tpu.memref_squeeze %dma_wait3A_43 : memref<1x1x400xi32, #tpu.memory_space<hbm>> -> memref<400xi32, #tpu.memory_space<hbm>>
    %dma_wait3A_45 = arith.constant 0 : i32
    %dma_wait3A_46 = tpu.memref_slice %arg4[%add3A, %dma_wait3A, %dma_wait3A_45] : memref<32x25x400xi32, #tpu.memory_space<hbm>> -> memref<1x1x400xi32, #tpu.memory_space<hbm>>
    %dma_wait3A_47 = tpu.memref_squeeze %dma_wait3A_46 : memref<1x1x400xi32, #tpu.memory_space<hbm>> -> memref<400xi32, #tpu.memory_space<hbm>>
    tpu.wait_dma2 semaphore(%arg30 : memref<!tpu.dma_semaphore, #tpu.memory_space<semaphore_mem>>) src(%dma_wait3A_47 : memref<400xi32, #tpu.memory_space<hbm>>) dst(%arg14 : memref<400xi32, #tpu.memory_space<vmem>>)
    %dma_wait3A_48 = arith.constant 0 : i32
    %dma_wait3A_49 = arith.constant 0 : i32
    %dma_wait3A_50 = tpu.memref_slice %arg5[%add3A, %dma_wait3A_48, %dma_wait3A_49] : memref<32x25x400xi32, #tpu.memory_space<hbm>> -> memref<1x1x400xi32, #tpu.memory_space<hbm>>
    %dma_wait3A_51 = tpu.memref_squeeze %dma_wait3A_50 : memref<1x1x400xi32, #tpu.memory_space<hbm>> -> memref<400xi32, #tpu.memory_space<hbm>>
    %dma_wait3A_52 = arith.constant 0 : i32
    %dma_wait3A_53 = tpu.memref_slice %arg5[%add3A, %dma_wait3A_48, %dma_wait3A_52] : memref<32x25x400xi32, #tpu.memory_space<hbm>> -> memref<1x1x400xi32, #tpu.memory_space<hbm>>
    %dma_wait3A_54 = tpu.memref_squeeze %dma_wait3A_53 : memref<1x1x400xi32, #tpu.memory_space<hbm>> -> memref<400xi32, #tpu.memory_space<hbm>>
    tpu.wait_dma2 semaphore(%arg30 : memref<!tpu.dma_semaphore, #tpu.memory_space<semaphore_mem>>) src(%dma_wait3A_54 : memref<400xi32, #tpu.memory_space<hbm>>) dst(%arg15 : memref<400xi32, #tpu.memory_space<vmem>>)
    %get3A_55 = arith.constant 0 : index
    %get3A_56 = tpu.vector_load %arg14[%get3A_55] {strides = array<i32>} : memref<400xi32, #tpu.memory_space<vmem>>, vector<16xi32>,
    %swap3A = arith.constant 0 : index
    %swap3A_57 = tpu.vector_load %arg12[%swap3A] {strides = array<i32>} : memref<400xi32, #tpu.memory_space<vmem>>, vector<16xi32>,
    tpu.vector_store %arg12[%swap3A], %get3A_56 {strides = array<i32>} : memref<400xi32, #tpu.memory_space<vmem>>, vector<16xi32>,
    %get3A_58 = arith.constant 0 : index
    %get3A_59 = tpu.vector_load %arg15[%get3A_58] {strides = array<i32>} : memref<400xi32, #tpu.memory_space<vmem>>, vector<16xi32>,
    %swap3A_60 = arith.constant 0 : index
    %swap3A_61 = tpu.vector_load %arg13[%swap3A_60] {strides = array<i32>} : memref<400xi32, #tpu.memory_space<vmem>>, vector<16xi32>,
    tpu.vector_store %arg13[%swap3A_60], %get3A_59 {strides = array<i32>} : memref<400xi32, #tpu.memory_space<vmem>>, vector<16xi32>,
    %get3A_62 = arith.constant 16 : index
    %get3A_63 = tpu.vector_load %arg14[%get3A_62] {strides = array<i32>} : memref<400xi32, #tpu.memory_space<vmem>>, vector<16xi32>,
    %swap3A_64 = arith.constant 16 : index
    %swap3A_65 = tpu.vector_load %arg12[%swap3A_64] {strides = array<i32>} : memref<400xi32, #tpu.memory_space<vmem>>, vector<16xi32>,
    tpu.vector_store %arg12[%swap3A_64], %get3A_63 {strides = array<i32>} : memref<400xi32, #tpu.memory_space<vmem>>, vector<16xi32>,
    %get3A_66 = arith.constant 16 : index
    %get3A_67 = tpu.vector_load %arg15[%get3A_66] {strides = array<i32>} : memref<400xi32, #tpu.memory_space<vmem>>, vector<16xi32>,
    %swap3A_68 = arith.constant 16 : index
    %swap3A_69 = tpu.vector_load %arg13[%swap3A_68] {strides = array<i32>} : memref<400xi32, #tpu.memory_space<vmem>>, vector<16xi32>,
    tpu.vector_store %arg13[%swap3A_68], %get3A_67 {strides = array<i32>} : memref<400xi32, #tpu.memory_space<vmem>>, vector<16xi32>,
    %get3A_70 = arith.constant 32 : index
    %get3A_71 = tpu.vector_load %arg14[%get3A_70] {strides = array<i32>} : memref<400xi32, #tpu.memory_space<vmem>>, vector<16xi32>,
    %swap3A_72 = arith.constant 32 : index
    %swap3A_73 = tpu.vector_load %arg12[%swap3A_72] {strides = array<i32>} : memref<400xi32, #tpu.memory_space<vmem>>, vector<16xi32>,
    tpu.vector_store %arg12[%swap3A_72], %get3A_71 {strides = array<i32>} : memref<400xi32, #tpu.memory_space<vmem>>, vector<16xi32>,
    %get3A_74 = arith.constant 32 : index
    %get3A_75 = tpu.vector_load %arg15[%get3A_74] {strides = array<i32>} : memref<400xi32, #tpu.memory_space<vmem>>, vector<16xi32>,
    %swap3A_76 = arith.constant 32 : index
    %swap3A_77 = tpu.vector_load %arg13[%swap3A_76] {strides = array<i32>} : memref<400xi32, #tpu.memory_space<vmem>>, vector<16xi32>,
    tpu.vector_store %arg13[%swap3A_76], %get3A_75 {strides = array<i32>} : memref<400xi32, #tpu.memory_space<vmem>>, vector<16xi32>,
    %get3A_78 = arith.constant 48 : index
    %get3A_79 = tpu.vector_load %arg14[%get3A_78] {strides = array<i32>} : memref<400xi32, #tpu.memory_space<vmem>>, vector<16xi32>,
    %swap3A_80 = arith.constant 48 : index
    %swap3A_81 = tpu.vector_load %arg12[%swap3A_80] {strides = array<i32>} : memref<400xi32, #tpu.memory_space<vmem>>, vector<16xi32>,
    tpu.vector_store %arg12[%swap3A_80], %get3A_79 {strides = array<i32>} : memref<400xi32, #tpu.memory_space<vmem>>, vector<16xi32>,
    %get3A_82 = arith.constant 48 : index
    %get3A_83 = tpu.vector_load %arg15[%get3A_82] {strides = array<i32>} : memref<400xi32, #tpu.memory_space<vmem>>, vector<16xi32>,
    %swap3A_84 = arith.constant 48 : index
    %swap3A_85 = tpu.vector_load %arg13[%swap3A_84] {strides = array<i32>} : memref<400xi32, #tpu.memory_space<vmem>>, vector<16xi32>,
    tpu.vector_store %arg13[%swap3A_84], %get3A_83 {strides = array<i32>} : memref<400xi32, #tpu.memory_space<vmem>>, vector<16xi32>,
    %get3A_86 = arith.constant 64 : index
    %get3A_87 = tpu.vector_load %arg14[%get3A_86] {strides = array<i32>} : memref<400xi32, #tpu.memory_space<vmem>>, vector<16xi32>,
    %swap3A_88 = arith.constant 64 : index
    %swap3A_89 = tpu.vector_load %arg12[%swap3A_88] {strides = array<i32>} : memref<400xi32, #tpu.memory_space<vmem>>, vector<16xi32>,
    tpu.vector_store %arg12[%swap3A_88], %get3A_87 {strides = array<i32>} : memref<400xi32, #tpu.memory_space<vmem>>, vector<16xi32>,
    %get3A_90 = arith.constant 64 : index
    %get3A_91 = tpu.vector_load %arg15[%get3A_90] {strides = array<i32>} : memref<400xi32, #tpu.memory_space<vmem>>, vector<16xi32>,
    %swap3A_92 = arith.constant 64 : index
    %swap3A_93 = tpu.vector_load %arg13[%swap3A_92] {strides = array<i32>} : memref<400xi32, #tpu.memory_space<vmem>>, vector<16xi32>,
    tpu.vector_store %arg13[%swap3A_92], %get3A_91 {strides = array<i32>} : memref<400xi32, #tpu.memory_space<vmem>>, vector<16xi32>,
    %get3A_94 = arith.constant 80 : index
    %get3A_95 = tpu.vector_load %arg14[%get3A_94] {strides = array<i32>} : memref<400xi32, #tpu.memory_space<vmem>>, vector<16xi32>,
    %swap3A_96 = arith.constant 80 : index
    %swap3A_97 = tpu.vector_load %arg12[%swap3A_96] {strides = array<i32>} : memref<400xi32, #tpu.memory_space<vmem>>, vector<16xi32>,
    tpu.vector_store %arg12[%swap3A_96], %get3A_95 {strides = array<i32>} : memref<400xi32, #tpu.memory_space<vmem>>, vector<16xi32>,
    %get3A_98 = arith.constant 80 : index
    %get3A_99 = tpu.vector_load %arg15[%get3A_98] {strides = array<i32>} : memref<400xi32, #tpu.memory_space<vmem>>, vector<16xi32>,
    %swap3A_100 = arith.constant 80 : index
    %swap3A_101 = tpu.vector_load %arg13[%swap3A_100] {strides = array<i32>} : memref<400xi32, #tpu.memory_space<vmem>>, vector<16xi32>,
    tpu.vector_store %arg13[%swap3A_100], %get3A_99 {strides = array<i32>} : memref<400xi32, #tpu.memory_space<vmem>>, vector<16xi32>,
    %get3A_102 = arith.constant 96 : index
    %get3A_103 = tpu.vector_load %arg14[%get3A_102] {strides = array<i32>} : memref<400xi32, #tpu.memory_space<vmem>>, vector<16xi32>,
    %swap3A_104 = arith.constant 96 : index
    %swap3A_105 = tpu.vector_load %arg12[%swap3A_104] {strides = array<i32>} : memref<400xi32, #tpu.memory_space<vmem>>, vector<16xi32>,
    tpu.vector_store %arg12[%swap3A_104], %get3A_103 {strides = array<i32>} : memref<400xi32, #tpu.memory_space<vmem>>, vector<16xi32>,
    %get3A_106 = arith.constant 96 : index
    %get3A_107 = tpu.vector_load %arg15[%get3A_106] {strides = array<i32>} : memref<400xi32, #tpu.memory_space<vmem>>, vector<16xi32>,
    %swap3A_108 = arith.constant 96 : index
    %swap3A_109 = tpu.vector_load %arg13[%swap3A_108] {strides = array<i32>} : memref<400xi32, #tpu.memory_space<vmem>>, vector<16xi32>,
    tpu.vector_store %arg13[%swap3A_108], %get3A_107 {strides = array<i32>} : memref<400xi32, #tpu.memory_space<vmem>>, vector<16xi32>,
    %get3A_110 = arith.constant 112 : index
    %get3A_111 = tpu.vector_load %arg14[%get3A_110] {strides = array<i32>} : memref<400xi32, #tpu.memory_space<vmem>>, vector<16xi32>,
    %swap3A_112 = arith.constant 112 : index
    %swap3A_113 = tpu.vector_load %arg12[%swap3A_112] {strides = array<i32>} : memref<400xi32, #tpu.memory_space<vmem>>, vector<16xi32>,
    tpu.vector_store %arg12[%swap3A_112], %get3A_111 {strides = array<i32>} : memref<400xi32, #tpu.memory_space<vmem>>, vector<16xi32>,
    %get3A_114 = arith.constant 112 : index
    %get3A_115 = tpu.vector_load %arg15[%get3A_114] {strides = array<i32>} : memref<400xi32, #tpu.memory_space<vmem>>, vector<16xi32>,
    %swap3A_116 = arith.constant 112 : index
    %swap3A_117 = tpu.vector_load %arg13[%swap3A_116] {strides = array<i32>} : memref<400xi32, #tpu.memory_space<vmem>>, vector<16xi32>,
    tpu.vector_store %arg13[%swap3A_116], %get3A_115 {strides = array<i32>} : memref<400xi32, #tpu.memory_space<vmem>>, vector<16xi32>,
    %get3A_118 = arith.constant 128 : index
    %get3A_119 = tpu.vector_load %arg14[%get3A_118] {strides = array<i32>} : memref<400xi32, #tpu.memory_space<vmem>>, vector<16xi32>,
    %swap3A_120 = arith.constant 128 : index
    %swap3A_121 = tpu.vector_load %arg12[%swap3A_120] {strides = array<i32>} : memref<400xi32, #tpu.memory_space<vmem>>, vector<16xi32>,
    tpu.vector_store %arg12[%swap3A_120], %get3A_119 {strides = array<i32>} : memref<400xi32, #tpu.memory_space<vmem>>, vector<16xi32>,
    %get3A_122 = arith.constant 128 : index
    %get3A_123 = tpu.vector_load %arg15[%get3A_122] {strides = array<i32>} : memref<400xi32, #tpu.memory_space<vmem>>, vector<16xi32>,
    %swap3A_124 = arith.constant 128 : index
    %swap3A_125 = tpu.vector_load %arg13[%swap3A_124] {strides = array<i32>} : memref<400xi32, #tpu.memory_space<vmem>>, vector<16xi32>,
    tpu.vector_store %arg13[%swap3A_124], %get3A_123 {strides = array<i32>} : memref<400xi32, #tpu.memory_space<vmem>>, vector<16xi32>,
    %get3A_126 = arith.constant 144 : index
    %get3A_127 = tpu.vector_load %arg14[%get3A_126] {strides = array<i32>} : memref<400xi32, #tpu.memory_space<vmem>>, vector<16xi32>,
    %swap3A_128 = arith.constant 144 : index
    %swap3A_129 = tpu.vector_load %arg12[%swap3A_128] {strides = array<i32>} : memref<400xi32, #tpu.memory_space<vmem>>, vector<16xi32>,
    tpu.vector_store %arg12[%swap3A_128], %get3A_127 {strides = array<i32>} : memref<400xi32, #tpu.memory_space<vmem>>, vector<16xi32>,
    %get3A_130 = arith.constant 144 : index
    %get3A_131 = tpu.vector_load %arg15[%get3A_130] {strides = array<i32>} : memref<400xi32, #tpu.memory_space<vmem>>, vector<16xi32>,
    %swap3A_132 = arith.constant 144 : index
    %swap3A_133 = tpu.vector_load %arg13[%swap3A_132] {strides = array<i32>} : memref<400xi32, #tpu.memory_space<vmem>>, vector<16xi32>,
    tpu.vector_store %arg13[%swap3A_132], %get3A_131 {strides = array<i32>} : memref<400xi32, #tpu.memory_space<vmem>>, vector<16xi32>,
    %get3A_134 = arith.constant 160 : index
    %get3A_135 = tpu.vector_load %arg14[%get3A_134] {strides = array<i32>} : memref<400xi32, #tpu.memory_space<vmem>>, vector<16xi32>,
    %swap3A_136 = arith.constant 160 : index
    %swap3A_137 = tpu.vector_load %arg12[%swap3A_136] {strides = array<i32>} : memref<400xi32, #tpu.memory_space<vmem>>, vector<16xi32>,
    tpu.vector_store %arg12[%swap3A_136], %get3A_135 {strides = array<i32>} : memref<400xi32, #tpu.memory_space<vmem>>, vector<16xi32>,
    %get3A_138 = arith.constant 160 : index
    %get3A_139 = tpu.vector_load %arg15[%get3A_138] {strides = array<i32>} : memref<400xi32, #tpu.memory_space<vmem>>, vector<16xi32>,
    %swap3A_140 = arith.constant 160 : index
    %swap3A_141 = tpu.vector_load %arg13[%swap3A_140] {strides = array<i32>} : memref<400xi32, #tpu.memory_space<vmem>>, vector<16xi32>,
    tpu.vector_store %arg13[%swap3A_140], %get3A_139 {strides = array<i32>} : memref<400xi32, #tpu.memory_space<vmem>>, vector<16xi32>,
    %get3A_142 = arith.constant 176 : index
    %get3A_143 = tpu.vector_load %arg14[%get3A_142] {strides = array<i32>} : memref<400xi32, #tpu.memory_space<vmem>>, vector<16xi32>,
    %swap3A_144 = arith.constant 176 : index
    %swap3A_145 = tpu.vector_load %arg12[%swap3A_144] {strides = array<i32>} : memref<400xi32, #tpu.memory_space<vmem>>, vector<16xi32>,
    tpu.vector_store %arg12[%swap3A_144], %get3A_143 {strides = array<i32>} : memref<400xi32, #tpu.memory_space<vmem>>, vector<16xi32>,
    %get3A_146 = arith.constant 176 : index
    %get3A_147 = tpu.vector_load %arg15[%get3A_146] {strides = array<i32>} : memref<400xi32, #tpu.memory_space<vmem>>, vector<16xi32>,
    %swap3A_148 = arith.constant 176 : index
    %swap3A_149 = tpu.vector_load %arg13[%swap3A_148] {strides = array<i32>} : memref<400xi32, #tpu.memory_space<vmem>>, vector<16xi32>,
    tpu.vector_store %arg13[%swap3A_148], %get3A_147 {strides = array<i32>} : memref<400xi32, #tpu.memory_space<vmem>>, vector<16xi32>,
    %get3A_150 = arith.constant 192 : index
    %get3A_151 = tpu.vector_load %arg14[%get3A_150] {strides = array<i32>} : memref<400xi32, #tpu.memory_space<vmem>>, vector<16xi32>,
    %swap3A_152 = arith.constant 192 : index
    %swap3A_153 = tpu.vector_load %arg12[%swap3A_152] {strides = array<i32>} : memref<400xi32, #tpu.memory_space<vmem>>, vector<16xi32>,
    tpu.vector_store %arg12[%swap3A_152], %get3A_151 {strides = array<i32>} : memref<400xi32, #tpu.memory_space<vmem>>, vector<16xi32>,
    %get3A_154 = arith.constant 192 : index
    %get3A_155 = tpu.vector_load %arg15[%get3A_154] {strides = array<i32>} : memref<400xi32, #tpu.memory_space<vmem>>, vector<16xi32>,
    %swap3A_156 = arith.constant 192 : index
    %swap3A_157 = tpu.vector_load %arg13[%swap3A_156] {strides = array<i32>} : memref<400xi32, #tpu.memory_space<vmem>>, vector<16xi32>,
    tpu.vector_store %arg13[%swap3A_156], %get3A_155 {strides = array<i32>} : memref<400xi32, #tpu.memory_space<vmem>>, vector<16xi32>,
    %get3A_158 = arith.constant 208 : index
    %get3A_159 = tpu.vector_load %arg14[%get3A_158] {strides = array<i32>} : memref<400xi32, #tpu.memory_space<vmem>>, vector<16xi32>,
    %swap3A_160 = arith.constant 208 : index
    %swap3A_161 = tpu.vector_load %arg12[%swap3A_160] {strides = array<i32>} : memref<400xi32, #tpu.memory_space<vmem>>, vector<16xi32>,
    tpu.vector_store %arg12[%swap3A_160], %get3A_159 {strides = array<i32>} : memref<400xi32, #tpu.memory_space<vmem>>, vector<16xi32>,
    %get3A_162 = arith.constant 208 : index
    %get3A_163 = tpu.vector_load %arg15[%get3A_162] {strides = array<i32>} : memref<400xi32, #tpu.memory_space<vmem>>, vector<16xi32>,
    %swap3A_164 = arith.constant 208 : index
    %swap3A_165 = tpu.vector_load %arg13[%swap3A_164] {strides = array<i32>} : memref<400xi32, #tpu.memory_space<vmem>>, vector<16xi32>,
    tpu.vector_store %arg13[%swap3A_164], %get3A_163 {strides = array<i32>} : memref<400xi32, #tpu.memory_space<vmem>>, vector<16xi32>,
    %get3A_166 = arith.constant 224 : index
    %get3A_167 = tpu.vector_load %arg14[%get3A_166] {strides = array<i32>} : memref<400xi32, #tpu.memory_space<vmem>>, vector<16xi32>,
    %swap3A_168 = arith.constant 224 : index
    %swap3A_169 = tpu.vector_load %arg12[%swap3A_168] {strides = array<i32>} : memref<400xi32, #tpu.memory_space<vmem>>, vector<16xi32>,
    tpu.vector_store %arg12[%swap3A_168], %get3A_167 {strides = array<i32>} : memref<400xi32, #tpu.memory_space<vmem>>, vector<16xi32>,
    %get3A_170 = arith.constant 224 : index
    %get3A_171 = tpu.vector_load %arg15[%get3A_170] {strides = array<i32>} : memref<400xi32, #tpu.memory_space<vmem>>, vector<16xi32>,
    %swap3A_172 = arith.constant 224 : index
    %swap3A_173 = tpu.vector_load %arg13[%swap3A_172] {strides = array<i32>} : memref<400xi32, #tpu.memory_space<vmem>>, vector<16xi32>,
    tpu.vector_store %arg13[%swap3A_172], %get3A_171 {strides = array<i32>} : memref<400xi32, #tpu.memory_space<vmem>>, vector<16xi32>,
    %get3A_174 = arith.constant 240 : index
    %get3A_175 = tpu.vector_load %arg14[%get3A_174] {strides = array<i32>} : memref<400xi32, #tpu.memory_space<vmem>>, vector<16xi32>,
    %swap3A_176 = arith.constant 240 : index
    %swap3A_177 = tpu.vector_load %arg12[%swap3A_176] {strides = array<i32>} : memref<400xi32, #tpu.memory_space<vmem>>, vector<16xi32>,
    tpu.vector_store %arg12[%swap3A_176], %get3A_175 {strides = array<i32>} : memref<400xi32, #tpu.memory_space<vmem>>, vector<16xi32>,
    %get3A_178 = arith.constant 240 : index
    %get3A_179 = tpu.vector_load %arg15[%get3A_178] {strides = array<i32>} : memref<400xi32, #tpu.memory_space<vmem>>, vector<16xi32>,
    %swap3A_180 = arith.constant 240 : index
    %swap3A_181 = tpu.vector_load %arg13[%swap3A_180] {strides = array<i32>} : memref<400xi32, #tpu.memory_space<vmem>>, vector<16xi32>,
    tpu.vector_store %arg13[%swap3A_180], %get3A_179 {strides = array<i32>} : memref<400xi32, #tpu.memory_space<vmem>>, vector<16xi32>,
    %get3A_182 = arith.constant 256 : index
    %get3A_183 = tpu.vector_load %arg14[%get3A_182] {strides = array<i32>} : memref<400xi32, #tpu.memory_space<vmem>>, vector<16xi32>,
    %swap3A_184 = arith.constant 256 : index
    %swap3A_185 = tpu.vector_load %arg12[%swap3A_184] {strides = array<i32>} : memref<400xi32, #tpu.memory_space<vmem>>, vector<16xi32>,
    tpu.vector_store %arg12[%swap3A_184], %get3A_183 {strides = array<i32>} : memref<400xi32, #tpu.memory_space<vmem>>, vector<16xi32>,
    %get3A_186 = arith.constant 256 : index
    %get3A_187 = tpu.vector_load %arg15[%get3A_186] {strides = array<i32>} : memref<400xi32, #tpu.memory_space<vmem>>, vector<16xi32>,
    %swap3A_188 = arith.constant 256 : index
    %swap3A_189 = tpu.vector_load %arg13[%swap3A_188] {strides = array<i32>} : memref<400xi32, #tpu.memory_space<vmem>>, vector<16xi32>,
    tpu.vector_store %arg13[%swap3A_188], %get3A_187 {strides = array<i32>} : memref<400xi32, #tpu.memory_space<vmem>>, vector<16xi32>,
    %get3A_190 = arith.constant 272 : index
    %get3A_191 = tpu.vector_load %arg14[%get3A_190] {strides = array<i32>} : memref<400xi32, #tpu.memory_space<vmem>>, vector<16xi32>,
    %swap3A_192 = arith.constant 272 : index
    %swap3A_193 = tpu.vector_load %arg12[%swap3A_192] {strides = array<i32>} : memref<400xi32, #tpu.memory_space<vmem>>, vector<16xi32>,
    tpu.vector_store %arg12[%swap3A_192], %get3A_191 {strides = array<i32>} : memref<400xi32, #tpu.memory_space<vmem>>, vector<16xi32>,
    %get3A_194 = arith.constant 272 : index
    %get3A_195 = tpu.vector_load %arg15[%get3A_194] {strides = array<i32>} : memref<400xi32, #tpu.memory_space<vmem>>, vector<16xi32>,
    %swap3A_196 = arith.constant 272 : index
    %swap3A_197 = tpu.vector_load %arg13[%swap3A_196] {strides = array<i32>} : memref<400xi32, #tpu.memory_space<vmem>>, vector<16xi32>,
    tpu.vector_store %arg13[%swap3A_196], %get3A_195 {strides = array<i32>} : memref<400xi32, #tpu.memory_space<vmem>>, vector<16xi32>,
    %get3A_198 = arith.constant 288 : index
    %get3A_199 = tpu.vector_load %arg14[%get3A_198] {strides = array<i32>} : memref<400xi32, #tpu.memory_space<vmem>>, vector<16xi32>,
    %swap3A_200 = arith.constant 288 : index
    %swap3A_201 = tpu.vector_load %arg12[%swap3A_200] {strides = array<i32>} : memref<400xi32, #tpu.memory_space<vmem>>, vector<16xi32>,
    tpu.vector_store %arg12[%swap3A_200], %get3A_199 {strides = array<i32>} : memref<400xi32, #tpu.memory_space<vmem>>, vector<16xi32>,
    %get3A_202 = arith.constant 288 : index
    %get3A_203 = tpu.vector_load %arg15[%get3A_202] {strides = array<i32>} : memref<400xi32, #tpu.memory_space<vmem>>, vector<16xi32>,
    %swap3A_204 = arith.constant 288 : index
    %swap3A_205 = tpu.vector_load %arg13[%swap3A_204] {strides = array<i32>} : memref<400xi32, #tpu.memory_space<vmem>>, vector<16xi32>,
    tpu.vector_store %arg13[%swap3A_204], %get3A_203 {strides = array<i32>} : memref<400xi32, #tpu.memory_space<vmem>>, vector<16xi32>,
    %get3A_206 = arith.constant 304 : index
    %get3A_207 = tpu.vector_load %arg14[%get3A_206] {strides = array<i32>} : memref<400xi32, #tpu.memory_space<vmem>>, vector<16xi32>,
    %swap3A_208 = arith.constant 304 : index
    %swap3A_209 = tpu.vector_load %arg12[%swap3A_208] {strides = array<i32>} : memref<400xi32, #tpu.memory_space<vmem>>, vector<16xi32>,
    tpu.vector_store %arg12[%swap3A_208], %get3A_207 {strides = array<i32>} : memref<400xi32, #tpu.memory_space<vmem>>, vector<16xi32>,
    %get3A_210 = arith.constant 304 : index
    %get3A_211 = tpu.vector_load %arg15[%get3A_210] {strides = array<i32>} : memref<400xi32, #tpu.memory_space<vmem>>, vector<16xi32>,
    %swap3A_212 = arith.constant 304 : index
    %swap3A_213 = tpu.vector_load %arg13[%swap3A_212] {strides = array<i32>} : memref<400xi32, #tpu.memory_space<vmem>>, vector<16xi32>,
    tpu.vector_store %arg13[%swap3A_212], %get3A_211 {strides = array<i32>} : memref<400xi32, #tpu.memory_space<vmem>>, vector<16xi32>,
    %get3A_214 = arith.constant 320 : index
    %get3A_215 = tpu.vector_load %arg14[%get3A_214] {strides = array<i32>} : memref<400xi32, #tpu.memory_space<vmem>>, vector<16xi32>,
    %swap3A_216 = arith.constant 320 : index
    %swap3A_217 = tpu.vector_load %arg12[%swap3A_216] {strides = array<i32>} : memref<400xi32, #tpu.memory_space<vmem>>, vector<16xi32>,
    tpu.vector_store %arg12[%swap3A_216], %get3A_215 {strides = array<i32>} : memref<400xi32, #tpu.memory_space<vmem>>, vector<16xi32>,
    %get3A_218 = arith.constant 320 : index
    %get3A_219 = tpu.vector_load %arg15[%get3A_218] {strides = array<i32>} : memref<400xi32, #tpu.memory_space<vmem>>, vector<16xi32>,
    %swap3A_220 = arith.constant 320 : index
    %swap3A_221 = tpu.vector_load %arg13[%swap3A_220] {strides = array<i32>} : memref<400xi32, #tpu.memory_space<vmem>>, vector<16xi32>,
    tpu.vector_store %arg13[%swap3A_220], %get3A_219 {strides = array<i32>} : memref<400xi32, #tpu.memory_space<vmem>>, vector<16xi32>,
    %get3A_222 = arith.constant 336 : index
    %get3A_223 = tpu.vector_load %arg14[%get3A_222] {strides = array<i32>} : memref<400xi32, #tpu.memory_space<vmem>>, vector<16xi32>,
    %swap3A_224 = arith.constant 336 : index
    %swap3A_225 = tpu.vector_load %arg12[%swap3A_224] {strides = array<i32>} : memref<400xi32, #tpu.memory_space<vmem>>, vector<16xi32>,
    tpu.vector_store %arg12[%swap3A_224], %get3A_223 {strides = array<i32>} : memref<400xi32, #tpu.memory_space<vmem>>, vector<16xi32>,
    %get3A_226 = arith.constant 336 : index
    %get3A_227 = tpu.vector_load %arg15[%get3A_226] {strides = array<i32>} : memref<400xi32, #tpu.memory_space<vmem>>, vector<16xi32>,
    %swap3A_228 = arith.constant 336 : index
    %swap3A_229 = tpu.vector_load %arg13[%swap3A_228] {strides = array<i32>} : memref<400xi32, #tpu.memory_space<vmem>>, vector<16xi32>,
    tpu.vector_store %arg13[%swap3A_228], %get3A_227 {strides = array<i32>} : memref<400xi32, #tpu.memory_space<vmem>>, vector<16xi32>,
    %get3A_230 = arith.constant 352 : index
    %get3A_231 = tpu.vector_load %arg14[%get3A_230] {strides = array<i32>} : memref<400xi32, #tpu.memory_space<vmem>>, vector<16xi32>,
    %swap3A_232 = arith.constant 352 : index
    %swap3A_233 = tpu.vector_load %arg12[%swap3A_232] {strides = array<i32>} : memref<400xi32, #tpu.memory_space<vmem>>, vector<16xi32>,
    tpu.vector_store %arg12[%swap3A_232], %get3A_231 {strides = array<i32>} : memref<400xi32, #tpu.memory_space<vmem>>, vector<16xi32>,
    %get3A_234 = arith.constant 352 : index
    %get3A_235 = tpu.vector_load %arg15[%get3A_234] {strides = array<i32>} : memref<400xi32, #tpu.memory_space<vmem>>, vector<16xi32>,
    %swap3A_236 = arith.constant 352 : index
    %swap3A_237 = tpu.vector_load %arg13[%swap3A_236] {strides = array<i32>} : memref<400xi32, #tpu.memory_space<vmem>>, vector<16xi32>,
    tpu.vector_store %arg13[%swap3A_236], %get3A_235 {strides = array<i32>} : memref<400xi32, #tpu.memory_space<vmem>>, vector<16xi32>,
    %get3A_238 = arith.constant 368 : index
    %get3A_239 = tpu.vector_load %arg14[%get3A_238] {strides = array<i32>} : memref<400xi32, #tpu.memory_space<vmem>>, vector<16xi32>,
    %swap3A_240 = arith.constant 368 : index
    %swap3A_241 = tpu.vector_load %arg12[%swap3A_240] {strides = array<i32>} : memref<400xi32, #tpu.memory_space<vmem>>, vector<16xi32>,
    tpu.vector_store %arg12[%swap3A_240], %get3A_239 {strides = array<i32>} : memref<400xi32, #tpu.memory_space<vmem>>, vector<16xi32>,
    %get3A_242 = arith.constant 368 : index
    %get3A_243 = tpu.vector_load %arg15[%get3A_242] {strides = array<i32>} : memref<400xi32, #tpu.memory_space<vmem>>, vector<16xi32>,
    %swap3A_244 = arith.constant 368 : index
    %swap3A_245 = tpu.vector_load %arg13[%swap3A_244] {strides = array<i32>} : memref<400xi32, #tpu.memory_space<vmem>>, vector<16xi32>,
    tpu.vector_store %arg13[%swap3A_244], %get3A_243 {strides = array<i32>} : memref<400xi32, #tpu.memory_space<vmem>>, vector<16xi32>,
    %get3A_246 = arith.constant 384 : index
    %get3A_247 = tpu.vector_load %arg14[%get3A_246] {strides = array<i32>} : memref<400xi32, #tpu.memory_space<vmem>>, vector<16xi32>,
    %swap3A_248 = arith.constant 384 : index
    %swap3A_249 = tpu.vector_load %arg12[%swap3A_248] {strides = array<i32>} : memref<400xi32, #tpu.memory_space<vmem>>, vector<16xi32>,
    tpu.vector_store %arg12[%swap3A_248], %get3A_247 {strides = array<i32>} : memref<400xi32, #tpu.memory_space<vmem>>, vector<16xi32>,
    %get3A_250 = arith.constant 384 : index
    %get3A_251 = tpu.vector_load %arg15[%get3A_250] {strides = array<i32>} : memref<400xi32, #tpu.memory_space<vmem>>, vector<16xi32>,
    %swap3A_252 = arith.constant 384 : index
    %swap3A_253 = tpu.vector_load %arg13[%swap3A_252] {strides = array<i32>} : memref<400xi32, #tpu.memory_space<vmem>>, vector<16xi32>,
    tpu.vector_store %arg13[%swap3A_252], %get3A_251 {strides = array<i32>} : memref<400xi32, #tpu.memory_space<vmem>>, vector<16xi32>,
    %dma_start3A_254 = arith.constant 1 : i32
    %dma_start3A_255 = arith.constant 0 : i32
    %dma_start3A_256 = tpu.memref_slice %arg4[%add3A, %dma_start3A_254, %dma_start3A_255] : memref<32x25x400xi32, #tpu.memory_space<hbm>> -> memref<1x1x400xi32, #tpu.memory_space<hbm>>
    %dma_start3A_257 = tpu.memref_squeeze %dma_start3A_256 : memref<1x1x400xi32, #tpu.memory_space<hbm>> -> memref<400xi32, #tpu.memory_space<hbm>>
    %dma_start3A_258 = arith.constant 0 : i32
    %dma_start3A_259 = tpu.memref_slice %arg4[%add3A, %dma_start3A_254, %dma_start3A_258] : memref<32x25x400xi32, #tpu.memory_space<hbm>> -> memref<1x1x400xi32, #tpu.memory_space<hbm>>
    %dma_start3A_260 = tpu.memref_squeeze %dma_start3A_259 : memref<1x1x400xi32, #tpu.memory_space<hbm>> -> memref<400xi32, #tpu.memory_space<hbm>>
    tpu.enqueue_dma source(%dma_start3A_260 : memref<400xi32, #tpu.memory_space<hbm>>) target(%arg14 : memref<400xi32, #tpu.memory_space<vmem>>) target_semaphore(%arg30 : memref<!tpu.dma_semaphore, #tpu.memory_space<semaphore_mem>>)
    %dma_start3A_261 = arith.constant 1 : i32
    %dma_start3A_262 = arith.constant 0 : i32
    %dma_start3A_263 = tpu.memref_slice %arg5[%add3A, %dma_start3A_261, %dma_start3A_262] : memref<32x25x400xi32, #tpu.memory_space<hbm>> -> memref<1x1x400xi32, #tpu.memory_space<hbm>>
    %dma_start3A_264 = tpu.memref_squeeze %dma_start3A_263 : memref<1x1x400xi32, #tpu.memory_space<hbm>> -> memref<400xi32, #tpu.memory_space<hbm>>
    %dma_start3A_265 = arith.constant 0 : i32
    %dma_start3A_266 = tpu.memref_slice %arg5[%add3A, %dma_start3A_261, %dma_start3A_265] : memref<32x25x400xi32, #tpu.memory_space<hbm>> -> memref<1x1x400xi32, #tpu.memory_space<hbm>>
    %dma_start3A_267 = tpu.memref_squeeze %dma_start3A_266 : memref<1x1x400xi32, #tpu.memory_space<hbm>> -> memref<400xi32, #tpu.memory_space<hbm>>
    tpu.enqueue_dma source(%dma_start3A_267 : memref<400xi32, #tpu.memory_space<hbm>>) target(%arg15 : memref<400xi32, #tpu.memory_space<vmem>>) target_semaphore(%arg30 : memref<!tpu.dma_semaphore, #tpu.memory_space<semaphore_mem>>)
    %broadcast_in_dim3A_268 = arith.constant 0 : i32
    %broadcast_in_dim3A_269 = vector.broadcast %broadcast_in_dim3A_268 : i32 to vector<16xi32>
    %add3A_270 = arith.addi %broadcast_in_dim3A_269, %iota3A : vector<16xi32>
    %gather3A = tpu.vector_load_idx %arg12[%add3A_270] : memref<400xi32, #tpu.memory_space<vmem>>[vector<16xi32>], vector<16xi32>,
    %swap3A_271 = arith.constant 0 : index
    %swap3A_272 = tpu.vector_load %arg16[%swap3A_271] {strides = array<i32>} : memref<40xi32, #tpu.memory_space<vmem>>, vector<16xi32>,
    tpu.vector_store %arg16[%swap3A_271], %gather3A {strides = array<i32>} : memref<40xi32, #tpu.memory_space<vmem>>, vector<16xi32>,
    %gather3A_273 = tpu.vector_load_idx %arg13[%add3A_270] : memref<400xi32, #tpu.memory_space<vmem>>[vector<16xi32>], vector<16xi32>,
    %swap3A_274 = arith.constant 0 : index
    %swap3A_275 = tpu.vector_load %arg18[%swap3A_274] {strides = array<i32>} : memref<40xi32, #tpu.memory_space<vmem>>, vector<16xi32>,
    tpu.vector_store %arg18[%swap3A_274], %gather3A_273 {strides = array<i32>} : memref<40xi32, #tpu.memory_space<vmem>>, vector<16xi32>,
    %broadcast_in_dim3A_276 = arith.constant 16 : i32
    %broadcast_in_dim3A_277 = vector.broadcast %broadcast_in_dim3A_276 : i32 to vector<16xi32>
    %add3A_278 = arith.addi %broadcast_in_dim3A_277, %iota3A : vector<16xi32>
    %gather3A_279 = tpu.vector_load_idx %arg12[%add3A_278] : memref<400xi32, #tpu.memory_space<vmem>>[vector<16xi32>], vector<16xi32>,
    %swap3A_280 = arith.constant 16 : index
    %swap3A_281 = tpu.vector_load %arg16[%swap3A_280] {strides = array<i32>} : memref<40xi32, #tpu.memory_space<vmem>>, vector<16xi32>,
    tpu.vector_store %arg16[%swap3A_280], %gather3A_279 {strides = array<i32>} : memref<40xi32, #tpu.memory_space<vmem>>, vector<16xi32>,
    %gather3A_282 = tpu.vector_load_idx %arg13[%add3A_278] : memref<400xi32, #tpu.memory_space<vmem>>[vector<16xi32>], vector<16xi32>,
    %swap3A_283 = arith.constant 16 : index
    %swap3A_284 = tpu.vector_load %arg18[%swap3A_283] {strides = array<i32>} : memref<40xi32, #tpu.memory_space<vmem>>, vector<16xi32>,
    tpu.vector_store %arg18[%swap3A_283], %gather3A_282 {strides = array<i32>} : memref<40xi32, #tpu.memory_space<vmem>>, vector<16xi32>,
    %broadcast_in_dim3A_285 = arith.constant 24 : i32
    %broadcast_in_dim3A_286 = vector.broadcast %broadcast_in_dim3A_285 : i32 to vector<16xi32>
    %add3A_287 = arith.addi %broadcast_in_dim3A_286, %iota3A : vector<16xi32>
    %gather3A_288 = tpu.vector_load_idx %arg12[%add3A_287] : memref<400xi32, #tpu.memory_space<vmem>>[vector<16xi32>], vector<16xi32>,
    %swap3A_289 = arith.constant 24 : index
    %swap3A_290 = tpu.vector_load %arg16[%swap3A_289] {strides = array<i32>} : memref<40xi32, #tpu.memory_space<vmem>>, vector<16xi32>,
    tpu.vector_store %arg16[%swap3A_289], %gather3A_288 {strides = array<i32>} : memref<40xi32, #tpu.memory_space<vmem>>, vector<16xi32>,
    %gather3A_291 = tpu.vector_load_idx %arg13[%add3A_287] : memref<400xi32, #tpu.memory_space<vmem>>[vector<16xi32>], vector<16xi32>,
    %swap3A_292 = arith.constant 24 : index
    %swap3A_293 = tpu.vector_load %arg18[%swap3A_292] {strides = array<i32>} : memref<40xi32, #tpu.memory_space<vmem>>, vector<16xi32>,
    tpu.vector_store %arg18[%swap3A_292], %gather3A_291 {strides = array<i32>} : memref<40xi32, #tpu.memory_space<vmem>>, vector<16xi32>,
    %dma_start3A_294 = arith.constant 0 : i32
    %dma_start3A_295 = arith.constant 0 : i32
    %dma_start3A_296 = tpu.memref_slice %arg6[%dma_start3A_294, %dma_start3A_295] : memref<10000x128xf32, #tpu.memory_space<hbm>> -> memref<10000x128xf32, #tpu.memory_space<hbm>>
    tpu.enqueue_indirect_dma source(%dma_start3A_296 : memref<10000x128xf32, #tpu.memory_space<hbm>>) target(%arg22 : memref<40x128xf32, #tpu.memory_space<vmem>>) offsets(%arg16 : memref<40xi32, #tpu.memory_space<vmem>>) semaphore(%arg26 : memref<!tpu.dma_semaphore, #tpu.memory_space<semaphore_mem>>)
    %scan3A_297 = arith.constant 0 : i32
    %scan3A_298 = arith.constant 124 : i32
    %scan3A_299 = arith.addi %scan3A_297, %scan3A_298 : i32
    %scan3A_300 = arith.constant 1 : i32
    scf.for %scan3A_770 = %scan3A_297 to %scan3A_299 step %scan3A_300  : i32 {
      %mul3A_771 = arith.constant 2 : i32
      %mul3A_772 = arith.muli %scan3A_770, %mul3A_771 : i32
      %add3A_773 = arith.constant 0 : i32
      %add3A_774 = arith.addi %add3A_773, %mul3A_772 : i32
      %add3A_775 = arith.constant 0 : i32
      %add3A_776 = arith.addi %add3A_774, %add3A_775 : i32
      %add3A_777 = arith.constant 1 : i32
      %add3A_778 = arith.addi %add3A_776, %add3A_777 : i32
      %div3A = arith.constant 10 : i32
      %div3A_779 = arith.divsi %add3A_778, %div3A : i32
      %mul3A_780 = arith.constant 10 : i32
      %mul3A_781 = arith.muli %div3A_779, %mul3A_780 : i32
      %sub3A_782 = arith.subi %add3A_778, %mul3A_781 : i32
      %get3A_783 = arith.constant 0 : index
      %get3A_784 = tpu.vector_load %arg16[%get3A_783] {strides = array<i32>} : memref<40xi32, #tpu.memory_space<vmem>>, vector<16xi32>,
      %get3A_785 = arith.constant 0 : index
      %get3A_786 = tpu.vector_load %arg18[%get3A_785] {strides = array<i32>} : memref<40xi32, #tpu.memory_space<vmem>>, vector<16xi32>,
      %gather3A_787 = tpu.vector_load_idx %arg10[%get3A_784] : memref<10000xf32, #tpu.memory_space<vmem>>[vector<16xi32>], vector<16xf32>,
      %gather3A_788 = tpu.vector_load_idx %arg11[%get3A_786] : memref<10000xf32, #tpu.memory_space<vmem>>[vector<16xi32>], vector<16xf32>,
      %add3A_789 = arith.addf %gather3A_787, %gather3A_788 : vector<16xf32>
      %mul3A_790 = arith.constant 2.000000e-01 : f32
      %mul3A_791 = vector.broadcast %mul3A_790 : f32 to vector<16xf32>
      %mul3A_792 = arith.mulf %mul3A_791, %add3A_789 : vector<16xf32>
      %max3A_793 = arith.maximumf %add3A_789, %mul3A_792 : vector<16xf32>
      %sub3A_794 = arith.subf %max3A_793, %max3A : vector<16xf32>
      %exp3A_795 = math.exp %sub3A_794 : vector<16xf32>
      %swap3A_796 = arith.constant 0 : index
      %swap3A_797 = tpu.vector_load %arg20[%swap3A_796] {strides = array<i32>} : memref<40xf32, #tpu.memory_space<vmem>>, vector<16xf32>,
      tpu.vector_store %arg20[%swap3A_796], %exp3A_795 {strides = array<i32>} : memref<40xf32, #tpu.memory_space<vmem>>, vector<16xf32>,
      %shift_right_logical3A_798 = arith.constant 10 : i32
      %shift_right_logical3A_799 = vector.broadcast %shift_right_logical3A_798 : i32 to vector<16xi32>
      %shift_right_logical3A_800 = arith.shrui %get3A_786, %shift_right_logical3A_799 : vector<16xi32>
      %and3A_801 = arith.constant 1023 : i32
      %and3A_802 = vector.broadcast %and3A_801 : i32 to vector<16xi32>
      %and3A_803 = arith.andi %get3A_786, %and3A_802 : vector<16xi32>
      tpu.vector_store_idx %arg21[%shift_right_logical3A_800, %and3A_803], %exp3A_795 {add = true} : memref<10x1024xf32, #tpu.memory_space<vmem>>[vector<16xi32>, vector<16xi32>], vector<16xf32>,
      %get3A_804 = arith.constant 16 : index
      %get3A_805 = tpu.vector_load %arg16[%get3A_804] {strides = array<i32>} : memref<40xi32, #tpu.memory_space<vmem>>, vector<16xi32>,
      %get3A_806 = arith.constant 16 : index
      %get3A_807 = tpu.vector_load %arg18[%get3A_806] {strides = array<i32>} : memref<40xi32, #tpu.memory_space<vmem>>, vector<16xi32>,
      %gather3A_808 = tpu.vector_load_idx %arg10[%get3A_805] : memref<10000xf32, #tpu.memory_space<vmem>>[vector<16xi32>], vector<16xf32>,
      %gather3A_809 = tpu.vector_load_idx %arg11[%get3A_807] : memref<10000xf32, #tpu.memory_space<vmem>>[vector<16xi32>], vector<16xf32>,
      %add3A_810 = arith.addf %gather3A_808, %gather3A_809 : vector<16xf32>
      %mul3A_811 = arith.constant 2.000000e-01 : f32
      %mul3A_812 = vector.broadcast %mul3A_811 : f32 to vector<16xf32>
      %mul3A_813 = arith.mulf %mul3A_812, %add3A_810 : vector<16xf32>
      %max3A_814 = arith.maximumf %add3A_810, %mul3A_813 : vector<16xf32>
      %sub3A_815 = arith.subf %max3A_814, %max3A : vector<16xf32>
      %exp3A_816 = math.exp %sub3A_815 : vector<16xf32>
      %swap3A_817 = arith.constant 16 : index
      %swap3A_818 = tpu.vector_load %arg20[%swap3A_817] {strides = array<i32>} : memref<40xf32, #tpu.memory_space<vmem>>, vector<16xf32>,
      tpu.vector_store %arg20[%swap3A_817], %exp3A_816 {strides = array<i32>} : memref<40xf32, #tpu.memory_space<vmem>>, vector<16xf32>,
      %shift_right_logical3A_819 = arith.constant 10 : i32
      %shift_right_logical3A_820 = vector.broadcast %shift_right_logical3A_819 : i32 to vector<16xi32>
      %shift_right_logical3A_821 = arith.shrui %get3A_807, %shift_right_logical3A_820 : vector<16xi32>
      %and3A_822 = arith.constant 1023 : i32
      %and3A_823 = vector.broadcast %and3A_822 : i32 to vector<16xi32>
      %and3A_824 = arith.andi %get3A_807, %and3A_823 : vector<16xi32>
      tpu.vector_store_idx %arg21[%shift_right_logical3A_821, %and3A_824], %exp3A_816 {add = true} : memref<10x1024xf32, #tpu.memory_space<vmem>>[vector<16xi32>, vector<16xi32>], vector<16xf32>,
      %get3A_825 = arith.constant 24 : index
      %get3A_826 = tpu.vector_load %arg16[%get3A_825] {strides = array<i32>} : memref<40xi32, #tpu.memory_space<vmem>>, vector<16xi32>,
      %get3A_827 = arith.constant 24 : index
      %get3A_828 = tpu.vector_load %arg18[%get3A_827] {strides = array<i32>} : memref<40xi32, #tpu.memory_space<vmem>>, vector<16xi32>,
      %gather3A_829 = tpu.vector_load_idx %arg10[%get3A_826] : memref<10000xf32, #tpu.memory_space<vmem>>[vector<16xi32>], vector<16xf32>,
      %gather3A_830 = tpu.vector_load_idx %arg11[%get3A_828] : memref<10000xf32, #tpu.memory_space<vmem>>[vector<16xi32>], vector<16xf32>,
      %add3A_831 = arith.addf %gather3A_829, %gather3A_830 : vector<16xf32>
      %mul3A_832 = arith.constant 2.000000e-01 : f32
      %mul3A_833 = vector.broadcast %mul3A_832 : f32 to vector<16xf32>
      %mul3A_834 = arith.mulf %mul3A_833, %add3A_831 : vector<16xf32>
      %max3A_835 = arith.maximumf %add3A_831, %mul3A_834 : vector<16xf32>
      %sub3A_836 = arith.subf %max3A_835, %max3A : vector<16xf32>
      %exp3A_837 = math.exp %sub3A_836 : vector<16xf32>
      %swap3A_838 = arith.constant 24 : index
      %swap3A_839 = tpu.vector_load %arg20[%swap3A_838] {strides = array<i32>} : memref<40xf32, #tpu.memory_space<vmem>>, vector<16xf32>,
      tpu.vector_store %arg20[%swap3A_838], %exp3A_837 {strides = array<i32>} : memref<40xf32, #tpu.memory_space<vmem>>, vector<16xf32>,
      %shift_right_logical3A_840 = arith.constant 10 : i32
      %shift_right_logical3A_841 = vector.broadcast %shift_right_logical3A_840 : i32 to vector<16xi32>
      %shift_right_logical3A_842 = arith.shrui %get3A_828, %shift_right_logical3A_841 : vector<16xi32>
      %and3A_843 = arith.constant 1023 : i32
      %and3A_844 = vector.broadcast %and3A_843 : i32 to vector<16xi32>
      %and3A_845 = arith.andi %get3A_828, %and3A_844 : vector<16xi32>
      tpu.vector_store_idx %arg21[%shift_right_logical3A_842, %and3A_845], %exp3A_837 masked %ge3A_28 {add = true} : memref<10x1024xf32, #tpu.memory_space<vmem>>[vector<16xi32>, vector<16xi32>], vector<16xf32>, vector<16xi1>
      %gt3A = arith.constant 0 : i32
      %gt3A_846 = arith.cmpi sgt, %add3A_774, %gt3A : i32
      %convert_element_type3A = arith.extui %gt3A_846 : i1 to i32
      %cond3A = arith.constant 0 : i32
      %cond3A_847 = arith.cmpi ne, %convert_element_type3A, %cond3A : i32
      scf.if %cond3A_847 {
        %dma_wait3A_1032 = arith.constant 0 : i32
        %dma_wait3A_1033 = arith.constant 0 : i32
        %dma_wait3A_1034 = tpu.memref_slice %arg25[%dma_wait3A_1032, %dma_wait3A_1033] : memref<10112x128xf32, #tpu.memory_space<vmem_shared>> -> memref<10112x128xf32, #tpu.memory_space<vmem_shared>>
        tpu.wait_indirect_dma semaphore(%arg29 : memref<!tpu.dma_semaphore, #tpu.memory_space<semaphore_mem>>) src(%arg23 : memref<40x128xf32, #tpu.memory_space<vmem>>) dst(%dma_wait3A_1034 : memref<10112x128xf32, #tpu.memory_space<vmem_shared>>)
      } else {
      }
      %dma_wait3A_848 = arith.constant 0 : i32
      %dma_wait3A_849 = arith.constant 0 : i32
      %dma_wait3A_850 = tpu.memref_slice %arg6[%dma_wait3A_848, %dma_wait3A_849] : memref<10000x128xf32, #tpu.memory_space<hbm>> -> memref<10000x128xf32, #tpu.memory_space<hbm>>
      tpu.wait_indirect_dma semaphore(%arg26 : memref<!tpu.dma_semaphore, #tpu.memory_space<semaphore_mem>>) src(%dma_wait3A_850 : memref<10000x128xf32, #tpu.memory_space<hbm>>) dst(%arg22 : memref<40x128xf32, #tpu.memory_space<vmem>>)
      %eq3A = arith.constant 0 : i32
      %eq3A_851 = arith.cmpi eq, %sub3A_782, %eq3A : i32
      %convert_element_type3A_852 = arith.extui %eq3A_851 : i1 to i32
      %cond3A_853 = arith.constant 0 : i32
      %cond3A_854 = arith.cmpi ne, %convert_element_type3A_852, %cond3A_853 : i32
      scf.if %cond3A_854 {
        %dma_wait3A_1032 = arith.constant 0 : i32
        %dma_wait3A_1033 = arith.constant 0 : i32
        %dma_wait3A_1034 = tpu.memref_slice %arg4[%add3A, %dma_wait3A_1032, %dma_wait3A_1033] : memref<32x25x400xi32, #tpu.memory_space<hbm>> -> memref<1x1x400xi32, #tpu.memory_space<hbm>>
        %dma_wait3A_1035 = tpu.memref_squeeze %dma_wait3A_1034 : memref<1x1x400xi32, #tpu.memory_space<hbm>> -> memref<400xi32, #tpu.memory_space<hbm>>
        %dma_wait3A_1036 = arith.constant 0 : i32
        %dma_wait3A_1037 = tpu.memref_slice %arg4[%add3A, %dma_wait3A_1032, %dma_wait3A_1036] : memref<32x25x400xi32, #tpu.memory_space<hbm>> -> memref<1x1x400xi32, #tpu.memory_space<hbm>>
        %dma_wait3A_1038 = tpu.memref_squeeze %dma_wait3A_1037 : memref<1x1x400xi32, #tpu.memory_space<hbm>> -> memref<400xi32, #tpu.memory_space<hbm>>
        tpu.wait_dma2 semaphore(%arg30 : memref<!tpu.dma_semaphore, #tpu.memory_space<semaphore_mem>>) src(%dma_wait3A_1038 : memref<400xi32, #tpu.memory_space<hbm>>) dst(%arg14 : memref<400xi32, #tpu.memory_space<vmem>>)
        %dma_wait3A_1039 = arith.constant 0 : i32
        %dma_wait3A_1040 = arith.constant 0 : i32
        %dma_wait3A_1041 = tpu.memref_slice %arg5[%add3A, %dma_wait3A_1039, %dma_wait3A_1040] : memref<32x25x400xi32, #tpu.memory_space<hbm>> -> memref<1x1x400xi32, #tpu.memory_space<hbm>>
        %dma_wait3A_1042 = tpu.memref_squeeze %dma_wait3A_1041 : memref<1x1x400xi32, #tpu.memory_space<hbm>> -> memref<400xi32, #tpu.memory_space<hbm>>
        %dma_wait3A_1043 = arith.constant 0 : i32
        %dma_wait3A_1044 = tpu.memref_slice %arg5[%add3A, %dma_wait3A_1039, %dma_wait3A_1043] : memref<32x25x400xi32, #tpu.memory_space<hbm>> -> memref<1x1x400xi32, #tpu.memory_space<hbm>>
        %dma_wait3A_1045 = tpu.memref_squeeze %dma_wait3A_1044 : memref<1x1x400xi32, #tpu.memory_space<hbm>> -> memref<400xi32, #tpu.memory_space<hbm>>
        tpu.wait_dma2 semaphore(%arg30 : memref<!tpu.dma_semaphore, #tpu.memory_space<semaphore_mem>>) src(%dma_wait3A_1045 : memref<400xi32, #tpu.memory_space<hbm>>) dst(%arg15 : memref<400xi32, #tpu.memory_space<vmem>>)
        %get3A_1046 = arith.constant 0 : index
        %get3A_1047 = tpu.vector_load %arg14[%get3A_1046] {strides = array<i32>} : memref<400xi32, #tpu.memory_space<vmem>>, vector<16xi32>,
        %swap3A_1048 = arith.constant 0 : index
        %swap3A_1049 = tpu.vector_load %arg12[%swap3A_1048] {strides = array<i32>} : memref<400xi32, #tpu.memory_space<vmem>>, vector<16xi32>,
        tpu.vector_store %arg12[%swap3A_1048], %get3A_1047 {strides = array<i32>} : memref<400xi32, #tpu.memory_space<vmem>>, vector<16xi32>,
        %get3A_1050 = arith.constant 0 : index
        %get3A_1051 = tpu.vector_load %arg15[%get3A_1050] {strides = array<i32>} : memref<400xi32, #tpu.memory_space<vmem>>, vector<16xi32>,
        %swap3A_1052 = arith.constant 0 : index
        %swap3A_1053 = tpu.vector_load %arg13[%swap3A_1052] {strides = array<i32>} : memref<400xi32, #tpu.memory_space<vmem>>, vector<16xi32>,
        tpu.vector_store %arg13[%swap3A_1052], %get3A_1051 {strides = array<i32>} : memref<400xi32, #tpu.memory_space<vmem>>, vector<16xi32>,
        %get3A_1054 = arith.constant 16 : index
        %get3A_1055 = tpu.vector_load %arg14[%get3A_1054] {strides = array<i32>} : memref<400xi32, #tpu.memory_space<vmem>>, vector<16xi32>,
        %swap3A_1056 = arith.constant 16 : index
        %swap3A_1057 = tpu.vector_load %arg12[%swap3A_1056] {strides = array<i32>} : memref<400xi32, #tpu.memory_space<vmem>>, vector<16xi32>,
        tpu.vector_store %arg12[%swap3A_1056], %get3A_1055 {strides = array<i32>} : memref<400xi32, #tpu.memory_space<vmem>>, vector<16xi32>,
        %get3A_1058 = arith.constant 16 : index
        %get3A_1059 = tpu.vector_load %arg15[%get3A_1058] {strides = array<i32>} : memref<400xi32, #tpu.memory_space<vmem>>, vector<16xi32>,
        %swap3A_1060 = arith.constant 16 : index
        %swap3A_1061 = tpu.vector_load %arg13[%swap3A_1060] {strides = array<i32>} : memref<400xi32, #tpu.memory_space<vmem>>, vector<16xi32>,
        tpu.vector_store %arg13[%swap3A_1060], %get3A_1059 {strides = array<i32>} : memref<400xi32, #tpu.memory_space<vmem>>, vector<16xi32>,
        %get3A_1062 = arith.constant 32 : index
        %get3A_1063 = tpu.vector_load %arg14[%get3A_1062] {strides = array<i32>} : memref<400xi32, #tpu.memory_space<vmem>>, vector<16xi32>,
        %swap3A_1064 = arith.constant 32 : index
        %swap3A_1065 = tpu.vector_load %arg12[%swap3A_1064] {strides = array<i32>} : memref<400xi32, #tpu.memory_space<vmem>>, vector<16xi32>,
        tpu.vector_store %arg12[%swap3A_1064], %get3A_1063 {strides = array<i32>} : memref<400xi32, #tpu.memory_space<vmem>>, vector<16xi32>,
        %get3A_1066 = arith.constant 32 : index
        %get3A_1067 = tpu.vector_load %arg15[%get3A_1066] {strides = array<i32>} : memref<400xi32, #tpu.memory_space<vmem>>, vector<16xi32>,
        %swap3A_1068 = arith.constant 32 : index
        %swap3A_1069 = tpu.vector_load %arg13[%swap3A_1068] {strides = array<i32>} : memref<400xi32, #tpu.memory_space<vmem>>, vector<16xi32>,
        tpu.vector_store %arg13[%swap3A_1068], %get3A_1067 {strides = array<i32>} : memref<400xi32, #tpu.memory_space<vmem>>, vector<16xi32>,
        %get3A_1070 = arith.constant 48 : index
        %get3A_1071 = tpu.vector_load %arg14[%get3A_1070] {strides = array<i32>} : memref<400xi32, #tpu.memory_space<vmem>>, vector<16xi32>,
        %swap3A_1072 = arith.constant 48 : index
        %swap3A_1073 = tpu.vector_load %arg12[%swap3A_1072] {strides = array<i32>} : memref<400xi32, #tpu.memory_space<vmem>>, vector<16xi32>,
        tpu.vector_store %arg12[%swap3A_1072], %get3A_1071 {strides = array<i32>} : memref<400xi32, #tpu.memory_space<vmem>>, vector<16xi32>,
        %get3A_1074 = arith.constant 48 : index
        %get3A_1075 = tpu.vector_load %arg15[%get3A_1074] {strides = array<i32>} : memref<400xi32, #tpu.memory_space<vmem>>, vector<16xi32>,
        %swap3A_1076 = arith.constant 48 : index
        %swap3A_1077 = tpu.vector_load %arg13[%swap3A_1076] {strides = array<i32>} : memref<400xi32, #tpu.memory_space<vmem>>, vector<16xi32>,
        tpu.vector_store %arg13[%swap3A_1076], %get3A_1075 {strides = array<i32>} : memref<400xi32, #tpu.memory_space<vmem>>, vector<16xi32>,
        %get3A_1078 = arith.constant 64 : index
        %get3A_1079 = tpu.vector_load %arg14[%get3A_1078] {strides = array<i32>} : memref<400xi32, #tpu.memory_space<vmem>>, vector<16xi32>,
        %swap3A_1080 = arith.constant 64 : index
        %swap3A_1081 = tpu.vector_load %arg12[%swap3A_1080] {strides = array<i32>} : memref<400xi32, #tpu.memory_space<vmem>>, vector<16xi32>,
        tpu.vector_store %arg12[%swap3A_1080], %get3A_1079 {strides = array<i32>} : memref<400xi32, #tpu.memory_space<vmem>>, vector<16xi32>,
        %get3A_1082 = arith.constant 64 : index
        %get3A_1083 = tpu.vector_load %arg15[%get3A_1082] {strides = array<i32>} : memref<400xi32, #tpu.memory_space<vmem>>, vector<16xi32>,
        %swap3A_1084 = arith.constant 64 : index
        %swap3A_1085 = tpu.vector_load %arg13[%swap3A_1084] {strides = array<i32>} : memref<400xi32, #tpu.memory_space<vmem>>, vector<16xi32>,
        tpu.vector_store %arg13[%swap3A_1084], %get3A_1083 {strides = array<i32>} : memref<400xi32, #tpu.memory_space<vmem>>, vector<16xi32>,
        %get3A_1086 = arith.constant 80 : index
        %get3A_1087 = tpu.vector_load %arg14[%get3A_1086] {strides = array<i32>} : memref<400xi32, #tpu.memory_space<vmem>>, vector<16xi32>,
        %swap3A_1088 = arith.constant 80 : index
        %swap3A_1089 = tpu.vector_load %arg12[%swap3A_1088] {strides = array<i32>} : memref<400xi32, #tpu.memory_space<vmem>>, vector<16xi32>,
        tpu.vector_store %arg12[%swap3A_1088], %get3A_1087 {strides = array<i32>} : memref<400xi32, #tpu.memory_space<vmem>>, vector<16xi32>,
        %get3A_1090 = arith.constant 80 : index
        %get3A_1091 = tpu.vector_load %arg15[%get3A_1090] {strides = array<i32>} : memref<400xi32, #tpu.memory_space<vmem>>, vector<16xi32>,
        %swap3A_1092 = arith.constant 80 : index
        %swap3A_1093 = tpu.vector_load %arg13[%swap3A_1092] {strides = array<i32>} : memref<400xi32, #tpu.memory_space<vmem>>, vector<16xi32>,
        tpu.vector_store %arg13[%swap3A_1092], %get3A_1091 {strides = array<i32>} : memref<400xi32, #tpu.memory_space<vmem>>, vector<16xi32>,
        %get3A_1094 = arith.constant 96 : index
        %get3A_1095 = tpu.vector_load %arg14[%get3A_1094] {strides = array<i32>} : memref<400xi32, #tpu.memory_space<vmem>>, vector<16xi32>,
        %swap3A_1096 = arith.constant 96 : index
        %swap3A_1097 = tpu.vector_load %arg12[%swap3A_1096] {strides = array<i32>} : memref<400xi32, #tpu.memory_space<vmem>>, vector<16xi32>,
        tpu.vector_store %arg12[%swap3A_1096], %get3A_1095 {strides = array<i32>} : memref<400xi32, #tpu.memory_space<vmem>>, vector<16xi32>,
        %get3A_1098 = arith.constant 96 : index
        %get3A_1099 = tpu.vector_load %arg15[%get3A_1098] {strides = array<i32>} : memref<400xi32, #tpu.memory_space<vmem>>, vector<16xi32>,
        %swap3A_1100 = arith.constant 96 : index
        %swap3A_1101 = tpu.vector_load %arg13[%swap3A_1100] {strides = array<i32>} : memref<400xi32, #tpu.memory_space<vmem>>, vector<16xi32>,
        tpu.vector_store %arg13[%swap3A_1100], %get3A_1099 {strides = array<i32>} : memref<400xi32, #tpu.memory_space<vmem>>, vector<16xi32>,
        %get3A_1102 = arith.constant 112 : index
        %get3A_1103 = tpu.vector_load %arg14[%get3A_1102] {strides = array<i32>} : memref<400xi32, #tpu.memory_space<vmem>>, vector<16xi32>,
        %swap3A_1104 = arith.constant 112 : index
        %swap3A_1105 = tpu.vector_load %arg12[%swap3A_1104] {strides = array<i32>} : memref<400xi32, #tpu.memory_space<vmem>>, vector<16xi32>,
        tpu.vector_store %arg12[%swap3A_1104], %get3A_1103 {strides = array<i32>} : memref<400xi32, #tpu.memory_space<vmem>>, vector<16xi32>,
        %get3A_1106 = arith.constant 112 : index
        %get3A_1107 = tpu.vector_load %arg15[%get3A_1106] {strides = array<i32>} : memref<400xi32, #tpu.memory_space<vmem>>, vector<16xi32>,
        %swap3A_1108 = arith.constant 112 : index
        %swap3A_1109 = tpu.vector_load %arg13[%swap3A_1108] {strides = array<i32>} : memref<400xi32, #tpu.memory_space<vmem>>, vector<16xi32>,
        tpu.vector_store %arg13[%swap3A_1108], %get3A_1107 {strides = array<i32>} : memref<400xi32, #tpu.memory_space<vmem>>, vector<16xi32>,
        %get3A_1110 = arith.constant 128 : index
        %get3A_1111 = tpu.vector_load %arg14[%get3A_1110] {strides = array<i32>} : memref<400xi32, #tpu.memory_space<vmem>>, vector<16xi32>,
        %swap3A_1112 = arith.constant 128 : index
        %swap3A_1113 = tpu.vector_load %arg12[%swap3A_1112] {strides = array<i32>} : memref<400xi32, #tpu.memory_space<vmem>>, vector<16xi32>,
        tpu.vector_store %arg12[%swap3A_1112], %get3A_1111 {strides = array<i32>} : memref<400xi32, #tpu.memory_space<vmem>>, vector<16xi32>,
        %get3A_1114 = arith.constant 128 : index
        %get3A_1115 = tpu.vector_load %arg15[%get3A_1114] {strides = array<i32>} : memref<400xi32, #tpu.memory_space<vmem>>, vector<16xi32>,
        %swap3A_1116 = arith.constant 128 : index
        %swap3A_1117 = tpu.vector_load %arg13[%swap3A_1116] {strides = array<i32>} : memref<400xi32, #tpu.memory_space<vmem>>, vector<16xi32>,
        tpu.vector_store %arg13[%swap3A_1116], %get3A_1115 {strides = array<i32>} : memref<400xi32, #tpu.memory_space<vmem>>, vector<16xi32>,
        %get3A_1118 = arith.constant 144 : index
        %get3A_1119 = tpu.vector_load %arg14[%get3A_1118] {strides = array<i32>} : memref<400xi32, #tpu.memory_space<vmem>>, vector<16xi32>,
        %swap3A_1120 = arith.constant 144 : index
        %swap3A_1121 = tpu.vector_load %arg12[%swap3A_1120] {strides = array<i32>} : memref<400xi32, #tpu.memory_space<vmem>>, vector<16xi32>,
        tpu.vector_store %arg12[%swap3A_1120], %get3A_1119 {strides = array<i32>} : memref<400xi32, #tpu.memory_space<vmem>>, vector<16xi32>,
        %get3A_1122 = arith.constant 144 : index
        %get3A_1123 = tpu.vector_load %arg15[%get3A_1122] {strides = array<i32>} : memref<400xi32, #tpu.memory_space<vmem>>, vector<16xi32>,
        %swap3A_1124 = arith.constant 144 : index
        %swap3A_1125 = tpu.vector_load %arg13[%swap3A_1124] {strides = array<i32>} : memref<400xi32, #tpu.memory_space<vmem>>, vector<16xi32>,
        tpu.vector_store %arg13[%swap3A_1124], %get3A_1123 {strides = array<i32>} : memref<400xi32, #tpu.memory_space<vmem>>, vector<16xi32>,
        %get3A_1126 = arith.constant 160 : index
        %get3A_1127 = tpu.vector_load %arg14[%get3A_1126] {strides = array<i32>} : memref<400xi32, #tpu.memory_space<vmem>>, vector<16xi32>,
        %swap3A_1128 = arith.constant 160 : index
        %swap3A_1129 = tpu.vector_load %arg12[%swap3A_1128] {strides = array<i32>} : memref<400xi32, #tpu.memory_space<vmem>>, vector<16xi32>,
        tpu.vector_store %arg12[%swap3A_1128], %get3A_1127 {strides = array<i32>} : memref<400xi32, #tpu.memory_space<vmem>>, vector<16xi32>,
        %get3A_1130 = arith.constant 160 : index
        %get3A_1131 = tpu.vector_load %arg15[%get3A_1130] {strides = array<i32>} : memref<400xi32, #tpu.memory_space<vmem>>, vector<16xi32>,
        %swap3A_1132 = arith.constant 160 : index
        %swap3A_1133 = tpu.vector_load %arg13[%swap3A_1132] {strides = array<i32>} : memref<400xi32, #tpu.memory_space<vmem>>, vector<16xi32>,
        tpu.vector_store %arg13[%swap3A_1132], %get3A_1131 {strides = array<i32>} : memref<400xi32, #tpu.memory_space<vmem>>, vector<16xi32>,
        %get3A_1134 = arith.constant 176 : index
        %get3A_1135 = tpu.vector_load %arg14[%get3A_1134] {strides = array<i32>} : memref<400xi32, #tpu.memory_space<vmem>>, vector<16xi32>,
        %swap3A_1136 = arith.constant 176 : index
        %swap3A_1137 = tpu.vector_load %arg12[%swap3A_1136] {strides = array<i32>} : memref<400xi32, #tpu.memory_space<vmem>>, vector<16xi32>,
        tpu.vector_store %arg12[%swap3A_1136], %get3A_1135 {strides = array<i32>} : memref<400xi32, #tpu.memory_space<vmem>>, vector<16xi32>,
        %get3A_1138 = arith.constant 176 : index
        %get3A_1139 = tpu.vector_load %arg15[%get3A_1138] {strides = array<i32>} : memref<400xi32, #tpu.memory_space<vmem>>, vector<16xi32>,
        %swap3A_1140 = arith.constant 176 : index
        %swap3A_1141 = tpu.vector_load %arg13[%swap3A_1140] {strides = array<i32>} : memref<400xi32, #tpu.memory_space<vmem>>, vector<16xi32>,
        tpu.vector_store %arg13[%swap3A_1140], %get3A_1139 {strides = array<i32>} : memref<400xi32, #tpu.memory_space<vmem>>, vector<16xi32>,
        %get3A_1142 = arith.constant 192 : index
        %get3A_1143 = tpu.vector_load %arg14[%get3A_1142] {strides = array<i32>} : memref<400xi32, #tpu.memory_space<vmem>>, vector<16xi32>,
        %swap3A_1144 = arith.constant 192 : index
        %swap3A_1145 = tpu.vector_load %arg12[%swap3A_1144] {strides = array<i32>} : memref<400xi32, #tpu.memory_space<vmem>>, vector<16xi32>,
        tpu.vector_store %arg12[%swap3A_1144], %get3A_1143 {strides = array<i32>} : memref<400xi32, #tpu.memory_space<vmem>>, vector<16xi32>,
        %get3A_1146 = arith.constant 192 : index
        %get3A_1147 = tpu.vector_load %arg15[%get3A_1146] {strides = array<i32>} : memref<400xi32, #tpu.memory_space<vmem>>, vector<16xi32>,
        %swap3A_1148 = arith.constant 192 : index
        %swap3A_1149 = tpu.vector_load %arg13[%swap3A_1148] {strides = array<i32>} : memref<400xi32, #tpu.memory_space<vmem>>, vector<16xi32>,
        tpu.vector_store %arg13[%swap3A_1148], %get3A_1147 {strides = array<i32>} : memref<400xi32, #tpu.memory_space<vmem>>, vector<16xi32>,
        %get3A_1150 = arith.constant 208 : index
        %get3A_1151 = tpu.vector_load %arg14[%get3A_1150] {strides = array<i32>} : memref<400xi32, #tpu.memory_space<vmem>>, vector<16xi32>,
        %swap3A_1152 = arith.constant 208 : index
        %swap3A_1153 = tpu.vector_load %arg12[%swap3A_1152] {strides = array<i32>} : memref<400xi32, #tpu.memory_space<vmem>>, vector<16xi32>,
        tpu.vector_store %arg12[%swap3A_1152], %get3A_1151 {strides = array<i32>} : memref<400xi32, #tpu.memory_space<vmem>>, vector<16xi32>,
        %get3A_1154 = arith.constant 208 : index
        %get3A_1155 = tpu.vector_load %arg15[%get3A_1154] {strides = array<i32>} : memref<400xi32, #tpu.memory_space<vmem>>, vector<16xi32>,
        %swap3A_1156 = arith.constant 208 : index
        %swap3A_1157 = tpu.vector_load %arg13[%swap3A_1156] {strides = array<i32>} : memref<400xi32, #tpu.memory_space<vmem>>, vector<16xi32>,
        tpu.vector_store %arg13[%swap3A_1156], %get3A_1155 {strides = array<i32>} : memref<400xi32, #tpu.memory_space<vmem>>, vector<16xi32>,
        %get3A_1158 = arith.constant 224 : index
        %get3A_1159 = tpu.vector_load %arg14[%get3A_1158] {strides = array<i32>} : memref<400xi32, #tpu.memory_space<vmem>>, vector<16xi32>,
        %swap3A_1160 = arith.constant 224 : index
        %swap3A_1161 = tpu.vector_load %arg12[%swap3A_1160] {strides = array<i32>} : memref<400xi32, #tpu.memory_space<vmem>>, vector<16xi32>,
        tpu.vector_store %arg12[%swap3A_1160], %get3A_1159 {strides = array<i32>} : memref<400xi32, #tpu.memory_space<vmem>>, vector<16xi32>,
        %get3A_1162 = arith.constant 224 : index
        %get3A_1163 = tpu.vector_load %arg15[%get3A_1162] {strides = array<i32>} : memref<400xi32, #tpu.memory_space<vmem>>, vector<16xi32>,
        %swap3A_1164 = arith.constant 224 : index
        %swap3A_1165 = tpu.vector_load %arg13[%swap3A_1164] {strides = array<i32>} : memref<400xi32, #tpu.memory_space<vmem>>, vector<16xi32>,
        tpu.vector_store %arg13[%swap3A_1164], %get3A_1163 {strides = array<i32>} : memref<400xi32, #tpu.memory_space<vmem>>, vector<16xi32>,
        %get3A_1166 = arith.constant 240 : index
        %get3A_1167 = tpu.vector_load %arg14[%get3A_1166] {strides = array<i32>} : memref<400xi32, #tpu.memory_space<vmem>>, vector<16xi32>,
        %swap3A_1168 = arith.constant 240 : index
        %swap3A_1169 = tpu.vector_load %arg12[%swap3A_1168] {strides = array<i32>} : memref<400xi32, #tpu.memory_space<vmem>>, vector<16xi32>,
        tpu.vector_store %arg12[%swap3A_1168], %get3A_1167 {strides = array<i32>} : memref<400xi32, #tpu.memory_space<vmem>>, vector<16xi32>,
        %get3A_1170 = arith.constant 240 : index
        %get3A_1171 = tpu.vector_load %arg15[%get3A_1170] {strides = array<i32>} : memref<400xi32, #tpu.memory_space<vmem>>, vector<16xi32>,
        %swap3A_1172 = arith.constant 240 : index
        %swap3A_1173 = tpu.vector_load %arg13[%swap3A_1172] {strides = array<i32>} : memref<400xi32, #tpu.memory_space<vmem>>, vector<16xi32>,
        tpu.vector_store %arg13[%swap3A_1172], %get3A_1171 {strides = array<i32>} : memref<400xi32, #tpu.memory_space<vmem>>, vector<16xi32>,
        %get3A_1174 = arith.constant 256 : index
        %get3A_1175 = tpu.vector_load %arg14[%get3A_1174] {strides = array<i32>} : memref<400xi32, #tpu.memory_space<vmem>>, vector<16xi32>,
        %swap3A_1176 = arith.constant 256 : index
        %swap3A_1177 = tpu.vector_load %arg12[%swap3A_1176] {strides = array<i32>} : memref<400xi32, #tpu.memory_space<vmem>>, vector<16xi32>,
        tpu.vector_store %arg12[%swap3A_1176], %get3A_1175 {strides = array<i32>} : memref<400xi32, #tpu.memory_space<vmem>>, vector<16xi32>,
        %get3A_1178 = arith.constant 256 : index
        %get3A_1179 = tpu.vector_load %arg15[%get3A_1178] {strides = array<i32>} : memref<400xi32, #tpu.memory_space<vmem>>, vector<16xi32>,
        %swap3A_1180 = arith.constant 256 : index
        %swap3A_1181 = tpu.vector_load %arg13[%swap3A_1180] {strides = array<i32>} : memref<400xi32, #tpu.memory_space<vmem>>, vector<16xi32>,
        tpu.vector_store %arg13[%swap3A_1180], %get3A_1179 {strides = array<i32>} : memref<400xi32, #tpu.memory_space<vmem>>, vector<16xi32>,
        %get3A_1182 = arith.constant 272 : index
        %get3A_1183 = tpu.vector_load %arg14[%get3A_1182] {strides = array<i32>} : memref<400xi32, #tpu.memory_space<vmem>>, vector<16xi32>,
        %swap3A_1184 = arith.constant 272 : index
        %swap3A_1185 = tpu.vector_load %arg12[%swap3A_1184] {strides = array<i32>} : memref<400xi32, #tpu.memory_space<vmem>>, vector<16xi32>,
        tpu.vector_store %arg12[%swap3A_1184], %get3A_1183 {strides = array<i32>} : memref<400xi32, #tpu.memory_space<vmem>>, vector<16xi32>,
        %get3A_1186 = arith.constant 272 : index
        %get3A_1187 = tpu.vector_load %arg15[%get3A_1186] {strides = array<i32>} : memref<400xi32, #tpu.memory_space<vmem>>, vector<16xi32>,
        %swap3A_1188 = arith.constant 272 : index
        %swap3A_1189 = tpu.vector_load %arg13[%swap3A_1188] {strides = array<i32>} : memref<400xi32, #tpu.memory_space<vmem>>, vector<16xi32>,
        tpu.vector_store %arg13[%swap3A_1188], %get3A_1187 {strides = array<i32>} : memref<400xi32, #tpu.memory_space<vmem>>, vector<16xi32>,
        %get3A_1190 = arith.constant 288 : index
        %get3A_1191 = tpu.vector_load %arg14[%get3A_1190] {strides = array<i32>} : memref<400xi32, #tpu.memory_space<vmem>>, vector<16xi32>,
        %swap3A_1192 = arith.constant 288 : index
        %swap3A_1193 = tpu.vector_load %arg12[%swap3A_1192] {strides = array<i32>} : memref<400xi32, #tpu.memory_space<vmem>>, vector<16xi32>,
        tpu.vector_store %arg12[%swap3A_1192], %get3A_1191 {strides = array<i32>} : memref<400xi32, #tpu.memory_space<vmem>>, vector<16xi32>,
        %get3A_1194 = arith.constant 288 : index
        %get3A_1195 = tpu.vector_load %arg15[%get3A_1194] {strides = array<i32>} : memref<400xi32, #tpu.memory_space<vmem>>, vector<16xi32>,
        %swap3A_1196 = arith.constant 288 : index
        %swap3A_1197 = tpu.vector_load %arg13[%swap3A_1196] {strides = array<i32>} : memref<400xi32, #tpu.memory_space<vmem>>, vector<16xi32>,
        tpu.vector_store %arg13[%swap3A_1196], %get3A_1195 {strides = array<i32>} : memref<400xi32, #tpu.memory_space<vmem>>, vector<16xi32>,
        %get3A_1198 = arith.constant 304 : index
        %get3A_1199 = tpu.vector_load %arg14[%get3A_1198] {strides = array<i32>} : memref<400xi32, #tpu.memory_space<vmem>>, vector<16xi32>,
        %swap3A_1200 = arith.constant 304 : index
        %swap3A_1201 = tpu.vector_load %arg12[%swap3A_1200] {strides = array<i32>} : memref<400xi32, #tpu.memory_space<vmem>>, vector<16xi32>,
        tpu.vector_store %arg12[%swap3A_1200], %get3A_1199 {strides = array<i32>} : memref<400xi32, #tpu.memory_space<vmem>>, vector<16xi32>,
        %get3A_1202 = arith.constant 304 : index
        %get3A_1203 = tpu.vector_load %arg15[%get3A_1202] {strides = array<i32>} : memref<400xi32, #tpu.memory_space<vmem>>, vector<16xi32>,
        %swap3A_1204 = arith.constant 304 : index
        %swap3A_1205 = tpu.vector_load %arg13[%swap3A_1204] {strides = array<i32>} : memref<400xi32, #tpu.memory_space<vmem>>, vector<16xi32>,
        tpu.vector_store %arg13[%swap3A_1204], %get3A_1203 {strides = array<i32>} : memref<400xi32, #tpu.memory_space<vmem>>, vector<16xi32>,
        %get3A_1206 = arith.constant 320 : index
        %get3A_1207 = tpu.vector_load %arg14[%get3A_1206] {strides = array<i32>} : memref<400xi32, #tpu.memory_space<vmem>>, vector<16xi32>,
        %swap3A_1208 = arith.constant 320 : index
        %swap3A_1209 = tpu.vector_load %arg12[%swap3A_1208] {strides = array<i32>} : memref<400xi32, #tpu.memory_space<vmem>>, vector<16xi32>,
        tpu.vector_store %arg12[%swap3A_1208], %get3A_1207 {strides = array<i32>} : memref<400xi32, #tpu.memory_space<vmem>>, vector<16xi32>,
        %get3A_1210 = arith.constant 320 : index
        %get3A_1211 = tpu.vector_load %arg15[%get3A_1210] {strides = array<i32>} : memref<400xi32, #tpu.memory_space<vmem>>, vector<16xi32>,
        %swap3A_1212 = arith.constant 320 : index
        %swap3A_1213 = tpu.vector_load %arg13[%swap3A_1212] {strides = array<i32>} : memref<400xi32, #tpu.memory_space<vmem>>, vector<16xi32>,
        tpu.vector_store %arg13[%swap3A_1212], %get3A_1211 {strides = array<i32>} : memref<400xi32, #tpu.memory_space<vmem>>, vector<16xi32>,
        %get3A_1214 = arith.constant 336 : index
        %get3A_1215 = tpu.vector_load %arg14[%get3A_1214] {strides = array<i32>} : memref<400xi32, #tpu.memory_space<vmem>>, vector<16xi32>,
        %swap3A_1216 = arith.constant 336 : index
        %swap3A_1217 = tpu.vector_load %arg12[%swap3A_1216] {strides = array<i32>} : memref<400xi32, #tpu.memory_space<vmem>>, vector<16xi32>,
        tpu.vector_store %arg12[%swap3A_1216], %get3A_1215 {strides = array<i32>} : memref<400xi32, #tpu.memory_space<vmem>>, vector<16xi32>,
        %get3A_1218 = arith.constant 336 : index
        %get3A_1219 = tpu.vector_load %arg15[%get3A_1218] {strides = array<i32>} : memref<400xi32, #tpu.memory_space<vmem>>, vector<16xi32>,
        %swap3A_1220 = arith.constant 336 : index
        %swap3A_1221 = tpu.vector_load %arg13[%swap3A_1220] {strides = array<i32>} : memref<400xi32, #tpu.memory_space<vmem>>, vector<16xi32>,
        tpu.vector_store %arg13[%swap3A_1220], %get3A_1219 {strides = array<i32>} : memref<400xi32, #tpu.memory_space<vmem>>, vector<16xi32>,
        %get3A_1222 = arith.constant 352 : index
        %get3A_1223 = tpu.vector_load %arg14[%get3A_1222] {strides = array<i32>} : memref<400xi32, #tpu.memory_space<vmem>>, vector<16xi32>,
        %swap3A_1224 = arith.constant 352 : index
        %swap3A_1225 = tpu.vector_load %arg12[%swap3A_1224] {strides = array<i32>} : memref<400xi32, #tpu.memory_space<vmem>>, vector<16xi32>,
        tpu.vector_store %arg12[%swap3A_1224], %get3A_1223 {strides = array<i32>} : memref<400xi32, #tpu.memory_space<vmem>>, vector<16xi32>,
        %get3A_1226 = arith.constant 352 : index
        %get3A_1227 = tpu.vector_load %arg15[%get3A_1226] {strides = array<i32>} : memref<400xi32, #tpu.memory_space<vmem>>, vector<16xi32>,
        %swap3A_1228 = arith.constant 352 : index
        %swap3A_1229 = tpu.vector_load %arg13[%swap3A_1228] {strides = array<i32>} : memref<400xi32, #tpu.memory_space<vmem>>, vector<16xi32>,
        tpu.vector_store %arg13[%swap3A_1228], %get3A_1227 {strides = array<i32>} : memref<400xi32, #tpu.memory_space<vmem>>, vector<16xi32>,
        %get3A_1230 = arith.constant 368 : index
        %get3A_1231 = tpu.vector_load %arg14[%get3A_1230] {strides = array<i32>} : memref<400xi32, #tpu.memory_space<vmem>>, vector<16xi32>,
        %swap3A_1232 = arith.constant 368 : index
        %swap3A_1233 = tpu.vector_load %arg12[%swap3A_1232] {strides = array<i32>} : memref<400xi32, #tpu.memory_space<vmem>>, vector<16xi32>,
        tpu.vector_store %arg12[%swap3A_1232], %get3A_1231 {strides = array<i32>} : memref<400xi32, #tpu.memory_space<vmem>>, vector<16xi32>,
        %get3A_1234 = arith.constant 368 : index
        %get3A_1235 = tpu.vector_load %arg15[%get3A_1234] {strides = array<i32>} : memref<400xi32, #tpu.memory_space<vmem>>, vector<16xi32>,
        %swap3A_1236 = arith.constant 368 : index
        %swap3A_1237 = tpu.vector_load %arg13[%swap3A_1236] {strides = array<i32>} : memref<400xi32, #tpu.memory_space<vmem>>, vector<16xi32>,
        tpu.vector_store %arg13[%swap3A_1236], %get3A_1235 {strides = array<i32>} : memref<400xi32, #tpu.memory_space<vmem>>, vector<16xi32>,
        %get3A_1238 = arith.constant 384 : index
        %get3A_1239 = tpu.vector_load %arg14[%get3A_1238] {strides = array<i32>} : memref<400xi32, #tpu.memory_space<vmem>>, vector<16xi32>,
        %swap3A_1240 = arith.constant 384 : index
        %swap3A_1241 = tpu.vector_load %arg12[%swap3A_1240] {strides = array<i32>} : memref<400xi32, #tpu.memory_space<vmem>>, vector<16xi32>,
        tpu.vector_store %arg12[%swap3A_1240], %get3A_1239 {strides = array<i32>} : memref<400xi32, #tpu.memory_space<vmem>>, vector<16xi32>,
        %get3A_1242 = arith.constant 384 : index
        %get3A_1243 = tpu.vector_load %arg15[%get3A_1242] {strides = array<i32>} : memref<400xi32, #tpu.memory_space<vmem>>, vector<16xi32>,
        %swap3A_1244 = arith.constant 384 : index
        %swap3A_1245 = tpu.vector_load %arg13[%swap3A_1244] {strides = array<i32>} : memref<400xi32, #tpu.memory_space<vmem>>, vector<16xi32>,
        tpu.vector_store %arg13[%swap3A_1244], %get3A_1243 {strides = array<i32>} : memref<400xi32, #tpu.memory_space<vmem>>, vector<16xi32>,
        %add3A_1246 = arith.constant 1 : i32
        %add3A_1247 = arith.addi %div3A_779, %add3A_1246 : i32
        %lt3A = arith.constant 25 : i32
        %lt3A_1248 = arith.cmpi slt, %add3A_1247, %lt3A : i32
        %convert_element_type3A_1249 = arith.extui %lt3A_1248 : i1 to i32
        %cond3A_1250 = arith.constant 0 : i32
        %cond3A_1251 = arith.cmpi ne, %convert_element_type3A_1249, %cond3A_1250 : i32
        scf.if %cond3A_1251 {
          %add3A_1252 = arith.constant 1 : i32
          %add3A_1253 = arith.addi %div3A_779, %add3A_1252 : i32
          %dma_start3A_1254 = arith.constant 0 : i32
          %dma_start3A_1255 = tpu.memref_slice %arg4[%add3A, %add3A_1253, %dma_start3A_1254] : memref<32x25x400xi32, #tpu.memory_space<hbm>> -> memref<1x1x400xi32, #tpu.memory_space<hbm>>
          %dma_start3A_1256 = tpu.memref_squeeze %dma_start3A_1255 : memref<1x1x400xi32, #tpu.memory_space<hbm>> -> memref<400xi32, #tpu.memory_space<hbm>>
          %dma_start3A_1257 = arith.constant 0 : i32
          %dma_start3A_1258 = tpu.memref_slice %arg4[%add3A, %add3A_1253, %dma_start3A_1257] : memref<32x25x400xi32, #tpu.memory_space<hbm>> -> memref<1x1x400xi32, #tpu.memory_space<hbm>>
          %dma_start3A_1259 = tpu.memref_squeeze %dma_start3A_1258 : memref<1x1x400xi32, #tpu.memory_space<hbm>> -> memref<400xi32, #tpu.memory_space<hbm>>
          tpu.enqueue_dma source(%dma_start3A_1259 : memref<400xi32, #tpu.memory_space<hbm>>) target(%arg14 : memref<400xi32, #tpu.memory_space<vmem>>) target_semaphore(%arg30 : memref<!tpu.dma_semaphore, #tpu.memory_space<semaphore_mem>>)
          %dma_start3A_1260 = arith.constant 0 : i32
          %dma_start3A_1261 = tpu.memref_slice %arg5[%add3A, %add3A_1253, %dma_start3A_1260] : memref<32x25x400xi32, #tpu.memory_space<hbm>> -> memref<1x1x400xi32, #tpu.memory_space<hbm>>
          %dma_start3A_1262 = tpu.memref_squeeze %dma_start3A_1261 : memref<1x1x400xi32, #tpu.memory_space<hbm>> -> memref<400xi32, #tpu.memory_space<hbm>>
          %dma_start3A_1263 = arith.constant 0 : i32
          %dma_start3A_1264 = tpu.memref_slice %arg5[%add3A, %add3A_1253, %dma_start3A_1263] : memref<32x25x400xi32, #tpu.memory_space<hbm>> -> memref<1x1x400xi32, #tpu.memory_space<hbm>>
          %dma_start3A_1265 = tpu.memref_squeeze %dma_start3A_1264 : memref<1x1x400xi32, #tpu.memory_space<hbm>> -> memref<400xi32, #tpu.memory_space<hbm>>
          tpu.enqueue_dma source(%dma_start3A_1265 : memref<400xi32, #tpu.memory_space<hbm>>) target(%arg15 : memref<400xi32, #tpu.memory_space<vmem>>) target_semaphore(%arg30 : memref<!tpu.dma_semaphore, #tpu.memory_space<semaphore_mem>>)
        } else {
        }
      } else {
      }
      %mul3A_855 = arith.constant 40 : i32
      %mul3A_856 = arith.muli %sub3A_782, %mul3A_855 : i32
      %add3A_857 = arith.constant 0 : i32
      %add3A_858 = arith.addi %mul3A_856, %add3A_857 : i32
      %broadcast_in_dim3A_859 = vector.broadcast %add3A_858 : i32 to vector<16xi32>
      %add3A_860 = arith.addi %broadcast_in_dim3A_859, %iota3A : vector<16xi32>
      %gather3A_861 = tpu.vector_load_idx %arg12[%add3A_860] : memref<400xi32, #tpu.memory_space<vmem>>[vector<16xi32>], vector<16xi32>,
      %swap3A_862 = arith.constant 0 : index
      %swap3A_863 = tpu.vector_load %arg17[%swap3A_862] {strides = array<i32>} : memref<40xi32, #tpu.memory_space<vmem>>, vector<16xi32>,
      tpu.vector_store %arg17[%swap3A_862], %gather3A_861 {strides = array<i32>} : memref<40xi32, #tpu.memory_space<vmem>>, vector<16xi32>,
      %gather3A_864 = tpu.vector_load_idx %arg13[%add3A_860] : memref<400xi32, #tpu.memory_space<vmem>>[vector<16xi32>], vector<16xi32>,
      %swap3A_865 = arith.constant 0 : index
      %swap3A_866 = tpu.vector_load %arg19[%swap3A_865] {strides = array<i32>} : memref<40xi32, #tpu.memory_space<vmem>>, vector<16xi32>,
      tpu.vector_store %arg19[%swap3A_865], %gather3A_864 {strides = array<i32>} : memref<40xi32, #tpu.memory_space<vmem>>, vector<16xi32>,
      %mul3A_867 = arith.constant 40 : i32
      %mul3A_868 = arith.muli %sub3A_782, %mul3A_867 : i32
      %add3A_869 = arith.constant 16 : i32
      %add3A_870 = arith.addi %mul3A_868, %add3A_869 : i32
      %broadcast_in_dim3A_871 = vector.broadcast %add3A_870 : i32 to vector<16xi32>
      %add3A_872 = arith.addi %broadcast_in_dim3A_871, %iota3A : vector<16xi32>
      %gather3A_873 = tpu.vector_load_idx %arg12[%add3A_872] : memref<400xi32, #tpu.memory_space<vmem>>[vector<16xi32>], vector<16xi32>,
      %swap3A_874 = arith.constant 16 : index
      %swap3A_875 = tpu.vector_load %arg17[%swap3A_874] {strides = array<i32>} : memref<40xi32, #tpu.memory_space<vmem>>, vector<16xi32>,
      tpu.vector_store %arg17[%swap3A_874], %gather3A_873 {strides = array<i32>} : memref<40xi32, #tpu.memory_space<vmem>>, vector<16xi32>,
      %gather3A_876 = tpu.vector_load_idx %arg13[%add3A_872] : memref<400xi32, #tpu.memory_space<vmem>>[vector<16xi32>], vector<16xi32>,
      %swap3A_877 = arith.constant 16 : index
      %swap3A_878 = tpu.vector_load %arg19[%swap3A_877] {strides = array<i32>} : memref<40xi32, #tpu.memory_space<vmem>>, vector<16xi32>,
      tpu.vector_store %arg19[%swap3A_877], %gather3A_876 {strides = array<i32>} : memref<40xi32, #tpu.memory_space<vmem>>, vector<16xi32>,
      %mul3A_879 = arith.constant 40 : i32
      %mul3A_880 = arith.muli %sub3A_782, %mul3A_879 : i32
      %add3A_881 = arith.constant 24 : i32
      %add3A_882 = arith.addi %mul3A_880, %add3A_881 : i32
      %broadcast_in_dim3A_883 = vector.broadcast %add3A_882 : i32 to vector<16xi32>
      %add3A_884 = arith.addi %broadcast_in_dim3A_883, %iota3A : vector<16xi32>
      %gather3A_885 = tpu.vector_load_idx %arg12[%add3A_884] : memref<400xi32, #tpu.memory_space<vmem>>[vector<16xi32>], vector<16xi32>,
      %swap3A_886 = arith.constant 24 : index
      %swap3A_887 = tpu.vector_load %arg17[%swap3A_886] {strides = array<i32>} : memref<40xi32, #tpu.memory_space<vmem>>, vector<16xi32>,
      tpu.vector_store %arg17[%swap3A_886], %gather3A_885 {strides = array<i32>} : memref<40xi32, #tpu.memory_space<vmem>>, vector<16xi32>,
      %gather3A_888 = tpu.vector_load_idx %arg13[%add3A_884] : memref<400xi32, #tpu.memory_space<vmem>>[vector<16xi32>], vector<16xi32>,
      %swap3A_889 = arith.constant 24 : index
      %swap3A_890 = tpu.vector_load %arg19[%swap3A_889] {strides = array<i32>} : memref<40xi32, #tpu.memory_space<vmem>>, vector<16xi32>,
      tpu.vector_store %arg19[%swap3A_889], %gather3A_888 {strides = array<i32>} : memref<40xi32, #tpu.memory_space<vmem>>, vector<16xi32>,
      %dma_start3A_891 = arith.constant 0 : i32
      %dma_start3A_892 = arith.constant 0 : i32
      %dma_start3A_893 = tpu.memref_slice %arg6[%dma_start3A_891, %dma_start3A_892] : memref<10000x128xf32, #tpu.memory_space<hbm>> -> memref<10000x128xf32, #tpu.memory_space<hbm>>
      tpu.enqueue_indirect_dma source(%dma_start3A_893 : memref<10000x128xf32, #tpu.memory_space<hbm>>) target(%arg23 : memref<40x128xf32, #tpu.memory_space<vmem>>) offsets(%arg17 : memref<40xi32, #tpu.memory_space<vmem>>) semaphore(%arg27 : memref<!tpu.dma_semaphore, #tpu.memory_space<semaphore_mem>>)
      %scan3A_894 = arith.constant 0 : i32
      %scan3A_895 = arith.constant 40 : i32
      %scan3A_896 = arith.addi %scan3A_894, %scan3A_895 : i32
      %scan3A_897 = arith.constant 4 : i32
      scf.for %scan3A_1032 = %scan3A_894 to %scan3A_896 step %scan3A_897  : i32 {
        %mul3A_1033 = arith.constant 1 : i32
        %mul3A_1034 = arith.muli %scan3A_1032, %mul3A_1033 : i32
        %add3A_1035 = arith.constant 0 : i32
        %add3A_1036 = arith.addi %add3A_1035, %mul3A_1034 : i32
        %broadcast_in_dim3A_1037 = vector.broadcast %add3A_1036 : i32 to vector<16xi32>
        %gather3A_1038 = tpu.vector_load_idx %arg20[%broadcast_in_dim3A_1037] : memref<40xf32, #tpu.memory_space<vmem>>[vector<16xi32>], vector<16xf32>,
        %get3A_1039 = arith.index_cast %add3A_1036 : i32 to index
        %get3A_1040 = arith.constant 0 : index
        %get3A_1041 = tpu.vector_load %arg22[%get3A_1039, %get3A_1040] {strides = array<i32>} : memref<40x128xf32, #tpu.memory_space<vmem>>, vector<16xf32>,
        %mul3A_1042 = arith.mulf %get3A_1041, %gather3A_1038 : vector<16xf32>
        %swap3A_1043 = arith.index_cast %add3A_1036 : i32 to index
        %swap3A_1044 = arith.constant 0 : index
        %swap3A_1045 = tpu.vector_load %arg22[%swap3A_1043, %swap3A_1044] {strides = array<i32>} : memref<40x128xf32, #tpu.memory_space<vmem>>, vector<16xf32>,
        tpu.vector_store %arg22[%swap3A_1043, %swap3A_1044], %mul3A_1042 {strides = array<i32>} : memref<40x128xf32, #tpu.memory_space<vmem>>, vector<16xf32>,
        %get3A_1046 = arith.index_cast %add3A_1036 : i32 to index
        %get3A_1047 = arith.constant 16 : index
        %get3A_1048 = tpu.vector_load %arg22[%get3A_1046, %get3A_1047] {strides = array<i32>} : memref<40x128xf32, #tpu.memory_space<vmem>>, vector<16xf32>,
        %mul3A_1049 = arith.mulf %get3A_1048, %gather3A_1038 : vector<16xf32>
        %swap3A_1050 = arith.index_cast %add3A_1036 : i32 to index
        %swap3A_1051 = arith.constant 16 : index
        %swap3A_1052 = tpu.vector_load %arg22[%swap3A_1050, %swap3A_1051] {strides = array<i32>} : memref<40x128xf32, #tpu.memory_space<vmem>>, vector<16xf32>,
        tpu.vector_store %arg22[%swap3A_1050, %swap3A_1051], %mul3A_1049 {strides = array<i32>} : memref<40x128xf32, #tpu.memory_space<vmem>>, vector<16xf32>,
        %get3A_1053 = arith.index_cast %add3A_1036 : i32 to index
        %get3A_1054 = arith.constant 32 : index
        %get3A_1055 = tpu.vector_load %arg22[%get3A_1053, %get3A_1054] {strides = array<i32>} : memref<40x128xf32, #tpu.memory_space<vmem>>, vector<16xf32>,
        %mul3A_1056 = arith.mulf %get3A_1055, %gather3A_1038 : vector<16xf32>
        %swap3A_1057 = arith.index_cast %add3A_1036 : i32 to index
        %swap3A_1058 = arith.constant 32 : index
        %swap3A_1059 = tpu.vector_load %arg22[%swap3A_1057, %swap3A_1058] {strides = array<i32>} : memref<40x128xf32, #tpu.memory_space<vmem>>, vector<16xf32>,
        tpu.vector_store %arg22[%swap3A_1057, %swap3A_1058], %mul3A_1056 {strides = array<i32>} : memref<40x128xf32, #tpu.memory_space<vmem>>, vector<16xf32>,
        %get3A_1060 = arith.index_cast %add3A_1036 : i32 to index
        %get3A_1061 = arith.constant 48 : index
        %get3A_1062 = tpu.vector_load %arg22[%get3A_1060, %get3A_1061] {strides = array<i32>} : memref<40x128xf32, #tpu.memory_space<vmem>>, vector<16xf32>,
        %mul3A_1063 = arith.mulf %get3A_1062, %gather3A_1038 : vector<16xf32>
        %swap3A_1064 = arith.index_cast %add3A_1036 : i32 to index
        %swap3A_1065 = arith.constant 48 : index
        %swap3A_1066 = tpu.vector_load %arg22[%swap3A_1064, %swap3A_1065] {strides = array<i32>} : memref<40x128xf32, #tpu.memory_space<vmem>>, vector<16xf32>,
        tpu.vector_store %arg22[%swap3A_1064, %swap3A_1065], %mul3A_1063 {strides = array<i32>} : memref<40x128xf32, #tpu.memory_space<vmem>>, vector<16xf32>,
        %get3A_1067 = arith.index_cast %add3A_1036 : i32 to index
        %get3A_1068 = arith.constant 64 : index
        %get3A_1069 = tpu.vector_load %arg22[%get3A_1067, %get3A_1068] {strides = array<i32>} : memref<40x128xf32, #tpu.memory_space<vmem>>, vector<16xf32>,
        %mul3A_1070 = arith.mulf %get3A_1069, %gather3A_1038 : vector<16xf32>
        %swap3A_1071 = arith.index_cast %add3A_1036 : i32 to index
        %swap3A_1072 = arith.constant 64 : index
        %swap3A_1073 = tpu.vector_load %arg22[%swap3A_1071, %swap3A_1072] {strides = array<i32>} : memref<40x128xf32, #tpu.memory_space<vmem>>, vector<16xf32>,
        tpu.vector_store %arg22[%swap3A_1071, %swap3A_1072], %mul3A_1070 {strides = array<i32>} : memref<40x128xf32, #tpu.memory_space<vmem>>, vector<16xf32>,
        %get3A_1074 = arith.index_cast %add3A_1036 : i32 to index
        %get3A_1075 = arith.constant 80 : index
        %get3A_1076 = tpu.vector_load %arg22[%get3A_1074, %get3A_1075] {strides = array<i32>} : memref<40x128xf32, #tpu.memory_space<vmem>>, vector<16xf32>,
        %mul3A_1077 = arith.mulf %get3A_1076, %gather3A_1038 : vector<16xf32>
        %swap3A_1078 = arith.index_cast %add3A_1036 : i32 to index
        %swap3A_1079 = arith.constant 80 : index
        %swap3A_1080 = tpu.vector_load %arg22[%swap3A_1078, %swap3A_1079] {strides = array<i32>} : memref<40x128xf32, #tpu.memory_space<vmem>>, vector<16xf32>,
        tpu.vector_store %arg22[%swap3A_1078, %swap3A_1079], %mul3A_1077 {strides = array<i32>} : memref<40x128xf32, #tpu.memory_space<vmem>>, vector<16xf32>,
        %get3A_1081 = arith.index_cast %add3A_1036 : i32 to index
        %get3A_1082 = arith.constant 96 : index
        %get3A_1083 = tpu.vector_load %arg22[%get3A_1081, %get3A_1082] {strides = array<i32>} : memref<40x128xf32, #tpu.memory_space<vmem>>, vector<16xf32>,
        %mul3A_1084 = arith.mulf %get3A_1083, %gather3A_1038 : vector<16xf32>
        %swap3A_1085 = arith.index_cast %add3A_1036 : i32 to index
        %swap3A_1086 = arith.constant 96 : index
        %swap3A_1087 = tpu.vector_load %arg22[%swap3A_1085, %swap3A_1086] {strides = array<i32>} : memref<40x128xf32, #tpu.memory_space<vmem>>, vector<16xf32>,
        tpu.vector_store %arg22[%swap3A_1085, %swap3A_1086], %mul3A_1084 {strides = array<i32>} : memref<40x128xf32, #tpu.memory_space<vmem>>, vector<16xf32>,
        %get3A_1088 = arith.index_cast %add3A_1036 : i32 to index
        %get3A_1089 = arith.constant 112 : index
        %get3A_1090 = tpu.vector_load %arg22[%get3A_1088, %get3A_1089] {strides = array<i32>} : memref<40x128xf32, #tpu.memory_space<vmem>>, vector<16xf32>,
        %mul3A_1091 = arith.mulf %get3A_1090, %gather3A_1038 : vector<16xf32>
        %swap3A_1092 = arith.index_cast %add3A_1036 : i32 to index
        %swap3A_1093 = arith.constant 112 : index
        %swap3A_1094 = tpu.vector_load %arg22[%swap3A_1092, %swap3A_1093] {strides = array<i32>} : memref<40x128xf32, #tpu.memory_space<vmem>>, vector<16xf32>,
        tpu.vector_store %arg22[%swap3A_1092, %swap3A_1093], %mul3A_1091 {strides = array<i32>} : memref<40x128xf32, #tpu.memory_space<vmem>>, vector<16xf32>,
        %scan3A_1095 = arith.constant 1 : i32
        %scan3A_1096 = arith.addi %scan3A_1032, %scan3A_1095 : i32
        %mul3A_1097 = arith.constant 1 : i32
        %mul3A_1098 = arith.muli %scan3A_1096, %mul3A_1097 : i32
        %add3A_1099 = arith.constant 0 : i32
        %add3A_1100 = arith.addi %add3A_1099, %mul3A_1098 : i32
        %broadcast_in_dim3A_1101 = vector.broadcast %add3A_1100 : i32 to vector<16xi32>
        %gather3A_1102 = tpu.vector_load_idx %arg20[%broadcast_in_dim3A_1101] : memref<40xf32, #tpu.memory_space<vmem>>[vector<16xi32>], vector<16xf32>,
        %get3A_1103 = arith.index_cast %add3A_1100 : i32 to index
        %get3A_1104 = arith.constant 0 : index
        %get3A_1105 = tpu.vector_load %arg22[%get3A_1103, %get3A_1104] {strides = array<i32>} : memref<40x128xf32, #tpu.memory_space<vmem>>, vector<16xf32>,
        %mul3A_1106 = arith.mulf %get3A_1105, %gather3A_1102 : vector<16xf32>
        %swap3A_1107 = arith.index_cast %add3A_1100 : i32 to index
        %swap3A_1108 = arith.constant 0 : index
        %swap3A_1109 = tpu.vector_load %arg22[%swap3A_1107, %swap3A_1108] {strides = array<i32>} : memref<40x128xf32, #tpu.memory_space<vmem>>, vector<16xf32>,
        tpu.vector_store %arg22[%swap3A_1107, %swap3A_1108], %mul3A_1106 {strides = array<i32>} : memref<40x128xf32, #tpu.memory_space<vmem>>, vector<16xf32>,
        %get3A_1110 = arith.index_cast %add3A_1100 : i32 to index
        %get3A_1111 = arith.constant 16 : index
        %get3A_1112 = tpu.vector_load %arg22[%get3A_1110, %get3A_1111] {strides = array<i32>} : memref<40x128xf32, #tpu.memory_space<vmem>>, vector<16xf32>,
        %mul3A_1113 = arith.mulf %get3A_1112, %gather3A_1102 : vector<16xf32>
        %swap3A_1114 = arith.index_cast %add3A_1100 : i32 to index
        %swap3A_1115 = arith.constant 16 : index
        %swap3A_1116 = tpu.vector_load %arg22[%swap3A_1114, %swap3A_1115] {strides = array<i32>} : memref<40x128xf32, #tpu.memory_space<vmem>>, vector<16xf32>,
        tpu.vector_store %arg22[%swap3A_1114, %swap3A_1115], %mul3A_1113 {strides = array<i32>} : memref<40x128xf32, #tpu.memory_space<vmem>>, vector<16xf32>,
        %get3A_1117 = arith.index_cast %add3A_1100 : i32 to index
        %get3A_1118 = arith.constant 32 : index
        %get3A_1119 = tpu.vector_load %arg22[%get3A_1117, %get3A_1118] {strides = array<i32>} : memref<40x128xf32, #tpu.memory_space<vmem>>, vector<16xf32>,
        %mul3A_1120 = arith.mulf %get3A_1119, %gather3A_1102 : vector<16xf32>
        %swap3A_1121 = arith.index_cast %add3A_1100 : i32 to index
        %swap3A_1122 = arith.constant 32 : index
        %swap3A_1123 = tpu.vector_load %arg22[%swap3A_1121, %swap3A_1122] {strides = array<i32>} : memref<40x128xf32, #tpu.memory_space<vmem>>, vector<16xf32>,
        tpu.vector_store %arg22[%swap3A_1121, %swap3A_1122], %mul3A_1120 {strides = array<i32>} : memref<40x128xf32, #tpu.memory_space<vmem>>, vector<16xf32>,
        %get3A_1124 = arith.index_cast %add3A_1100 : i32 to index
        %get3A_1125 = arith.constant 48 : index
        %get3A_1126 = tpu.vector_load %arg22[%get3A_1124, %get3A_1125] {strides = array<i32>} : memref<40x128xf32, #tpu.memory_space<vmem>>, vector<16xf32>,
        %mul3A_1127 = arith.mulf %get3A_1126, %gather3A_1102 : vector<16xf32>
        %swap3A_1128 = arith.index_cast %add3A_1100 : i32 to index
        %swap3A_1129 = arith.constant 48 : index
        %swap3A_1130 = tpu.vector_load %arg22[%swap3A_1128, %swap3A_1129] {strides = array<i32>} : memref<40x128xf32, #tpu.memory_space<vmem>>, vector<16xf32>,
        tpu.vector_store %arg22[%swap3A_1128, %swap3A_1129], %mul3A_1127 {strides = array<i32>} : memref<40x128xf32, #tpu.memory_space<vmem>>, vector<16xf32>,
        %get3A_1131 = arith.index_cast %add3A_1100 : i32 to index
        %get3A_1132 = arith.constant 64 : index
        %get3A_1133 = tpu.vector_load %arg22[%get3A_1131, %get3A_1132] {strides = array<i32>} : memref<40x128xf32, #tpu.memory_space<vmem>>, vector<16xf32>,
        %mul3A_1134 = arith.mulf %get3A_1133, %gather3A_1102 : vector<16xf32>
        %swap3A_1135 = arith.index_cast %add3A_1100 : i32 to index
        %swap3A_1136 = arith.constant 64 : index
        %swap3A_1137 = tpu.vector_load %arg22[%swap3A_1135, %swap3A_1136] {strides = array<i32>} : memref<40x128xf32, #tpu.memory_space<vmem>>, vector<16xf32>,
        tpu.vector_store %arg22[%swap3A_1135, %swap3A_1136], %mul3A_1134 {strides = array<i32>} : memref<40x128xf32, #tpu.memory_space<vmem>>, vector<16xf32>,
        %get3A_1138 = arith.index_cast %add3A_1100 : i32 to index
        %get3A_1139 = arith.constant 80 : index
        %get3A_1140 = tpu.vector_load %arg22[%get3A_1138, %get3A_1139] {strides = array<i32>} : memref<40x128xf32, #tpu.memory_space<vmem>>, vector<16xf32>,
        %mul3A_1141 = arith.mulf %get3A_1140, %gather3A_1102 : vector<16xf32>
        %swap3A_1142 = arith.index_cast %add3A_1100 : i32 to index
        %swap3A_1143 = arith.constant 80 : index
        %swap3A_1144 = tpu.vector_load %arg22[%swap3A_1142, %swap3A_1143] {strides = array<i32>} : memref<40x128xf32, #tpu.memory_space<vmem>>, vector<16xf32>,
        tpu.vector_store %arg22[%swap3A_1142, %swap3A_1143], %mul3A_1141 {strides = array<i32>} : memref<40x128xf32, #tpu.memory_space<vmem>>, vector<16xf32>,
        %get3A_1145 = arith.index_cast %add3A_1100 : i32 to index
        %get3A_1146 = arith.constant 96 : index
        %get3A_1147 = tpu.vector_load %arg22[%get3A_1145, %get3A_1146] {strides = array<i32>} : memref<40x128xf32, #tpu.memory_space<vmem>>, vector<16xf32>,
        %mul3A_1148 = arith.mulf %get3A_1147, %gather3A_1102 : vector<16xf32>
        %swap3A_1149 = arith.index_cast %add3A_1100 : i32 to index
        %swap3A_1150 = arith.constant 96 : index
        %swap3A_1151 = tpu.vector_load %arg22[%swap3A_1149, %swap3A_1150] {strides = array<i32>} : memref<40x128xf32, #tpu.memory_space<vmem>>, vector<16xf32>,
        tpu.vector_store %arg22[%swap3A_1149, %swap3A_1150], %mul3A_1148 {strides = array<i32>} : memref<40x128xf32, #tpu.memory_space<vmem>>, vector<16xf32>,
        %get3A_1152 = arith.index_cast %add3A_1100 : i32 to index
        %get3A_1153 = arith.constant 112 : index
        %get3A_1154 = tpu.vector_load %arg22[%get3A_1152, %get3A_1153] {strides = array<i32>} : memref<40x128xf32, #tpu.memory_space<vmem>>, vector<16xf32>,
        %mul3A_1155 = arith.mulf %get3A_1154, %gather3A_1102 : vector<16xf32>
        %swap3A_1156 = arith.index_cast %add3A_1100 : i32 to index
        %swap3A_1157 = arith.constant 112 : index
        %swap3A_1158 = tpu.vector_load %arg22[%swap3A_1156, %swap3A_1157] {strides = array<i32>} : memref<40x128xf32, #tpu.memory_space<vmem>>, vector<16xf32>,
        tpu.vector_store %arg22[%swap3A_1156, %swap3A_1157], %mul3A_1155 {strides = array<i32>} : memref<40x128xf32, #tpu.memory_space<vmem>>, vector<16xf32>,
        %scan3A_1159 = arith.constant 2 : i32
        %scan3A_1160 = arith.addi %scan3A_1032, %scan3A_1159 : i32
        %mul3A_1161 = arith.constant 1 : i32
        %mul3A_1162 = arith.muli %scan3A_1160, %mul3A_1161 : i32
        %add3A_1163 = arith.constant 0 : i32
        %add3A_1164 = arith.addi %add3A_1163, %mul3A_1162 : i32
        %broadcast_in_dim3A_1165 = vector.broadcast %add3A_1164 : i32 to vector<16xi32>
        %gather3A_1166 = tpu.vector_load_idx %arg20[%broadcast_in_dim3A_1165] : memref<40xf32, #tpu.memory_space<vmem>>[vector<16xi32>], vector<16xf32>,
        %get3A_1167 = arith.index_cast %add3A_1164 : i32 to index
        %get3A_1168 = arith.constant 0 : index
        %get3A_1169 = tpu.vector_load %arg22[%get3A_1167, %get3A_1168] {strides = array<i32>} : memref<40x128xf32, #tpu.memory_space<vmem>>, vector<16xf32>,
        %mul3A_1170 = arith.mulf %get3A_1169, %gather3A_1166 : vector<16xf32>
        %swap3A_1171 = arith.index_cast %add3A_1164 : i32 to index
        %swap3A_1172 = arith.constant 0 : index
        %swap3A_1173 = tpu.vector_load %arg22[%swap3A_1171, %swap3A_1172] {strides = array<i32>} : memref<40x128xf32, #tpu.memory_space<vmem>>, vector<16xf32>,
        tpu.vector_store %arg22[%swap3A_1171, %swap3A_1172], %mul3A_1170 {strides = array<i32>} : memref<40x128xf32, #tpu.memory_space<vmem>>, vector<16xf32>,
        %get3A_1174 = arith.index_cast %add3A_1164 : i32 to index
        %get3A_1175 = arith.constant 16 : index
        %get3A_1176 = tpu.vector_load %arg22[%get3A_1174, %get3A_1175] {strides = array<i32>} : memref<40x128xf32, #tpu.memory_space<vmem>>, vector<16xf32>,
        %mul3A_1177 = arith.mulf %get3A_1176, %gather3A_1166 : vector<16xf32>
        %swap3A_1178 = arith.index_cast %add3A_1164 : i32 to index
        %swap3A_1179 = arith.constant 16 : index
        %swap3A_1180 = tpu.vector_load %arg22[%swap3A_1178, %swap3A_1179] {strides = array<i32>} : memref<40x128xf32, #tpu.memory_space<vmem>>, vector<16xf32>,
        tpu.vector_store %arg22[%swap3A_1178, %swap3A_1179], %mul3A_1177 {strides = array<i32>} : memref<40x128xf32, #tpu.memory_space<vmem>>, vector<16xf32>,
        %get3A_1181 = arith.index_cast %add3A_1164 : i32 to index
        %get3A_1182 = arith.constant 32 : index
        %get3A_1183 = tpu.vector_load %arg22[%get3A_1181, %get3A_1182] {strides = array<i32>} : memref<40x128xf32, #tpu.memory_space<vmem>>, vector<16xf32>,
        %mul3A_1184 = arith.mulf %get3A_1183, %gather3A_1166 : vector<16xf32>
        %swap3A_1185 = arith.index_cast %add3A_1164 : i32 to index
        %swap3A_1186 = arith.constant 32 : index
        %swap3A_1187 = tpu.vector_load %arg22[%swap3A_1185, %swap3A_1186] {strides = array<i32>} : memref<40x128xf32, #tpu.memory_space<vmem>>, vector<16xf32>,
        tpu.vector_store %arg22[%swap3A_1185, %swap3A_1186], %mul3A_1184 {strides = array<i32>} : memref<40x128xf32, #tpu.memory_space<vmem>>, vector<16xf32>,
        %get3A_1188 = arith.index_cast %add3A_1164 : i32 to index
        %get3A_1189 = arith.constant 48 : index
        %get3A_1190 = tpu.vector_load %arg22[%get3A_1188, %get3A_1189] {strides = array<i32>} : memref<40x128xf32, #tpu.memory_space<vmem>>, vector<16xf32>,
        %mul3A_1191 = arith.mulf %get3A_1190, %gather3A_1166 : vector<16xf32>
        %swap3A_1192 = arith.index_cast %add3A_1164 : i32 to index
        %swap3A_1193 = arith.constant 48 : index
        %swap3A_1194 = tpu.vector_load %arg22[%swap3A_1192, %swap3A_1193] {strides = array<i32>} : memref<40x128xf32, #tpu.memory_space<vmem>>, vector<16xf32>,
        tpu.vector_store %arg22[%swap3A_1192, %swap3A_1193], %mul3A_1191 {strides = array<i32>} : memref<40x128xf32, #tpu.memory_space<vmem>>, vector<16xf32>,
        %get3A_1195 = arith.index_cast %add3A_1164 : i32 to index
        %get3A_1196 = arith.constant 64 : index
        %get3A_1197 = tpu.vector_load %arg22[%get3A_1195, %get3A_1196] {strides = array<i32>} : memref<40x128xf32, #tpu.memory_space<vmem>>, vector<16xf32>,
        %mul3A_1198 = arith.mulf %get3A_1197, %gather3A_1166 : vector<16xf32>
        %swap3A_1199 = arith.index_cast %add3A_1164 : i32 to index
        %swap3A_1200 = arith.constant 64 : index
        %swap3A_1201 = tpu.vector_load %arg22[%swap3A_1199, %swap3A_1200] {strides = array<i32>} : memref<40x128xf32, #tpu.memory_space<vmem>>, vector<16xf32>,
        tpu.vector_store %arg22[%swap3A_1199, %swap3A_1200], %mul3A_1198 {strides = array<i32>} : memref<40x128xf32, #tpu.memory_space<vmem>>, vector<16xf32>,
        %get3A_1202 = arith.index_cast %add3A_1164 : i32 to index
        %get3A_1203 = arith.constant 80 : index
        %get3A_1204 = tpu.vector_load %arg22[%get3A_1202, %get3A_1203] {strides = array<i32>} : memref<40x128xf32, #tpu.memory_space<vmem>>, vector<16xf32>,
        %mul3A_1205 = arith.mulf %get3A_1204, %gather3A_1166 : vector<16xf32>
        %swap3A_1206 = arith.index_cast %add3A_1164 : i32 to index
        %swap3A_1207 = arith.constant 80 : index
        %swap3A_1208 = tpu.vector_load %arg22[%swap3A_1206, %swap3A_1207] {strides = array<i32>} : memref<40x128xf32, #tpu.memory_space<vmem>>, vector<16xf32>,
        tpu.vector_store %arg22[%swap3A_1206, %swap3A_1207], %mul3A_1205 {strides = array<i32>} : memref<40x128xf32, #tpu.memory_space<vmem>>, vector<16xf32>,
        %get3A_1209 = arith.index_cast %add3A_1164 : i32 to index
        %get3A_1210 = arith.constant 96 : index
        %get3A_1211 = tpu.vector_load %arg22[%get3A_1209, %get3A_1210] {strides = array<i32>} : memref<40x128xf32, #tpu.memory_space<vmem>>, vector<16xf32>,
        %mul3A_1212 = arith.mulf %get3A_1211, %gather3A_1166 : vector<16xf32>
        %swap3A_1213 = arith.index_cast %add3A_1164 : i32 to index
        %swap3A_1214 = arith.constant 96 : index
        %swap3A_1215 = tpu.vector_load %arg22[%swap3A_1213, %swap3A_1214] {strides = array<i32>} : memref<40x128xf32, #tpu.memory_space<vmem>>, vector<16xf32>,
        tpu.vector_store %arg22[%swap3A_1213, %swap3A_1214], %mul3A_1212 {strides = array<i32>} : memref<40x128xf32, #tpu.memory_space<vmem>>, vector<16xf32>,
        %get3A_1216 = arith.index_cast %add3A_1164 : i32 to index
        %get3A_1217 = arith.constant 112 : index
        %get3A_1218 = tpu.vector_load %arg22[%get3A_1216, %get3A_1217] {strides = array<i32>} : memref<40x128xf32, #tpu.memory_space<vmem>>, vector<16xf32>,
        %mul3A_1219 = arith.mulf %get3A_1218, %gather3A_1166 : vector<16xf32>
        %swap3A_1220 = arith.index_cast %add3A_1164 : i32 to index
        %swap3A_1221 = arith.constant 112 : index
        %swap3A_1222 = tpu.vector_load %arg22[%swap3A_1220, %swap3A_1221] {strides = array<i32>} : memref<40x128xf32, #tpu.memory_space<vmem>>, vector<16xf32>,
        tpu.vector_store %arg22[%swap3A_1220, %swap3A_1221], %mul3A_1219 {strides = array<i32>} : memref<40x128xf32, #tpu.memory_space<vmem>>, vector<16xf32>,
        %scan3A_1223 = arith.constant 3 : i32
        %scan3A_1224 = arith.addi %scan3A_1032, %scan3A_1223 : i32
        %mul3A_1225 = arith.constant 1 : i32
        %mul3A_1226 = arith.muli %scan3A_1224, %mul3A_1225 : i32
        %add3A_1227 = arith.constant 0 : i32
        %add3A_1228 = arith.addi %add3A_1227, %mul3A_1226 : i32
        %broadcast_in_dim3A_1229 = vector.broadcast %add3A_1228 : i32 to vector<16xi32>
        %gather3A_1230 = tpu.vector_load_idx %arg20[%broadcast_in_dim3A_1229] : memref<40xf32, #tpu.memory_space<vmem>>[vector<16xi32>], vector<16xf32>,
        %get3A_1231 = arith.index_cast %add3A_1228 : i32 to index
        %get3A_1232 = arith.constant 0 : index
        %get3A_1233 = tpu.vector_load %arg22[%get3A_1231, %get3A_1232] {strides = array<i32>} : memref<40x128xf32, #tpu.memory_space<vmem>>, vector<16xf32>,
        %mul3A_1234 = arith.mulf %get3A_1233, %gather3A_1230 : vector<16xf32>
        %swap3A_1235 = arith.index_cast %add3A_1228 : i32 to index
        %swap3A_1236 = arith.constant 0 : index
        %swap3A_1237 = tpu.vector_load %arg22[%swap3A_1235, %swap3A_1236] {strides = array<i32>} : memref<40x128xf32, #tpu.memory_space<vmem>>, vector<16xf32>,
        tpu.vector_store %arg22[%swap3A_1235, %swap3A_1236], %mul3A_1234 {strides = array<i32>} : memref<40x128xf32, #tpu.memory_space<vmem>>, vector<16xf32>,
        %get3A_1238 = arith.index_cast %add3A_1228 : i32 to index
        %get3A_1239 = arith.constant 16 : index
        %get3A_1240 = tpu.vector_load %arg22[%get3A_1238, %get3A_1239] {strides = array<i32>} : memref<40x128xf32, #tpu.memory_space<vmem>>, vector<16xf32>,
        %mul3A_1241 = arith.mulf %get3A_1240, %gather3A_1230 : vector<16xf32>
        %swap3A_1242 = arith.index_cast %add3A_1228 : i32 to index
        %swap3A_1243 = arith.constant 16 : index
        %swap3A_1244 = tpu.vector_load %arg22[%swap3A_1242, %swap3A_1243] {strides = array<i32>} : memref<40x128xf32, #tpu.memory_space<vmem>>, vector<16xf32>,
        tpu.vector_store %arg22[%swap3A_1242, %swap3A_1243], %mul3A_1241 {strides = array<i32>} : memref<40x128xf32, #tpu.memory_space<vmem>>, vector<16xf32>,
        %get3A_1245 = arith.index_cast %add3A_1228 : i32 to index
        %get3A_1246 = arith.constant 32 : index
        %get3A_1247 = tpu.vector_load %arg22[%get3A_1245, %get3A_1246] {strides = array<i32>} : memref<40x128xf32, #tpu.memory_space<vmem>>, vector<16xf32>,
        %mul3A_1248 = arith.mulf %get3A_1247, %gather3A_1230 : vector<16xf32>
        %swap3A_1249 = arith.index_cast %add3A_1228 : i32 to index
        %swap3A_1250 = arith.constant 32 : index
        %swap3A_1251 = tpu.vector_load %arg22[%swap3A_1249, %swap3A_1250] {strides = array<i32>} : memref<40x128xf32, #tpu.memory_space<vmem>>, vector<16xf32>,
        tpu.vector_store %arg22[%swap3A_1249, %swap3A_1250], %mul3A_1248 {strides = array<i32>} : memref<40x128xf32, #tpu.memory_space<vmem>>, vector<16xf32>,
        %get3A_1252 = arith.index_cast %add3A_1228 : i32 to index
        %get3A_1253 = arith.constant 48 : index
        %get3A_1254 = tpu.vector_load %arg22[%get3A_1252, %get3A_1253] {strides = array<i32>} : memref<40x128xf32, #tpu.memory_space<vmem>>, vector<16xf32>,
        %mul3A_1255 = arith.mulf %get3A_1254, %gather3A_1230 : vector<16xf32>
        %swap3A_1256 = arith.index_cast %add3A_1228 : i32 to index
        %swap3A_1257 = arith.constant 48 : index
        %swap3A_1258 = tpu.vector_load %arg22[%swap3A_1256, %swap3A_1257] {strides = array<i32>} : memref<40x128xf32, #tpu.memory_space<vmem>>, vector<16xf32>,
        tpu.vector_store %arg22[%swap3A_1256, %swap3A_1257], %mul3A_1255 {strides = array<i32>} : memref<40x128xf32, #tpu.memory_space<vmem>>, vector<16xf32>,
        %get3A_1259 = arith.index_cast %add3A_1228 : i32 to index
        %get3A_1260 = arith.constant 64 : index
        %get3A_1261 = tpu.vector_load %arg22[%get3A_1259, %get3A_1260] {strides = array<i32>} : memref<40x128xf32, #tpu.memory_space<vmem>>, vector<16xf32>,
        %mul3A_1262 = arith.mulf %get3A_1261, %gather3A_1230 : vector<16xf32>
        %swap3A_1263 = arith.index_cast %add3A_1228 : i32 to index
        %swap3A_1264 = arith.constant 64 : index
        %swap3A_1265 = tpu.vector_load %arg22[%swap3A_1263, %swap3A_1264] {strides = array<i32>} : memref<40x128xf32, #tpu.memory_space<vmem>>, vector<16xf32>,
        tpu.vector_store %arg22[%swap3A_1263, %swap3A_1264], %mul3A_1262 {strides = array<i32>} : memref<40x128xf32, #tpu.memory_space<vmem>>, vector<16xf32>,
        %get3A_1266 = arith.index_cast %add3A_1228 : i32 to index
        %get3A_1267 = arith.constant 80 : index
        %get3A_1268 = tpu.vector_load %arg22[%get3A_1266, %get3A_1267] {strides = array<i32>} : memref<40x128xf32, #tpu.memory_space<vmem>>, vector<16xf32>,
        %mul3A_1269 = arith.mulf %get3A_1268, %gather3A_1230 : vector<16xf32>
        %swap3A_1270 = arith.index_cast %add3A_1228 : i32 to index
        %swap3A_1271 = arith.constant 80 : index
        %swap3A_1272 = tpu.vector_load %arg22[%swap3A_1270, %swap3A_1271] {strides = array<i32>} : memref<40x128xf32, #tpu.memory_space<vmem>>, vector<16xf32>,
        tpu.vector_store %arg22[%swap3A_1270, %swap3A_1271], %mul3A_1269 {strides = array<i32>} : memref<40x128xf32, #tpu.memory_space<vmem>>, vector<16xf32>,
        %get3A_1273 = arith.index_cast %add3A_1228 : i32 to index
        %get3A_1274 = arith.constant 96 : index
        %get3A_1275 = tpu.vector_load %arg22[%get3A_1273, %get3A_1274] {strides = array<i32>} : memref<40x128xf32, #tpu.memory_space<vmem>>, vector<16xf32>,
        %mul3A_1276 = arith.mulf %get3A_1275, %gather3A_1230 : vector<16xf32>
        %swap3A_1277 = arith.index_cast %add3A_1228 : i32 to index
        %swap3A_1278 = arith.constant 96 : index
        %swap3A_1279 = tpu.vector_load %arg22[%swap3A_1277, %swap3A_1278] {strides = array<i32>} : memref<40x128xf32, #tpu.memory_space<vmem>>, vector<16xf32>,
        tpu.vector_store %arg22[%swap3A_1277, %swap3A_1278], %mul3A_1276 {strides = array<i32>} : memref<40x128xf32, #tpu.memory_space<vmem>>, vector<16xf32>,
        %get3A_1280 = arith.index_cast %add3A_1228 : i32 to index
        %get3A_1281 = arith.constant 112 : index
        %get3A_1282 = tpu.vector_load %arg22[%get3A_1280, %get3A_1281] {strides = array<i32>} : memref<40x128xf32, #tpu.memory_space<vmem>>, vector<16xf32>,
        %mul3A_1283 = arith.mulf %get3A_1282, %gather3A_1230 : vector<16xf32>
        %swap3A_1284 = arith.index_cast %add3A_1228 : i32 to index
        %swap3A_1285 = arith.constant 112 : index
        %swap3A_1286 = tpu.vector_load %arg22[%swap3A_1284, %swap3A_1285] {strides = array<i32>} : memref<40x128xf32, #tpu.memory_space<vmem>>, vector<16xf32>,
        tpu.vector_store %arg22[%swap3A_1284, %swap3A_1285], %mul3A_1283 {strides = array<i32>} : memref<40x128xf32, #tpu.memory_space<vmem>>, vector<16xf32>,
      }
      %scan3A_898 = arith.constant 40 : i32
      %dma_start3A_899 = arith.constant 0 : i32
      %dma_start3A_900 = arith.constant 0 : i32
      %dma_start3A_901 = tpu.memref_slice %arg25[%dma_start3A_899, %dma_start3A_900] : memref<10112x128xf32, #tpu.memory_space<vmem_shared>> -> memref<10112x128xf32, #tpu.memory_space<vmem_shared>>
      tpu.enqueue_indirect_dma source(%arg22 : memref<40x128xf32, #tpu.memory_space<vmem>>) target(%dma_start3A_901 : memref<10112x128xf32, #tpu.memory_space<vmem_shared>>) offsets(%arg18 : memref<40xi32, #tpu.memory_space<vmem>>) semaphore(%arg28 : memref<!tpu.dma_semaphore, #tpu.memory_space<semaphore_mem>>) {add = true}
      %add3A_902 = arith.constant 1 : i32
      %add3A_903 = arith.addi %add3A_774, %add3A_902 : i32
      %add3A_904 = arith.constant 1 : i32
      %add3A_905 = arith.addi %add3A_903, %add3A_904 : i32
      %div3A_906 = arith.constant 10 : i32
      %div3A_907 = arith.divsi %add3A_905, %div3A_906 : i32
      %mul3A_908 = arith.constant 10 : i32
      %mul3A_909 = arith.muli %div3A_907, %mul3A_908 : i32
      %sub3A_910 = arith.subi %add3A_905, %mul3A_909 : i32
      %get3A_911 = arith.constant 0 : index
      %get3A_912 = tpu.vector_load %arg17[%get3A_911] {strides = array<i32>} : memref<40xi32, #tpu.memory_space<vmem>>, vector<16xi32>,
      %get3A_913 = arith.constant 0 : index
      %get3A_914 = tpu.vector_load %arg19[%get3A_913] {strides = array<i32>} : memref<40xi32, #tpu.memory_space<vmem>>, vector<16xi32>,
      %gather3A_915 = tpu.vector_load_idx %arg10[%get3A_912] : memref<10000xf32, #tpu.memory_space<vmem>>[vector<16xi32>], vector<16xf32>,
      %gather3A_916 = tpu.vector_load_idx %arg11[%get3A_914] : memref<10000xf32, #tpu.memory_space<vmem>>[vector<16xi32>], vector<16xf32>,
      %add3A_917 = arith.addf %gather3A_915, %gather3A_916 : vector<16xf32>
      %mul3A_918 = arith.constant 2.000000e-01 : f32
      %mul3A_919 = vector.broadcast %mul3A_918 : f32 to vector<16xf32>
      %mul3A_920 = arith.mulf %mul3A_919, %add3A_917 : vector<16xf32>
      %max3A_921 = arith.maximumf %add3A_917, %mul3A_920 : vector<16xf32>
      %sub3A_922 = arith.subf %max3A_921, %max3A : vector<16xf32>
      %exp3A_923 = math.exp %sub3A_922 : vector<16xf32>
      %swap3A_924 = arith.constant 0 : index
      %swap3A_925 = tpu.vector_load %arg20[%swap3A_924] {strides = array<i32>} : memref<40xf32, #tpu.memory_space<vmem>>, vector<16xf32>,
      tpu.vector_store %arg20[%swap3A_924], %exp3A_923 {strides = array<i32>} : memref<40xf32, #tpu.memory_space<vmem>>, vector<16xf32>,
      %shift_right_logical3A_926 = arith.constant 10 : i32
      %shift_right_logical3A_927 = vector.broadcast %shift_right_logical3A_926 : i32 to vector<16xi32>
      %shift_right_logical3A_928 = arith.shrui %get3A_914, %shift_right_logical3A_927 : vector<16xi32>
      %and3A_929 = arith.constant 1023 : i32
      %and3A_930 = vector.broadcast %and3A_929 : i32 to vector<16xi32>
      %and3A_931 = arith.andi %get3A_914, %and3A_930 : vector<16xi32>
      tpu.vector_store_idx %arg21[%shift_right_logical3A_928, %and3A_931], %exp3A_923 {add = true} : memref<10x1024xf32, #tpu.memory_space<vmem>>[vector<16xi32>, vector<16xi32>], vector<16xf32>,
      %get3A_932 = arith.constant 16 : index
      %get3A_933 = tpu.vector_load %arg17[%get3A_932] {strides = array<i32>} : memref<40xi32, #tpu.memory_space<vmem>>, vector<16xi32>,
      %get3A_934 = arith.constant 16 : index
      %get3A_935 = tpu.vector_load %arg19[%get3A_934] {strides = array<i32>} : memref<40xi32, #tpu.memory_space<vmem>>, vector<16xi32>,
      %gather3A_936 = tpu.vector_load_idx %arg10[%get3A_933] : memref<10000xf32, #tpu.memory_space<vmem>>[vector<16xi32>], vector<16xf32>,
      %gather3A_937 = tpu.vector_load_idx %arg11[%get3A_935] : memref<10000xf32, #tpu.memory_space<vmem>>[vector<16xi32>], vector<16xf32>,
      %add3A_938 = arith.addf %gather3A_936, %gather3A_937 : vector<16xf32>
      %mul3A_939 = arith.constant 2.000000e-01 : f32
      %mul3A_940 = vector.broadcast %mul3A_939 : f32 to vector<16xf32>
      %mul3A_941 = arith.mulf %mul3A_940, %add3A_938 : vector<16xf32>
      %max3A_942 = arith.maximumf %add3A_938, %mul3A_941 : vector<16xf32>
      %sub3A_943 = arith.subf %max3A_942, %max3A : vector<16xf32>
      %exp3A_944 = math.exp %sub3A_943 : vector<16xf32>
      %swap3A_945 = arith.constant 16 : index
      %swap3A_946 = tpu.vector_load %arg20[%swap3A_945] {strides = array<i32>} : memref<40xf32, #tpu.memory_space<vmem>>, vector<16xf32>,
      tpu.vector_store %arg20[%swap3A_945], %exp3A_944 {strides = array<i32>} : memref<40xf32, #tpu.memory_space<vmem>>, vector<16xf32>,
      %shift_right_logical3A_947 = arith.constant 10 : i32
      %shift_right_logical3A_948 = vector.broadcast %shift_right_logical3A_947 : i32 to vector<16xi32>
      %shift_right_logical3A_949 = arith.shrui %get3A_935, %shift_right_logical3A_948 : vector<16xi32>
      %and3A_950 = arith.constant 1023 : i32
      %and3A_951 = vector.broadcast %and3A_950 : i32 to vector<16xi32>
      %and3A_952 = arith.andi %get3A_935, %and3A_951 : vector<16xi32>
      tpu.vector_store_idx %arg21[%shift_right_logical3A_949, %and3A_952], %exp3A_944 {add = true} : memref<10x1024xf32, #tpu.memory_space<vmem>>[vector<16xi32>, vector<16xi32>], vector<16xf32>,
      %get3A_953 = arith.constant 24 : index
      %get3A_954 = tpu.vector_load %arg17[%get3A_953] {strides = array<i32>} : memref<40xi32, #tpu.memory_space<vmem>>, vector<16xi32>,
      %get3A_955 = arith.constant 24 : index
      %get3A_956 = tpu.vector_load %arg19[%get3A_955] {strides = array<i32>} : memref<40xi32, #tpu.memory_space<vmem>>, vector<16xi32>,
      %gather3A_957 = tpu.vector_load_idx %arg10[%get3A_954] : memref<10000xf32, #tpu.memory_space<vmem>>[vector<16xi32>], vector<16xf32>,
      %gather3A_958 = tpu.vector_load_idx %arg11[%get3A_956] : memref<10000xf32, #tpu.memory_space<vmem>>[vector<16xi32>], vector<16xf32>,
      %add3A_959 = arith.addf %gather3A_957, %gather3A_958 : vector<16xf32>
      %mul3A_960 = arith.constant 2.000000e-01 : f32
      %mul3A_961 = vector.broadcast %mul3A_960 : f32 to vector<16xf32>
      %mul3A_962 = arith.mulf %mul3A_961, %add3A_959 : vector<16xf32>
      %max3A_963 = arith.maximumf %add3A_959, %mul3A_962 : vector<16xf32>
      %sub3A_964 = arith.subf %max3A_963, %max3A : vector<16xf32>
      %exp3A_965 = math.exp %sub3A_964 : vector<16xf32>
      %swap3A_966 = arith.constant 24 : index
      %swap3A_967 = tpu.vector_load %arg20[%swap3A_966] {strides = array<i32>} : memref<40xf32, #tpu.memory_space<vmem>>, vector<16xf32>,
      tpu.vector_store %arg20[%swap3A_966], %exp3A_965 {strides = array<i32>} : memref<40xf32, #tpu.memory_space<vmem>>, vector<16xf32>,
      %shift_right_logical3A_968 = arith.constant 10 : i32
      %shift_right_logical3A_969 = vector.broadcast %shift_right_logical3A_968 : i32 to vector<16xi32>
      %shift_right_logical3A_970 = arith.shrui %get3A_956, %shift_right_logical3A_969 : vector<16xi32>
      %and3A_971 = arith.constant 1023 : i32
      %and3A_972 = vector.broadcast %and3A_971 : i32 to vector<16xi32>
      %and3A_973 = arith.andi %get3A_956, %and3A_972 : vector<16xi32>
      tpu.vector_store_idx %arg21[%shift_right_logical3A_970, %and3A_973], %exp3A_965 masked %ge3A_28 {add = true} : memref<10x1024xf32, #tpu.memory_space<vmem>>[vector<16xi32>, vector<16xi32>], vector<16xf32>, vector<16xi1>
      %dma_wait3A_974 = arith.constant 0 : i32
      %dma_wait3A_975 = arith.constant 0 : i32
      %dma_wait3A_976 = tpu.memref_slice %arg25[%dma_wait3A_974, %dma_wait3A_975] : memref<10112x128xf32, #tpu.memory_space<vmem_shared>> -> memref<10112x128xf32, #tpu.memory_space<vmem_shared>>
      tpu.wait_indirect_dma semaphore(%arg28 : memref<!tpu.dma_semaphore, #tpu.memory_space<semaphore_mem>>) src(%arg22 : memref<40x128xf32, #tpu.memory_space<vmem>>) dst(%dma_wait3A_976 : memref<10112x128xf32, #tpu.memory_space<vmem_shared>>)
      %dma_wait3A_977 = arith.constant 0 : i32
      %dma_wait3A_978 = arith.constant 0 : i32
      %dma_wait3A_979 = tpu.memref_slice %arg6[%dma_wait3A_977, %dma_wait3A_978] : memref<10000x128xf32, #tpu.memory_space<hbm>> -> memref<10000x128xf32, #tpu.memory_space<hbm>>
      tpu.wait_indirect_dma semaphore(%arg27 : memref<!tpu.dma_semaphore, #tpu.memory_space<semaphore_mem>>) src(%dma_wait3A_979 : memref<10000x128xf32, #tpu.memory_space<hbm>>) dst(%arg23 : memref<40x128xf32, #tpu.memory_space<vmem>>)
      %eq3A_980 = arith.constant 0 : i32
      %eq3A_981 = arith.cmpi eq, %sub3A_910, %eq3A_980 : i32
      %convert_element_type3A_982 = arith.extui %eq3A_981 : i1 to i32
      %cond3A_983 = arith.constant 0 : i32
      %cond3A_984 = arith.cmpi ne, %convert_element_type3A_982, %cond3A_983 : i32
      scf.if %cond3A_984 {
        %dma_wait3A_1032 = arith.constant 0 : i32
        %dma_wait3A_1033 = arith.constant 0 : i32
        %dma_wait3A_1034 = tpu.memref_slice %arg4[%add3A, %dma_wait3A_1032, %dma_wait3A_1033] : memref<32x25x400xi32, #tpu.memory_space<hbm>> -> memref<1x1x400xi32, #tpu.memory_space<hbm>>
        %dma_wait3A_1035 = tpu.memref_squeeze %dma_wait3A_1034 : memref<1x1x400xi32, #tpu.memory_space<hbm>> -> memref<400xi32, #tpu.memory_space<hbm>>
        %dma_wait3A_1036 = arith.constant 0 : i32
        %dma_wait3A_1037 = tpu.memref_slice %arg4[%add3A, %dma_wait3A_1032, %dma_wait3A_1036] : memref<32x25x400xi32, #tpu.memory_space<hbm>> -> memref<1x1x400xi32, #tpu.memory_space<hbm>>
        %dma_wait3A_1038 = tpu.memref_squeeze %dma_wait3A_1037 : memref<1x1x400xi32, #tpu.memory_space<hbm>> -> memref<400xi32, #tpu.memory_space<hbm>>
        tpu.wait_dma2 semaphore(%arg30 : memref<!tpu.dma_semaphore, #tpu.memory_space<semaphore_mem>>) src(%dma_wait3A_1038 : memref<400xi32, #tpu.memory_space<hbm>>) dst(%arg14 : memref<400xi32, #tpu.memory_space<vmem>>)
        %dma_wait3A_1039 = arith.constant 0 : i32
        %dma_wait3A_1040 = arith.constant 0 : i32
        %dma_wait3A_1041 = tpu.memref_slice %arg5[%add3A, %dma_wait3A_1039, %dma_wait3A_1040] : memref<32x25x400xi32, #tpu.memory_space<hbm>> -> memref<1x1x400xi32, #tpu.memory_space<hbm>>
        %dma_wait3A_1042 = tpu.memref_squeeze %dma_wait3A_1041 : memref<1x1x400xi32, #tpu.memory_space<hbm>> -> memref<400xi32, #tpu.memory_space<hbm>>
        %dma_wait3A_1043 = arith.constant 0 : i32
        %dma_wait3A_1044 = tpu.memref_slice %arg5[%add3A, %dma_wait3A_1039, %dma_wait3A_1043] : memref<32x25x400xi32, #tpu.memory_space<hbm>> -> memref<1x1x400xi32, #tpu.memory_space<hbm>>
        %dma_wait3A_1045 = tpu.memref_squeeze %dma_wait3A_1044 : memref<1x1x400xi32, #tpu.memory_space<hbm>> -> memref<400xi32, #tpu.memory_space<hbm>>
        tpu.wait_dma2 semaphore(%arg30 : memref<!tpu.dma_semaphore, #tpu.memory_space<semaphore_mem>>) src(%dma_wait3A_1045 : memref<400xi32, #tpu.memory_space<hbm>>) dst(%arg15 : memref<400xi32, #tpu.memory_space<vmem>>)
        %get3A_1046 = arith.constant 0 : index
        %get3A_1047 = tpu.vector_load %arg14[%get3A_1046] {strides = array<i32>} : memref<400xi32, #tpu.memory_space<vmem>>, vector<16xi32>,
        %swap3A_1048 = arith.constant 0 : index
        %swap3A_1049 = tpu.vector_load %arg12[%swap3A_1048] {strides = array<i32>} : memref<400xi32, #tpu.memory_space<vmem>>, vector<16xi32>,
        tpu.vector_store %arg12[%swap3A_1048], %get3A_1047 {strides = array<i32>} : memref<400xi32, #tpu.memory_space<vmem>>, vector<16xi32>,
        %get3A_1050 = arith.constant 0 : index
        %get3A_1051 = tpu.vector_load %arg15[%get3A_1050] {strides = array<i32>} : memref<400xi32, #tpu.memory_space<vmem>>, vector<16xi32>,
        %swap3A_1052 = arith.constant 0 : index
        %swap3A_1053 = tpu.vector_load %arg13[%swap3A_1052] {strides = array<i32>} : memref<400xi32, #tpu.memory_space<vmem>>, vector<16xi32>,
        tpu.vector_store %arg13[%swap3A_1052], %get3A_1051 {strides = array<i32>} : memref<400xi32, #tpu.memory_space<vmem>>, vector<16xi32>,
        %get3A_1054 = arith.constant 16 : index
        %get3A_1055 = tpu.vector_load %arg14[%get3A_1054] {strides = array<i32>} : memref<400xi32, #tpu.memory_space<vmem>>, vector<16xi32>,
        %swap3A_1056 = arith.constant 16 : index
        %swap3A_1057 = tpu.vector_load %arg12[%swap3A_1056] {strides = array<i32>} : memref<400xi32, #tpu.memory_space<vmem>>, vector<16xi32>,
        tpu.vector_store %arg12[%swap3A_1056], %get3A_1055 {strides = array<i32>} : memref<400xi32, #tpu.memory_space<vmem>>, vector<16xi32>,
        %get3A_1058 = arith.constant 16 : index
        %get3A_1059 = tpu.vector_load %arg15[%get3A_1058] {strides = array<i32>} : memref<400xi32, #tpu.memory_space<vmem>>, vector<16xi32>,
        %swap3A_1060 = arith.constant 16 : index
        %swap3A_1061 = tpu.vector_load %arg13[%swap3A_1060] {strides = array<i32>} : memref<400xi32, #tpu.memory_space<vmem>>, vector<16xi32>,
        tpu.vector_store %arg13[%swap3A_1060], %get3A_1059 {strides = array<i32>} : memref<400xi32, #tpu.memory_space<vmem>>, vector<16xi32>,
        %get3A_1062 = arith.constant 32 : index
        %get3A_1063 = tpu.vector_load %arg14[%get3A_1062] {strides = array<i32>} : memref<400xi32, #tpu.memory_space<vmem>>, vector<16xi32>,
        %swap3A_1064 = arith.constant 32 : index
        %swap3A_1065 = tpu.vector_load %arg12[%swap3A_1064] {strides = array<i32>} : memref<400xi32, #tpu.memory_space<vmem>>, vector<16xi32>,
        tpu.vector_store %arg12[%swap3A_1064], %get3A_1063 {strides = array<i32>} : memref<400xi32, #tpu.memory_space<vmem>>, vector<16xi32>,
        %get3A_1066 = arith.constant 32 : index
        %get3A_1067 = tpu.vector_load %arg15[%get3A_1066] {strides = array<i32>} : memref<400xi32, #tpu.memory_space<vmem>>, vector<16xi32>,
        %swap3A_1068 = arith.constant 32 : index
        %swap3A_1069 = tpu.vector_load %arg13[%swap3A_1068] {strides = array<i32>} : memref<400xi32, #tpu.memory_space<vmem>>, vector<16xi32>,
        tpu.vector_store %arg13[%swap3A_1068], %get3A_1067 {strides = array<i32>} : memref<400xi32, #tpu.memory_space<vmem>>, vector<16xi32>,
        %get3A_1070 = arith.constant 48 : index
        %get3A_1071 = tpu.vector_load %arg14[%get3A_1070] {strides = array<i32>} : memref<400xi32, #tpu.memory_space<vmem>>, vector<16xi32>,
        %swap3A_1072 = arith.constant 48 : index
        %swap3A_1073 = tpu.vector_load %arg12[%swap3A_1072] {strides = array<i32>} : memref<400xi32, #tpu.memory_space<vmem>>, vector<16xi32>,
        tpu.vector_store %arg12[%swap3A_1072], %get3A_1071 {strides = array<i32>} : memref<400xi32, #tpu.memory_space<vmem>>, vector<16xi32>,
        %get3A_1074 = arith.constant 48 : index
        %get3A_1075 = tpu.vector_load %arg15[%get3A_1074] {strides = array<i32>} : memref<400xi32, #tpu.memory_space<vmem>>, vector<16xi32>,
        %swap3A_1076 = arith.constant 48 : index
        %swap3A_1077 = tpu.vector_load %arg13[%swap3A_1076] {strides = array<i32>} : memref<400xi32, #tpu.memory_space<vmem>>, vector<16xi32>,
        tpu.vector_store %arg13[%swap3A_1076], %get3A_1075 {strides = array<i32>} : memref<400xi32, #tpu.memory_space<vmem>>, vector<16xi32>,
        %get3A_1078 = arith.constant 64 : index
        %get3A_1079 = tpu.vector_load %arg14[%get3A_1078] {strides = array<i32>} : memref<400xi32, #tpu.memory_space<vmem>>, vector<16xi32>,
        %swap3A_1080 = arith.constant 64 : index
        %swap3A_1081 = tpu.vector_load %arg12[%swap3A_1080] {strides = array<i32>} : memref<400xi32, #tpu.memory_space<vmem>>, vector<16xi32>,
        tpu.vector_store %arg12[%swap3A_1080], %get3A_1079 {strides = array<i32>} : memref<400xi32, #tpu.memory_space<vmem>>, vector<16xi32>,
        %get3A_1082 = arith.constant 64 : index
        %get3A_1083 = tpu.vector_load %arg15[%get3A_1082] {strides = array<i32>} : memref<400xi32, #tpu.memory_space<vmem>>, vector<16xi32>,
        %swap3A_1084 = arith.constant 64 : index
        %swap3A_1085 = tpu.vector_load %arg13[%swap3A_1084] {strides = array<i32>} : memref<400xi32, #tpu.memory_space<vmem>>, vector<16xi32>,
        tpu.vector_store %arg13[%swap3A_1084], %get3A_1083 {strides = array<i32>} : memref<400xi32, #tpu.memory_space<vmem>>, vector<16xi32>,
        %get3A_1086 = arith.constant 80 : index
        %get3A_1087 = tpu.vector_load %arg14[%get3A_1086] {strides = array<i32>} : memref<400xi32, #tpu.memory_space<vmem>>, vector<16xi32>,
        %swap3A_1088 = arith.constant 80 : index
        %swap3A_1089 = tpu.vector_load %arg12[%swap3A_1088] {strides = array<i32>} : memref<400xi32, #tpu.memory_space<vmem>>, vector<16xi32>,
        tpu.vector_store %arg12[%swap3A_1088], %get3A_1087 {strides = array<i32>} : memref<400xi32, #tpu.memory_space<vmem>>, vector<16xi32>,
        %get3A_1090 = arith.constant 80 : index
        %get3A_1091 = tpu.vector_load %arg15[%get3A_1090] {strides = array<i32>} : memref<400xi32, #tpu.memory_space<vmem>>, vector<16xi32>,
        %swap3A_1092 = arith.constant 80 : index
        %swap3A_1093 = tpu.vector_load %arg13[%swap3A_1092] {strides = array<i32>} : memref<400xi32, #tpu.memory_space<vmem>>, vector<16xi32>,
        tpu.vector_store %arg13[%swap3A_1092], %get3A_1091 {strides = array<i32>} : memref<400xi32, #tpu.memory_space<vmem>>, vector<16xi32>,
        %get3A_1094 = arith.constant 96 : index
        %get3A_1095 = tpu.vector_load %arg14[%get3A_1094] {strides = array<i32>} : memref<400xi32, #tpu.memory_space<vmem>>, vector<16xi32>,
        %swap3A_1096 = arith.constant 96 : index
        %swap3A_1097 = tpu.vector_load %arg12[%swap3A_1096] {strides = array<i32>} : memref<400xi32, #tpu.memory_space<vmem>>, vector<16xi32>,
        tpu.vector_store %arg12[%swap3A_1096], %get3A_1095 {strides = array<i32>} : memref<400xi32, #tpu.memory_space<vmem>>, vector<16xi32>,
        %get3A_1098 = arith.constant 96 : index
        %get3A_1099 = tpu.vector_load %arg15[%get3A_1098] {strides = array<i32>} : memref<400xi32, #tpu.memory_space<vmem>>, vector<16xi32>,
        %swap3A_1100 = arith.constant 96 : index
        %swap3A_1101 = tpu.vector_load %arg13[%swap3A_1100] {strides = array<i32>} : memref<400xi32, #tpu.memory_space<vmem>>, vector<16xi32>,
        tpu.vector_store %arg13[%swap3A_1100], %get3A_1099 {strides = array<i32>} : memref<400xi32, #tpu.memory_space<vmem>>, vector<16xi32>,
        %get3A_1102 = arith.constant 112 : index
        %get3A_1103 = tpu.vector_load %arg14[%get3A_1102] {strides = array<i32>} : memref<400xi32, #tpu.memory_space<vmem>>, vector<16xi32>,
        %swap3A_1104 = arith.constant 112 : index
        %swap3A_1105 = tpu.vector_load %arg12[%swap3A_1104] {strides = array<i32>} : memref<400xi32, #tpu.memory_space<vmem>>, vector<16xi32>,
        tpu.vector_store %arg12[%swap3A_1104], %get3A_1103 {strides = array<i32>} : memref<400xi32, #tpu.memory_space<vmem>>, vector<16xi32>,
        %get3A_1106 = arith.constant 112 : index
        %get3A_1107 = tpu.vector_load %arg15[%get3A_1106] {strides = array<i32>} : memref<400xi32, #tpu.memory_space<vmem>>, vector<16xi32>,
        %swap3A_1108 = arith.constant 112 : index
        %swap3A_1109 = tpu.vector_load %arg13[%swap3A_1108] {strides = array<i32>} : memref<400xi32, #tpu.memory_space<vmem>>, vector<16xi32>,
        tpu.vector_store %arg13[%swap3A_1108], %get3A_1107 {strides = array<i32>} : memref<400xi32, #tpu.memory_space<vmem>>, vector<16xi32>,
        %get3A_1110 = arith.constant 128 : index
        %get3A_1111 = tpu.vector_load %arg14[%get3A_1110] {strides = array<i32>} : memref<400xi32, #tpu.memory_space<vmem>>, vector<16xi32>,
        %swap3A_1112 = arith.constant 128 : index
        %swap3A_1113 = tpu.vector_load %arg12[%swap3A_1112] {strides = array<i32>} : memref<400xi32, #tpu.memory_space<vmem>>, vector<16xi32>,
        tpu.vector_store %arg12[%swap3A_1112], %get3A_1111 {strides = array<i32>} : memref<400xi32, #tpu.memory_space<vmem>>, vector<16xi32>,
        %get3A_1114 = arith.constant 128 : index
        %get3A_1115 = tpu.vector_load %arg15[%get3A_1114] {strides = array<i32>} : memref<400xi32, #tpu.memory_space<vmem>>, vector<16xi32>,
        %swap3A_1116 = arith.constant 128 : index
        %swap3A_1117 = tpu.vector_load %arg13[%swap3A_1116] {strides = array<i32>} : memref<400xi32, #tpu.memory_space<vmem>>, vector<16xi32>,
        tpu.vector_store %arg13[%swap3A_1116], %get3A_1115 {strides = array<i32>} : memref<400xi32, #tpu.memory_space<vmem>>, vector<16xi32>,
        %get3A_1118 = arith.constant 144 : index
        %get3A_1119 = tpu.vector_load %arg14[%get3A_1118] {strides = array<i32>} : memref<400xi32, #tpu.memory_space<vmem>>, vector<16xi32>,
        %swap3A_1120 = arith.constant 144 : index
        %swap3A_1121 = tpu.vector_load %arg12[%swap3A_1120] {strides = array<i32>} : memref<400xi32, #tpu.memory_space<vmem>>, vector<16xi32>,
        tpu.vector_store %arg12[%swap3A_1120], %get3A_1119 {strides = array<i32>} : memref<400xi32, #tpu.memory_space<vmem>>, vector<16xi32>,
        %get3A_1122 = arith.constant 144 : index
        %get3A_1123 = tpu.vector_load %arg15[%get3A_1122] {strides = array<i32>} : memref<400xi32, #tpu.memory_space<vmem>>, vector<16xi32>,
        %swap3A_1124 = arith.constant 144 : index
        %swap3A_1125 = tpu.vector_load %arg13[%swap3A_1124] {strides = array<i32>} : memref<400xi32, #tpu.memory_space<vmem>>, vector<16xi32>,
        tpu.vector_store %arg13[%swap3A_1124], %get3A_1123 {strides = array<i32>} : memref<400xi32, #tpu.memory_space<vmem>>, vector<16xi32>,
        %get3A_1126 = arith.constant 160 : index
        %get3A_1127 = tpu.vector_load %arg14[%get3A_1126] {strides = array<i32>} : memref<400xi32, #tpu.memory_space<vmem>>, vector<16xi32>,
        %swap3A_1128 = arith.constant 160 : index
        %swap3A_1129 = tpu.vector_load %arg12[%swap3A_1128] {strides = array<i32>} : memref<400xi32, #tpu.memory_space<vmem>>, vector<16xi32>,
        tpu.vector_store %arg12[%swap3A_1128], %get3A_1127 {strides = array<i32>} : memref<400xi32, #tpu.memory_space<vmem>>, vector<16xi32>,
        %get3A_1130 = arith.constant 160 : index
        %get3A_1131 = tpu.vector_load %arg15[%get3A_1130] {strides = array<i32>} : memref<400xi32, #tpu.memory_space<vmem>>, vector<16xi32>,
        %swap3A_1132 = arith.constant 160 : index
        %swap3A_1133 = tpu.vector_load %arg13[%swap3A_1132] {strides = array<i32>} : memref<400xi32, #tpu.memory_space<vmem>>, vector<16xi32>,
        tpu.vector_store %arg13[%swap3A_1132], %get3A_1131 {strides = array<i32>} : memref<400xi32, #tpu.memory_space<vmem>>, vector<16xi32>,
        %get3A_1134 = arith.constant 176 : index
        %get3A_1135 = tpu.vector_load %arg14[%get3A_1134] {strides = array<i32>} : memref<400xi32, #tpu.memory_space<vmem>>, vector<16xi32>,
        %swap3A_1136 = arith.constant 176 : index
        %swap3A_1137 = tpu.vector_load %arg12[%swap3A_1136] {strides = array<i32>} : memref<400xi32, #tpu.memory_space<vmem>>, vector<16xi32>,
        tpu.vector_store %arg12[%swap3A_1136], %get3A_1135 {strides = array<i32>} : memref<400xi32, #tpu.memory_space<vmem>>, vector<16xi32>,
        %get3A_1138 = arith.constant 176 : index
        %get3A_1139 = tpu.vector_load %arg15[%get3A_1138] {strides = array<i32>} : memref<400xi32, #tpu.memory_space<vmem>>, vector<16xi32>,
        %swap3A_1140 = arith.constant 176 : index
        %swap3A_1141 = tpu.vector_load %arg13[%swap3A_1140] {strides = array<i32>} : memref<400xi32, #tpu.memory_space<vmem>>, vector<16xi32>,
        tpu.vector_store %arg13[%swap3A_1140], %get3A_1139 {strides = array<i32>} : memref<400xi32, #tpu.memory_space<vmem>>, vector<16xi32>,
        %get3A_1142 = arith.constant 192 : index
        %get3A_1143 = tpu.vector_load %arg14[%get3A_1142] {strides = array<i32>} : memref<400xi32, #tpu.memory_space<vmem>>, vector<16xi32>,
        %swap3A_1144 = arith.constant 192 : index
        %swap3A_1145 = tpu.vector_load %arg12[%swap3A_1144] {strides = array<i32>} : memref<400xi32, #tpu.memory_space<vmem>>, vector<16xi32>,
        tpu.vector_store %arg12[%swap3A_1144], %get3A_1143 {strides = array<i32>} : memref<400xi32, #tpu.memory_space<vmem>>, vector<16xi32>,
        %get3A_1146 = arith.constant 192 : index
        %get3A_1147 = tpu.vector_load %arg15[%get3A_1146] {strides = array<i32>} : memref<400xi32, #tpu.memory_space<vmem>>, vector<16xi32>,
        %swap3A_1148 = arith.constant 192 : index
        %swap3A_1149 = tpu.vector_load %arg13[%swap3A_1148] {strides = array<i32>} : memref<400xi32, #tpu.memory_space<vmem>>, vector<16xi32>,
        tpu.vector_store %arg13[%swap3A_1148], %get3A_1147 {strides = array<i32>} : memref<400xi32, #tpu.memory_space<vmem>>, vector<16xi32>,
        %get3A_1150 = arith.constant 208 : index
        %get3A_1151 = tpu.vector_load %arg14[%get3A_1150] {strides = array<i32>} : memref<400xi32, #tpu.memory_space<vmem>>, vector<16xi32>,
        %swap3A_1152 = arith.constant 208 : index
        %swap3A_1153 = tpu.vector_load %arg12[%swap3A_1152] {strides = array<i32>} : memref<400xi32, #tpu.memory_space<vmem>>, vector<16xi32>,
        tpu.vector_store %arg12[%swap3A_1152], %get3A_1151 {strides = array<i32>} : memref<400xi32, #tpu.memory_space<vmem>>, vector<16xi32>,
        %get3A_1154 = arith.constant 208 : index
        %get3A_1155 = tpu.vector_load %arg15[%get3A_1154] {strides = array<i32>} : memref<400xi32, #tpu.memory_space<vmem>>, vector<16xi32>,
        %swap3A_1156 = arith.constant 208 : index
        %swap3A_1157 = tpu.vector_load %arg13[%swap3A_1156] {strides = array<i32>} : memref<400xi32, #tpu.memory_space<vmem>>, vector<16xi32>,
        tpu.vector_store %arg13[%swap3A_1156], %get3A_1155 {strides = array<i32>} : memref<400xi32, #tpu.memory_space<vmem>>, vector<16xi32>,
        %get3A_1158 = arith.constant 224 : index
        %get3A_1159 = tpu.vector_load %arg14[%get3A_1158] {strides = array<i32>} : memref<400xi32, #tpu.memory_space<vmem>>, vector<16xi32>,
        %swap3A_1160 = arith.constant 224 : index
        %swap3A_1161 = tpu.vector_load %arg12[%swap3A_1160] {strides = array<i32>} : memref<400xi32, #tpu.memory_space<vmem>>, vector<16xi32>,
        tpu.vector_store %arg12[%swap3A_1160], %get3A_1159 {strides = array<i32>} : memref<400xi32, #tpu.memory_space<vmem>>, vector<16xi32>,
        %get3A_1162 = arith.constant 224 : index
        %get3A_1163 = tpu.vector_load %arg15[%get3A_1162] {strides = array<i32>} : memref<400xi32, #tpu.memory_space<vmem>>, vector<16xi32>,
        %swap3A_1164 = arith.constant 224 : index
        %swap3A_1165 = tpu.vector_load %arg13[%swap3A_1164] {strides = array<i32>} : memref<400xi32, #tpu.memory_space<vmem>>, vector<16xi32>,
        tpu.vector_store %arg13[%swap3A_1164], %get3A_1163 {strides = array<i32>} : memref<400xi32, #tpu.memory_space<vmem>>, vector<16xi32>,
        %get3A_1166 = arith.constant 240 : index
        %get3A_1167 = tpu.vector_load %arg14[%get3A_1166] {strides = array<i32>} : memref<400xi32, #tpu.memory_space<vmem>>, vector<16xi32>,
        %swap3A_1168 = arith.constant 240 : index
        %swap3A_1169 = tpu.vector_load %arg12[%swap3A_1168] {strides = array<i32>} : memref<400xi32, #tpu.memory_space<vmem>>, vector<16xi32>,
        tpu.vector_store %arg12[%swap3A_1168], %get3A_1167 {strides = array<i32>} : memref<400xi32, #tpu.memory_space<vmem>>, vector<16xi32>,
        %get3A_1170 = arith.constant 240 : index
        %get3A_1171 = tpu.vector_load %arg15[%get3A_1170] {strides = array<i32>} : memref<400xi32, #tpu.memory_space<vmem>>, vector<16xi32>,
        %swap3A_1172 = arith.constant 240 : index
        %swap3A_1173 = tpu.vector_load %arg13[%swap3A_1172] {strides = array<i32>} : memref<400xi32, #tpu.memory_space<vmem>>, vector<16xi32>,
        tpu.vector_store %arg13[%swap3A_1172], %get3A_1171 {strides = array<i32>} : memref<400xi32, #tpu.memory_space<vmem>>, vector<16xi32>,
        %get3A_1174 = arith.constant 256 : index
        %get3A_1175 = tpu.vector_load %arg14[%get3A_1174] {strides = array<i32>} : memref<400xi32, #tpu.memory_space<vmem>>, vector<16xi32>,
        %swap3A_1176 = arith.constant 256 : index
        %swap3A_1177 = tpu.vector_load %arg12[%swap3A_1176] {strides = array<i32>} : memref<400xi32, #tpu.memory_space<vmem>>, vector<16xi32>,
        tpu.vector_store %arg12[%swap3A_1176], %get3A_1175 {strides = array<i32>} : memref<400xi32, #tpu.memory_space<vmem>>, vector<16xi32>,
        %get3A_1178 = arith.constant 256 : index
        %get3A_1179 = tpu.vector_load %arg15[%get3A_1178] {strides = array<i32>} : memref<400xi32, #tpu.memory_space<vmem>>, vector<16xi32>,
        %swap3A_1180 = arith.constant 256 : index
        %swap3A_1181 = tpu.vector_load %arg13[%swap3A_1180] {strides = array<i32>} : memref<400xi32, #tpu.memory_space<vmem>>, vector<16xi32>,
        tpu.vector_store %arg13[%swap3A_1180], %get3A_1179 {strides = array<i32>} : memref<400xi32, #tpu.memory_space<vmem>>, vector<16xi32>,
        %get3A_1182 = arith.constant 272 : index
        %get3A_1183 = tpu.vector_load %arg14[%get3A_1182] {strides = array<i32>} : memref<400xi32, #tpu.memory_space<vmem>>, vector<16xi32>,
        %swap3A_1184 = arith.constant 272 : index
        %swap3A_1185 = tpu.vector_load %arg12[%swap3A_1184] {strides = array<i32>} : memref<400xi32, #tpu.memory_space<vmem>>, vector<16xi32>,
        tpu.vector_store %arg12[%swap3A_1184], %get3A_1183 {strides = array<i32>} : memref<400xi32, #tpu.memory_space<vmem>>, vector<16xi32>,
        %get3A_1186 = arith.constant 272 : index
        %get3A_1187 = tpu.vector_load %arg15[%get3A_1186] {strides = array<i32>} : memref<400xi32, #tpu.memory_space<vmem>>, vector<16xi32>,
        %swap3A_1188 = arith.constant 272 : index
        %swap3A_1189 = tpu.vector_load %arg13[%swap3A_1188] {strides = array<i32>} : memref<400xi32, #tpu.memory_space<vmem>>, vector<16xi32>,
        tpu.vector_store %arg13[%swap3A_1188], %get3A_1187 {strides = array<i32>} : memref<400xi32, #tpu.memory_space<vmem>>, vector<16xi32>,
        %get3A_1190 = arith.constant 288 : index
        %get3A_1191 = tpu.vector_load %arg14[%get3A_1190] {strides = array<i32>} : memref<400xi32, #tpu.memory_space<vmem>>, vector<16xi32>,
        %swap3A_1192 = arith.constant 288 : index
        %swap3A_1193 = tpu.vector_load %arg12[%swap3A_1192] {strides = array<i32>} : memref<400xi32, #tpu.memory_space<vmem>>, vector<16xi32>,
        tpu.vector_store %arg12[%swap3A_1192], %get3A_1191 {strides = array<i32>} : memref<400xi32, #tpu.memory_space<vmem>>, vector<16xi32>,
        %get3A_1194 = arith.constant 288 : index
        %get3A_1195 = tpu.vector_load %arg15[%get3A_1194] {strides = array<i32>} : memref<400xi32, #tpu.memory_space<vmem>>, vector<16xi32>,
        %swap3A_1196 = arith.constant 288 : index
        %swap3A_1197 = tpu.vector_load %arg13[%swap3A_1196] {strides = array<i32>} : memref<400xi32, #tpu.memory_space<vmem>>, vector<16xi32>,
        tpu.vector_store %arg13[%swap3A_1196], %get3A_1195 {strides = array<i32>} : memref<400xi32, #tpu.memory_space<vmem>>, vector<16xi32>,
        %get3A_1198 = arith.constant 304 : index
        %get3A_1199 = tpu.vector_load %arg14[%get3A_1198] {strides = array<i32>} : memref<400xi32, #tpu.memory_space<vmem>>, vector<16xi32>,
        %swap3A_1200 = arith.constant 304 : index
        %swap3A_1201 = tpu.vector_load %arg12[%swap3A_1200] {strides = array<i32>} : memref<400xi32, #tpu.memory_space<vmem>>, vector<16xi32>,
        tpu.vector_store %arg12[%swap3A_1200], %get3A_1199 {strides = array<i32>} : memref<400xi32, #tpu.memory_space<vmem>>, vector<16xi32>,
        %get3A_1202 = arith.constant 304 : index
        %get3A_1203 = tpu.vector_load %arg15[%get3A_1202] {strides = array<i32>} : memref<400xi32, #tpu.memory_space<vmem>>, vector<16xi32>,
        %swap3A_1204 = arith.constant 304 : index
        %swap3A_1205 = tpu.vector_load %arg13[%swap3A_1204] {strides = array<i32>} : memref<400xi32, #tpu.memory_space<vmem>>, vector<16xi32>,
        tpu.vector_store %arg13[%swap3A_1204], %get3A_1203 {strides = array<i32>} : memref<400xi32, #tpu.memory_space<vmem>>, vector<16xi32>,
        %get3A_1206 = arith.constant 320 : index
        %get3A_1207 = tpu.vector_load %arg14[%get3A_1206] {strides = array<i32>} : memref<400xi32, #tpu.memory_space<vmem>>, vector<16xi32>,
        %swap3A_1208 = arith.constant 320 : index
        %swap3A_1209 = tpu.vector_load %arg12[%swap3A_1208] {strides = array<i32>} : memref<400xi32, #tpu.memory_space<vmem>>, vector<16xi32>,
        tpu.vector_store %arg12[%swap3A_1208], %get3A_1207 {strides = array<i32>} : memref<400xi32, #tpu.memory_space<vmem>>, vector<16xi32>,
        %get3A_1210 = arith.constant 320 : index
        %get3A_1211 = tpu.vector_load %arg15[%get3A_1210] {strides = array<i32>} : memref<400xi32, #tpu.memory_space<vmem>>, vector<16xi32>,
        %swap3A_1212 = arith.constant 320 : index
        %swap3A_1213 = tpu.vector_load %arg13[%swap3A_1212] {strides = array<i32>} : memref<400xi32, #tpu.memory_space<vmem>>, vector<16xi32>,
        tpu.vector_store %arg13[%swap3A_1212], %get3A_1211 {strides = array<i32>} : memref<400xi32, #tpu.memory_space<vmem>>, vector<16xi32>,
        %get3A_1214 = arith.constant 336 : index
        %get3A_1215 = tpu.vector_load %arg14[%get3A_1214] {strides = array<i32>} : memref<400xi32, #tpu.memory_space<vmem>>, vector<16xi32>,
        %swap3A_1216 = arith.constant 336 : index
        %swap3A_1217 = tpu.vector_load %arg12[%swap3A_1216] {strides = array<i32>} : memref<400xi32, #tpu.memory_space<vmem>>, vector<16xi32>,
        tpu.vector_store %arg12[%swap3A_1216], %get3A_1215 {strides = array<i32>} : memref<400xi32, #tpu.memory_space<vmem>>, vector<16xi32>,
        %get3A_1218 = arith.constant 336 : index
        %get3A_1219 = tpu.vector_load %arg15[%get3A_1218] {strides = array<i32>} : memref<400xi32, #tpu.memory_space<vmem>>, vector<16xi32>,
        %swap3A_1220 = arith.constant 336 : index
        %swap3A_1221 = tpu.vector_load %arg13[%swap3A_1220] {strides = array<i32>} : memref<400xi32, #tpu.memory_space<vmem>>, vector<16xi32>,
        tpu.vector_store %arg13[%swap3A_1220], %get3A_1219 {strides = array<i32>} : memref<400xi32, #tpu.memory_space<vmem>>, vector<16xi32>,
        %get3A_1222 = arith.constant 352 : index
        %get3A_1223 = tpu.vector_load %arg14[%get3A_1222] {strides = array<i32>} : memref<400xi32, #tpu.memory_space<vmem>>, vector<16xi32>,
        %swap3A_1224 = arith.constant 352 : index
        %swap3A_1225 = tpu.vector_load %arg12[%swap3A_1224] {strides = array<i32>} : memref<400xi32, #tpu.memory_space<vmem>>, vector<16xi32>,
        tpu.vector_store %arg12[%swap3A_1224], %get3A_1223 {strides = array<i32>} : memref<400xi32, #tpu.memory_space<vmem>>, vector<16xi32>,
        %get3A_1226 = arith.constant 352 : index
        %get3A_1227 = tpu.vector_load %arg15[%get3A_1226] {strides = array<i32>} : memref<400xi32, #tpu.memory_space<vmem>>, vector<16xi32>,
        %swap3A_1228 = arith.constant 352 : index
        %swap3A_1229 = tpu.vector_load %arg13[%swap3A_1228] {strides = array<i32>} : memref<400xi32, #tpu.memory_space<vmem>>, vector<16xi32>,
        tpu.vector_store %arg13[%swap3A_1228], %get3A_1227 {strides = array<i32>} : memref<400xi32, #tpu.memory_space<vmem>>, vector<16xi32>,
        %get3A_1230 = arith.constant 368 : index
        %get3A_1231 = tpu.vector_load %arg14[%get3A_1230] {strides = array<i32>} : memref<400xi32, #tpu.memory_space<vmem>>, vector<16xi32>,
        %swap3A_1232 = arith.constant 368 : index
        %swap3A_1233 = tpu.vector_load %arg12[%swap3A_1232] {strides = array<i32>} : memref<400xi32, #tpu.memory_space<vmem>>, vector<16xi32>,
        tpu.vector_store %arg12[%swap3A_1232], %get3A_1231 {strides = array<i32>} : memref<400xi32, #tpu.memory_space<vmem>>, vector<16xi32>,
        %get3A_1234 = arith.constant 368 : index
        %get3A_1235 = tpu.vector_load %arg15[%get3A_1234] {strides = array<i32>} : memref<400xi32, #tpu.memory_space<vmem>>, vector<16xi32>,
        %swap3A_1236 = arith.constant 368 : index
        %swap3A_1237 = tpu.vector_load %arg13[%swap3A_1236] {strides = array<i32>} : memref<400xi32, #tpu.memory_space<vmem>>, vector<16xi32>,
        tpu.vector_store %arg13[%swap3A_1236], %get3A_1235 {strides = array<i32>} : memref<400xi32, #tpu.memory_space<vmem>>, vector<16xi32>,
        %get3A_1238 = arith.constant 384 : index
        %get3A_1239 = tpu.vector_load %arg14[%get3A_1238] {strides = array<i32>} : memref<400xi32, #tpu.memory_space<vmem>>, vector<16xi32>,
        %swap3A_1240 = arith.constant 384 : index
        %swap3A_1241 = tpu.vector_load %arg12[%swap3A_1240] {strides = array<i32>} : memref<400xi32, #tpu.memory_space<vmem>>, vector<16xi32>,
        tpu.vector_store %arg12[%swap3A_1240], %get3A_1239 {strides = array<i32>} : memref<400xi32, #tpu.memory_space<vmem>>, vector<16xi32>,
        %get3A_1242 = arith.constant 384 : index
        %get3A_1243 = tpu.vector_load %arg15[%get3A_1242] {strides = array<i32>} : memref<400xi32, #tpu.memory_space<vmem>>, vector<16xi32>,
        %swap3A_1244 = arith.constant 384 : index
        %swap3A_1245 = tpu.vector_load %arg13[%swap3A_1244] {strides = array<i32>} : memref<400xi32, #tpu.memory_space<vmem>>, vector<16xi32>,
        tpu.vector_store %arg13[%swap3A_1244], %get3A_1243 {strides = array<i32>} : memref<400xi32, #tpu.memory_space<vmem>>, vector<16xi32>,
        %add3A_1246 = arith.constant 1 : i32
        %add3A_1247 = arith.addi %div3A_907, %add3A_1246 : i32
        %lt3A = arith.constant 25 : i32
        %lt3A_1248 = arith.cmpi slt, %add3A_1247, %lt3A : i32
        %convert_element_type3A_1249 = arith.extui %lt3A_1248 : i1 to i32
        %cond3A_1250 = arith.constant 0 : i32
        %cond3A_1251 = arith.cmpi ne, %convert_element_type3A_1249, %cond3A_1250 : i32
        scf.if %cond3A_1251 {
          %add3A_1252 = arith.constant 1 : i32
          %add3A_1253 = arith.addi %div3A_907, %add3A_1252 : i32
          %dma_start3A_1254 = arith.constant 0 : i32
          %dma_start3A_1255 = tpu.memref_slice %arg4[%add3A, %add3A_1253, %dma_start3A_1254] : memref<32x25x400xi32, #tpu.memory_space<hbm>> -> memref<1x1x400xi32, #tpu.memory_space<hbm>>
          %dma_start3A_1256 = tpu.memref_squeeze %dma_start3A_1255 : memref<1x1x400xi32, #tpu.memory_space<hbm>> -> memref<400xi32, #tpu.memory_space<hbm>>
          %dma_start3A_1257 = arith.constant 0 : i32
          %dma_start3A_1258 = tpu.memref_slice %arg4[%add3A, %add3A_1253, %dma_start3A_1257] : memref<32x25x400xi32, #tpu.memory_space<hbm>> -> memref<1x1x400xi32, #tpu.memory_space<hbm>>
          %dma_start3A_1259 = tpu.memref_squeeze %dma_start3A_1258 : memref<1x1x400xi32, #tpu.memory_space<hbm>> -> memref<400xi32, #tpu.memory_space<hbm>>
          tpu.enqueue_dma source(%dma_start3A_1259 : memref<400xi32, #tpu.memory_space<hbm>>) target(%arg14 : memref<400xi32, #tpu.memory_space<vmem>>) target_semaphore(%arg30 : memref<!tpu.dma_semaphore, #tpu.memory_space<semaphore_mem>>)
          %dma_start3A_1260 = arith.constant 0 : i32
          %dma_start3A_1261 = tpu.memref_slice %arg5[%add3A, %add3A_1253, %dma_start3A_1260] : memref<32x25x400xi32, #tpu.memory_space<hbm>> -> memref<1x1x400xi32, #tpu.memory_space<hbm>>
          %dma_start3A_1262 = tpu.memref_squeeze %dma_start3A_1261 : memref<1x1x400xi32, #tpu.memory_space<hbm>> -> memref<400xi32, #tpu.memory_space<hbm>>
          %dma_start3A_1263 = arith.constant 0 : i32
          %dma_start3A_1264 = tpu.memref_slice %arg5[%add3A, %add3A_1253, %dma_start3A_1263] : memref<32x25x400xi32, #tpu.memory_space<hbm>> -> memref<1x1x400xi32, #tpu.memory_space<hbm>>
          %dma_start3A_1265 = tpu.memref_squeeze %dma_start3A_1264 : memref<1x1x400xi32, #tpu.memory_space<hbm>> -> memref<400xi32, #tpu.memory_space<hbm>>
          tpu.enqueue_dma source(%dma_start3A_1265 : memref<400xi32, #tpu.memory_space<hbm>>) target(%arg15 : memref<400xi32, #tpu.memory_space<vmem>>) target_semaphore(%arg30 : memref<!tpu.dma_semaphore, #tpu.memory_space<semaphore_mem>>)
        } else {
        }
      } else {
      }
      %mul3A_985 = arith.constant 40 : i32
      %mul3A_986 = arith.muli %sub3A_910, %mul3A_985 : i32
      %add3A_987 = arith.constant 0 : i32
      %add3A_988 = arith.addi %mul3A_986, %add3A_987 : i32
      %broadcast_in_dim3A_989 = vector.broadcast %add3A_988 : i32 to vector<16xi32>
      %add3A_990 = arith.addi %broadcast_in_dim3A_989, %iota3A : vector<16xi32>
      %gather3A_991 = tpu.vector_load_idx %arg12[%add3A_990] : memref<400xi32, #tpu.memory_space<vmem>>[vector<16xi32>], vector<16xi32>,
      %swap3A_992 = arith.constant 0 : index
      %swap3A_993 = tpu.vector_load %arg16[%swap3A_992] {strides = array<i32>} : memref<40xi32, #tpu.memory_space<vmem>>, vector<16xi32>,
      tpu.vector_store %arg16[%swap3A_992], %gather3A_991 {strides = array<i32>} : memref<40xi32, #tpu.memory_space<vmem>>, vector<16xi32>,
      %gather3A_994 = tpu.vector_load_idx %arg13[%add3A_990] : memref<400xi32, #tpu.memory_space<vmem>>[vector<16xi32>], vector<16xi32>,
      %swap3A_995 = arith.constant 0 : index
      %swap3A_996 = tpu.vector_load %arg18[%swap3A_995] {strides = array<i32>} : memref<40xi32, #tpu.memory_space<vmem>>, vector<16xi32>,
      tpu.vector_store %arg18[%swap3A_995], %gather3A_994 {strides = array<i32>} : memref<40xi32, #tpu.memory_space<vmem>>, vector<16xi32>,
      %mul3A_997 = arith.constant 40 : i32
      %mul3A_998 = arith.muli %sub3A_910, %mul3A_997 : i32
      %add3A_999 = arith.constant 16 : i32
      %add3A_1000 = arith.addi %mul3A_998, %add3A_999 : i32
      %broadcast_in_dim3A_1001 = vector.broadcast %add3A_1000 : i32 to vector<16xi32>
      %add3A_1002 = arith.addi %broadcast_in_dim3A_1001, %iota3A : vector<16xi32>
      %gather3A_1003 = tpu.vector_load_idx %arg12[%add3A_1002] : memref<400xi32, #tpu.memory_space<vmem>>[vector<16xi32>], vector<16xi32>,
      %swap3A_1004 = arith.constant 16 : index
      %swap3A_1005 = tpu.vector_load %arg16[%swap3A_1004] {strides = array<i32>} : memref<40xi32, #tpu.memory_space<vmem>>, vector<16xi32>,
      tpu.vector_store %arg16[%swap3A_1004], %gather3A_1003 {strides = array<i32>} : memref<40xi32, #tpu.memory_space<vmem>>, vector<16xi32>,
      %gather3A_1006 = tpu.vector_load_idx %arg13[%add3A_1002] : memref<400xi32, #tpu.memory_space<vmem>>[vector<16xi32>], vector<16xi32>,
      %swap3A_1007 = arith.constant 16 : index
      %swap3A_1008 = tpu.vector_load %arg18[%swap3A_1007] {strides = array<i32>} : memref<40xi32, #tpu.memory_space<vmem>>, vector<16xi32>,
      tpu.vector_store %arg18[%swap3A_1007], %gather3A_1006 {strides = array<i32>} : memref<40xi32, #tpu.memory_space<vmem>>, vector<16xi32>,
      %mul3A_1009 = arith.constant 40 : i32
      %mul3A_1010 = arith.muli %sub3A_910, %mul3A_1009 : i32
      %add3A_1011 = arith.constant 24 : i32
      %add3A_1012 = arith.addi %mul3A_1010, %add3A_1011 : i32
      %broadcast_in_dim3A_1013 = vector.broadcast %add3A_1012 : i32 to vector<16xi32>
      %add3A_1014 = arith.addi %broadcast_in_dim3A_1013, %iota3A : vector<16xi32>
      %gather3A_1015 = tpu.vector_load_idx %arg12[%add3A_1014] : memref<400xi32, #tpu.memory_space<vmem>>[vector<16xi32>], vector<16xi32>,
      %swap3A_1016 = arith.constant 24 : index
      %swap3A_1017 = tpu.vector_load %arg16[%swap3A_1016] {strides = array<i32>} : memref<40xi32, #tpu.memory_space<vmem>>, vector<16xi32>,
      tpu.vector_store %arg16[%swap3A_1016], %gather3A_1015 {strides = array<i32>} : memref<40xi32, #tpu.memory_space<vmem>>, vector<16xi32>,
      %gather3A_1018 = tpu.vector_load_idx %arg13[%add3A_1014] : memref<400xi32, #tpu.memory_space<vmem>>[vector<16xi32>], vector<16xi32>,
      %swap3A_1019 = arith.constant 24 : index
      %swap3A_1020 = tpu.vector_load %arg18[%swap3A_1019] {strides = array<i32>} : memref<40xi32, #tpu.memory_space<vmem>>, vector<16xi32>,
      tpu.vector_store %arg18[%swap3A_1019], %gather3A_1018 {strides = array<i32>} : memref<40xi32, #tpu.memory_space<vmem>>, vector<16xi32>,
      %dma_start3A_1021 = arith.constant 0 : i32
      %dma_start3A_1022 = arith.constant 0 : i32
      %dma_start3A_1023 = tpu.memref_slice %arg6[%dma_start3A_1021, %dma_start3A_1022] : memref<10000x128xf32, #tpu.memory_space<hbm>> -> memref<10000x128xf32, #tpu.memory_space<hbm>>
      tpu.enqueue_indirect_dma source(%dma_start3A_1023 : memref<10000x128xf32, #tpu.memory_space<hbm>>) target(%arg22 : memref<40x128xf32, #tpu.memory_space<vmem>>) offsets(%arg16 : memref<40xi32, #tpu.memory_space<vmem>>) semaphore(%arg26 : memref<!tpu.dma_semaphore, #tpu.memory_space<semaphore_mem>>)
      %scan3A_1024 = arith.constant 0 : i32
      %scan3A_1025 = arith.constant 40 : i32
      %scan3A_1026 = arith.addi %scan3A_1024, %scan3A_1025 : i32
      %scan3A_1027 = arith.constant 4 : i32
      scf.for %scan3A_1032 = %scan3A_1024 to %scan3A_1026 step %scan3A_1027  : i32 {
        %mul3A_1033 = arith.constant 1 : i32
        %mul3A_1034 = arith.muli %scan3A_1032, %mul3A_1033 : i32
        %add3A_1035 = arith.constant 0 : i32
        %add3A_1036 = arith.addi %add3A_1035, %mul3A_1034 : i32
        %broadcast_in_dim3A_1037 = vector.broadcast %add3A_1036 : i32 to vector<16xi32>
        %gather3A_1038 = tpu.vector_load_idx %arg20[%broadcast_in_dim3A_1037] : memref<40xf32, #tpu.memory_space<vmem>>[vector<16xi32>], vector<16xf32>,
        %get3A_1039 = arith.index_cast %add3A_1036 : i32 to index
        %get3A_1040 = arith.constant 0 : index
        %get3A_1041 = tpu.vector_load %arg23[%get3A_1039, %get3A_1040] {strides = array<i32>} : memref<40x128xf32, #tpu.memory_space<vmem>>, vector<16xf32>,
        %mul3A_1042 = arith.mulf %get3A_1041, %gather3A_1038 : vector<16xf32>
        %swap3A_1043 = arith.index_cast %add3A_1036 : i32 to index
        %swap3A_1044 = arith.constant 0 : index
        %swap3A_1045 = tpu.vector_load %arg23[%swap3A_1043, %swap3A_1044] {strides = array<i32>} : memref<40x128xf32, #tpu.memory_space<vmem>>, vector<16xf32>,
        tpu.vector_store %arg23[%swap3A_1043, %swap3A_1044], %mul3A_1042 {strides = array<i32>} : memref<40x128xf32, #tpu.memory_space<vmem>>, vector<16xf32>,
        %get3A_1046 = arith.index_cast %add3A_1036 : i32 to index
        %get3A_1047 = arith.constant 16 : index
        %get3A_1048 = tpu.vector_load %arg23[%get3A_1046, %get3A_1047] {strides = array<i32>} : memref<40x128xf32, #tpu.memory_space<vmem>>, vector<16xf32>,
        %mul3A_1049 = arith.mulf %get3A_1048, %gather3A_1038 : vector<16xf32>
        %swap3A_1050 = arith.index_cast %add3A_1036 : i32 to index
        %swap3A_1051 = arith.constant 16 : index
        %swap3A_1052 = tpu.vector_load %arg23[%swap3A_1050, %swap3A_1051] {strides = array<i32>} : memref<40x128xf32, #tpu.memory_space<vmem>>, vector<16xf32>,
        tpu.vector_store %arg23[%swap3A_1050, %swap3A_1051], %mul3A_1049 {strides = array<i32>} : memref<40x128xf32, #tpu.memory_space<vmem>>, vector<16xf32>,
        %get3A_1053 = arith.index_cast %add3A_1036 : i32 to index
        %get3A_1054 = arith.constant 32 : index
        %get3A_1055 = tpu.vector_load %arg23[%get3A_1053, %get3A_1054] {strides = array<i32>} : memref<40x128xf32, #tpu.memory_space<vmem>>, vector<16xf32>,
        %mul3A_1056 = arith.mulf %get3A_1055, %gather3A_1038 : vector<16xf32>
        %swap3A_1057 = arith.index_cast %add3A_1036 : i32 to index
        %swap3A_1058 = arith.constant 32 : index
        %swap3A_1059 = tpu.vector_load %arg23[%swap3A_1057, %swap3A_1058] {strides = array<i32>} : memref<40x128xf32, #tpu.memory_space<vmem>>, vector<16xf32>,
        tpu.vector_store %arg23[%swap3A_1057, %swap3A_1058], %mul3A_1056 {strides = array<i32>} : memref<40x128xf32, #tpu.memory_space<vmem>>, vector<16xf32>,
        %get3A_1060 = arith.index_cast %add3A_1036 : i32 to index
        %get3A_1061 = arith.constant 48 : index
        %get3A_1062 = tpu.vector_load %arg23[%get3A_1060, %get3A_1061] {strides = array<i32>} : memref<40x128xf32, #tpu.memory_space<vmem>>, vector<16xf32>,
        %mul3A_1063 = arith.mulf %get3A_1062, %gather3A_1038 : vector<16xf32>
        %swap3A_1064 = arith.index_cast %add3A_1036 : i32 to index
        %swap3A_1065 = arith.constant 48 : index
        %swap3A_1066 = tpu.vector_load %arg23[%swap3A_1064, %swap3A_1065] {strides = array<i32>} : memref<40x128xf32, #tpu.memory_space<vmem>>, vector<16xf32>,
        tpu.vector_store %arg23[%swap3A_1064, %swap3A_1065], %mul3A_1063 {strides = array<i32>} : memref<40x128xf32, #tpu.memory_space<vmem>>, vector<16xf32>,
        %get3A_1067 = arith.index_cast %add3A_1036 : i32 to index
        %get3A_1068 = arith.constant 64 : index
        %get3A_1069 = tpu.vector_load %arg23[%get3A_1067, %get3A_1068] {strides = array<i32>} : memref<40x128xf32, #tpu.memory_space<vmem>>, vector<16xf32>,
        %mul3A_1070 = arith.mulf %get3A_1069, %gather3A_1038 : vector<16xf32>
        %swap3A_1071 = arith.index_cast %add3A_1036 : i32 to index
        %swap3A_1072 = arith.constant 64 : index
        %swap3A_1073 = tpu.vector_load %arg23[%swap3A_1071, %swap3A_1072] {strides = array<i32>} : memref<40x128xf32, #tpu.memory_space<vmem>>, vector<16xf32>,
        tpu.vector_store %arg23[%swap3A_1071, %swap3A_1072], %mul3A_1070 {strides = array<i32>} : memref<40x128xf32, #tpu.memory_space<vmem>>, vector<16xf32>,
        %get3A_1074 = arith.index_cast %add3A_1036 : i32 to index
        %get3A_1075 = arith.constant 80 : index
        %get3A_1076 = tpu.vector_load %arg23[%get3A_1074, %get3A_1075] {strides = array<i32>} : memref<40x128xf32, #tpu.memory_space<vmem>>, vector<16xf32>,
        %mul3A_1077 = arith.mulf %get3A_1076, %gather3A_1038 : vector<16xf32>
        %swap3A_1078 = arith.index_cast %add3A_1036 : i32 to index
        %swap3A_1079 = arith.constant 80 : index
        %swap3A_1080 = tpu.vector_load %arg23[%swap3A_1078, %swap3A_1079] {strides = array<i32>} : memref<40x128xf32, #tpu.memory_space<vmem>>, vector<16xf32>,
        tpu.vector_store %arg23[%swap3A_1078, %swap3A_1079], %mul3A_1077 {strides = array<i32>} : memref<40x128xf32, #tpu.memory_space<vmem>>, vector<16xf32>,
        %get3A_1081 = arith.index_cast %add3A_1036 : i32 to index
        %get3A_1082 = arith.constant 96 : index
        %get3A_1083 = tpu.vector_load %arg23[%get3A_1081, %get3A_1082] {strides = array<i32>} : memref<40x128xf32, #tpu.memory_space<vmem>>, vector<16xf32>,
        %mul3A_1084 = arith.mulf %get3A_1083, %gather3A_1038 : vector<16xf32>
        %swap3A_1085 = arith.index_cast %add3A_1036 : i32 to index
        %swap3A_1086 = arith.constant 96 : index
        %swap3A_1087 = tpu.vector_load %arg23[%swap3A_1085, %swap3A_1086] {strides = array<i32>} : memref<40x128xf32, #tpu.memory_space<vmem>>, vector<16xf32>,
        tpu.vector_store %arg23[%swap3A_1085, %swap3A_1086], %mul3A_1084 {strides = array<i32>} : memref<40x128xf32, #tpu.memory_space<vmem>>, vector<16xf32>,
        %get3A_1088 = arith.index_cast %add3A_1036 : i32 to index
        %get3A_1089 = arith.constant 112 : index
        %get3A_1090 = tpu.vector_load %arg23[%get3A_1088, %get3A_1089] {strides = array<i32>} : memref<40x128xf32, #tpu.memory_space<vmem>>, vector<16xf32>,
        %mul3A_1091 = arith.mulf %get3A_1090, %gather3A_1038 : vector<16xf32>
        %swap3A_1092 = arith.index_cast %add3A_1036 : i32 to index
        %swap3A_1093 = arith.constant 112 : index
        %swap3A_1094 = tpu.vector_load %arg23[%swap3A_1092, %swap3A_1093] {strides = array<i32>} : memref<40x128xf32, #tpu.memory_space<vmem>>, vector<16xf32>,
        tpu.vector_store %arg23[%swap3A_1092, %swap3A_1093], %mul3A_1091 {strides = array<i32>} : memref<40x128xf32, #tpu.memory_space<vmem>>, vector<16xf32>,
        %scan3A_1095 = arith.constant 1 : i32
        %scan3A_1096 = arith.addi %scan3A_1032, %scan3A_1095 : i32
        %mul3A_1097 = arith.constant 1 : i32
        %mul3A_1098 = arith.muli %scan3A_1096, %mul3A_1097 : i32
        %add3A_1099 = arith.constant 0 : i32
        %add3A_1100 = arith.addi %add3A_1099, %mul3A_1098 : i32
        %broadcast_in_dim3A_1101 = vector.broadcast %add3A_1100 : i32 to vector<16xi32>
        %gather3A_1102 = tpu.vector_load_idx %arg20[%broadcast_in_dim3A_1101] : memref<40xf32, #tpu.memory_space<vmem>>[vector<16xi32>], vector<16xf32>,
        %get3A_1103 = arith.index_cast %add3A_1100 : i32 to index
        %get3A_1104 = arith.constant 0 : index
        %get3A_1105 = tpu.vector_load %arg23[%get3A_1103, %get3A_1104] {strides = array<i32>} : memref<40x128xf32, #tpu.memory_space<vmem>>, vector<16xf32>,
        %mul3A_1106 = arith.mulf %get3A_1105, %gather3A_1102 : vector<16xf32>
        %swap3A_1107 = arith.index_cast %add3A_1100 : i32 to index
        %swap3A_1108 = arith.constant 0 : index
        %swap3A_1109 = tpu.vector_load %arg23[%swap3A_1107, %swap3A_1108] {strides = array<i32>} : memref<40x128xf32, #tpu.memory_space<vmem>>, vector<16xf32>,
        tpu.vector_store %arg23[%swap3A_1107, %swap3A_1108], %mul3A_1106 {strides = array<i32>} : memref<40x128xf32, #tpu.memory_space<vmem>>, vector<16xf32>,
        %get3A_1110 = arith.index_cast %add3A_1100 : i32 to index
        %get3A_1111 = arith.constant 16 : index
        %get3A_1112 = tpu.vector_load %arg23[%get3A_1110, %get3A_1111] {strides = array<i32>} : memref<40x128xf32, #tpu.memory_space<vmem>>, vector<16xf32>,
        %mul3A_1113 = arith.mulf %get3A_1112, %gather3A_1102 : vector<16xf32>
        %swap3A_1114 = arith.index_cast %add3A_1100 : i32 to index
        %swap3A_1115 = arith.constant 16 : index
        %swap3A_1116 = tpu.vector_load %arg23[%swap3A_1114, %swap3A_1115] {strides = array<i32>} : memref<40x128xf32, #tpu.memory_space<vmem>>, vector<16xf32>,
        tpu.vector_store %arg23[%swap3A_1114, %swap3A_1115], %mul3A_1113 {strides = array<i32>} : memref<40x128xf32, #tpu.memory_space<vmem>>, vector<16xf32>,
        %get3A_1117 = arith.index_cast %add3A_1100 : i32 to index
        %get3A_1118 = arith.constant 32 : index
        %get3A_1119 = tpu.vector_load %arg23[%get3A_1117, %get3A_1118] {strides = array<i32>} : memref<40x128xf32, #tpu.memory_space<vmem>>, vector<16xf32>,
        %mul3A_1120 = arith.mulf %get3A_1119, %gather3A_1102 : vector<16xf32>
        %swap3A_1121 = arith.index_cast %add3A_1100 : i32 to index
        %swap3A_1122 = arith.constant 32 : index
        %swap3A_1123 = tpu.vector_load %arg23[%swap3A_1121, %swap3A_1122] {strides = array<i32>} : memref<40x128xf32, #tpu.memory_space<vmem>>, vector<16xf32>,
        tpu.vector_store %arg23[%swap3A_1121, %swap3A_1122], %mul3A_1120 {strides = array<i32>} : memref<40x128xf32, #tpu.memory_space<vmem>>, vector<16xf32>,
        %get3A_1124 = arith.index_cast %add3A_1100 : i32 to index
        %get3A_1125 = arith.constant 48 : index
        %get3A_1126 = tpu.vector_load %arg23[%get3A_1124, %get3A_1125] {strides = array<i32>} : memref<40x128xf32, #tpu.memory_space<vmem>>, vector<16xf32>,
        %mul3A_1127 = arith.mulf %get3A_1126, %gather3A_1102 : vector<16xf32>
        %swap3A_1128 = arith.index_cast %add3A_1100 : i32 to index
        %swap3A_1129 = arith.constant 48 : index
        %swap3A_1130 = tpu.vector_load %arg23[%swap3A_1128, %swap3A_1129] {strides = array<i32>} : memref<40x128xf32, #tpu.memory_space<vmem>>, vector<16xf32>,
        tpu.vector_store %arg23[%swap3A_1128, %swap3A_1129], %mul3A_1127 {strides = array<i32>} : memref<40x128xf32, #tpu.memory_space<vmem>>, vector<16xf32>,
        %get3A_1131 = arith.index_cast %add3A_1100 : i32 to index
        %get3A_1132 = arith.constant 64 : index
        %get3A_1133 = tpu.vector_load %arg23[%get3A_1131, %get3A_1132] {strides = array<i32>} : memref<40x128xf32, #tpu.memory_space<vmem>>, vector<16xf32>,
        %mul3A_1134 = arith.mulf %get3A_1133, %gather3A_1102 : vector<16xf32>
        %swap3A_1135 = arith.index_cast %add3A_1100 : i32 to index
        %swap3A_1136 = arith.constant 64 : index
        %swap3A_1137 = tpu.vector_load %arg23[%swap3A_1135, %swap3A_1136] {strides = array<i32>} : memref<40x128xf32, #tpu.memory_space<vmem>>, vector<16xf32>,
        tpu.vector_store %arg23[%swap3A_1135, %swap3A_1136], %mul3A_1134 {strides = array<i32>} : memref<40x128xf32, #tpu.memory_space<vmem>>, vector<16xf32>,
        %get3A_1138 = arith.index_cast %add3A_1100 : i32 to index
        %get3A_1139 = arith.constant 80 : index
        %get3A_1140 = tpu.vector_load %arg23[%get3A_1138, %get3A_1139] {strides = array<i32>} : memref<40x128xf32, #tpu.memory_space<vmem>>, vector<16xf32>,
        %mul3A_1141 = arith.mulf %get3A_1140, %gather3A_1102 : vector<16xf32>
        %swap3A_1142 = arith.index_cast %add3A_1100 : i32 to index
        %swap3A_1143 = arith.constant 80 : index
        %swap3A_1144 = tpu.vector_load %arg23[%swap3A_1142, %swap3A_1143] {strides = array<i32>} : memref<40x128xf32, #tpu.memory_space<vmem>>, vector<16xf32>,
        tpu.vector_store %arg23[%swap3A_1142, %swap3A_1143], %mul3A_1141 {strides = array<i32>} : memref<40x128xf32, #tpu.memory_space<vmem>>, vector<16xf32>,
        %get3A_1145 = arith.index_cast %add3A_1100 : i32 to index
        %get3A_1146 = arith.constant 96 : index
        %get3A_1147 = tpu.vector_load %arg23[%get3A_1145, %get3A_1146] {strides = array<i32>} : memref<40x128xf32, #tpu.memory_space<vmem>>, vector<16xf32>,
        %mul3A_1148 = arith.mulf %get3A_1147, %gather3A_1102 : vector<16xf32>
        %swap3A_1149 = arith.index_cast %add3A_1100 : i32 to index
        %swap3A_1150 = arith.constant 96 : index
        %swap3A_1151 = tpu.vector_load %arg23[%swap3A_1149, %swap3A_1150] {strides = array<i32>} : memref<40x128xf32, #tpu.memory_space<vmem>>, vector<16xf32>,
        tpu.vector_store %arg23[%swap3A_1149, %swap3A_1150], %mul3A_1148 {strides = array<i32>} : memref<40x128xf32, #tpu.memory_space<vmem>>, vector<16xf32>,
        %get3A_1152 = arith.index_cast %add3A_1100 : i32 to index
        %get3A_1153 = arith.constant 112 : index
        %get3A_1154 = tpu.vector_load %arg23[%get3A_1152, %get3A_1153] {strides = array<i32>} : memref<40x128xf32, #tpu.memory_space<vmem>>, vector<16xf32>,
        %mul3A_1155 = arith.mulf %get3A_1154, %gather3A_1102 : vector<16xf32>
        %swap3A_1156 = arith.index_cast %add3A_1100 : i32 to index
        %swap3A_1157 = arith.constant 112 : index
        %swap3A_1158 = tpu.vector_load %arg23[%swap3A_1156, %swap3A_1157] {strides = array<i32>} : memref<40x128xf32, #tpu.memory_space<vmem>>, vector<16xf32>,
        tpu.vector_store %arg23[%swap3A_1156, %swap3A_1157], %mul3A_1155 {strides = array<i32>} : memref<40x128xf32, #tpu.memory_space<vmem>>, vector<16xf32>,
        %scan3A_1159 = arith.constant 2 : i32
        %scan3A_1160 = arith.addi %scan3A_1032, %scan3A_1159 : i32
        %mul3A_1161 = arith.constant 1 : i32
        %mul3A_1162 = arith.muli %scan3A_1160, %mul3A_1161 : i32
        %add3A_1163 = arith.constant 0 : i32
        %add3A_1164 = arith.addi %add3A_1163, %mul3A_1162 : i32
        %broadcast_in_dim3A_1165 = vector.broadcast %add3A_1164 : i32 to vector<16xi32>
        %gather3A_1166 = tpu.vector_load_idx %arg20[%broadcast_in_dim3A_1165] : memref<40xf32, #tpu.memory_space<vmem>>[vector<16xi32>], vector<16xf32>,
        %get3A_1167 = arith.index_cast %add3A_1164 : i32 to index
        %get3A_1168 = arith.constant 0 : index
        %get3A_1169 = tpu.vector_load %arg23[%get3A_1167, %get3A_1168] {strides = array<i32>} : memref<40x128xf32, #tpu.memory_space<vmem>>, vector<16xf32>,
        %mul3A_1170 = arith.mulf %get3A_1169, %gather3A_1166 : vector<16xf32>
        %swap3A_1171 = arith.index_cast %add3A_1164 : i32 to index
        %swap3A_1172 = arith.constant 0 : index
        %swap3A_1173 = tpu.vector_load %arg23[%swap3A_1171, %swap3A_1172] {strides = array<i32>} : memref<40x128xf32, #tpu.memory_space<vmem>>, vector<16xf32>,
        tpu.vector_store %arg23[%swap3A_1171, %swap3A_1172], %mul3A_1170 {strides = array<i32>} : memref<40x128xf32, #tpu.memory_space<vmem>>, vector<16xf32>,
        %get3A_1174 = arith.index_cast %add3A_1164 : i32 to index
        %get3A_1175 = arith.constant 16 : index
        %get3A_1176 = tpu.vector_load %arg23[%get3A_1174, %get3A_1175] {strides = array<i32>} : memref<40x128xf32, #tpu.memory_space<vmem>>, vector<16xf32>,
        %mul3A_1177 = arith.mulf %get3A_1176, %gather3A_1166 : vector<16xf32>
        %swap3A_1178 = arith.index_cast %add3A_1164 : i32 to index
        %swap3A_1179 = arith.constant 16 : index
        %swap3A_1180 = tpu.vector_load %arg23[%swap3A_1178, %swap3A_1179] {strides = array<i32>} : memref<40x128xf32, #tpu.memory_space<vmem>>, vector<16xf32>,
        tpu.vector_store %arg23[%swap3A_1178, %swap3A_1179], %mul3A_1177 {strides = array<i32>} : memref<40x128xf32, #tpu.memory_space<vmem>>, vector<16xf32>,
        %get3A_1181 = arith.index_cast %add3A_1164 : i32 to index
        %get3A_1182 = arith.constant 32 : index
        %get3A_1183 = tpu.vector_load %arg23[%get3A_1181, %get3A_1182] {strides = array<i32>} : memref<40x128xf32, #tpu.memory_space<vmem>>, vector<16xf32>,
        %mul3A_1184 = arith.mulf %get3A_1183, %gather3A_1166 : vector<16xf32>
        %swap3A_1185 = arith.index_cast %add3A_1164 : i32 to index
        %swap3A_1186 = arith.constant 32 : index
        %swap3A_1187 = tpu.vector_load %arg23[%swap3A_1185, %swap3A_1186] {strides = array<i32>} : memref<40x128xf32, #tpu.memory_space<vmem>>, vector<16xf32>,
        tpu.vector_store %arg23[%swap3A_1185, %swap3A_1186], %mul3A_1184 {strides = array<i32>} : memref<40x128xf32, #tpu.memory_space<vmem>>, vector<16xf32>,
        %get3A_1188 = arith.index_cast %add3A_1164 : i32 to index
        %get3A_1189 = arith.constant 48 : index
        %get3A_1190 = tpu.vector_load %arg23[%get3A_1188, %get3A_1189] {strides = array<i32>} : memref<40x128xf32, #tpu.memory_space<vmem>>, vector<16xf32>,
        %mul3A_1191 = arith.mulf %get3A_1190, %gather3A_1166 : vector<16xf32>
        %swap3A_1192 = arith.index_cast %add3A_1164 : i32 to index
        %swap3A_1193 = arith.constant 48 : index
        %swap3A_1194 = tpu.vector_load %arg23[%swap3A_1192, %swap3A_1193] {strides = array<i32>} : memref<40x128xf32, #tpu.memory_space<vmem>>, vector<16xf32>,
        tpu.vector_store %arg23[%swap3A_1192, %swap3A_1193], %mul3A_1191 {strides = array<i32>} : memref<40x128xf32, #tpu.memory_space<vmem>>, vector<16xf32>,
        %get3A_1195 = arith.index_cast %add3A_1164 : i32 to index
        %get3A_1196 = arith.constant 64 : index
        %get3A_1197 = tpu.vector_load %arg23[%get3A_1195, %get3A_1196] {strides = array<i32>} : memref<40x128xf32, #tpu.memory_space<vmem>>, vector<16xf32>,
        %mul3A_1198 = arith.mulf %get3A_1197, %gather3A_1166 : vector<16xf32>
        %swap3A_1199 = arith.index_cast %add3A_1164 : i32 to index
        %swap3A_1200 = arith.constant 64 : index
        %swap3A_1201 = tpu.vector_load %arg23[%swap3A_1199, %swap3A_1200] {strides = array<i32>} : memref<40x128xf32, #tpu.memory_space<vmem>>, vector<16xf32>,
        tpu.vector_store %arg23[%swap3A_1199, %swap3A_1200], %mul3A_1198 {strides = array<i32>} : memref<40x128xf32, #tpu.memory_space<vmem>>, vector<16xf32>,
        %get3A_1202 = arith.index_cast %add3A_1164 : i32 to index
        %get3A_1203 = arith.constant 80 : index
        %get3A_1204 = tpu.vector_load %arg23[%get3A_1202, %get3A_1203] {strides = array<i32>} : memref<40x128xf32, #tpu.memory_space<vmem>>, vector<16xf32>,
        %mul3A_1205 = arith.mulf %get3A_1204, %gather3A_1166 : vector<16xf32>
        %swap3A_1206 = arith.index_cast %add3A_1164 : i32 to index
        %swap3A_1207 = arith.constant 80 : index
        %swap3A_1208 = tpu.vector_load %arg23[%swap3A_1206, %swap3A_1207] {strides = array<i32>} : memref<40x128xf32, #tpu.memory_space<vmem>>, vector<16xf32>,
        tpu.vector_store %arg23[%swap3A_1206, %swap3A_1207], %mul3A_1205 {strides = array<i32>} : memref<40x128xf32, #tpu.memory_space<vmem>>, vector<16xf32>,
        %get3A_1209 = arith.index_cast %add3A_1164 : i32 to index
        %get3A_1210 = arith.constant 96 : index
        %get3A_1211 = tpu.vector_load %arg23[%get3A_1209, %get3A_1210] {strides = array<i32>} : memref<40x128xf32, #tpu.memory_space<vmem>>, vector<16xf32>,
        %mul3A_1212 = arith.mulf %get3A_1211, %gather3A_1166 : vector<16xf32>
        %swap3A_1213 = arith.index_cast %add3A_1164 : i32 to index
        %swap3A_1214 = arith.constant 96 : index
        %swap3A_1215 = tpu.vector_load %arg23[%swap3A_1213, %swap3A_1214] {strides = array<i32>} : memref<40x128xf32, #tpu.memory_space<vmem>>, vector<16xf32>,
        tpu.vector_store %arg23[%swap3A_1213, %swap3A_1214], %mul3A_1212 {strides = array<i32>} : memref<40x128xf32, #tpu.memory_space<vmem>>, vector<16xf32>,
        %get3A_1216 = arith.index_cast %add3A_1164 : i32 to index
        %get3A_1217 = arith.constant 112 : index
        %get3A_1218 = tpu.vector_load %arg23[%get3A_1216, %get3A_1217] {strides = array<i32>} : memref<40x128xf32, #tpu.memory_space<vmem>>, vector<16xf32>,
        %mul3A_1219 = arith.mulf %get3A_1218, %gather3A_1166 : vector<16xf32>
        %swap3A_1220 = arith.index_cast %add3A_1164 : i32 to index
        %swap3A_1221 = arith.constant 112 : index
        %swap3A_1222 = tpu.vector_load %arg23[%swap3A_1220, %swap3A_1221] {strides = array<i32>} : memref<40x128xf32, #tpu.memory_space<vmem>>, vector<16xf32>,
        tpu.vector_store %arg23[%swap3A_1220, %swap3A_1221], %mul3A_1219 {strides = array<i32>} : memref<40x128xf32, #tpu.memory_space<vmem>>, vector<16xf32>,
        %scan3A_1223 = arith.constant 3 : i32
        %scan3A_1224 = arith.addi %scan3A_1032, %scan3A_1223 : i32
        %mul3A_1225 = arith.constant 1 : i32
        %mul3A_1226 = arith.muli %scan3A_1224, %mul3A_1225 : i32
        %add3A_1227 = arith.constant 0 : i32
        %add3A_1228 = arith.addi %add3A_1227, %mul3A_1226 : i32
        %broadcast_in_dim3A_1229 = vector.broadcast %add3A_1228 : i32 to vector<16xi32>
        %gather3A_1230 = tpu.vector_load_idx %arg20[%broadcast_in_dim3A_1229] : memref<40xf32, #tpu.memory_space<vmem>>[vector<16xi32>], vector<16xf32>,
        %get3A_1231 = arith.index_cast %add3A_1228 : i32 to index
        %get3A_1232 = arith.constant 0 : index
        %get3A_1233 = tpu.vector_load %arg23[%get3A_1231, %get3A_1232] {strides = array<i32>} : memref<40x128xf32, #tpu.memory_space<vmem>>, vector<16xf32>,
        %mul3A_1234 = arith.mulf %get3A_1233, %gather3A_1230 : vector<16xf32>
        %swap3A_1235 = arith.index_cast %add3A_1228 : i32 to index
        %swap3A_1236 = arith.constant 0 : index
        %swap3A_1237 = tpu.vector_load %arg23[%swap3A_1235, %swap3A_1236] {strides = array<i32>} : memref<40x128xf32, #tpu.memory_space<vmem>>, vector<16xf32>,
        tpu.vector_store %arg23[%swap3A_1235, %swap3A_1236], %mul3A_1234 {strides = array<i32>} : memref<40x128xf32, #tpu.memory_space<vmem>>, vector<16xf32>,
        %get3A_1238 = arith.index_cast %add3A_1228 : i32 to index
        %get3A_1239 = arith.constant 16 : index
        %get3A_1240 = tpu.vector_load %arg23[%get3A_1238, %get3A_1239] {strides = array<i32>} : memref<40x128xf32, #tpu.memory_space<vmem>>, vector<16xf32>,
        %mul3A_1241 = arith.mulf %get3A_1240, %gather3A_1230 : vector<16xf32>
        %swap3A_1242 = arith.index_cast %add3A_1228 : i32 to index
        %swap3A_1243 = arith.constant 16 : index
        %swap3A_1244 = tpu.vector_load %arg23[%swap3A_1242, %swap3A_1243] {strides = array<i32>} : memref<40x128xf32, #tpu.memory_space<vmem>>, vector<16xf32>,
        tpu.vector_store %arg23[%swap3A_1242, %swap3A_1243], %mul3A_1241 {strides = array<i32>} : memref<40x128xf32, #tpu.memory_space<vmem>>, vector<16xf32>,
        %get3A_1245 = arith.index_cast %add3A_1228 : i32 to index
        %get3A_1246 = arith.constant 32 : index
        %get3A_1247 = tpu.vector_load %arg23[%get3A_1245, %get3A_1246] {strides = array<i32>} : memref<40x128xf32, #tpu.memory_space<vmem>>, vector<16xf32>,
        %mul3A_1248 = arith.mulf %get3A_1247, %gather3A_1230 : vector<16xf32>
        %swap3A_1249 = arith.index_cast %add3A_1228 : i32 to index
        %swap3A_1250 = arith.constant 32 : index
        %swap3A_1251 = tpu.vector_load %arg23[%swap3A_1249, %swap3A_1250] {strides = array<i32>} : memref<40x128xf32, #tpu.memory_space<vmem>>, vector<16xf32>,
        tpu.vector_store %arg23[%swap3A_1249, %swap3A_1250], %mul3A_1248 {strides = array<i32>} : memref<40x128xf32, #tpu.memory_space<vmem>>, vector<16xf32>,
        %get3A_1252 = arith.index_cast %add3A_1228 : i32 to index
        %get3A_1253 = arith.constant 48 : index
        %get3A_1254 = tpu.vector_load %arg23[%get3A_1252, %get3A_1253] {strides = array<i32>} : memref<40x128xf32, #tpu.memory_space<vmem>>, vector<16xf32>,
        %mul3A_1255 = arith.mulf %get3A_1254, %gather3A_1230 : vector<16xf32>
        %swap3A_1256 = arith.index_cast %add3A_1228 : i32 to index
        %swap3A_1257 = arith.constant 48 : index
        %swap3A_1258 = tpu.vector_load %arg23[%swap3A_1256, %swap3A_1257] {strides = array<i32>} : memref<40x128xf32, #tpu.memory_space<vmem>>, vector<16xf32>,
        tpu.vector_store %arg23[%swap3A_1256, %swap3A_1257], %mul3A_1255 {strides = array<i32>} : memref<40x128xf32, #tpu.memory_space<vmem>>, vector<16xf32>,
        %get3A_1259 = arith.index_cast %add3A_1228 : i32 to index
        %get3A_1260 = arith.constant 64 : index
        %get3A_1261 = tpu.vector_load %arg23[%get3A_1259, %get3A_1260] {strides = array<i32>} : memref<40x128xf32, #tpu.memory_space<vmem>>, vector<16xf32>,
        %mul3A_1262 = arith.mulf %get3A_1261, %gather3A_1230 : vector<16xf32>
        %swap3A_1263 = arith.index_cast %add3A_1228 : i32 to index
        %swap3A_1264 = arith.constant 64 : index
        %swap3A_1265 = tpu.vector_load %arg23[%swap3A_1263, %swap3A_1264] {strides = array<i32>} : memref<40x128xf32, #tpu.memory_space<vmem>>, vector<16xf32>,
        tpu.vector_store %arg23[%swap3A_1263, %swap3A_1264], %mul3A_1262 {strides = array<i32>} : memref<40x128xf32, #tpu.memory_space<vmem>>, vector<16xf32>,
        %get3A_1266 = arith.index_cast %add3A_1228 : i32 to index
        %get3A_1267 = arith.constant 80 : index
        %get3A_1268 = tpu.vector_load %arg23[%get3A_1266, %get3A_1267] {strides = array<i32>} : memref<40x128xf32, #tpu.memory_space<vmem>>, vector<16xf32>,
        %mul3A_1269 = arith.mulf %get3A_1268, %gather3A_1230 : vector<16xf32>
        %swap3A_1270 = arith.index_cast %add3A_1228 : i32 to index
        %swap3A_1271 = arith.constant 80 : index
        %swap3A_1272 = tpu.vector_load %arg23[%swap3A_1270, %swap3A_1271] {strides = array<i32>} : memref<40x128xf32, #tpu.memory_space<vmem>>, vector<16xf32>,
        tpu.vector_store %arg23[%swap3A_1270, %swap3A_1271], %mul3A_1269 {strides = array<i32>} : memref<40x128xf32, #tpu.memory_space<vmem>>, vector<16xf32>,
        %get3A_1273 = arith.index_cast %add3A_1228 : i32 to index
        %get3A_1274 = arith.constant 96 : index
        %get3A_1275 = tpu.vector_load %arg23[%get3A_1273, %get3A_1274] {strides = array<i32>} : memref<40x128xf32, #tpu.memory_space<vmem>>, vector<16xf32>,
        %mul3A_1276 = arith.mulf %get3A_1275, %gather3A_1230 : vector<16xf32>
        %swap3A_1277 = arith.index_cast %add3A_1228 : i32 to index
        %swap3A_1278 = arith.constant 96 : index
        %swap3A_1279 = tpu.vector_load %arg23[%swap3A_1277, %swap3A_1278] {strides = array<i32>} : memref<40x128xf32, #tpu.memory_space<vmem>>, vector<16xf32>,
        tpu.vector_store %arg23[%swap3A_1277, %swap3A_1278], %mul3A_1276 {strides = array<i32>} : memref<40x128xf32, #tpu.memory_space<vmem>>, vector<16xf32>,
        %get3A_1280 = arith.index_cast %add3A_1228 : i32 to index
        %get3A_1281 = arith.constant 112 : index
        %get3A_1282 = tpu.vector_load %arg23[%get3A_1280, %get3A_1281] {strides = array<i32>} : memref<40x128xf32, #tpu.memory_space<vmem>>, vector<16xf32>,
        %mul3A_1283 = arith.mulf %get3A_1282, %gather3A_1230 : vector<16xf32>
        %swap3A_1284 = arith.index_cast %add3A_1228 : i32 to index
        %swap3A_1285 = arith.constant 112 : index
        %swap3A_1286 = tpu.vector_load %arg23[%swap3A_1284, %swap3A_1285] {strides = array<i32>} : memref<40x128xf32, #tpu.memory_space<vmem>>, vector<16xf32>,
        tpu.vector_store %arg23[%swap3A_1284, %swap3A_1285], %mul3A_1283 {strides = array<i32>} : memref<40x128xf32, #tpu.memory_space<vmem>>, vector<16xf32>,
      }
      %scan3A_1028 = arith.constant 40 : i32
      %dma_start3A_1029 = arith.constant 0 : i32
      %dma_start3A_1030 = arith.constant 0 : i32
      %dma_start3A_1031 = tpu.memref_slice %arg25[%dma_start3A_1029, %dma_start3A_1030] : memref<10112x128xf32, #tpu.memory_space<vmem_shared>> -> memref<10112x128xf32, #tpu.memory_space<vmem_shared>>
      tpu.enqueue_indirect_dma source(%arg23 : memref<40x128xf32, #tpu.memory_space<vmem>>) target(%dma_start3A_1031 : memref<10112x128xf32, #tpu.memory_space<vmem_shared>>) offsets(%arg19 : memref<40xi32, #tpu.memory_space<vmem>>) semaphore(%arg29 : memref<!tpu.dma_semaphore, #tpu.memory_space<semaphore_mem>>) {add = true}
    }
    %scan3A_301 = arith.constant 124 : i32
    %get3A_302 = arith.constant 0 : index
    %get3A_303 = tpu.vector_load %arg16[%get3A_302] {strides = array<i32>} : memref<40xi32, #tpu.memory_space<vmem>>, vector<16xi32>,
    %get3A_304 = arith.constant 0 : index
    %get3A_305 = tpu.vector_load %arg18[%get3A_304] {strides = array<i32>} : memref<40xi32, #tpu.memory_space<vmem>>, vector<16xi32>,
    %gather3A_306 = tpu.vector_load_idx %arg10[%get3A_303] : memref<10000xf32, #tpu.memory_space<vmem>>[vector<16xi32>], vector<16xf32>,
    %gather3A_307 = tpu.vector_load_idx %arg11[%get3A_305] : memref<10000xf32, #tpu.memory_space<vmem>>[vector<16xi32>], vector<16xf32>,
    %add3A_308 = arith.addf %gather3A_306, %gather3A_307 : vector<16xf32>
    %mul3A_309 = arith.constant 2.000000e-01 : f32
    %mul3A_310 = vector.broadcast %mul3A_309 : f32 to vector<16xf32>
    %mul3A_311 = arith.mulf %mul3A_310, %add3A_308 : vector<16xf32>
    %max3A_312 = arith.maximumf %add3A_308, %mul3A_311 : vector<16xf32>
    %sub3A = arith.subf %max3A_312, %max3A : vector<16xf32>
    %exp3A = math.exp %sub3A : vector<16xf32>
    %swap3A_313 = arith.constant 0 : index
    %swap3A_314 = tpu.vector_load %arg20[%swap3A_313] {strides = array<i32>} : memref<40xf32, #tpu.memory_space<vmem>>, vector<16xf32>,
    tpu.vector_store %arg20[%swap3A_313], %exp3A {strides = array<i32>} : memref<40xf32, #tpu.memory_space<vmem>>, vector<16xf32>,
    %shift_right_logical3A = arith.constant 10 : i32
    %shift_right_logical3A_315 = vector.broadcast %shift_right_logical3A : i32 to vector<16xi32>
    %shift_right_logical3A_316 = arith.shrui %get3A_305, %shift_right_logical3A_315 : vector<16xi32>
    %and3A = arith.constant 1023 : i32
    %and3A_317 = vector.broadcast %and3A : i32 to vector<16xi32>
    %and3A_318 = arith.andi %get3A_305, %and3A_317 : vector<16xi32>
    tpu.vector_store_idx %arg21[%shift_right_logical3A_316, %and3A_318], %exp3A {add = true} : memref<10x1024xf32, #tpu.memory_space<vmem>>[vector<16xi32>, vector<16xi32>], vector<16xf32>,
    %get3A_319 = arith.constant 16 : index
    %get3A_320 = tpu.vector_load %arg16[%get3A_319] {strides = array<i32>} : memref<40xi32, #tpu.memory_space<vmem>>, vector<16xi32>,
    %get3A_321 = arith.constant 16 : index
    %get3A_322 = tpu.vector_load %arg18[%get3A_321] {strides = array<i32>} : memref<40xi32, #tpu.memory_space<vmem>>, vector<16xi32>,
    %gather3A_323 = tpu.vector_load_idx %arg10[%get3A_320] : memref<10000xf32, #tpu.memory_space<vmem>>[vector<16xi32>], vector<16xf32>,
    %gather3A_324 = tpu.vector_load_idx %arg11[%get3A_322] : memref<10000xf32, #tpu.memory_space<vmem>>[vector<16xi32>], vector<16xf32>,
    %add3A_325 = arith.addf %gather3A_323, %gather3A_324 : vector<16xf32>
    %mul3A_326 = arith.constant 2.000000e-01 : f32
    %mul3A_327 = vector.broadcast %mul3A_326 : f32 to vector<16xf32>
    %mul3A_328 = arith.mulf %mul3A_327, %add3A_325 : vector<16xf32>
    %max3A_329 = arith.maximumf %add3A_325, %mul3A_328 : vector<16xf32>
    %sub3A_330 = arith.subf %max3A_329, %max3A : vector<16xf32>
    %exp3A_331 = math.exp %sub3A_330 : vector<16xf32>
    %swap3A_332 = arith.constant 16 : index
    %swap3A_333 = tpu.vector_load %arg20[%swap3A_332] {strides = array<i32>} : memref<40xf32, #tpu.memory_space<vmem>>, vector<16xf32>,
    tpu.vector_store %arg20[%swap3A_332], %exp3A_331 {strides = array<i32>} : memref<40xf32, #tpu.memory_space<vmem>>, vector<16xf32>,
    %shift_right_logical3A_334 = arith.constant 10 : i32
    %shift_right_logical3A_335 = vector.broadcast %shift_right_logical3A_334 : i32 to vector<16xi32>
    %shift_right_logical3A_336 = arith.shrui %get3A_322, %shift_right_logical3A_335 : vector<16xi32>
    %and3A_337 = arith.constant 1023 : i32
    %and3A_338 = vector.broadcast %and3A_337 : i32 to vector<16xi32>
    %and3A_339 = arith.andi %get3A_322, %and3A_338 : vector<16xi32>
    tpu.vector_store_idx %arg21[%shift_right_logical3A_336, %and3A_339], %exp3A_331 {add = true} : memref<10x1024xf32, #tpu.memory_space<vmem>>[vector<16xi32>, vector<16xi32>], vector<16xf32>,
    %get3A_340 = arith.constant 24 : index
    %get3A_341 = tpu.vector_load %arg16[%get3A_340] {strides = array<i32>} : memref<40xi32, #tpu.memory_space<vmem>>, vector<16xi32>,
    %get3A_342 = arith.constant 24 : index
    %get3A_343 = tpu.vector_load %arg18[%get3A_342] {strides = array<i32>} : memref<40xi32, #tpu.memory_space<vmem>>, vector<16xi32>,
    %gather3A_344 = tpu.vector_load_idx %arg10[%get3A_341] : memref<10000xf32, #tpu.memory_space<vmem>>[vector<16xi32>], vector<16xf32>,
    %gather3A_345 = tpu.vector_load_idx %arg11[%get3A_343] : memref<10000xf32, #tpu.memory_space<vmem>>[vector<16xi32>], vector<16xf32>,
    %add3A_346 = arith.addf %gather3A_344, %gather3A_345 : vector<16xf32>
    %mul3A_347 = arith.constant 2.000000e-01 : f32
    %mul3A_348 = vector.broadcast %mul3A_347 : f32 to vector<16xf32>
    %mul3A_349 = arith.mulf %mul3A_348, %add3A_346 : vector<16xf32>
    %max3A_350 = arith.maximumf %add3A_346, %mul3A_349 : vector<16xf32>
    %sub3A_351 = arith.subf %max3A_350, %max3A : vector<16xf32>
    %exp3A_352 = math.exp %sub3A_351 : vector<16xf32>
    %swap3A_353 = arith.constant 24 : index
    %swap3A_354 = tpu.vector_load %arg20[%swap3A_353] {strides = array<i32>} : memref<40xf32, #tpu.memory_space<vmem>>, vector<16xf32>,
    tpu.vector_store %arg20[%swap3A_353], %exp3A_352 {strides = array<i32>} : memref<40xf32, #tpu.memory_space<vmem>>, vector<16xf32>,
    %shift_right_logical3A_355 = arith.constant 10 : i32
    %shift_right_logical3A_356 = vector.broadcast %shift_right_logical3A_355 : i32 to vector<16xi32>
    %shift_right_logical3A_357 = arith.shrui %get3A_343, %shift_right_logical3A_356 : vector<16xi32>
    %and3A_358 = arith.constant 1023 : i32
    %and3A_359 = vector.broadcast %and3A_358 : i32 to vector<16xi32>
    %and3A_360 = arith.andi %get3A_343, %and3A_359 : vector<16xi32>
    tpu.vector_store_idx %arg21[%shift_right_logical3A_357, %and3A_360], %exp3A_352 masked %ge3A_28 {add = true} : memref<10x1024xf32, #tpu.memory_space<vmem>>[vector<16xi32>, vector<16xi32>], vector<16xf32>, vector<16xi1>
    %dma_wait3A_361 = arith.constant 0 : i32
    %dma_wait3A_362 = arith.constant 0 : i32
    %dma_wait3A_363 = tpu.memref_slice %arg25[%dma_wait3A_361, %dma_wait3A_362] : memref<10112x128xf32, #tpu.memory_space<vmem_shared>> -> memref<10112x128xf32, #tpu.memory_space<vmem_shared>>
    tpu.wait_indirect_dma semaphore(%arg29 : memref<!tpu.dma_semaphore, #tpu.memory_space<semaphore_mem>>) src(%arg23 : memref<40x128xf32, #tpu.memory_space<vmem>>) dst(%dma_wait3A_363 : memref<10112x128xf32, #tpu.memory_space<vmem_shared>>)
    %dma_wait3A_364 = arith.constant 0 : i32
    %dma_wait3A_365 = arith.constant 0 : i32
    %dma_wait3A_366 = tpu.memref_slice %arg6[%dma_wait3A_364, %dma_wait3A_365] : memref<10000x128xf32, #tpu.memory_space<hbm>> -> memref<10000x128xf32, #tpu.memory_space<hbm>>
    tpu.wait_indirect_dma semaphore(%arg26 : memref<!tpu.dma_semaphore, #tpu.memory_space<semaphore_mem>>) src(%dma_wait3A_366 : memref<10000x128xf32, #tpu.memory_space<hbm>>) dst(%arg22 : memref<40x128xf32, #tpu.memory_space<vmem>>)
    %broadcast_in_dim3A_367 = arith.constant 360 : i32
    %broadcast_in_dim3A_368 = vector.broadcast %broadcast_in_dim3A_367 : i32 to vector<16xi32>
    %add3A_369 = arith.addi %broadcast_in_dim3A_368, %iota3A : vector<16xi32>
    %gather3A_370 = tpu.vector_load_idx %arg12[%add3A_369] : memref<400xi32, #tpu.memory_space<vmem>>[vector<16xi32>], vector<16xi32>,
    %swap3A_371 = arith.constant 0 : index
    %swap3A_372 = tpu.vector_load %arg17[%swap3A_371] {strides = array<i32>} : memref<40xi32, #tpu.memory_space<vmem>>, vector<16xi32>,
    tpu.vector_store %arg17[%swap3A_371], %gather3A_370 {strides = array<i32>} : memref<40xi32, #tpu.memory_space<vmem>>, vector<16xi32>,
    %gather3A_373 = tpu.vector_load_idx %arg13[%add3A_369] : memref<400xi32, #tpu.memory_space<vmem>>[vector<16xi32>], vector<16xi32>,
    %swap3A_374 = arith.constant 0 : index
    %swap3A_375 = tpu.vector_load %arg19[%swap3A_374] {strides = array<i32>} : memref<40xi32, #tpu.memory_space<vmem>>, vector<16xi32>,
    tpu.vector_store %arg19[%swap3A_374], %gather3A_373 {strides = array<i32>} : memref<40xi32, #tpu.memory_space<vmem>>, vector<16xi32>,
    %broadcast_in_dim3A_376 = arith.constant 376 : i32
    %broadcast_in_dim3A_377 = vector.broadcast %broadcast_in_dim3A_376 : i32 to vector<16xi32>
    %add3A_378 = arith.addi %broadcast_in_dim3A_377, %iota3A : vector<16xi32>
    %gather3A_379 = tpu.vector_load_idx %arg12[%add3A_378] : memref<400xi32, #tpu.memory_space<vmem>>[vector<16xi32>], vector<16xi32>,
    %swap3A_380 = arith.constant 16 : index
    %swap3A_381 = tpu.vector_load %arg17[%swap3A_380] {strides = array<i32>} : memref<40xi32, #tpu.memory_space<vmem>>, vector<16xi32>,
    tpu.vector_store %arg17[%swap3A_380], %gather3A_379 {strides = array<i32>} : memref<40xi32, #tpu.memory_space<vmem>>, vector<16xi32>,
    %gather3A_382 = tpu.vector_load_idx %arg13[%add3A_378] : memref<400xi32, #tpu.memory_space<vmem>>[vector<16xi32>], vector<16xi32>,
    %swap3A_383 = arith.constant 16 : index
    %swap3A_384 = tpu.vector_load %arg19[%swap3A_383] {strides = array<i32>} : memref<40xi32, #tpu.memory_space<vmem>>, vector<16xi32>,
    tpu.vector_store %arg19[%swap3A_383], %gather3A_382 {strides = array<i32>} : memref<40xi32, #tpu.memory_space<vmem>>, vector<16xi32>,
    %broadcast_in_dim3A_385 = arith.constant 384 : i32
    %broadcast_in_dim3A_386 = vector.broadcast %broadcast_in_dim3A_385 : i32 to vector<16xi32>
    %add3A_387 = arith.addi %broadcast_in_dim3A_386, %iota3A : vector<16xi32>
    %gather3A_388 = tpu.vector_load_idx %arg12[%add3A_387] : memref<400xi32, #tpu.memory_space<vmem>>[vector<16xi32>], vector<16xi32>,
    %swap3A_389 = arith.constant 24 : index
    %swap3A_390 = tpu.vector_load %arg17[%swap3A_389] {strides = array<i32>} : memref<40xi32, #tpu.memory_space<vmem>>, vector<16xi32>,
    tpu.vector_store %arg17[%swap3A_389], %gather3A_388 {strides = array<i32>} : memref<40xi32, #tpu.memory_space<vmem>>, vector<16xi32>,
    %gather3A_391 = tpu.vector_load_idx %arg13[%add3A_387] : memref<400xi32, #tpu.memory_space<vmem>>[vector<16xi32>], vector<16xi32>,
    %swap3A_392 = arith.constant 24 : index
    %swap3A_393 = tpu.vector_load %arg19[%swap3A_392] {strides = array<i32>} : memref<40xi32, #tpu.memory_space<vmem>>, vector<16xi32>,
    tpu.vector_store %arg19[%swap3A_392], %gather3A_391 {strides = array<i32>} : memref<40xi32, #tpu.memory_space<vmem>>, vector<16xi32>,
    %dma_start3A_394 = arith.constant 0 : i32
    %dma_start3A_395 = arith.constant 0 : i32
    %dma_start3A_396 = tpu.memref_slice %arg6[%dma_start3A_394, %dma_start3A_395] : memref<10000x128xf32, #tpu.memory_space<hbm>> -> memref<10000x128xf32, #tpu.memory_space<hbm>>
    tpu.enqueue_indirect_dma source(%dma_start3A_396 : memref<10000x128xf32, #tpu.memory_space<hbm>>) target(%arg23 : memref<40x128xf32, #tpu.memory_space<vmem>>) offsets(%arg17 : memref<40xi32, #tpu.memory_space<vmem>>) semaphore(%arg27 : memref<!tpu.dma_semaphore, #tpu.memory_space<semaphore_mem>>)
    %scan3A_397 = arith.constant 0 : i32
    %scan3A_398 = arith.constant 40 : i32
    %scan3A_399 = arith.addi %scan3A_397, %scan3A_398 : i32
    %scan3A_400 = arith.constant 4 : i32
    scf.for %scan3A_770 = %scan3A_397 to %scan3A_399 step %scan3A_400  : i32 {
      %mul3A_771 = arith.constant 1 : i32
      %mul3A_772 = arith.muli %scan3A_770, %mul3A_771 : i32
      %add3A_773 = arith.constant 0 : i32
      %add3A_774 = arith.addi %add3A_773, %mul3A_772 : i32
      %broadcast_in_dim3A_775 = vector.broadcast %add3A_774 : i32 to vector<16xi32>
      %gather3A_776 = tpu.vector_load_idx %arg20[%broadcast_in_dim3A_775] : memref<40xf32, #tpu.memory_space<vmem>>[vector<16xi32>], vector<16xf32>,
      %get3A_777 = arith.index_cast %add3A_774 : i32 to index
      %get3A_778 = arith.constant 0 : index
      %get3A_779 = tpu.vector_load %arg22[%get3A_777, %get3A_778] {strides = array<i32>} : memref<40x128xf32, #tpu.memory_space<vmem>>, vector<16xf32>,
      %mul3A_780 = arith.mulf %get3A_779, %gather3A_776 : vector<16xf32>
      %swap3A_781 = arith.index_cast %add3A_774 : i32 to index
      %swap3A_782 = arith.constant 0 : index
      %swap3A_783 = tpu.vector_load %arg22[%swap3A_781, %swap3A_782] {strides = array<i32>} : memref<40x128xf32, #tpu.memory_space<vmem>>, vector<16xf32>,
      tpu.vector_store %arg22[%swap3A_781, %swap3A_782], %mul3A_780 {strides = array<i32>} : memref<40x128xf32, #tpu.memory_space<vmem>>, vector<16xf32>,
      %get3A_784 = arith.index_cast %add3A_774 : i32 to index
      %get3A_785 = arith.constant 16 : index
      %get3A_786 = tpu.vector_load %arg22[%get3A_784, %get3A_785] {strides = array<i32>} : memref<40x128xf32, #tpu.memory_space<vmem>>, vector<16xf32>,
      %mul3A_787 = arith.mulf %get3A_786, %gather3A_776 : vector<16xf32>
      %swap3A_788 = arith.index_cast %add3A_774 : i32 to index
      %swap3A_789 = arith.constant 16 : index
      %swap3A_790 = tpu.vector_load %arg22[%swap3A_788, %swap3A_789] {strides = array<i32>} : memref<40x128xf32, #tpu.memory_space<vmem>>, vector<16xf32>,
      tpu.vector_store %arg22[%swap3A_788, %swap3A_789], %mul3A_787 {strides = array<i32>} : memref<40x128xf32, #tpu.memory_space<vmem>>, vector<16xf32>,
      %get3A_791 = arith.index_cast %add3A_774 : i32 to index
      %get3A_792 = arith.constant 32 : index
      %get3A_793 = tpu.vector_load %arg22[%get3A_791, %get3A_792] {strides = array<i32>} : memref<40x128xf32, #tpu.memory_space<vmem>>, vector<16xf32>,
      %mul3A_794 = arith.mulf %get3A_793, %gather3A_776 : vector<16xf32>
      %swap3A_795 = arith.index_cast %add3A_774 : i32 to index
      %swap3A_796 = arith.constant 32 : index
      %swap3A_797 = tpu.vector_load %arg22[%swap3A_795, %swap3A_796] {strides = array<i32>} : memref<40x128xf32, #tpu.memory_space<vmem>>, vector<16xf32>,
      tpu.vector_store %arg22[%swap3A_795, %swap3A_796], %mul3A_794 {strides = array<i32>} : memref<40x128xf32, #tpu.memory_space<vmem>>, vector<16xf32>,
      %get3A_798 = arith.index_cast %add3A_774 : i32 to index
      %get3A_799 = arith.constant 48 : index
      %get3A_800 = tpu.vector_load %arg22[%get3A_798, %get3A_799] {strides = array<i32>} : memref<40x128xf32, #tpu.memory_space<vmem>>, vector<16xf32>,
      %mul3A_801 = arith.mulf %get3A_800, %gather3A_776 : vector<16xf32>
      %swap3A_802 = arith.index_cast %add3A_774 : i32 to index
      %swap3A_803 = arith.constant 48 : index
      %swap3A_804 = tpu.vector_load %arg22[%swap3A_802, %swap3A_803] {strides = array<i32>} : memref<40x128xf32, #tpu.memory_space<vmem>>, vector<16xf32>,
      tpu.vector_store %arg22[%swap3A_802, %swap3A_803], %mul3A_801 {strides = array<i32>} : memref<40x128xf32, #tpu.memory_space<vmem>>, vector<16xf32>,
      %get3A_805 = arith.index_cast %add3A_774 : i32 to index
      %get3A_806 = arith.constant 64 : index
      %get3A_807 = tpu.vector_load %arg22[%get3A_805, %get3A_806] {strides = array<i32>} : memref<40x128xf32, #tpu.memory_space<vmem>>, vector<16xf32>,
      %mul3A_808 = arith.mulf %get3A_807, %gather3A_776 : vector<16xf32>
      %swap3A_809 = arith.index_cast %add3A_774 : i32 to index
      %swap3A_810 = arith.constant 64 : index
      %swap3A_811 = tpu.vector_load %arg22[%swap3A_809, %swap3A_810] {strides = array<i32>} : memref<40x128xf32, #tpu.memory_space<vmem>>, vector<16xf32>,
      tpu.vector_store %arg22[%swap3A_809, %swap3A_810], %mul3A_808 {strides = array<i32>} : memref<40x128xf32, #tpu.memory_space<vmem>>, vector<16xf32>,
      %get3A_812 = arith.index_cast %add3A_774 : i32 to index
      %get3A_813 = arith.constant 80 : index
      %get3A_814 = tpu.vector_load %arg22[%get3A_812, %get3A_813] {strides = array<i32>} : memref<40x128xf32, #tpu.memory_space<vmem>>, vector<16xf32>,
      %mul3A_815 = arith.mulf %get3A_814, %gather3A_776 : vector<16xf32>
      %swap3A_816 = arith.index_cast %add3A_774 : i32 to index
      %swap3A_817 = arith.constant 80 : index
      %swap3A_818 = tpu.vector_load %arg22[%swap3A_816, %swap3A_817] {strides = array<i32>} : memref<40x128xf32, #tpu.memory_space<vmem>>, vector<16xf32>,
      tpu.vector_store %arg22[%swap3A_816, %swap3A_817], %mul3A_815 {strides = array<i32>} : memref<40x128xf32, #tpu.memory_space<vmem>>, vector<16xf32>,
      %get3A_819 = arith.index_cast %add3A_774 : i32 to index
      %get3A_820 = arith.constant 96 : index
      %get3A_821 = tpu.vector_load %arg22[%get3A_819, %get3A_820] {strides = array<i32>} : memref<40x128xf32, #tpu.memory_space<vmem>>, vector<16xf32>,
      %mul3A_822 = arith.mulf %get3A_821, %gather3A_776 : vector<16xf32>
      %swap3A_823 = arith.index_cast %add3A_774 : i32 to index
      %swap3A_824 = arith.constant 96 : index
      %swap3A_825 = tpu.vector_load %arg22[%swap3A_823, %swap3A_824] {strides = array<i32>} : memref<40x128xf32, #tpu.memory_space<vmem>>, vector<16xf32>,
      tpu.vector_store %arg22[%swap3A_823, %swap3A_824], %mul3A_822 {strides = array<i32>} : memref<40x128xf32, #tpu.memory_space<vmem>>, vector<16xf32>,
      %get3A_826 = arith.index_cast %add3A_774 : i32 to index
      %get3A_827 = arith.constant 112 : index
      %get3A_828 = tpu.vector_load %arg22[%get3A_826, %get3A_827] {strides = array<i32>} : memref<40x128xf32, #tpu.memory_space<vmem>>, vector<16xf32>,
      %mul3A_829 = arith.mulf %get3A_828, %gather3A_776 : vector<16xf32>
      %swap3A_830 = arith.index_cast %add3A_774 : i32 to index
      %swap3A_831 = arith.constant 112 : index
      %swap3A_832 = tpu.vector_load %arg22[%swap3A_830, %swap3A_831] {strides = array<i32>} : memref<40x128xf32, #tpu.memory_space<vmem>>, vector<16xf32>,
      tpu.vector_store %arg22[%swap3A_830, %swap3A_831], %mul3A_829 {strides = array<i32>} : memref<40x128xf32, #tpu.memory_space<vmem>>, vector<16xf32>,
      %scan3A_833 = arith.constant 1 : i32
      %scan3A_834 = arith.addi %scan3A_770, %scan3A_833 : i32
      %mul3A_835 = arith.constant 1 : i32
      %mul3A_836 = arith.muli %scan3A_834, %mul3A_835 : i32
      %add3A_837 = arith.constant 0 : i32
      %add3A_838 = arith.addi %add3A_837, %mul3A_836 : i32
      %broadcast_in_dim3A_839 = vector.broadcast %add3A_838 : i32 to vector<16xi32>
      %gather3A_840 = tpu.vector_load_idx %arg20[%broadcast_in_dim3A_839] : memref<40xf32, #tpu.memory_space<vmem>>[vector<16xi32>], vector<16xf32>,
      %get3A_841 = arith.index_cast %add3A_838 : i32 to index
      %get3A_842 = arith.constant 0 : index
      %get3A_843 = tpu.vector_load %arg22[%get3A_841, %get3A_842] {strides = array<i32>} : memref<40x128xf32, #tpu.memory_space<vmem>>, vector<16xf32>,
      %mul3A_844 = arith.mulf %get3A_843, %gather3A_840 : vector<16xf32>
      %swap3A_845 = arith.index_cast %add3A_838 : i32 to index
      %swap3A_846 = arith.constant 0 : index
      %swap3A_847 = tpu.vector_load %arg22[%swap3A_845, %swap3A_846] {strides = array<i32>} : memref<40x128xf32, #tpu.memory_space<vmem>>, vector<16xf32>,
      tpu.vector_store %arg22[%swap3A_845, %swap3A_846], %mul3A_844 {strides = array<i32>} : memref<40x128xf32, #tpu.memory_space<vmem>>, vector<16xf32>,
      %get3A_848 = arith.index_cast %add3A_838 : i32 to index
      %get3A_849 = arith.constant 16 : index
      %get3A_850 = tpu.vector_load %arg22[%get3A_848, %get3A_849] {strides = array<i32>} : memref<40x128xf32, #tpu.memory_space<vmem>>, vector<16xf32>,
      %mul3A_851 = arith.mulf %get3A_850, %gather3A_840 : vector<16xf32>
      %swap3A_852 = arith.index_cast %add3A_838 : i32 to index
      %swap3A_853 = arith.constant 16 : index
      %swap3A_854 = tpu.vector_load %arg22[%swap3A_852, %swap3A_853] {strides = array<i32>} : memref<40x128xf32, #tpu.memory_space<vmem>>, vector<16xf32>,
      tpu.vector_store %arg22[%swap3A_852, %swap3A_853], %mul3A_851 {strides = array<i32>} : memref<40x128xf32, #tpu.memory_space<vmem>>, vector<16xf32>,
      %get3A_855 = arith.index_cast %add3A_838 : i32 to index
      %get3A_856 = arith.constant 32 : index
      %get3A_857 = tpu.vector_load %arg22[%get3A_855, %get3A_856] {strides = array<i32>} : memref<40x128xf32, #tpu.memory_space<vmem>>, vector<16xf32>,
      %mul3A_858 = arith.mulf %get3A_857, %gather3A_840 : vector<16xf32>
      %swap3A_859 = arith.index_cast %add3A_838 : i32 to index
      %swap3A_860 = arith.constant 32 : index
      %swap3A_861 = tpu.vector_load %arg22[%swap3A_859, %swap3A_860] {strides = array<i32>} : memref<40x128xf32, #tpu.memory_space<vmem>>, vector<16xf32>,
      tpu.vector_store %arg22[%swap3A_859, %swap3A_860], %mul3A_858 {strides = array<i32>} : memref<40x128xf32, #tpu.memory_space<vmem>>, vector<16xf32>,
      %get3A_862 = arith.index_cast %add3A_838 : i32 to index
      %get3A_863 = arith.constant 48 : index
      %get3A_864 = tpu.vector_load %arg22[%get3A_862, %get3A_863] {strides = array<i32>} : memref<40x128xf32, #tpu.memory_space<vmem>>, vector<16xf32>,
      %mul3A_865 = arith.mulf %get3A_864, %gather3A_840 : vector<16xf32>
      %swap3A_866 = arith.index_cast %add3A_838 : i32 to index
      %swap3A_867 = arith.constant 48 : index
      %swap3A_868 = tpu.vector_load %arg22[%swap3A_866, %swap3A_867] {strides = array<i32>} : memref<40x128xf32, #tpu.memory_space<vmem>>, vector<16xf32>,
      tpu.vector_store %arg22[%swap3A_866, %swap3A_867], %mul3A_865 {strides = array<i32>} : memref<40x128xf32, #tpu.memory_space<vmem>>, vector<16xf32>,
      %get3A_869 = arith.index_cast %add3A_838 : i32 to index
      %get3A_870 = arith.constant 64 : index
      %get3A_871 = tpu.vector_load %arg22[%get3A_869, %get3A_870] {strides = array<i32>} : memref<40x128xf32, #tpu.memory_space<vmem>>, vector<16xf32>,
      %mul3A_872 = arith.mulf %get3A_871, %gather3A_840 : vector<16xf32>
      %swap3A_873 = arith.index_cast %add3A_838 : i32 to index
      %swap3A_874 = arith.constant 64 : index
      %swap3A_875 = tpu.vector_load %arg22[%swap3A_873, %swap3A_874] {strides = array<i32>} : memref<40x128xf32, #tpu.memory_space<vmem>>, vector<16xf32>,
      tpu.vector_store %arg22[%swap3A_873, %swap3A_874], %mul3A_872 {strides = array<i32>} : memref<40x128xf32, #tpu.memory_space<vmem>>, vector<16xf32>,
      %get3A_876 = arith.index_cast %add3A_838 : i32 to index
      %get3A_877 = arith.constant 80 : index
      %get3A_878 = tpu.vector_load %arg22[%get3A_876, %get3A_877] {strides = array<i32>} : memref<40x128xf32, #tpu.memory_space<vmem>>, vector<16xf32>,
      %mul3A_879 = arith.mulf %get3A_878, %gather3A_840 : vector<16xf32>
      %swap3A_880 = arith.index_cast %add3A_838 : i32 to index
      %swap3A_881 = arith.constant 80 : index
      %swap3A_882 = tpu.vector_load %arg22[%swap3A_880, %swap3A_881] {strides = array<i32>} : memref<40x128xf32, #tpu.memory_space<vmem>>, vector<16xf32>,
      tpu.vector_store %arg22[%swap3A_880, %swap3A_881], %mul3A_879 {strides = array<i32>} : memref<40x128xf32, #tpu.memory_space<vmem>>, vector<16xf32>,
      %get3A_883 = arith.index_cast %add3A_838 : i32 to index
      %get3A_884 = arith.constant 96 : index
      %get3A_885 = tpu.vector_load %arg22[%get3A_883, %get3A_884] {strides = array<i32>} : memref<40x128xf32, #tpu.memory_space<vmem>>, vector<16xf32>,
      %mul3A_886 = arith.mulf %get3A_885, %gather3A_840 : vector<16xf32>
      %swap3A_887 = arith.index_cast %add3A_838 : i32 to index
      %swap3A_888 = arith.constant 96 : index
      %swap3A_889 = tpu.vector_load %arg22[%swap3A_887, %swap3A_888] {strides = array<i32>} : memref<40x128xf32, #tpu.memory_space<vmem>>, vector<16xf32>,
      tpu.vector_store %arg22[%swap3A_887, %swap3A_888], %mul3A_886 {strides = array<i32>} : memref<40x128xf32, #tpu.memory_space<vmem>>, vector<16xf32>,
      %get3A_890 = arith.index_cast %add3A_838 : i32 to index
      %get3A_891 = arith.constant 112 : index
      %get3A_892 = tpu.vector_load %arg22[%get3A_890, %get3A_891] {strides = array<i32>} : memref<40x128xf32, #tpu.memory_space<vmem>>, vector<16xf32>,
      %mul3A_893 = arith.mulf %get3A_892, %gather3A_840 : vector<16xf32>
      %swap3A_894 = arith.index_cast %add3A_838 : i32 to index
      %swap3A_895 = arith.constant 112 : index
      %swap3A_896 = tpu.vector_load %arg22[%swap3A_894, %swap3A_895] {strides = array<i32>} : memref<40x128xf32, #tpu.memory_space<vmem>>, vector<16xf32>,
      tpu.vector_store %arg22[%swap3A_894, %swap3A_895], %mul3A_893 {strides = array<i32>} : memref<40x128xf32, #tpu.memory_space<vmem>>, vector<16xf32>,
      %scan3A_897 = arith.constant 2 : i32
      %scan3A_898 = arith.addi %scan3A_770, %scan3A_897 : i32
      %mul3A_899 = arith.constant 1 : i32
      %mul3A_900 = arith.muli %scan3A_898, %mul3A_899 : i32
      %add3A_901 = arith.constant 0 : i32
      %add3A_902 = arith.addi %add3A_901, %mul3A_900 : i32
      %broadcast_in_dim3A_903 = vector.broadcast %add3A_902 : i32 to vector<16xi32>
      %gather3A_904 = tpu.vector_load_idx %arg20[%broadcast_in_dim3A_903] : memref<40xf32, #tpu.memory_space<vmem>>[vector<16xi32>], vector<16xf32>,
      %get3A_905 = arith.index_cast %add3A_902 : i32 to index
      %get3A_906 = arith.constant 0 : index
      %get3A_907 = tpu.vector_load %arg22[%get3A_905, %get3A_906] {strides = array<i32>} : memref<40x128xf32, #tpu.memory_space<vmem>>, vector<16xf32>,
      %mul3A_908 = arith.mulf %get3A_907, %gather3A_904 : vector<16xf32>
      %swap3A_909 = arith.index_cast %add3A_902 : i32 to index
      %swap3A_910 = arith.constant 0 : index
      %swap3A_911 = tpu.vector_load %arg22[%swap3A_909, %swap3A_910] {strides = array<i32>} : memref<40x128xf32, #tpu.memory_space<vmem>>, vector<16xf32>,
      tpu.vector_store %arg22[%swap3A_909, %swap3A_910], %mul3A_908 {strides = array<i32>} : memref<40x128xf32, #tpu.memory_space<vmem>>, vector<16xf32>,
      %get3A_912 = arith.index_cast %add3A_902 : i32 to index
      %get3A_913 = arith.constant 16 : index
      %get3A_914 = tpu.vector_load %arg22[%get3A_912, %get3A_913] {strides = array<i32>} : memref<40x128xf32, #tpu.memory_space<vmem>>, vector<16xf32>,
      %mul3A_915 = arith.mulf %get3A_914, %gather3A_904 : vector<16xf32>
      %swap3A_916 = arith.index_cast %add3A_902 : i32 to index
      %swap3A_917 = arith.constant 16 : index
      %swap3A_918 = tpu.vector_load %arg22[%swap3A_916, %swap3A_917] {strides = array<i32>} : memref<40x128xf32, #tpu.memory_space<vmem>>, vector<16xf32>,
      tpu.vector_store %arg22[%swap3A_916, %swap3A_917], %mul3A_915 {strides = array<i32>} : memref<40x128xf32, #tpu.memory_space<vmem>>, vector<16xf32>,
      %get3A_919 = arith.index_cast %add3A_902 : i32 to index
      %get3A_920 = arith.constant 32 : index
      %get3A_921 = tpu.vector_load %arg22[%get3A_919, %get3A_920] {strides = array<i32>} : memref<40x128xf32, #tpu.memory_space<vmem>>, vector<16xf32>,
      %mul3A_922 = arith.mulf %get3A_921, %gather3A_904 : vector<16xf32>
      %swap3A_923 = arith.index_cast %add3A_902 : i32 to index
      %swap3A_924 = arith.constant 32 : index
      %swap3A_925 = tpu.vector_load %arg22[%swap3A_923, %swap3A_924] {strides = array<i32>} : memref<40x128xf32, #tpu.memory_space<vmem>>, vector<16xf32>,
      tpu.vector_store %arg22[%swap3A_923, %swap3A_924], %mul3A_922 {strides = array<i32>} : memref<40x128xf32, #tpu.memory_space<vmem>>, vector<16xf32>,
      %get3A_926 = arith.index_cast %add3A_902 : i32 to index
      %get3A_927 = arith.constant 48 : index
      %get3A_928 = tpu.vector_load %arg22[%get3A_926, %get3A_927] {strides = array<i32>} : memref<40x128xf32, #tpu.memory_space<vmem>>, vector<16xf32>,
      %mul3A_929 = arith.mulf %get3A_928, %gather3A_904 : vector<16xf32>
      %swap3A_930 = arith.index_cast %add3A_902 : i32 to index
      %swap3A_931 = arith.constant 48 : index
      %swap3A_932 = tpu.vector_load %arg22[%swap3A_930, %swap3A_931] {strides = array<i32>} : memref<40x128xf32, #tpu.memory_space<vmem>>, vector<16xf32>,
      tpu.vector_store %arg22[%swap3A_930, %swap3A_931], %mul3A_929 {strides = array<i32>} : memref<40x128xf32, #tpu.memory_space<vmem>>, vector<16xf32>,
      %get3A_933 = arith.index_cast %add3A_902 : i32 to index
      %get3A_934 = arith.constant 64 : index
      %get3A_935 = tpu.vector_load %arg22[%get3A_933, %get3A_934] {strides = array<i32>} : memref<40x128xf32, #tpu.memory_space<vmem>>, vector<16xf32>,
      %mul3A_936 = arith.mulf %get3A_935, %gather3A_904 : vector<16xf32>
      %swap3A_937 = arith.index_cast %add3A_902 : i32 to index
      %swap3A_938 = arith.constant 64 : index
      %swap3A_939 = tpu.vector_load %arg22[%swap3A_937, %swap3A_938] {strides = array<i32>} : memref<40x128xf32, #tpu.memory_space<vmem>>, vector<16xf32>,
      tpu.vector_store %arg22[%swap3A_937, %swap3A_938], %mul3A_936 {strides = array<i32>} : memref<40x128xf32, #tpu.memory_space<vmem>>, vector<16xf32>,
      %get3A_940 = arith.index_cast %add3A_902 : i32 to index
      %get3A_941 = arith.constant 80 : index
      %get3A_942 = tpu.vector_load %arg22[%get3A_940, %get3A_941] {strides = array<i32>} : memref<40x128xf32, #tpu.memory_space<vmem>>, vector<16xf32>,
      %mul3A_943 = arith.mulf %get3A_942, %gather3A_904 : vector<16xf32>
      %swap3A_944 = arith.index_cast %add3A_902 : i32 to index
      %swap3A_945 = arith.constant 80 : index
      %swap3A_946 = tpu.vector_load %arg22[%swap3A_944, %swap3A_945] {strides = array<i32>} : memref<40x128xf32, #tpu.memory_space<vmem>>, vector<16xf32>,
      tpu.vector_store %arg22[%swap3A_944, %swap3A_945], %mul3A_943 {strides = array<i32>} : memref<40x128xf32, #tpu.memory_space<vmem>>, vector<16xf32>,
      %get3A_947 = arith.index_cast %add3A_902 : i32 to index
      %get3A_948 = arith.constant 96 : index
      %get3A_949 = tpu.vector_load %arg22[%get3A_947, %get3A_948] {strides = array<i32>} : memref<40x128xf32, #tpu.memory_space<vmem>>, vector<16xf32>,
      %mul3A_950 = arith.mulf %get3A_949, %gather3A_904 : vector<16xf32>
      %swap3A_951 = arith.index_cast %add3A_902 : i32 to index
      %swap3A_952 = arith.constant 96 : index
      %swap3A_953 = tpu.vector_load %arg22[%swap3A_951, %swap3A_952] {strides = array<i32>} : memref<40x128xf32, #tpu.memory_space<vmem>>, vector<16xf32>,
      tpu.vector_store %arg22[%swap3A_951, %swap3A_952], %mul3A_950 {strides = array<i32>} : memref<40x128xf32, #tpu.memory_space<vmem>>, vector<16xf32>,
      %get3A_954 = arith.index_cast %add3A_902 : i32 to index
      %get3A_955 = arith.constant 112 : index
      %get3A_956 = tpu.vector_load %arg22[%get3A_954, %get3A_955] {strides = array<i32>} : memref<40x128xf32, #tpu.memory_space<vmem>>, vector<16xf32>,
      %mul3A_957 = arith.mulf %get3A_956, %gather3A_904 : vector<16xf32>
      %swap3A_958 = arith.index_cast %add3A_902 : i32 to index
      %swap3A_959 = arith.constant 112 : index
      %swap3A_960 = tpu.vector_load %arg22[%swap3A_958, %swap3A_959] {strides = array<i32>} : memref<40x128xf32, #tpu.memory_space<vmem>>, vector<16xf32>,
      tpu.vector_store %arg22[%swap3A_958, %swap3A_959], %mul3A_957 {strides = array<i32>} : memref<40x128xf32, #tpu.memory_space<vmem>>, vector<16xf32>,
      %scan3A_961 = arith.constant 3 : i32
      %scan3A_962 = arith.addi %scan3A_770, %scan3A_961 : i32
      %mul3A_963 = arith.constant 1 : i32
      %mul3A_964 = arith.muli %scan3A_962, %mul3A_963 : i32
      %add3A_965 = arith.constant 0 : i32
      %add3A_966 = arith.addi %add3A_965, %mul3A_964 : i32
      %broadcast_in_dim3A_967 = vector.broadcast %add3A_966 : i32 to vector<16xi32>
      %gather3A_968 = tpu.vector_load_idx %arg20[%broadcast_in_dim3A_967] : memref<40xf32, #tpu.memory_space<vmem>>[vector<16xi32>], vector<16xf32>,
      %get3A_969 = arith.index_cast %add3A_966 : i32 to index
      %get3A_970 = arith.constant 0 : index
      %get3A_971 = tpu.vector_load %arg22[%get3A_969, %get3A_970] {strides = array<i32>} : memref<40x128xf32, #tpu.memory_space<vmem>>, vector<16xf32>,
      %mul3A_972 = arith.mulf %get3A_971, %gather3A_968 : vector<16xf32>
      %swap3A_973 = arith.index_cast %add3A_966 : i32 to index
      %swap3A_974 = arith.constant 0 : index
      %swap3A_975 = tpu.vector_load %arg22[%swap3A_973, %swap3A_974] {strides = array<i32>} : memref<40x128xf32, #tpu.memory_space<vmem>>, vector<16xf32>,
      tpu.vector_store %arg22[%swap3A_973, %swap3A_974], %mul3A_972 {strides = array<i32>} : memref<40x128xf32, #tpu.memory_space<vmem>>, vector<16xf32>,
      %get3A_976 = arith.index_cast %add3A_966 : i32 to index
      %get3A_977 = arith.constant 16 : index
      %get3A_978 = tpu.vector_load %arg22[%get3A_976, %get3A_977] {strides = array<i32>} : memref<40x128xf32, #tpu.memory_space<vmem>>, vector<16xf32>,
      %mul3A_979 = arith.mulf %get3A_978, %gather3A_968 : vector<16xf32>
      %swap3A_980 = arith.index_cast %add3A_966 : i32 to index
      %swap3A_981 = arith.constant 16 : index
      %swap3A_982 = tpu.vector_load %arg22[%swap3A_980, %swap3A_981] {strides = array<i32>} : memref<40x128xf32, #tpu.memory_space<vmem>>, vector<16xf32>,
      tpu.vector_store %arg22[%swap3A_980, %swap3A_981], %mul3A_979 {strides = array<i32>} : memref<40x128xf32, #tpu.memory_space<vmem>>, vector<16xf32>,
      %get3A_983 = arith.index_cast %add3A_966 : i32 to index
      %get3A_984 = arith.constant 32 : index
      %get3A_985 = tpu.vector_load %arg22[%get3A_983, %get3A_984] {strides = array<i32>} : memref<40x128xf32, #tpu.memory_space<vmem>>, vector<16xf32>,
      %mul3A_986 = arith.mulf %get3A_985, %gather3A_968 : vector<16xf32>
      %swap3A_987 = arith.index_cast %add3A_966 : i32 to index
      %swap3A_988 = arith.constant 32 : index
      %swap3A_989 = tpu.vector_load %arg22[%swap3A_987, %swap3A_988] {strides = array<i32>} : memref<40x128xf32, #tpu.memory_space<vmem>>, vector<16xf32>,
      tpu.vector_store %arg22[%swap3A_987, %swap3A_988], %mul3A_986 {strides = array<i32>} : memref<40x128xf32, #tpu.memory_space<vmem>>, vector<16xf32>,
      %get3A_990 = arith.index_cast %add3A_966 : i32 to index
      %get3A_991 = arith.constant 48 : index
      %get3A_992 = tpu.vector_load %arg22[%get3A_990, %get3A_991] {strides = array<i32>} : memref<40x128xf32, #tpu.memory_space<vmem>>, vector<16xf32>,
      %mul3A_993 = arith.mulf %get3A_992, %gather3A_968 : vector<16xf32>
      %swap3A_994 = arith.index_cast %add3A_966 : i32 to index
      %swap3A_995 = arith.constant 48 : index
      %swap3A_996 = tpu.vector_load %arg22[%swap3A_994, %swap3A_995] {strides = array<i32>} : memref<40x128xf32, #tpu.memory_space<vmem>>, vector<16xf32>,
      tpu.vector_store %arg22[%swap3A_994, %swap3A_995], %mul3A_993 {strides = array<i32>} : memref<40x128xf32, #tpu.memory_space<vmem>>, vector<16xf32>,
      %get3A_997 = arith.index_cast %add3A_966 : i32 to index
      %get3A_998 = arith.constant 64 : index
      %get3A_999 = tpu.vector_load %arg22[%get3A_997, %get3A_998] {strides = array<i32>} : memref<40x128xf32, #tpu.memory_space<vmem>>, vector<16xf32>,
      %mul3A_1000 = arith.mulf %get3A_999, %gather3A_968 : vector<16xf32>
      %swap3A_1001 = arith.index_cast %add3A_966 : i32 to index
      %swap3A_1002 = arith.constant 64 : index
      %swap3A_1003 = tpu.vector_load %arg22[%swap3A_1001, %swap3A_1002] {strides = array<i32>} : memref<40x128xf32, #tpu.memory_space<vmem>>, vector<16xf32>,
      tpu.vector_store %arg22[%swap3A_1001, %swap3A_1002], %mul3A_1000 {strides = array<i32>} : memref<40x128xf32, #tpu.memory_space<vmem>>, vector<16xf32>,
      %get3A_1004 = arith.index_cast %add3A_966 : i32 to index
      %get3A_1005 = arith.constant 80 : index
      %get3A_1006 = tpu.vector_load %arg22[%get3A_1004, %get3A_1005] {strides = array<i32>} : memref<40x128xf32, #tpu.memory_space<vmem>>, vector<16xf32>,
      %mul3A_1007 = arith.mulf %get3A_1006, %gather3A_968 : vector<16xf32>
      %swap3A_1008 = arith.index_cast %add3A_966 : i32 to index
      %swap3A_1009 = arith.constant 80 : index
      %swap3A_1010 = tpu.vector_load %arg22[%swap3A_1008, %swap3A_1009] {strides = array<i32>} : memref<40x128xf32, #tpu.memory_space<vmem>>, vector<16xf32>,
      tpu.vector_store %arg22[%swap3A_1008, %swap3A_1009], %mul3A_1007 {strides = array<i32>} : memref<40x128xf32, #tpu.memory_space<vmem>>, vector<16xf32>,
      %get3A_1011 = arith.index_cast %add3A_966 : i32 to index
      %get3A_1012 = arith.constant 96 : index
      %get3A_1013 = tpu.vector_load %arg22[%get3A_1011, %get3A_1012] {strides = array<i32>} : memref<40x128xf32, #tpu.memory_space<vmem>>, vector<16xf32>,
      %mul3A_1014 = arith.mulf %get3A_1013, %gather3A_968 : vector<16xf32>
      %swap3A_1015 = arith.index_cast %add3A_966 : i32 to index
      %swap3A_1016 = arith.constant 96 : index
      %swap3A_1017 = tpu.vector_load %arg22[%swap3A_1015, %swap3A_1016] {strides = array<i32>} : memref<40x128xf32, #tpu.memory_space<vmem>>, vector<16xf32>,
      tpu.vector_store %arg22[%swap3A_1015, %swap3A_1016], %mul3A_1014 {strides = array<i32>} : memref<40x128xf32, #tpu.memory_space<vmem>>, vector<16xf32>,
      %get3A_1018 = arith.index_cast %add3A_966 : i32 to index
      %get3A_1019 = arith.constant 112 : index
      %get3A_1020 = tpu.vector_load %arg22[%get3A_1018, %get3A_1019] {strides = array<i32>} : memref<40x128xf32, #tpu.memory_space<vmem>>, vector<16xf32>,
      %mul3A_1021 = arith.mulf %get3A_1020, %gather3A_968 : vector<16xf32>
      %swap3A_1022 = arith.index_cast %add3A_966 : i32 to index
      %swap3A_1023 = arith.constant 112 : index
      %swap3A_1024 = tpu.vector_load %arg22[%swap3A_1022, %swap3A_1023] {strides = array<i32>} : memref<40x128xf32, #tpu.memory_space<vmem>>, vector<16xf32>,
      tpu.vector_store %arg22[%swap3A_1022, %swap3A_1023], %mul3A_1021 {strides = array<i32>} : memref<40x128xf32, #tpu.memory_space<vmem>>, vector<16xf32>,
    }
    %scan3A_401 = arith.constant 40 : i32
    %dma_start3A_402 = arith.constant 0 : i32
    %dma_start3A_403 = arith.constant 0 : i32
    %dma_start3A_404 = tpu.memref_slice %arg25[%dma_start3A_402, %dma_start3A_403] : memref<10112x128xf32, #tpu.memory_space<vmem_shared>> -> memref<10112x128xf32, #tpu.memory_space<vmem_shared>>
    tpu.enqueue_indirect_dma source(%arg22 : memref<40x128xf32, #tpu.memory_space<vmem>>) target(%dma_start3A_404 : memref<10112x128xf32, #tpu.memory_space<vmem_shared>>) offsets(%arg18 : memref<40xi32, #tpu.memory_space<vmem>>) semaphore(%arg28 : memref<!tpu.dma_semaphore, #tpu.memory_space<semaphore_mem>>) {add = true}
    %get3A_405 = arith.constant 0 : index
    %get3A_406 = tpu.vector_load %arg17[%get3A_405] {strides = array<i32>} : memref<40xi32, #tpu.memory_space<vmem>>, vector<16xi32>,
    %get3A_407 = arith.constant 0 : index
    %get3A_408 = tpu.vector_load %arg19[%get3A_407] {strides = array<i32>} : memref<40xi32, #tpu.memory_space<vmem>>, vector<16xi32>,
    %gather3A_409 = tpu.vector_load_idx %arg10[%get3A_406] : memref<10000xf32, #tpu.memory_space<vmem>>[vector<16xi32>], vector<16xf32>,
    %gather3A_410 = tpu.vector_load_idx %arg11[%get3A_408] : memref<10000xf32, #tpu.memory_space<vmem>>[vector<16xi32>], vector<16xf32>,
    %add3A_411 = arith.addf %gather3A_409, %gather3A_410 : vector<16xf32>
    %mul3A_412 = arith.constant 2.000000e-01 : f32
    %mul3A_413 = vector.broadcast %mul3A_412 : f32 to vector<16xf32>
    %mul3A_414 = arith.mulf %mul3A_413, %add3A_411 : vector<16xf32>
    %max3A_415 = arith.maximumf %add3A_411, %mul3A_414 : vector<16xf32>
    %sub3A_416 = arith.subf %max3A_415, %max3A : vector<16xf32>
    %exp3A_417 = math.exp %sub3A_416 : vector<16xf32>
    %swap3A_418 = arith.constant 0 : index
    %swap3A_419 = tpu.vector_load %arg20[%swap3A_418] {strides = array<i32>} : memref<40xf32, #tpu.memory_space<vmem>>, vector<16xf32>,
    tpu.vector_store %arg20[%swap3A_418], %exp3A_417 {strides = array<i32>} : memref<40xf32, #tpu.memory_space<vmem>>, vector<16xf32>,
    %shift_right_logical3A_420 = arith.constant 10 : i32
    %shift_right_logical3A_421 = vector.broadcast %shift_right_logical3A_420 : i32 to vector<16xi32>
    %shift_right_logical3A_422 = arith.shrui %get3A_408, %shift_right_logical3A_421 : vector<16xi32>
    %and3A_423 = arith.constant 1023 : i32
    %and3A_424 = vector.broadcast %and3A_423 : i32 to vector<16xi32>
    %and3A_425 = arith.andi %get3A_408, %and3A_424 : vector<16xi32>
    tpu.vector_store_idx %arg21[%shift_right_logical3A_422, %and3A_425], %exp3A_417 {add = true} : memref<10x1024xf32, #tpu.memory_space<vmem>>[vector<16xi32>, vector<16xi32>], vector<16xf32>,
    %get3A_426 = arith.constant 16 : index
    %get3A_427 = tpu.vector_load %arg17[%get3A_426] {strides = array<i32>} : memref<40xi32, #tpu.memory_space<vmem>>, vector<16xi32>,
    %get3A_428 = arith.constant 16 : index
    %get3A_429 = tpu.vector_load %arg19[%get3A_428] {strides = array<i32>} : memref<40xi32, #tpu.memory_space<vmem>>, vector<16xi32>,
    %gather3A_430 = tpu.vector_load_idx %arg10[%get3A_427] : memref<10000xf32, #tpu.memory_space<vmem>>[vector<16xi32>], vector<16xf32>,
    %gather3A_431 = tpu.vector_load_idx %arg11[%get3A_429] : memref<10000xf32, #tpu.memory_space<vmem>>[vector<16xi32>], vector<16xf32>,
    %add3A_432 = arith.addf %gather3A_430, %gather3A_431 : vector<16xf32>
    %mul3A_433 = arith.constant 2.000000e-01 : f32
    %mul3A_434 = vector.broadcast %mul3A_433 : f32 to vector<16xf32>
    %mul3A_435 = arith.mulf %mul3A_434, %add3A_432 : vector<16xf32>
    %max3A_436 = arith.maximumf %add3A_432, %mul3A_435 : vector<16xf32>
    %sub3A_437 = arith.subf %max3A_436, %max3A : vector<16xf32>
    %exp3A_438 = math.exp %sub3A_437 : vector<16xf32>
    %swap3A_439 = arith.constant 16 : index
    %swap3A_440 = tpu.vector_load %arg20[%swap3A_439] {strides = array<i32>} : memref<40xf32, #tpu.memory_space<vmem>>, vector<16xf32>,
    tpu.vector_store %arg20[%swap3A_439], %exp3A_438 {strides = array<i32>} : memref<40xf32, #tpu.memory_space<vmem>>, vector<16xf32>,
    %shift_right_logical3A_441 = arith.constant 10 : i32
    %shift_right_logical3A_442 = vector.broadcast %shift_right_logical3A_441 : i32 to vector<16xi32>
    %shift_right_logical3A_443 = arith.shrui %get3A_429, %shift_right_logical3A_442 : vector<16xi32>
    %and3A_444 = arith.constant 1023 : i32
    %and3A_445 = vector.broadcast %and3A_444 : i32 to vector<16xi32>
    %and3A_446 = arith.andi %get3A_429, %and3A_445 : vector<16xi32>
    tpu.vector_store_idx %arg21[%shift_right_logical3A_443, %and3A_446], %exp3A_438 {add = true} : memref<10x1024xf32, #tpu.memory_space<vmem>>[vector<16xi32>, vector<16xi32>], vector<16xf32>,
    %get3A_447 = arith.constant 24 : index
    %get3A_448 = tpu.vector_load %arg17[%get3A_447] {strides = array<i32>} : memref<40xi32, #tpu.memory_space<vmem>>, vector<16xi32>,
    %get3A_449 = arith.constant 24 : index
    %get3A_450 = tpu.vector_load %arg19[%get3A_449] {strides = array<i32>} : memref<40xi32, #tpu.memory_space<vmem>>, vector<16xi32>,
    %gather3A_451 = tpu.vector_load_idx %arg10[%get3A_448] : memref<10000xf32, #tpu.memory_space<vmem>>[vector<16xi32>], vector<16xf32>,
    %gather3A_452 = tpu.vector_load_idx %arg11[%get3A_450] : memref<10000xf32, #tpu.memory_space<vmem>>[vector<16xi32>], vector<16xf32>,
    %add3A_453 = arith.addf %gather3A_451, %gather3A_452 : vector<16xf32>
    %mul3A_454 = arith.constant 2.000000e-01 : f32
    %mul3A_455 = vector.broadcast %mul3A_454 : f32 to vector<16xf32>
    %mul3A_456 = arith.mulf %mul3A_455, %add3A_453 : vector<16xf32>
    %max3A_457 = arith.maximumf %add3A_453, %mul3A_456 : vector<16xf32>
    %sub3A_458 = arith.subf %max3A_457, %max3A : vector<16xf32>
    %exp3A_459 = math.exp %sub3A_458 : vector<16xf32>
    %swap3A_460 = arith.constant 24 : index
    %swap3A_461 = tpu.vector_load %arg20[%swap3A_460] {strides = array<i32>} : memref<40xf32, #tpu.memory_space<vmem>>, vector<16xf32>,
    tpu.vector_store %arg20[%swap3A_460], %exp3A_459 {strides = array<i32>} : memref<40xf32, #tpu.memory_space<vmem>>, vector<16xf32>,
    %shift_right_logical3A_462 = arith.constant 10 : i32
    %shift_right_logical3A_463 = vector.broadcast %shift_right_logical3A_462 : i32 to vector<16xi32>
    %shift_right_logical3A_464 = arith.shrui %get3A_450, %shift_right_logical3A_463 : vector<16xi32>
    %and3A_465 = arith.constant 1023 : i32
    %and3A_466 = vector.broadcast %and3A_465 : i32 to vector<16xi32>
    %and3A_467 = arith.andi %get3A_450, %and3A_466 : vector<16xi32>
    tpu.vector_store_idx %arg21[%shift_right_logical3A_464, %and3A_467], %exp3A_459 masked %ge3A_28 {add = true} : memref<10x1024xf32, #tpu.memory_space<vmem>>[vector<16xi32>, vector<16xi32>], vector<16xf32>, vector<16xi1>
    %dma_wait3A_468 = arith.constant 0 : i32
    %dma_wait3A_469 = arith.constant 0 : i32
    %dma_wait3A_470 = tpu.memref_slice %arg25[%dma_wait3A_468, %dma_wait3A_469] : memref<10112x128xf32, #tpu.memory_space<vmem_shared>> -> memref<10112x128xf32, #tpu.memory_space<vmem_shared>>
    tpu.wait_indirect_dma semaphore(%arg28 : memref<!tpu.dma_semaphore, #tpu.memory_space<semaphore_mem>>) src(%arg22 : memref<40x128xf32, #tpu.memory_space<vmem>>) dst(%dma_wait3A_470 : memref<10112x128xf32, #tpu.memory_space<vmem_shared>>)
    %dma_wait3A_471 = arith.constant 0 : i32
    %dma_wait3A_472 = arith.constant 0 : i32
    %dma_wait3A_473 = tpu.memref_slice %arg6[%dma_wait3A_471, %dma_wait3A_472] : memref<10000x128xf32, #tpu.memory_space<hbm>> -> memref<10000x128xf32, #tpu.memory_space<hbm>>
    tpu.wait_indirect_dma semaphore(%arg27 : memref<!tpu.dma_semaphore, #tpu.memory_space<semaphore_mem>>) src(%dma_wait3A_473 : memref<10000x128xf32, #tpu.memory_space<hbm>>) dst(%arg23 : memref<40x128xf32, #tpu.memory_space<vmem>>)
    %scan3A_474 = arith.constant 0 : i32
    %scan3A_475 = arith.constant 40 : i32
    %scan3A_476 = arith.addi %scan3A_474, %scan3A_475 : i32
    %scan3A_477 = arith.constant 4 : i32
    scf.for %scan3A_770 = %scan3A_474 to %scan3A_476 step %scan3A_477  : i32 {
      %mul3A_771 = arith.constant 1 : i32
      %mul3A_772 = arith.muli %scan3A_770, %mul3A_771 : i32
      %add3A_773 = arith.constant 0 : i32
      %add3A_774 = arith.addi %add3A_773, %mul3A_772 : i32
      %broadcast_in_dim3A_775 = vector.broadcast %add3A_774 : i32 to vector<16xi32>
      %gather3A_776 = tpu.vector_load_idx %arg20[%broadcast_in_dim3A_775] : memref<40xf32, #tpu.memory_space<vmem>>[vector<16xi32>], vector<16xf32>,
      %get3A_777 = arith.index_cast %add3A_774 : i32 to index
      %get3A_778 = arith.constant 0 : index
      %get3A_779 = tpu.vector_load %arg23[%get3A_777, %get3A_778] {strides = array<i32>} : memref<40x128xf32, #tpu.memory_space<vmem>>, vector<16xf32>,
      %mul3A_780 = arith.mulf %get3A_779, %gather3A_776 : vector<16xf32>
      %swap3A_781 = arith.index_cast %add3A_774 : i32 to index
      %swap3A_782 = arith.constant 0 : index
      %swap3A_783 = tpu.vector_load %arg23[%swap3A_781, %swap3A_782] {strides = array<i32>} : memref<40x128xf32, #tpu.memory_space<vmem>>, vector<16xf32>,
      tpu.vector_store %arg23[%swap3A_781, %swap3A_782], %mul3A_780 {strides = array<i32>} : memref<40x128xf32, #tpu.memory_space<vmem>>, vector<16xf32>,
      %get3A_784 = arith.index_cast %add3A_774 : i32 to index
      %get3A_785 = arith.constant 16 : index
      %get3A_786 = tpu.vector_load %arg23[%get3A_784, %get3A_785] {strides = array<i32>} : memref<40x128xf32, #tpu.memory_space<vmem>>, vector<16xf32>,
      %mul3A_787 = arith.mulf %get3A_786, %gather3A_776 : vector<16xf32>
      %swap3A_788 = arith.index_cast %add3A_774 : i32 to index
      %swap3A_789 = arith.constant 16 : index
      %swap3A_790 = tpu.vector_load %arg23[%swap3A_788, %swap3A_789] {strides = array<i32>} : memref<40x128xf32, #tpu.memory_space<vmem>>, vector<16xf32>,
      tpu.vector_store %arg23[%swap3A_788, %swap3A_789], %mul3A_787 {strides = array<i32>} : memref<40x128xf32, #tpu.memory_space<vmem>>, vector<16xf32>,
      %get3A_791 = arith.index_cast %add3A_774 : i32 to index
      %get3A_792 = arith.constant 32 : index
      %get3A_793 = tpu.vector_load %arg23[%get3A_791, %get3A_792] {strides = array<i32>} : memref<40x128xf32, #tpu.memory_space<vmem>>, vector<16xf32>,
      %mul3A_794 = arith.mulf %get3A_793, %gather3A_776 : vector<16xf32>
      %swap3A_795 = arith.index_cast %add3A_774 : i32 to index
      %swap3A_796 = arith.constant 32 : index
      %swap3A_797 = tpu.vector_load %arg23[%swap3A_795, %swap3A_796] {strides = array<i32>} : memref<40x128xf32, #tpu.memory_space<vmem>>, vector<16xf32>,
      tpu.vector_store %arg23[%swap3A_795, %swap3A_796], %mul3A_794 {strides = array<i32>} : memref<40x128xf32, #tpu.memory_space<vmem>>, vector<16xf32>,
      %get3A_798 = arith.index_cast %add3A_774 : i32 to index
      %get3A_799 = arith.constant 48 : index
      %get3A_800 = tpu.vector_load %arg23[%get3A_798, %get3A_799] {strides = array<i32>} : memref<40x128xf32, #tpu.memory_space<vmem>>, vector<16xf32>,
      %mul3A_801 = arith.mulf %get3A_800, %gather3A_776 : vector<16xf32>
      %swap3A_802 = arith.index_cast %add3A_774 : i32 to index
      %swap3A_803 = arith.constant 48 : index
      %swap3A_804 = tpu.vector_load %arg23[%swap3A_802, %swap3A_803] {strides = array<i32>} : memref<40x128xf32, #tpu.memory_space<vmem>>, vector<16xf32>,
      tpu.vector_store %arg23[%swap3A_802, %swap3A_803], %mul3A_801 {strides = array<i32>} : memref<40x128xf32, #tpu.memory_space<vmem>>, vector<16xf32>,
      %get3A_805 = arith.index_cast %add3A_774 : i32 to index
      %get3A_806 = arith.constant 64 : index
      %get3A_807 = tpu.vector_load %arg23[%get3A_805, %get3A_806] {strides = array<i32>} : memref<40x128xf32, #tpu.memory_space<vmem>>, vector<16xf32>,
      %mul3A_808 = arith.mulf %get3A_807, %gather3A_776 : vector<16xf32>
      %swap3A_809 = arith.index_cast %add3A_774 : i32 to index
      %swap3A_810 = arith.constant 64 : index
      %swap3A_811 = tpu.vector_load %arg23[%swap3A_809, %swap3A_810] {strides = array<i32>} : memref<40x128xf32, #tpu.memory_space<vmem>>, vector<16xf32>,
      tpu.vector_store %arg23[%swap3A_809, %swap3A_810], %mul3A_808 {strides = array<i32>} : memref<40x128xf32, #tpu.memory_space<vmem>>, vector<16xf32>,
      %get3A_812 = arith.index_cast %add3A_774 : i32 to index
      %get3A_813 = arith.constant 80 : index
      %get3A_814 = tpu.vector_load %arg23[%get3A_812, %get3A_813] {strides = array<i32>} : memref<40x128xf32, #tpu.memory_space<vmem>>, vector<16xf32>,
      %mul3A_815 = arith.mulf %get3A_814, %gather3A_776 : vector<16xf32>
      %swap3A_816 = arith.index_cast %add3A_774 : i32 to index
      %swap3A_817 = arith.constant 80 : index
      %swap3A_818 = tpu.vector_load %arg23[%swap3A_816, %swap3A_817] {strides = array<i32>} : memref<40x128xf32, #tpu.memory_space<vmem>>, vector<16xf32>,
      tpu.vector_store %arg23[%swap3A_816, %swap3A_817], %mul3A_815 {strides = array<i32>} : memref<40x128xf32, #tpu.memory_space<vmem>>, vector<16xf32>,
      %get3A_819 = arith.index_cast %add3A_774 : i32 to index
      %get3A_820 = arith.constant 96 : index
      %get3A_821 = tpu.vector_load %arg23[%get3A_819, %get3A_820] {strides = array<i32>} : memref<40x128xf32, #tpu.memory_space<vmem>>, vector<16xf32>,
      %mul3A_822 = arith.mulf %get3A_821, %gather3A_776 : vector<16xf32>
      %swap3A_823 = arith.index_cast %add3A_774 : i32 to index
      %swap3A_824 = arith.constant 96 : index
      %swap3A_825 = tpu.vector_load %arg23[%swap3A_823, %swap3A_824] {strides = array<i32>} : memref<40x128xf32, #tpu.memory_space<vmem>>, vector<16xf32>,
      tpu.vector_store %arg23[%swap3A_823, %swap3A_824], %mul3A_822 {strides = array<i32>} : memref<40x128xf32, #tpu.memory_space<vmem>>, vector<16xf32>,
      %get3A_826 = arith.index_cast %add3A_774 : i32 to index
      %get3A_827 = arith.constant 112 : index
      %get3A_828 = tpu.vector_load %arg23[%get3A_826, %get3A_827] {strides = array<i32>} : memref<40x128xf32, #tpu.memory_space<vmem>>, vector<16xf32>,
      %mul3A_829 = arith.mulf %get3A_828, %gather3A_776 : vector<16xf32>
      %swap3A_830 = arith.index_cast %add3A_774 : i32 to index
      %swap3A_831 = arith.constant 112 : index
      %swap3A_832 = tpu.vector_load %arg23[%swap3A_830, %swap3A_831] {strides = array<i32>} : memref<40x128xf32, #tpu.memory_space<vmem>>, vector<16xf32>,
      tpu.vector_store %arg23[%swap3A_830, %swap3A_831], %mul3A_829 {strides = array<i32>} : memref<40x128xf32, #tpu.memory_space<vmem>>, vector<16xf32>,
      %scan3A_833 = arith.constant 1 : i32
      %scan3A_834 = arith.addi %scan3A_770, %scan3A_833 : i32
      %mul3A_835 = arith.constant 1 : i32
      %mul3A_836 = arith.muli %scan3A_834, %mul3A_835 : i32
      %add3A_837 = arith.constant 0 : i32
      %add3A_838 = arith.addi %add3A_837, %mul3A_836 : i32
      %broadcast_in_dim3A_839 = vector.broadcast %add3A_838 : i32 to vector<16xi32>
      %gather3A_840 = tpu.vector_load_idx %arg20[%broadcast_in_dim3A_839] : memref<40xf32, #tpu.memory_space<vmem>>[vector<16xi32>], vector<16xf32>,
      %get3A_841 = arith.index_cast %add3A_838 : i32 to index
      %get3A_842 = arith.constant 0 : index
      %get3A_843 = tpu.vector_load %arg23[%get3A_841, %get3A_842] {strides = array<i32>} : memref<40x128xf32, #tpu.memory_space<vmem>>, vector<16xf32>,
      %mul3A_844 = arith.mulf %get3A_843, %gather3A_840 : vector<16xf32>
      %swap3A_845 = arith.index_cast %add3A_838 : i32 to index
      %swap3A_846 = arith.constant 0 : index
      %swap3A_847 = tpu.vector_load %arg23[%swap3A_845, %swap3A_846] {strides = array<i32>} : memref<40x128xf32, #tpu.memory_space<vmem>>, vector<16xf32>,
      tpu.vector_store %arg23[%swap3A_845, %swap3A_846], %mul3A_844 {strides = array<i32>} : memref<40x128xf32, #tpu.memory_space<vmem>>, vector<16xf32>,
      %get3A_848 = arith.index_cast %add3A_838 : i32 to index
      %get3A_849 = arith.constant 16 : index
      %get3A_850 = tpu.vector_load %arg23[%get3A_848, %get3A_849] {strides = array<i32>} : memref<40x128xf32, #tpu.memory_space<vmem>>, vector<16xf32>,
      %mul3A_851 = arith.mulf %get3A_850, %gather3A_840 : vector<16xf32>
      %swap3A_852 = arith.index_cast %add3A_838 : i32 to index
      %swap3A_853 = arith.constant 16 : index
      %swap3A_854 = tpu.vector_load %arg23[%swap3A_852, %swap3A_853] {strides = array<i32>} : memref<40x128xf32, #tpu.memory_space<vmem>>, vector<16xf32>,
      tpu.vector_store %arg23[%swap3A_852, %swap3A_853], %mul3A_851 {strides = array<i32>} : memref<40x128xf32, #tpu.memory_space<vmem>>, vector<16xf32>,
      %get3A_855 = arith.index_cast %add3A_838 : i32 to index
      %get3A_856 = arith.constant 32 : index
      %get3A_857 = tpu.vector_load %arg23[%get3A_855, %get3A_856] {strides = array<i32>} : memref<40x128xf32, #tpu.memory_space<vmem>>, vector<16xf32>,
      %mul3A_858 = arith.mulf %get3A_857, %gather3A_840 : vector<16xf32>
      %swap3A_859 = arith.index_cast %add3A_838 : i32 to index
      %swap3A_860 = arith.constant 32 : index
      %swap3A_861 = tpu.vector_load %arg23[%swap3A_859, %swap3A_860] {strides = array<i32>} : memref<40x128xf32, #tpu.memory_space<vmem>>, vector<16xf32>,
      tpu.vector_store %arg23[%swap3A_859, %swap3A_860], %mul3A_858 {strides = array<i32>} : memref<40x128xf32, #tpu.memory_space<vmem>>, vector<16xf32>,
      %get3A_862 = arith.index_cast %add3A_838 : i32 to index
      %get3A_863 = arith.constant 48 : index
      %get3A_864 = tpu.vector_load %arg23[%get3A_862, %get3A_863] {strides = array<i32>} : memref<40x128xf32, #tpu.memory_space<vmem>>, vector<16xf32>,
      %mul3A_865 = arith.mulf %get3A_864, %gather3A_840 : vector<16xf32>
      %swap3A_866 = arith.index_cast %add3A_838 : i32 to index
      %swap3A_867 = arith.constant 48 : index
      %swap3A_868 = tpu.vector_load %arg23[%swap3A_866, %swap3A_867] {strides = array<i32>} : memref<40x128xf32, #tpu.memory_space<vmem>>, vector<16xf32>,
      tpu.vector_store %arg23[%swap3A_866, %swap3A_867], %mul3A_865 {strides = array<i32>} : memref<40x128xf32, #tpu.memory_space<vmem>>, vector<16xf32>,
      %get3A_869 = arith.index_cast %add3A_838 : i32 to index
      %get3A_870 = arith.constant 64 : index
      %get3A_871 = tpu.vector_load %arg23[%get3A_869, %get3A_870] {strides = array<i32>} : memref<40x128xf32, #tpu.memory_space<vmem>>, vector<16xf32>,
      %mul3A_872 = arith.mulf %get3A_871, %gather3A_840 : vector<16xf32>
      %swap3A_873 = arith.index_cast %add3A_838 : i32 to index
      %swap3A_874 = arith.constant 64 : index
      %swap3A_875 = tpu.vector_load %arg23[%swap3A_873, %swap3A_874] {strides = array<i32>} : memref<40x128xf32, #tpu.memory_space<vmem>>, vector<16xf32>,
      tpu.vector_store %arg23[%swap3A_873, %swap3A_874], %mul3A_872 {strides = array<i32>} : memref<40x128xf32, #tpu.memory_space<vmem>>, vector<16xf32>,
      %get3A_876 = arith.index_cast %add3A_838 : i32 to index
      %get3A_877 = arith.constant 80 : index
      %get3A_878 = tpu.vector_load %arg23[%get3A_876, %get3A_877] {strides = array<i32>} : memref<40x128xf32, #tpu.memory_space<vmem>>, vector<16xf32>,
      %mul3A_879 = arith.mulf %get3A_878, %gather3A_840 : vector<16xf32>
      %swap3A_880 = arith.index_cast %add3A_838 : i32 to index
      %swap3A_881 = arith.constant 80 : index
      %swap3A_882 = tpu.vector_load %arg23[%swap3A_880, %swap3A_881] {strides = array<i32>} : memref<40x128xf32, #tpu.memory_space<vmem>>, vector<16xf32>,
      tpu.vector_store %arg23[%swap3A_880, %swap3A_881], %mul3A_879 {strides = array<i32>} : memref<40x128xf32, #tpu.memory_space<vmem>>, vector<16xf32>,
      %get3A_883 = arith.index_cast %add3A_838 : i32 to index
      %get3A_884 = arith.constant 96 : index
      %get3A_885 = tpu.vector_load %arg23[%get3A_883, %get3A_884] {strides = array<i32>} : memref<40x128xf32, #tpu.memory_space<vmem>>, vector<16xf32>,
      %mul3A_886 = arith.mulf %get3A_885, %gather3A_840 : vector<16xf32>
      %swap3A_887 = arith.index_cast %add3A_838 : i32 to index
      %swap3A_888 = arith.constant 96 : index
      %swap3A_889 = tpu.vector_load %arg23[%swap3A_887, %swap3A_888] {strides = array<i32>} : memref<40x128xf32, #tpu.memory_space<vmem>>, vector<16xf32>,
      tpu.vector_store %arg23[%swap3A_887, %swap3A_888], %mul3A_886 {strides = array<i32>} : memref<40x128xf32, #tpu.memory_space<vmem>>, vector<16xf32>,
      %get3A_890 = arith.index_cast %add3A_838 : i32 to index
      %get3A_891 = arith.constant 112 : index
      %get3A_892 = tpu.vector_load %arg23[%get3A_890, %get3A_891] {strides = array<i32>} : memref<40x128xf32, #tpu.memory_space<vmem>>, vector<16xf32>,
      %mul3A_893 = arith.mulf %get3A_892, %gather3A_840 : vector<16xf32>
      %swap3A_894 = arith.index_cast %add3A_838 : i32 to index
      %swap3A_895 = arith.constant 112 : index
      %swap3A_896 = tpu.vector_load %arg23[%swap3A_894, %swap3A_895] {strides = array<i32>} : memref<40x128xf32, #tpu.memory_space<vmem>>, vector<16xf32>,
      tpu.vector_store %arg23[%swap3A_894, %swap3A_895], %mul3A_893 {strides = array<i32>} : memref<40x128xf32, #tpu.memory_space<vmem>>, vector<16xf32>,
      %scan3A_897 = arith.constant 2 : i32
      %scan3A_898 = arith.addi %scan3A_770, %scan3A_897 : i32
      %mul3A_899 = arith.constant 1 : i32
      %mul3A_900 = arith.muli %scan3A_898, %mul3A_899 : i32
      %add3A_901 = arith.constant 0 : i32
      %add3A_902 = arith.addi %add3A_901, %mul3A_900 : i32
      %broadcast_in_dim3A_903 = vector.broadcast %add3A_902 : i32 to vector<16xi32>
      %gather3A_904 = tpu.vector_load_idx %arg20[%broadcast_in_dim3A_903] : memref<40xf32, #tpu.memory_space<vmem>>[vector<16xi32>], vector<16xf32>,
      %get3A_905 = arith.index_cast %add3A_902 : i32 to index
      %get3A_906 = arith.constant 0 : index
      %get3A_907 = tpu.vector_load %arg23[%get3A_905, %get3A_906] {strides = array<i32>} : memref<40x128xf32, #tpu.memory_space<vmem>>, vector<16xf32>,
      %mul3A_908 = arith.mulf %get3A_907, %gather3A_904 : vector<16xf32>
      %swap3A_909 = arith.index_cast %add3A_902 : i32 to index
      %swap3A_910 = arith.constant 0 : index
      %swap3A_911 = tpu.vector_load %arg23[%swap3A_909, %swap3A_910] {strides = array<i32>} : memref<40x128xf32, #tpu.memory_space<vmem>>, vector<16xf32>,
      tpu.vector_store %arg23[%swap3A_909, %swap3A_910], %mul3A_908 {strides = array<i32>} : memref<40x128xf32, #tpu.memory_space<vmem>>, vector<16xf32>,
      %get3A_912 = arith.index_cast %add3A_902 : i32 to index
      %get3A_913 = arith.constant 16 : index
      %get3A_914 = tpu.vector_load %arg23[%get3A_912, %get3A_913] {strides = array<i32>} : memref<40x128xf32, #tpu.memory_space<vmem>>, vector<16xf32>,
      %mul3A_915 = arith.mulf %get3A_914, %gather3A_904 : vector<16xf32>
      %swap3A_916 = arith.index_cast %add3A_902 : i32 to index
      %swap3A_917 = arith.constant 16 : index
      %swap3A_918 = tpu.vector_load %arg23[%swap3A_916, %swap3A_917] {strides = array<i32>} : memref<40x128xf32, #tpu.memory_space<vmem>>, vector<16xf32>,
      tpu.vector_store %arg23[%swap3A_916, %swap3A_917], %mul3A_915 {strides = array<i32>} : memref<40x128xf32, #tpu.memory_space<vmem>>, vector<16xf32>,
      %get3A_919 = arith.index_cast %add3A_902 : i32 to index
      %get3A_920 = arith.constant 32 : index
      %get3A_921 = tpu.vector_load %arg23[%get3A_919, %get3A_920] {strides = array<i32>} : memref<40x128xf32, #tpu.memory_space<vmem>>, vector<16xf32>,
      %mul3A_922 = arith.mulf %get3A_921, %gather3A_904 : vector<16xf32>
      %swap3A_923 = arith.index_cast %add3A_902 : i32 to index
      %swap3A_924 = arith.constant 32 : index
      %swap3A_925 = tpu.vector_load %arg23[%swap3A_923, %swap3A_924] {strides = array<i32>} : memref<40x128xf32, #tpu.memory_space<vmem>>, vector<16xf32>,
      tpu.vector_store %arg23[%swap3A_923, %swap3A_924], %mul3A_922 {strides = array<i32>} : memref<40x128xf32, #tpu.memory_space<vmem>>, vector<16xf32>,
      %get3A_926 = arith.index_cast %add3A_902 : i32 to index
      %get3A_927 = arith.constant 48 : index
      %get3A_928 = tpu.vector_load %arg23[%get3A_926, %get3A_927] {strides = array<i32>} : memref<40x128xf32, #tpu.memory_space<vmem>>, vector<16xf32>,
      %mul3A_929 = arith.mulf %get3A_928, %gather3A_904 : vector<16xf32>
      %swap3A_930 = arith.index_cast %add3A_902 : i32 to index
      %swap3A_931 = arith.constant 48 : index
      %swap3A_932 = tpu.vector_load %arg23[%swap3A_930, %swap3A_931] {strides = array<i32>} : memref<40x128xf32, #tpu.memory_space<vmem>>, vector<16xf32>,
      tpu.vector_store %arg23[%swap3A_930, %swap3A_931], %mul3A_929 {strides = array<i32>} : memref<40x128xf32, #tpu.memory_space<vmem>>, vector<16xf32>,
      %get3A_933 = arith.index_cast %add3A_902 : i32 to index
      %get3A_934 = arith.constant 64 : index
      %get3A_935 = tpu.vector_load %arg23[%get3A_933, %get3A_934] {strides = array<i32>} : memref<40x128xf32, #tpu.memory_space<vmem>>, vector<16xf32>,
      %mul3A_936 = arith.mulf %get3A_935, %gather3A_904 : vector<16xf32>
      %swap3A_937 = arith.index_cast %add3A_902 : i32 to index
      %swap3A_938 = arith.constant 64 : index
      %swap3A_939 = tpu.vector_load %arg23[%swap3A_937, %swap3A_938] {strides = array<i32>} : memref<40x128xf32, #tpu.memory_space<vmem>>, vector<16xf32>,
      tpu.vector_store %arg23[%swap3A_937, %swap3A_938], %mul3A_936 {strides = array<i32>} : memref<40x128xf32, #tpu.memory_space<vmem>>, vector<16xf32>,
      %get3A_940 = arith.index_cast %add3A_902 : i32 to index
      %get3A_941 = arith.constant 80 : index
      %get3A_942 = tpu.vector_load %arg23[%get3A_940, %get3A_941] {strides = array<i32>} : memref<40x128xf32, #tpu.memory_space<vmem>>, vector<16xf32>,
      %mul3A_943 = arith.mulf %get3A_942, %gather3A_904 : vector<16xf32>
      %swap3A_944 = arith.index_cast %add3A_902 : i32 to index
      %swap3A_945 = arith.constant 80 : index
      %swap3A_946 = tpu.vector_load %arg23[%swap3A_944, %swap3A_945] {strides = array<i32>} : memref<40x128xf32, #tpu.memory_space<vmem>>, vector<16xf32>,
      tpu.vector_store %arg23[%swap3A_944, %swap3A_945], %mul3A_943 {strides = array<i32>} : memref<40x128xf32, #tpu.memory_space<vmem>>, vector<16xf32>,
      %get3A_947 = arith.index_cast %add3A_902 : i32 to index
      %get3A_948 = arith.constant 96 : index
      %get3A_949 = tpu.vector_load %arg23[%get3A_947, %get3A_948] {strides = array<i32>} : memref<40x128xf32, #tpu.memory_space<vmem>>, vector<16xf32>,
      %mul3A_950 = arith.mulf %get3A_949, %gather3A_904 : vector<16xf32>
      %swap3A_951 = arith.index_cast %add3A_902 : i32 to index
      %swap3A_952 = arith.constant 96 : index
      %swap3A_953 = tpu.vector_load %arg23[%swap3A_951, %swap3A_952] {strides = array<i32>} : memref<40x128xf32, #tpu.memory_space<vmem>>, vector<16xf32>,
      tpu.vector_store %arg23[%swap3A_951, %swap3A_952], %mul3A_950 {strides = array<i32>} : memref<40x128xf32, #tpu.memory_space<vmem>>, vector<16xf32>,
      %get3A_954 = arith.index_cast %add3A_902 : i32 to index
      %get3A_955 = arith.constant 112 : index
      %get3A_956 = tpu.vector_load %arg23[%get3A_954, %get3A_955] {strides = array<i32>} : memref<40x128xf32, #tpu.memory_space<vmem>>, vector<16xf32>,
      %mul3A_957 = arith.mulf %get3A_956, %gather3A_904 : vector<16xf32>
      %swap3A_958 = arith.index_cast %add3A_902 : i32 to index
      %swap3A_959 = arith.constant 112 : index
      %swap3A_960 = tpu.vector_load %arg23[%swap3A_958, %swap3A_959] {strides = array<i32>} : memref<40x128xf32, #tpu.memory_space<vmem>>, vector<16xf32>,
      tpu.vector_store %arg23[%swap3A_958, %swap3A_959], %mul3A_957 {strides = array<i32>} : memref<40x128xf32, #tpu.memory_space<vmem>>, vector<16xf32>,
      %scan3A_961 = arith.constant 3 : i32
      %scan3A_962 = arith.addi %scan3A_770, %scan3A_961 : i32
      %mul3A_963 = arith.constant 1 : i32
      %mul3A_964 = arith.muli %scan3A_962, %mul3A_963 : i32
      %add3A_965 = arith.constant 0 : i32
      %add3A_966 = arith.addi %add3A_965, %mul3A_964 : i32
      %broadcast_in_dim3A_967 = vector.broadcast %add3A_966 : i32 to vector<16xi32>
      %gather3A_968 = tpu.vector_load_idx %arg20[%broadcast_in_dim3A_967] : memref<40xf32, #tpu.memory_space<vmem>>[vector<16xi32>], vector<16xf32>,
      %get3A_969 = arith.index_cast %add3A_966 : i32 to index
      %get3A_970 = arith.constant 0 : index
      %get3A_971 = tpu.vector_load %arg23[%get3A_969, %get3A_970] {strides = array<i32>} : memref<40x128xf32, #tpu.memory_space<vmem>>, vector<16xf32>,
      %mul3A_972 = arith.mulf %get3A_971, %gather3A_968 : vector<16xf32>
      %swap3A_973 = arith.index_cast %add3A_966 : i32 to index
      %swap3A_974 = arith.constant 0 : index
      %swap3A_975 = tpu.vector_load %arg23[%swap3A_973, %swap3A_974] {strides = array<i32>} : memref<40x128xf32, #tpu.memory_space<vmem>>, vector<16xf32>,
      tpu.vector_store %arg23[%swap3A_973, %swap3A_974], %mul3A_972 {strides = array<i32>} : memref<40x128xf32, #tpu.memory_space<vmem>>, vector<16xf32>,
      %get3A_976 = arith.index_cast %add3A_966 : i32 to index
      %get3A_977 = arith.constant 16 : index
      %get3A_978 = tpu.vector_load %arg23[%get3A_976, %get3A_977] {strides = array<i32>} : memref<40x128xf32, #tpu.memory_space<vmem>>, vector<16xf32>,
      %mul3A_979 = arith.mulf %get3A_978, %gather3A_968 : vector<16xf32>
      %swap3A_980 = arith.index_cast %add3A_966 : i32 to index
      %swap3A_981 = arith.constant 16 : index
      %swap3A_982 = tpu.vector_load %arg23[%swap3A_980, %swap3A_981] {strides = array<i32>} : memref<40x128xf32, #tpu.memory_space<vmem>>, vector<16xf32>,
      tpu.vector_store %arg23[%swap3A_980, %swap3A_981], %mul3A_979 {strides = array<i32>} : memref<40x128xf32, #tpu.memory_space<vmem>>, vector<16xf32>,
      %get3A_983 = arith.index_cast %add3A_966 : i32 to index
      %get3A_984 = arith.constant 32 : index
      %get3A_985 = tpu.vector_load %arg23[%get3A_983, %get3A_984] {strides = array<i32>} : memref<40x128xf32, #tpu.memory_space<vmem>>, vector<16xf32>,
      %mul3A_986 = arith.mulf %get3A_985, %gather3A_968 : vector<16xf32>
      %swap3A_987 = arith.index_cast %add3A_966 : i32 to index
      %swap3A_988 = arith.constant 32 : index
      %swap3A_989 = tpu.vector_load %arg23[%swap3A_987, %swap3A_988] {strides = array<i32>} : memref<40x128xf32, #tpu.memory_space<vmem>>, vector<16xf32>,
      tpu.vector_store %arg23[%swap3A_987, %swap3A_988], %mul3A_986 {strides = array<i32>} : memref<40x128xf32, #tpu.memory_space<vmem>>, vector<16xf32>,
      %get3A_990 = arith.index_cast %add3A_966 : i32 to index
      %get3A_991 = arith.constant 48 : index
      %get3A_992 = tpu.vector_load %arg23[%get3A_990, %get3A_991] {strides = array<i32>} : memref<40x128xf32, #tpu.memory_space<vmem>>, vector<16xf32>,
      %mul3A_993 = arith.mulf %get3A_992, %gather3A_968 : vector<16xf32>
      %swap3A_994 = arith.index_cast %add3A_966 : i32 to index
      %swap3A_995 = arith.constant 48 : index
      %swap3A_996 = tpu.vector_load %arg23[%swap3A_994, %swap3A_995] {strides = array<i32>} : memref<40x128xf32, #tpu.memory_space<vmem>>, vector<16xf32>,
      tpu.vector_store %arg23[%swap3A_994, %swap3A_995], %mul3A_993 {strides = array<i32>} : memref<40x128xf32, #tpu.memory_space<vmem>>, vector<16xf32>,
      %get3A_997 = arith.index_cast %add3A_966 : i32 to index
      %get3A_998 = arith.constant 64 : index
      %get3A_999 = tpu.vector_load %arg23[%get3A_997, %get3A_998] {strides = array<i32>} : memref<40x128xf32, #tpu.memory_space<vmem>>, vector<16xf32>,
      %mul3A_1000 = arith.mulf %get3A_999, %gather3A_968 : vector<16xf32>
      %swap3A_1001 = arith.index_cast %add3A_966 : i32 to index
      %swap3A_1002 = arith.constant 64 : index
      %swap3A_1003 = tpu.vector_load %arg23[%swap3A_1001, %swap3A_1002] {strides = array<i32>} : memref<40x128xf32, #tpu.memory_space<vmem>>, vector<16xf32>,
      tpu.vector_store %arg23[%swap3A_1001, %swap3A_1002], %mul3A_1000 {strides = array<i32>} : memref<40x128xf32, #tpu.memory_space<vmem>>, vector<16xf32>,
      %get3A_1004 = arith.index_cast %add3A_966 : i32 to index
      %get3A_1005 = arith.constant 80 : index
      %get3A_1006 = tpu.vector_load %arg23[%get3A_1004, %get3A_1005] {strides = array<i32>} : memref<40x128xf32, #tpu.memory_space<vmem>>, vector<16xf32>,
      %mul3A_1007 = arith.mulf %get3A_1006, %gather3A_968 : vector<16xf32>
      %swap3A_1008 = arith.index_cast %add3A_966 : i32 to index
      %swap3A_1009 = arith.constant 80 : index
      %swap3A_1010 = tpu.vector_load %arg23[%swap3A_1008, %swap3A_1009] {strides = array<i32>} : memref<40x128xf32, #tpu.memory_space<vmem>>, vector<16xf32>,
      tpu.vector_store %arg23[%swap3A_1008, %swap3A_1009], %mul3A_1007 {strides = array<i32>} : memref<40x128xf32, #tpu.memory_space<vmem>>, vector<16xf32>,
      %get3A_1011 = arith.index_cast %add3A_966 : i32 to index
      %get3A_1012 = arith.constant 96 : index
      %get3A_1013 = tpu.vector_load %arg23[%get3A_1011, %get3A_1012] {strides = array<i32>} : memref<40x128xf32, #tpu.memory_space<vmem>>, vector<16xf32>,
      %mul3A_1014 = arith.mulf %get3A_1013, %gather3A_968 : vector<16xf32>
      %swap3A_1015 = arith.index_cast %add3A_966 : i32 to index
      %swap3A_1016 = arith.constant 96 : index
      %swap3A_1017 = tpu.vector_load %arg23[%swap3A_1015, %swap3A_1016] {strides = array<i32>} : memref<40x128xf32, #tpu.memory_space<vmem>>, vector<16xf32>,
      tpu.vector_store %arg23[%swap3A_1015, %swap3A_1016], %mul3A_1014 {strides = array<i32>} : memref<40x128xf32, #tpu.memory_space<vmem>>, vector<16xf32>,
      %get3A_1018 = arith.index_cast %add3A_966 : i32 to index
      %get3A_1019 = arith.constant 112 : index
      %get3A_1020 = tpu.vector_load %arg23[%get3A_1018, %get3A_1019] {strides = array<i32>} : memref<40x128xf32, #tpu.memory_space<vmem>>, vector<16xf32>,
      %mul3A_1021 = arith.mulf %get3A_1020, %gather3A_968 : vector<16xf32>
      %swap3A_1022 = arith.index_cast %add3A_966 : i32 to index
      %swap3A_1023 = arith.constant 112 : index
      %swap3A_1024 = tpu.vector_load %arg23[%swap3A_1022, %swap3A_1023] {strides = array<i32>} : memref<40x128xf32, #tpu.memory_space<vmem>>, vector<16xf32>,
      tpu.vector_store %arg23[%swap3A_1022, %swap3A_1023], %mul3A_1021 {strides = array<i32>} : memref<40x128xf32, #tpu.memory_space<vmem>>, vector<16xf32>,
    }
    %scan3A_478 = arith.constant 40 : i32
    %dma_start3A_479 = arith.constant 0 : i32
    %dma_start3A_480 = arith.constant 0 : i32
    %dma_start3A_481 = tpu.memref_slice %arg25[%dma_start3A_479, %dma_start3A_480] : memref<10112x128xf32, #tpu.memory_space<vmem_shared>> -> memref<10112x128xf32, #tpu.memory_space<vmem_shared>>
    tpu.enqueue_indirect_dma source(%arg23 : memref<40x128xf32, #tpu.memory_space<vmem>>) target(%dma_start3A_481 : memref<10112x128xf32, #tpu.memory_space<vmem_shared>>) offsets(%arg19 : memref<40xi32, #tpu.memory_space<vmem>>) semaphore(%arg29 : memref<!tpu.dma_semaphore, #tpu.memory_space<semaphore_mem>>) {add = true}
    %dma_wait3A_482 = arith.constant 0 : i32
    %dma_wait3A_483 = arith.constant 0 : i32
    %dma_wait3A_484 = tpu.memref_slice %arg25[%dma_wait3A_482, %dma_wait3A_483] : memref<10112x128xf32, #tpu.memory_space<vmem_shared>> -> memref<10112x128xf32, #tpu.memory_space<vmem_shared>>
    tpu.wait_indirect_dma semaphore(%arg29 : memref<!tpu.dma_semaphore, #tpu.memory_space<semaphore_mem>>) src(%arg23 : memref<40x128xf32, #tpu.memory_space<vmem>>) dst(%dma_wait3A_484 : memref<10112x128xf32, #tpu.memory_space<vmem_shared>>)
    %dma_start3A_485 = arith.constant 0 : i32
    %dma_start3A_486 = arith.constant 0 : i32
    %dma_start3A_487 = arith.constant 0 : i32
    %dma_start3A_488 = tpu.memref_slice %arg21[%dma_start3A_485, %dma_start3A_487] : memref<10x1024xf32, #tpu.memory_space<vmem>> -> memref<1x1024xf32, #tpu.memory_space<vmem>>
    %dma_start3A_489 = tpu.memref_squeeze %dma_start3A_488 : memref<1x1024xf32, #tpu.memory_space<vmem>> -> memref<1024xf32, #tpu.memory_space<vmem>>
    %dma_start3A_490 = arith.constant 0 : i32
    %dma_start3A_491 = tpu.memref_slice %arg9[%dma_start3A_486, %add3A, %dma_start3A_490] : memref<10x32x1024xf32, #tpu.memory_space<hbm>> -> memref<1x1x1024xf32, #tpu.memory_space<hbm>>
    %dma_start3A_492 = tpu.memref_squeeze %dma_start3A_491 : memref<1x1x1024xf32, #tpu.memory_space<hbm>> -> memref<1024xf32, #tpu.memory_space<hbm>>
    %dma_start3A_493 = arith.constant 0 : i32
    %dma_start3A_494 = tpu.memref_slice %arg9[%dma_start3A_486, %add3A, %dma_start3A_493] : memref<10x32x1024xf32, #tpu.memory_space<hbm>> -> memref<1x1x1024xf32, #tpu.memory_space<hbm>>
    %dma_start3A_495 = tpu.memref_squeeze %dma_start3A_494 : memref<1x1x1024xf32, #tpu.memory_space<hbm>> -> memref<1024xf32, #tpu.memory_space<hbm>>
    %dma_start3A_496 = arith.constant 0 : i32
    %dma_start3A_497 = tpu.memref_slice %arg21[%dma_start3A_485, %dma_start3A_496] : memref<10x1024xf32, #tpu.memory_space<vmem>> -> memref<1x1024xf32, #tpu.memory_space<vmem>>
    %dma_start3A_498 = tpu.memref_squeeze %dma_start3A_497 : memref<1x1024xf32, #tpu.memory_space<vmem>> -> memref<1024xf32, #tpu.memory_space<vmem>>
    tpu.enqueue_dma source(%dma_start3A_498 : memref<1024xf32, #tpu.memory_space<vmem>>) target(%dma_start3A_495 : memref<1024xf32, #tpu.memory_space<hbm>>) target_semaphore(%arg30 : memref<!tpu.dma_semaphore, #tpu.memory_space<semaphore_mem>>)
    %dma_start3A_499 = arith.constant 1 : i32
    %dma_start3A_500 = arith.constant 1 : i32
    %dma_start3A_501 = arith.constant 0 : i32
    %dma_start3A_502 = tpu.memref_slice %arg21[%dma_start3A_499, %dma_start3A_501] : memref<10x1024xf32, #tpu.memory_space<vmem>> -> memref<1x1024xf32, #tpu.memory_space<vmem>>
    %dma_start3A_503 = tpu.memref_squeeze %dma_start3A_502 : memref<1x1024xf32, #tpu.memory_space<vmem>> -> memref<1024xf32, #tpu.memory_space<vmem>>
    %dma_start3A_504 = arith.constant 0 : i32
    %dma_start3A_505 = tpu.memref_slice %arg9[%dma_start3A_500, %add3A, %dma_start3A_504] : memref<10x32x1024xf32, #tpu.memory_space<hbm>> -> memref<1x1x1024xf32, #tpu.memory_space<hbm>>
    %dma_start3A_506 = tpu.memref_squeeze %dma_start3A_505 : memref<1x1x1024xf32, #tpu.memory_space<hbm>> -> memref<1024xf32, #tpu.memory_space<hbm>>
    %dma_start3A_507 = arith.constant 0 : i32
    %dma_start3A_508 = tpu.memref_slice %arg9[%dma_start3A_500, %add3A, %dma_start3A_507] : memref<10x32x1024xf32, #tpu.memory_space<hbm>> -> memref<1x1x1024xf32, #tpu.memory_space<hbm>>
    %dma_start3A_509 = tpu.memref_squeeze %dma_start3A_508 : memref<1x1x1024xf32, #tpu.memory_space<hbm>> -> memref<1024xf32, #tpu.memory_space<hbm>>
    %dma_start3A_510 = arith.constant 0 : i32
    %dma_start3A_511 = tpu.memref_slice %arg21[%dma_start3A_499, %dma_start3A_510] : memref<10x1024xf32, #tpu.memory_space<vmem>> -> memref<1x1024xf32, #tpu.memory_space<vmem>>
    %dma_start3A_512 = tpu.memref_squeeze %dma_start3A_511 : memref<1x1024xf32, #tpu.memory_space<vmem>> -> memref<1024xf32, #tpu.memory_space<vmem>>
    tpu.enqueue_dma source(%dma_start3A_512 : memref<1024xf32, #tpu.memory_space<vmem>>) target(%dma_start3A_509 : memref<1024xf32, #tpu.memory_space<hbm>>) target_semaphore(%arg30 : memref<!tpu.dma_semaphore, #tpu.memory_space<semaphore_mem>>)
    %dma_start3A_513 = arith.constant 2 : i32
    %dma_start3A_514 = arith.constant 2 : i32
    %dma_start3A_515 = arith.constant 0 : i32
    %dma_start3A_516 = tpu.memref_slice %arg21[%dma_start3A_513, %dma_start3A_515] : memref<10x1024xf32, #tpu.memory_space<vmem>> -> memref<1x1024xf32, #tpu.memory_space<vmem>>
    %dma_start3A_517 = tpu.memref_squeeze %dma_start3A_516 : memref<1x1024xf32, #tpu.memory_space<vmem>> -> memref<1024xf32, #tpu.memory_space<vmem>>
    %dma_start3A_518 = arith.constant 0 : i32
    %dma_start3A_519 = tpu.memref_slice %arg9[%dma_start3A_514, %add3A, %dma_start3A_518] : memref<10x32x1024xf32, #tpu.memory_space<hbm>> -> memref<1x1x1024xf32, #tpu.memory_space<hbm>>
    %dma_start3A_520 = tpu.memref_squeeze %dma_start3A_519 : memref<1x1x1024xf32, #tpu.memory_space<hbm>> -> memref<1024xf32, #tpu.memory_space<hbm>>
    %dma_start3A_521 = arith.constant 0 : i32
    %dma_start3A_522 = tpu.memref_slice %arg9[%dma_start3A_514, %add3A, %dma_start3A_521] : memref<10x32x1024xf32, #tpu.memory_space<hbm>> -> memref<1x1x1024xf32, #tpu.memory_space<hbm>>
    %dma_start3A_523 = tpu.memref_squeeze %dma_start3A_522 : memref<1x1x1024xf32, #tpu.memory_space<hbm>> -> memref<1024xf32, #tpu.memory_space<hbm>>
    %dma_start3A_524 = arith.constant 0 : i32
    %dma_start3A_525 = tpu.memref_slice %arg21[%dma_start3A_513, %dma_start3A_524] : memref<10x1024xf32, #tpu.memory_space<vmem>> -> memref<1x1024xf32, #tpu.memory_space<vmem>>
    %dma_start3A_526 = tpu.memref_squeeze %dma_start3A_525 : memref<1x1024xf32, #tpu.memory_space<vmem>> -> memref<1024xf32, #tpu.memory_space<vmem>>
    tpu.enqueue_dma source(%dma_start3A_526 : memref<1024xf32, #tpu.memory_space<vmem>>) target(%dma_start3A_523 : memref<1024xf32, #tpu.memory_space<hbm>>) target_semaphore(%arg30 : memref<!tpu.dma_semaphore, #tpu.memory_space<semaphore_mem>>)
    %dma_start3A_527 = arith.constant 3 : i32
    %dma_start3A_528 = arith.constant 3 : i32
    %dma_start3A_529 = arith.constant 0 : i32
    %dma_start3A_530 = tpu.memref_slice %arg21[%dma_start3A_527, %dma_start3A_529] : memref<10x1024xf32, #tpu.memory_space<vmem>> -> memref<1x1024xf32, #tpu.memory_space<vmem>>
    %dma_start3A_531 = tpu.memref_squeeze %dma_start3A_530 : memref<1x1024xf32, #tpu.memory_space<vmem>> -> memref<1024xf32, #tpu.memory_space<vmem>>
    %dma_start3A_532 = arith.constant 0 : i32
    %dma_start3A_533 = tpu.memref_slice %arg9[%dma_start3A_528, %add3A, %dma_start3A_532] : memref<10x32x1024xf32, #tpu.memory_space<hbm>> -> memref<1x1x1024xf32, #tpu.memory_space<hbm>>
    %dma_start3A_534 = tpu.memref_squeeze %dma_start3A_533 : memref<1x1x1024xf32, #tpu.memory_space<hbm>> -> memref<1024xf32, #tpu.memory_space<hbm>>
    %dma_start3A_535 = arith.constant 0 : i32
    %dma_start3A_536 = tpu.memref_slice %arg9[%dma_start3A_528, %add3A, %dma_start3A_535] : memref<10x32x1024xf32, #tpu.memory_space<hbm>> -> memref<1x1x1024xf32, #tpu.memory_space<hbm>>
    %dma_start3A_537 = tpu.memref_squeeze %dma_start3A_536 : memref<1x1x1024xf32, #tpu.memory_space<hbm>> -> memref<1024xf32, #tpu.memory_space<hbm>>
    %dma_start3A_538 = arith.constant 0 : i32
    %dma_start3A_539 = tpu.memref_slice %arg21[%dma_start3A_527, %dma_start3A_538] : memref<10x1024xf32, #tpu.memory_space<vmem>> -> memref<1x1024xf32, #tpu.memory_space<vmem>>
    %dma_start3A_540 = tpu.memref_squeeze %dma_start3A_539 : memref<1x1024xf32, #tpu.memory_space<vmem>> -> memref<1024xf32, #tpu.memory_space<vmem>>
    tpu.enqueue_dma source(%dma_start3A_540 : memref<1024xf32, #tpu.memory_space<vmem>>) target(%dma_start3A_537 : memref<1024xf32, #tpu.memory_space<hbm>>) target_semaphore(%arg30 : memref<!tpu.dma_semaphore, #tpu.memory_space<semaphore_mem>>)
    %dma_start3A_541 = arith.constant 4 : i32
    %dma_start3A_542 = arith.constant 4 : i32
    %dma_start3A_543 = arith.constant 0 : i32
    %dma_start3A_544 = tpu.memref_slice %arg21[%dma_start3A_541, %dma_start3A_543] : memref<10x1024xf32, #tpu.memory_space<vmem>> -> memref<1x1024xf32, #tpu.memory_space<vmem>>
    %dma_start3A_545 = tpu.memref_squeeze %dma_start3A_544 : memref<1x1024xf32, #tpu.memory_space<vmem>> -> memref<1024xf32, #tpu.memory_space<vmem>>
    %dma_start3A_546 = arith.constant 0 : i32
    %dma_start3A_547 = tpu.memref_slice %arg9[%dma_start3A_542, %add3A, %dma_start3A_546] : memref<10x32x1024xf32, #tpu.memory_space<hbm>> -> memref<1x1x1024xf32, #tpu.memory_space<hbm>>
    %dma_start3A_548 = tpu.memref_squeeze %dma_start3A_547 : memref<1x1x1024xf32, #tpu.memory_space<hbm>> -> memref<1024xf32, #tpu.memory_space<hbm>>
    %dma_start3A_549 = arith.constant 0 : i32
    %dma_start3A_550 = tpu.memref_slice %arg9[%dma_start3A_542, %add3A, %dma_start3A_549] : memref<10x32x1024xf32, #tpu.memory_space<hbm>> -> memref<1x1x1024xf32, #tpu.memory_space<hbm>>
    %dma_start3A_551 = tpu.memref_squeeze %dma_start3A_550 : memref<1x1x1024xf32, #tpu.memory_space<hbm>> -> memref<1024xf32, #tpu.memory_space<hbm>>
    %dma_start3A_552 = arith.constant 0 : i32
    %dma_start3A_553 = tpu.memref_slice %arg21[%dma_start3A_541, %dma_start3A_552] : memref<10x1024xf32, #tpu.memory_space<vmem>> -> memref<1x1024xf32, #tpu.memory_space<vmem>>
    %dma_start3A_554 = tpu.memref_squeeze %dma_start3A_553 : memref<1x1024xf32, #tpu.memory_space<vmem>> -> memref<1024xf32, #tpu.memory_space<vmem>>
    tpu.enqueue_dma source(%dma_start3A_554 : memref<1024xf32, #tpu.memory_space<vmem>>) target(%dma_start3A_551 : memref<1024xf32, #tpu.memory_space<hbm>>) target_semaphore(%arg30 : memref<!tpu.dma_semaphore, #tpu.memory_space<semaphore_mem>>)
    %dma_start3A_555 = arith.constant 5 : i32
    %dma_start3A_556 = arith.constant 5 : i32
    %dma_start3A_557 = arith.constant 0 : i32
    %dma_start3A_558 = tpu.memref_slice %arg21[%dma_start3A_555, %dma_start3A_557] : memref<10x1024xf32, #tpu.memory_space<vmem>> -> memref<1x1024xf32, #tpu.memory_space<vmem>>
    %dma_start3A_559 = tpu.memref_squeeze %dma_start3A_558 : memref<1x1024xf32, #tpu.memory_space<vmem>> -> memref<1024xf32, #tpu.memory_space<vmem>>
    %dma_start3A_560 = arith.constant 0 : i32
    %dma_start3A_561 = tpu.memref_slice %arg9[%dma_start3A_556, %add3A, %dma_start3A_560] : memref<10x32x1024xf32, #tpu.memory_space<hbm>> -> memref<1x1x1024xf32, #tpu.memory_space<hbm>>
    %dma_start3A_562 = tpu.memref_squeeze %dma_start3A_561 : memref<1x1x1024xf32, #tpu.memory_space<hbm>> -> memref<1024xf32, #tpu.memory_space<hbm>>
    %dma_start3A_563 = arith.constant 0 : i32
    %dma_start3A_564 = tpu.memref_slice %arg9[%dma_start3A_556, %add3A, %dma_start3A_563] : memref<10x32x1024xf32, #tpu.memory_space<hbm>> -> memref<1x1x1024xf32, #tpu.memory_space<hbm>>
    %dma_start3A_565 = tpu.memref_squeeze %dma_start3A_564 : memref<1x1x1024xf32, #tpu.memory_space<hbm>> -> memref<1024xf32, #tpu.memory_space<hbm>>
    %dma_start3A_566 = arith.constant 0 : i32
    %dma_start3A_567 = tpu.memref_slice %arg21[%dma_start3A_555, %dma_start3A_566] : memref<10x1024xf32, #tpu.memory_space<vmem>> -> memref<1x1024xf32, #tpu.memory_space<vmem>>
    %dma_start3A_568 = tpu.memref_squeeze %dma_start3A_567 : memref<1x1024xf32, #tpu.memory_space<vmem>> -> memref<1024xf32, #tpu.memory_space<vmem>>
    tpu.enqueue_dma source(%dma_start3A_568 : memref<1024xf32, #tpu.memory_space<vmem>>) target(%dma_start3A_565 : memref<1024xf32, #tpu.memory_space<hbm>>) target_semaphore(%arg30 : memref<!tpu.dma_semaphore, #tpu.memory_space<semaphore_mem>>)
    %dma_start3A_569 = arith.constant 6 : i32
    %dma_start3A_570 = arith.constant 6 : i32
    %dma_start3A_571 = arith.constant 0 : i32
    %dma_start3A_572 = tpu.memref_slice %arg21[%dma_start3A_569, %dma_start3A_571] : memref<10x1024xf32, #tpu.memory_space<vmem>> -> memref<1x1024xf32, #tpu.memory_space<vmem>>
    %dma_start3A_573 = tpu.memref_squeeze %dma_start3A_572 : memref<1x1024xf32, #tpu.memory_space<vmem>> -> memref<1024xf32, #tpu.memory_space<vmem>>
    %dma_start3A_574 = arith.constant 0 : i32
    %dma_start3A_575 = tpu.memref_slice %arg9[%dma_start3A_570, %add3A, %dma_start3A_574] : memref<10x32x1024xf32, #tpu.memory_space<hbm>> -> memref<1x1x1024xf32, #tpu.memory_space<hbm>>
    %dma_start3A_576 = tpu.memref_squeeze %dma_start3A_575 : memref<1x1x1024xf32, #tpu.memory_space<hbm>> -> memref<1024xf32, #tpu.memory_space<hbm>>
    %dma_start3A_577 = arith.constant 0 : i32
    %dma_start3A_578 = tpu.memref_slice %arg9[%dma_start3A_570, %add3A, %dma_start3A_577] : memref<10x32x1024xf32, #tpu.memory_space<hbm>> -> memref<1x1x1024xf32, #tpu.memory_space<hbm>>
    %dma_start3A_579 = tpu.memref_squeeze %dma_start3A_578 : memref<1x1x1024xf32, #tpu.memory_space<hbm>> -> memref<1024xf32, #tpu.memory_space<hbm>>
    %dma_start3A_580 = arith.constant 0 : i32
    %dma_start3A_581 = tpu.memref_slice %arg21[%dma_start3A_569, %dma_start3A_580] : memref<10x1024xf32, #tpu.memory_space<vmem>> -> memref<1x1024xf32, #tpu.memory_space<vmem>>
    %dma_start3A_582 = tpu.memref_squeeze %dma_start3A_581 : memref<1x1024xf32, #tpu.memory_space<vmem>> -> memref<1024xf32, #tpu.memory_space<vmem>>
    tpu.enqueue_dma source(%dma_start3A_582 : memref<1024xf32, #tpu.memory_space<vmem>>) target(%dma_start3A_579 : memref<1024xf32, #tpu.memory_space<hbm>>) target_semaphore(%arg30 : memref<!tpu.dma_semaphore, #tpu.memory_space<semaphore_mem>>)
    %dma_start3A_583 = arith.constant 7 : i32
    %dma_start3A_584 = arith.constant 7 : i32
    %dma_start3A_585 = arith.constant 0 : i32
    %dma_start3A_586 = tpu.memref_slice %arg21[%dma_start3A_583, %dma_start3A_585] : memref<10x1024xf32, #tpu.memory_space<vmem>> -> memref<1x1024xf32, #tpu.memory_space<vmem>>
    %dma_start3A_587 = tpu.memref_squeeze %dma_start3A_586 : memref<1x1024xf32, #tpu.memory_space<vmem>> -> memref<1024xf32, #tpu.memory_space<vmem>>
    %dma_start3A_588 = arith.constant 0 : i32
    %dma_start3A_589 = tpu.memref_slice %arg9[%dma_start3A_584, %add3A, %dma_start3A_588] : memref<10x32x1024xf32, #tpu.memory_space<hbm>> -> memref<1x1x1024xf32, #tpu.memory_space<hbm>>
    %dma_start3A_590 = tpu.memref_squeeze %dma_start3A_589 : memref<1x1x1024xf32, #tpu.memory_space<hbm>> -> memref<1024xf32, #tpu.memory_space<hbm>>
    %dma_start3A_591 = arith.constant 0 : i32
    %dma_start3A_592 = tpu.memref_slice %arg9[%dma_start3A_584, %add3A, %dma_start3A_591] : memref<10x32x1024xf32, #tpu.memory_space<hbm>> -> memref<1x1x1024xf32, #tpu.memory_space<hbm>>
    %dma_start3A_593 = tpu.memref_squeeze %dma_start3A_592 : memref<1x1x1024xf32, #tpu.memory_space<hbm>> -> memref<1024xf32, #tpu.memory_space<hbm>>
    %dma_start3A_594 = arith.constant 0 : i32
    %dma_start3A_595 = tpu.memref_slice %arg21[%dma_start3A_583, %dma_start3A_594] : memref<10x1024xf32, #tpu.memory_space<vmem>> -> memref<1x1024xf32, #tpu.memory_space<vmem>>
    %dma_start3A_596 = tpu.memref_squeeze %dma_start3A_595 : memref<1x1024xf32, #tpu.memory_space<vmem>> -> memref<1024xf32, #tpu.memory_space<vmem>>
    tpu.enqueue_dma source(%dma_start3A_596 : memref<1024xf32, #tpu.memory_space<vmem>>) target(%dma_start3A_593 : memref<1024xf32, #tpu.memory_space<hbm>>) target_semaphore(%arg30 : memref<!tpu.dma_semaphore, #tpu.memory_space<semaphore_mem>>)
    %dma_start3A_597 = arith.constant 8 : i32
    %dma_start3A_598 = arith.constant 8 : i32
    %dma_start3A_599 = arith.constant 0 : i32
    %dma_start3A_600 = tpu.memref_slice %arg21[%dma_start3A_597, %dma_start3A_599] : memref<10x1024xf32, #tpu.memory_space<vmem>> -> memref<1x1024xf32, #tpu.memory_space<vmem>>
    %dma_start3A_601 = tpu.memref_squeeze %dma_start3A_600 : memref<1x1024xf32, #tpu.memory_space<vmem>> -> memref<1024xf32, #tpu.memory_space<vmem>>
    %dma_start3A_602 = arith.constant 0 : i32
    %dma_start3A_603 = tpu.memref_slice %arg9[%dma_start3A_598, %add3A, %dma_start3A_602] : memref<10x32x1024xf32, #tpu.memory_space<hbm>> -> memref<1x1x1024xf32, #tpu.memory_space<hbm>>
    %dma_start3A_604 = tpu.memref_squeeze %dma_start3A_603 : memref<1x1x1024xf32, #tpu.memory_space<hbm>> -> memref<1024xf32, #tpu.memory_space<hbm>>
    %dma_start3A_605 = arith.constant 0 : i32
    %dma_start3A_606 = tpu.memref_slice %arg9[%dma_start3A_598, %add3A, %dma_start3A_605] : memref<10x32x1024xf32, #tpu.memory_space<hbm>> -> memref<1x1x1024xf32, #tpu.memory_space<hbm>>
    %dma_start3A_607 = tpu.memref_squeeze %dma_start3A_606 : memref<1x1x1024xf32, #tpu.memory_space<hbm>> -> memref<1024xf32, #tpu.memory_space<hbm>>
    %dma_start3A_608 = arith.constant 0 : i32
    %dma_start3A_609 = tpu.memref_slice %arg21[%dma_start3A_597, %dma_start3A_608] : memref<10x1024xf32, #tpu.memory_space<vmem>> -> memref<1x1024xf32, #tpu.memory_space<vmem>>
    %dma_start3A_610 = tpu.memref_squeeze %dma_start3A_609 : memref<1x1024xf32, #tpu.memory_space<vmem>> -> memref<1024xf32, #tpu.memory_space<vmem>>
    tpu.enqueue_dma source(%dma_start3A_610 : memref<1024xf32, #tpu.memory_space<vmem>>) target(%dma_start3A_607 : memref<1024xf32, #tpu.memory_space<hbm>>) target_semaphore(%arg30 : memref<!tpu.dma_semaphore, #tpu.memory_space<semaphore_mem>>)
    %dma_start3A_611 = arith.constant 9 : i32
    %dma_start3A_612 = arith.constant 9 : i32
    %dma_start3A_613 = arith.constant 0 : i32
    %dma_start3A_614 = tpu.memref_slice %arg21[%dma_start3A_611, %dma_start3A_613] : memref<10x1024xf32, #tpu.memory_space<vmem>> -> memref<1x1024xf32, #tpu.memory_space<vmem>>
    %dma_start3A_615 = tpu.memref_squeeze %dma_start3A_614 : memref<1x1024xf32, #tpu.memory_space<vmem>> -> memref<1024xf32, #tpu.memory_space<vmem>>
    %dma_start3A_616 = arith.constant 0 : i32
    %dma_start3A_617 = tpu.memref_slice %arg9[%dma_start3A_612, %add3A, %dma_start3A_616] : memref<10x32x1024xf32, #tpu.memory_space<hbm>> -> memref<1x1x1024xf32, #tpu.memory_space<hbm>>
    %dma_start3A_618 = tpu.memref_squeeze %dma_start3A_617 : memref<1x1x1024xf32, #tpu.memory_space<hbm>> -> memref<1024xf32, #tpu.memory_space<hbm>>
    %dma_start3A_619 = arith.constant 0 : i32
    %dma_start3A_620 = tpu.memref_slice %arg9[%dma_start3A_612, %add3A, %dma_start3A_619] : memref<10x32x1024xf32, #tpu.memory_space<hbm>> -> memref<1x1x1024xf32, #tpu.memory_space<hbm>>
    %dma_start3A_621 = tpu.memref_squeeze %dma_start3A_620 : memref<1x1x1024xf32, #tpu.memory_space<hbm>> -> memref<1024xf32, #tpu.memory_space<hbm>>
    %dma_start3A_622 = arith.constant 0 : i32
    %dma_start3A_623 = tpu.memref_slice %arg21[%dma_start3A_611, %dma_start3A_622] : memref<10x1024xf32, #tpu.memory_space<vmem>> -> memref<1x1024xf32, #tpu.memory_space<vmem>>
    %dma_start3A_624 = tpu.memref_squeeze %dma_start3A_623 : memref<1x1024xf32, #tpu.memory_space<vmem>> -> memref<1024xf32, #tpu.memory_space<vmem>>
    tpu.enqueue_dma source(%dma_start3A_624 : memref<1024xf32, #tpu.memory_space<vmem>>) target(%dma_start3A_621 : memref<1024xf32, #tpu.memory_space<hbm>>) target_semaphore(%arg30 : memref<!tpu.dma_semaphore, #tpu.memory_space<semaphore_mem>>)
    %dma_wait3A_625 = arith.constant 0 : i32
    %dma_wait3A_626 = arith.constant 0 : i32
    %dma_wait3A_627 = arith.constant 0 : i32
    %dma_wait3A_628 = tpu.memref_slice %arg21[%dma_wait3A_625, %dma_wait3A_627] : memref<10x1024xf32, #tpu.memory_space<vmem>> -> memref<1x1024xf32, #tpu.memory_space<vmem>>
    %dma_wait3A_629 = tpu.memref_squeeze %dma_wait3A_628 : memref<1x1024xf32, #tpu.memory_space<vmem>> -> memref<1024xf32, #tpu.memory_space<vmem>>
    %dma_wait3A_630 = arith.constant 0 : i32
    %dma_wait3A_631 = tpu.memref_slice %arg9[%dma_wait3A_626, %add3A, %dma_wait3A_630] : memref<10x32x1024xf32, #tpu.memory_space<hbm>> -> memref<1x1x1024xf32, #tpu.memory_space<hbm>>
    %dma_wait3A_632 = tpu.memref_squeeze %dma_wait3A_631 : memref<1x1x1024xf32, #tpu.memory_space<hbm>> -> memref<1024xf32, #tpu.memory_space<hbm>>
    %dma_wait3A_633 = arith.constant 0 : i32
    %dma_wait3A_634 = tpu.memref_slice %arg9[%dma_wait3A_626, %add3A, %dma_wait3A_633] : memref<10x32x1024xf32, #tpu.memory_space<hbm>> -> memref<1x1x1024xf32, #tpu.memory_space<hbm>>
    %dma_wait3A_635 = tpu.memref_squeeze %dma_wait3A_634 : memref<1x1x1024xf32, #tpu.memory_space<hbm>> -> memref<1024xf32, #tpu.memory_space<hbm>>
    %dma_wait3A_636 = arith.constant 0 : i32
    %dma_wait3A_637 = tpu.memref_slice %arg21[%dma_wait3A_625, %dma_wait3A_636] : memref<10x1024xf32, #tpu.memory_space<vmem>> -> memref<1x1024xf32, #tpu.memory_space<vmem>>
    %dma_wait3A_638 = tpu.memref_squeeze %dma_wait3A_637 : memref<1x1024xf32, #tpu.memory_space<vmem>> -> memref<1024xf32, #tpu.memory_space<vmem>>
    tpu.wait_dma2 semaphore(%arg30 : memref<!tpu.dma_semaphore, #tpu.memory_space<semaphore_mem>>) src(%dma_wait3A_638 : memref<1024xf32, #tpu.memory_space<vmem>>) dst(%dma_wait3A_635 : memref<1024xf32, #tpu.memory_space<hbm>>)
    %dma_wait3A_639 = arith.constant 1 : i32
    %dma_wait3A_640 = arith.constant 1 : i32
    %dma_wait3A_641 = arith.constant 0 : i32
    %dma_wait3A_642 = tpu.memref_slice %arg21[%dma_wait3A_639, %dma_wait3A_641] : memref<10x1024xf32, #tpu.memory_space<vmem>> -> memref<1x1024xf32, #tpu.memory_space<vmem>>
    %dma_wait3A_643 = tpu.memref_squeeze %dma_wait3A_642 : memref<1x1024xf32, #tpu.memory_space<vmem>> -> memref<1024xf32, #tpu.memory_space<vmem>>
    %dma_wait3A_644 = arith.constant 0 : i32
    %dma_wait3A_645 = tpu.memref_slice %arg9[%dma_wait3A_640, %add3A, %dma_wait3A_644] : memref<10x32x1024xf32, #tpu.memory_space<hbm>> -> memref<1x1x1024xf32, #tpu.memory_space<hbm>>
    %dma_wait3A_646 = tpu.memref_squeeze %dma_wait3A_645 : memref<1x1x1024xf32, #tpu.memory_space<hbm>> -> memref<1024xf32, #tpu.memory_space<hbm>>
    %dma_wait3A_647 = arith.constant 0 : i32
    %dma_wait3A_648 = tpu.memref_slice %arg9[%dma_wait3A_640, %add3A, %dma_wait3A_647] : memref<10x32x1024xf32, #tpu.memory_space<hbm>> -> memref<1x1x1024xf32, #tpu.memory_space<hbm>>
    %dma_wait3A_649 = tpu.memref_squeeze %dma_wait3A_648 : memref<1x1x1024xf32, #tpu.memory_space<hbm>> -> memref<1024xf32, #tpu.memory_space<hbm>>
    %dma_wait3A_650 = arith.constant 0 : i32
    %dma_wait3A_651 = tpu.memref_slice %arg21[%dma_wait3A_639, %dma_wait3A_650] : memref<10x1024xf32, #tpu.memory_space<vmem>> -> memref<1x1024xf32, #tpu.memory_space<vmem>>
    %dma_wait3A_652 = tpu.memref_squeeze %dma_wait3A_651 : memref<1x1024xf32, #tpu.memory_space<vmem>> -> memref<1024xf32, #tpu.memory_space<vmem>>
    tpu.wait_dma2 semaphore(%arg30 : memref<!tpu.dma_semaphore, #tpu.memory_space<semaphore_mem>>) src(%dma_wait3A_652 : memref<1024xf32, #tpu.memory_space<vmem>>) dst(%dma_wait3A_649 : memref<1024xf32, #tpu.memory_space<hbm>>)
    %dma_wait3A_653 = arith.constant 2 : i32
    %dma_wait3A_654 = arith.constant 2 : i32
    %dma_wait3A_655 = arith.constant 0 : i32
    %dma_wait3A_656 = tpu.memref_slice %arg21[%dma_wait3A_653, %dma_wait3A_655] : memref<10x1024xf32, #tpu.memory_space<vmem>> -> memref<1x1024xf32, #tpu.memory_space<vmem>>
    %dma_wait3A_657 = tpu.memref_squeeze %dma_wait3A_656 : memref<1x1024xf32, #tpu.memory_space<vmem>> -> memref<1024xf32, #tpu.memory_space<vmem>>
    %dma_wait3A_658 = arith.constant 0 : i32
    %dma_wait3A_659 = tpu.memref_slice %arg9[%dma_wait3A_654, %add3A, %dma_wait3A_658] : memref<10x32x1024xf32, #tpu.memory_space<hbm>> -> memref<1x1x1024xf32, #tpu.memory_space<hbm>>
    %dma_wait3A_660 = tpu.memref_squeeze %dma_wait3A_659 : memref<1x1x1024xf32, #tpu.memory_space<hbm>> -> memref<1024xf32, #tpu.memory_space<hbm>>
    %dma_wait3A_661 = arith.constant 0 : i32
    %dma_wait3A_662 = tpu.memref_slice %arg9[%dma_wait3A_654, %add3A, %dma_wait3A_661] : memref<10x32x1024xf32, #tpu.memory_space<hbm>> -> memref<1x1x1024xf32, #tpu.memory_space<hbm>>
    %dma_wait3A_663 = tpu.memref_squeeze %dma_wait3A_662 : memref<1x1x1024xf32, #tpu.memory_space<hbm>> -> memref<1024xf32, #tpu.memory_space<hbm>>
    %dma_wait3A_664 = arith.constant 0 : i32
    %dma_wait3A_665 = tpu.memref_slice %arg21[%dma_wait3A_653, %dma_wait3A_664] : memref<10x1024xf32, #tpu.memory_space<vmem>> -> memref<1x1024xf32, #tpu.memory_space<vmem>>
    %dma_wait3A_666 = tpu.memref_squeeze %dma_wait3A_665 : memref<1x1024xf32, #tpu.memory_space<vmem>> -> memref<1024xf32, #tpu.memory_space<vmem>>
    tpu.wait_dma2 semaphore(%arg30 : memref<!tpu.dma_semaphore, #tpu.memory_space<semaphore_mem>>) src(%dma_wait3A_666 : memref<1024xf32, #tpu.memory_space<vmem>>) dst(%dma_wait3A_663 : memref<1024xf32, #tpu.memory_space<hbm>>)
    %dma_wait3A_667 = arith.constant 3 : i32
    %dma_wait3A_668 = arith.constant 3 : i32
    %dma_wait3A_669 = arith.constant 0 : i32
    %dma_wait3A_670 = tpu.memref_slice %arg21[%dma_wait3A_667, %dma_wait3A_669] : memref<10x1024xf32, #tpu.memory_space<vmem>> -> memref<1x1024xf32, #tpu.memory_space<vmem>>
    %dma_wait3A_671 = tpu.memref_squeeze %dma_wait3A_670 : memref<1x1024xf32, #tpu.memory_space<vmem>> -> memref<1024xf32, #tpu.memory_space<vmem>>
    %dma_wait3A_672 = arith.constant 0 : i32
    %dma_wait3A_673 = tpu.memref_slice %arg9[%dma_wait3A_668, %add3A, %dma_wait3A_672] : memref<10x32x1024xf32, #tpu.memory_space<hbm>> -> memref<1x1x1024xf32, #tpu.memory_space<hbm>>
    %dma_wait3A_674 = tpu.memref_squeeze %dma_wait3A_673 : memref<1x1x1024xf32, #tpu.memory_space<hbm>> -> memref<1024xf32, #tpu.memory_space<hbm>>
    %dma_wait3A_675 = arith.constant 0 : i32
    %dma_wait3A_676 = tpu.memref_slice %arg9[%dma_wait3A_668, %add3A, %dma_wait3A_675] : memref<10x32x1024xf32, #tpu.memory_space<hbm>> -> memref<1x1x1024xf32, #tpu.memory_space<hbm>>
    %dma_wait3A_677 = tpu.memref_squeeze %dma_wait3A_676 : memref<1x1x1024xf32, #tpu.memory_space<hbm>> -> memref<1024xf32, #tpu.memory_space<hbm>>
    %dma_wait3A_678 = arith.constant 0 : i32
    %dma_wait3A_679 = tpu.memref_slice %arg21[%dma_wait3A_667, %dma_wait3A_678] : memref<10x1024xf32, #tpu.memory_space<vmem>> -> memref<1x1024xf32, #tpu.memory_space<vmem>>
    %dma_wait3A_680 = tpu.memref_squeeze %dma_wait3A_679 : memref<1x1024xf32, #tpu.memory_space<vmem>> -> memref<1024xf32, #tpu.memory_space<vmem>>
    tpu.wait_dma2 semaphore(%arg30 : memref<!tpu.dma_semaphore, #tpu.memory_space<semaphore_mem>>) src(%dma_wait3A_680 : memref<1024xf32, #tpu.memory_space<vmem>>) dst(%dma_wait3A_677 : memref<1024xf32, #tpu.memory_space<hbm>>)
    %dma_wait3A_681 = arith.constant 4 : i32
    %dma_wait3A_682 = arith.constant 4 : i32
    %dma_wait3A_683 = arith.constant 0 : i32
    %dma_wait3A_684 = tpu.memref_slice %arg21[%dma_wait3A_681, %dma_wait3A_683] : memref<10x1024xf32, #tpu.memory_space<vmem>> -> memref<1x1024xf32, #tpu.memory_space<vmem>>
    %dma_wait3A_685 = tpu.memref_squeeze %dma_wait3A_684 : memref<1x1024xf32, #tpu.memory_space<vmem>> -> memref<1024xf32, #tpu.memory_space<vmem>>
    %dma_wait3A_686 = arith.constant 0 : i32
    %dma_wait3A_687 = tpu.memref_slice %arg9[%dma_wait3A_682, %add3A, %dma_wait3A_686] : memref<10x32x1024xf32, #tpu.memory_space<hbm>> -> memref<1x1x1024xf32, #tpu.memory_space<hbm>>
    %dma_wait3A_688 = tpu.memref_squeeze %dma_wait3A_687 : memref<1x1x1024xf32, #tpu.memory_space<hbm>> -> memref<1024xf32, #tpu.memory_space<hbm>>
    %dma_wait3A_689 = arith.constant 0 : i32
    %dma_wait3A_690 = tpu.memref_slice %arg9[%dma_wait3A_682, %add3A, %dma_wait3A_689] : memref<10x32x1024xf32, #tpu.memory_space<hbm>> -> memref<1x1x1024xf32, #tpu.memory_space<hbm>>
    %dma_wait3A_691 = tpu.memref_squeeze %dma_wait3A_690 : memref<1x1x1024xf32, #tpu.memory_space<hbm>> -> memref<1024xf32, #tpu.memory_space<hbm>>
    %dma_wait3A_692 = arith.constant 0 : i32
    %dma_wait3A_693 = tpu.memref_slice %arg21[%dma_wait3A_681, %dma_wait3A_692] : memref<10x1024xf32, #tpu.memory_space<vmem>> -> memref<1x1024xf32, #tpu.memory_space<vmem>>
    %dma_wait3A_694 = tpu.memref_squeeze %dma_wait3A_693 : memref<1x1024xf32, #tpu.memory_space<vmem>> -> memref<1024xf32, #tpu.memory_space<vmem>>
    tpu.wait_dma2 semaphore(%arg30 : memref<!tpu.dma_semaphore, #tpu.memory_space<semaphore_mem>>) src(%dma_wait3A_694 : memref<1024xf32, #tpu.memory_space<vmem>>) dst(%dma_wait3A_691 : memref<1024xf32, #tpu.memory_space<hbm>>)
    %dma_wait3A_695 = arith.constant 5 : i32
    %dma_wait3A_696 = arith.constant 5 : i32
    %dma_wait3A_697 = arith.constant 0 : i32
    %dma_wait3A_698 = tpu.memref_slice %arg21[%dma_wait3A_695, %dma_wait3A_697] : memref<10x1024xf32, #tpu.memory_space<vmem>> -> memref<1x1024xf32, #tpu.memory_space<vmem>>
    %dma_wait3A_699 = tpu.memref_squeeze %dma_wait3A_698 : memref<1x1024xf32, #tpu.memory_space<vmem>> -> memref<1024xf32, #tpu.memory_space<vmem>>
    %dma_wait3A_700 = arith.constant 0 : i32
    %dma_wait3A_701 = tpu.memref_slice %arg9[%dma_wait3A_696, %add3A, %dma_wait3A_700] : memref<10x32x1024xf32, #tpu.memory_space<hbm>> -> memref<1x1x1024xf32, #tpu.memory_space<hbm>>
    %dma_wait3A_702 = tpu.memref_squeeze %dma_wait3A_701 : memref<1x1x1024xf32, #tpu.memory_space<hbm>> -> memref<1024xf32, #tpu.memory_space<hbm>>
    %dma_wait3A_703 = arith.constant 0 : i32
    %dma_wait3A_704 = tpu.memref_slice %arg9[%dma_wait3A_696, %add3A, %dma_wait3A_703] : memref<10x32x1024xf32, #tpu.memory_space<hbm>> -> memref<1x1x1024xf32, #tpu.memory_space<hbm>>
    %dma_wait3A_705 = tpu.memref_squeeze %dma_wait3A_704 : memref<1x1x1024xf32, #tpu.memory_space<hbm>> -> memref<1024xf32, #tpu.memory_space<hbm>>
    %dma_wait3A_706 = arith.constant 0 : i32
    %dma_wait3A_707 = tpu.memref_slice %arg21[%dma_wait3A_695, %dma_wait3A_706] : memref<10x1024xf32, #tpu.memory_space<vmem>> -> memref<1x1024xf32, #tpu.memory_space<vmem>>
    %dma_wait3A_708 = tpu.memref_squeeze %dma_wait3A_707 : memref<1x1024xf32, #tpu.memory_space<vmem>> -> memref<1024xf32, #tpu.memory_space<vmem>>
    tpu.wait_dma2 semaphore(%arg30 : memref<!tpu.dma_semaphore, #tpu.memory_space<semaphore_mem>>) src(%dma_wait3A_708 : memref<1024xf32, #tpu.memory_space<vmem>>) dst(%dma_wait3A_705 : memref<1024xf32, #tpu.memory_space<hbm>>)
    %dma_wait3A_709 = arith.constant 6 : i32
    %dma_wait3A_710 = arith.constant 6 : i32
    %dma_wait3A_711 = arith.constant 0 : i32
    %dma_wait3A_712 = tpu.memref_slice %arg21[%dma_wait3A_709, %dma_wait3A_711] : memref<10x1024xf32, #tpu.memory_space<vmem>> -> memref<1x1024xf32, #tpu.memory_space<vmem>>
    %dma_wait3A_713 = tpu.memref_squeeze %dma_wait3A_712 : memref<1x1024xf32, #tpu.memory_space<vmem>> -> memref<1024xf32, #tpu.memory_space<vmem>>
    %dma_wait3A_714 = arith.constant 0 : i32
    %dma_wait3A_715 = tpu.memref_slice %arg9[%dma_wait3A_710, %add3A, %dma_wait3A_714] : memref<10x32x1024xf32, #tpu.memory_space<hbm>> -> memref<1x1x1024xf32, #tpu.memory_space<hbm>>
    %dma_wait3A_716 = tpu.memref_squeeze %dma_wait3A_715 : memref<1x1x1024xf32, #tpu.memory_space<hbm>> -> memref<1024xf32, #tpu.memory_space<hbm>>
    %dma_wait3A_717 = arith.constant 0 : i32
    %dma_wait3A_718 = tpu.memref_slice %arg9[%dma_wait3A_710, %add3A, %dma_wait3A_717] : memref<10x32x1024xf32, #tpu.memory_space<hbm>> -> memref<1x1x1024xf32, #tpu.memory_space<hbm>>
    %dma_wait3A_719 = tpu.memref_squeeze %dma_wait3A_718 : memref<1x1x1024xf32, #tpu.memory_space<hbm>> -> memref<1024xf32, #tpu.memory_space<hbm>>
    %dma_wait3A_720 = arith.constant 0 : i32
    %dma_wait3A_721 = tpu.memref_slice %arg21[%dma_wait3A_709, %dma_wait3A_720] : memref<10x1024xf32, #tpu.memory_space<vmem>> -> memref<1x1024xf32, #tpu.memory_space<vmem>>
    %dma_wait3A_722 = tpu.memref_squeeze %dma_wait3A_721 : memref<1x1024xf32, #tpu.memory_space<vmem>> -> memref<1024xf32, #tpu.memory_space<vmem>>
    tpu.wait_dma2 semaphore(%arg30 : memref<!tpu.dma_semaphore, #tpu.memory_space<semaphore_mem>>) src(%dma_wait3A_722 : memref<1024xf32, #tpu.memory_space<vmem>>) dst(%dma_wait3A_719 : memref<1024xf32, #tpu.memory_space<hbm>>)
    %dma_wait3A_723 = arith.constant 7 : i32
    %dma_wait3A_724 = arith.constant 7 : i32
    %dma_wait3A_725 = arith.constant 0 : i32
    %dma_wait3A_726 = tpu.memref_slice %arg21[%dma_wait3A_723, %dma_wait3A_725] : memref<10x1024xf32, #tpu.memory_space<vmem>> -> memref<1x1024xf32, #tpu.memory_space<vmem>>
    %dma_wait3A_727 = tpu.memref_squeeze %dma_wait3A_726 : memref<1x1024xf32, #tpu.memory_space<vmem>> -> memref<1024xf32, #tpu.memory_space<vmem>>
    %dma_wait3A_728 = arith.constant 0 : i32
    %dma_wait3A_729 = tpu.memref_slice %arg9[%dma_wait3A_724, %add3A, %dma_wait3A_728] : memref<10x32x1024xf32, #tpu.memory_space<hbm>> -> memref<1x1x1024xf32, #tpu.memory_space<hbm>>
    %dma_wait3A_730 = tpu.memref_squeeze %dma_wait3A_729 : memref<1x1x1024xf32, #tpu.memory_space<hbm>> -> memref<1024xf32, #tpu.memory_space<hbm>>
    %dma_wait3A_731 = arith.constant 0 : i32
    %dma_wait3A_732 = tpu.memref_slice %arg9[%dma_wait3A_724, %add3A, %dma_wait3A_731] : memref<10x32x1024xf32, #tpu.memory_space<hbm>> -> memref<1x1x1024xf32, #tpu.memory_space<hbm>>
    %dma_wait3A_733 = tpu.memref_squeeze %dma_wait3A_732 : memref<1x1x1024xf32, #tpu.memory_space<hbm>> -> memref<1024xf32, #tpu.memory_space<hbm>>
    %dma_wait3A_734 = arith.constant 0 : i32
    %dma_wait3A_735 = tpu.memref_slice %arg21[%dma_wait3A_723, %dma_wait3A_734] : memref<10x1024xf32, #tpu.memory_space<vmem>> -> memref<1x1024xf32, #tpu.memory_space<vmem>>
    %dma_wait3A_736 = tpu.memref_squeeze %dma_wait3A_735 : memref<1x1024xf32, #tpu.memory_space<vmem>> -> memref<1024xf32, #tpu.memory_space<vmem>>
    tpu.wait_dma2 semaphore(%arg30 : memref<!tpu.dma_semaphore, #tpu.memory_space<semaphore_mem>>) src(%dma_wait3A_736 : memref<1024xf32, #tpu.memory_space<vmem>>) dst(%dma_wait3A_733 : memref<1024xf32, #tpu.memory_space<hbm>>)
    %dma_wait3A_737 = arith.constant 8 : i32
    %dma_wait3A_738 = arith.constant 8 : i32
    %dma_wait3A_739 = arith.constant 0 : i32
    %dma_wait3A_740 = tpu.memref_slice %arg21[%dma_wait3A_737, %dma_wait3A_739] : memref<10x1024xf32, #tpu.memory_space<vmem>> -> memref<1x1024xf32, #tpu.memory_space<vmem>>
    %dma_wait3A_741 = tpu.memref_squeeze %dma_wait3A_740 : memref<1x1024xf32, #tpu.memory_space<vmem>> -> memref<1024xf32, #tpu.memory_space<vmem>>
    %dma_wait3A_742 = arith.constant 0 : i32
    %dma_wait3A_743 = tpu.memref_slice %arg9[%dma_wait3A_738, %add3A, %dma_wait3A_742] : memref<10x32x1024xf32, #tpu.memory_space<hbm>> -> memref<1x1x1024xf32, #tpu.memory_space<hbm>>
    %dma_wait3A_744 = tpu.memref_squeeze %dma_wait3A_743 : memref<1x1x1024xf32, #tpu.memory_space<hbm>> -> memref<1024xf32, #tpu.memory_space<hbm>>
    %dma_wait3A_745 = arith.constant 0 : i32
    %dma_wait3A_746 = tpu.memref_slice %arg9[%dma_wait3A_738, %add3A, %dma_wait3A_745] : memref<10x32x1024xf32, #tpu.memory_space<hbm>> -> memref<1x1x1024xf32, #tpu.memory_space<hbm>>
    %dma_wait3A_747 = tpu.memref_squeeze %dma_wait3A_746 : memref<1x1x1024xf32, #tpu.memory_space<hbm>> -> memref<1024xf32, #tpu.memory_space<hbm>>
    %dma_wait3A_748 = arith.constant 0 : i32
    %dma_wait3A_749 = tpu.memref_slice %arg21[%dma_wait3A_737, %dma_wait3A_748] : memref<10x1024xf32, #tpu.memory_space<vmem>> -> memref<1x1024xf32, #tpu.memory_space<vmem>>
    %dma_wait3A_750 = tpu.memref_squeeze %dma_wait3A_749 : memref<1x1024xf32, #tpu.memory_space<vmem>> -> memref<1024xf32, #tpu.memory_space<vmem>>
    tpu.wait_dma2 semaphore(%arg30 : memref<!tpu.dma_semaphore, #tpu.memory_space<semaphore_mem>>) src(%dma_wait3A_750 : memref<1024xf32, #tpu.memory_space<vmem>>) dst(%dma_wait3A_747 : memref<1024xf32, #tpu.memory_space<hbm>>)
    %dma_wait3A_751 = arith.constant 9 : i32
    %dma_wait3A_752 = arith.constant 9 : i32
    %dma_wait3A_753 = arith.constant 0 : i32
    %dma_wait3A_754 = tpu.memref_slice %arg21[%dma_wait3A_751, %dma_wait3A_753] : memref<10x1024xf32, #tpu.memory_space<vmem>> -> memref<1x1024xf32, #tpu.memory_space<vmem>>
    %dma_wait3A_755 = tpu.memref_squeeze %dma_wait3A_754 : memref<1x1024xf32, #tpu.memory_space<vmem>> -> memref<1024xf32, #tpu.memory_space<vmem>>
    %dma_wait3A_756 = arith.constant 0 : i32
    %dma_wait3A_757 = tpu.memref_slice %arg9[%dma_wait3A_752, %add3A, %dma_wait3A_756] : memref<10x32x1024xf32, #tpu.memory_space<hbm>> -> memref<1x1x1024xf32, #tpu.memory_space<hbm>>
    %dma_wait3A_758 = tpu.memref_squeeze %dma_wait3A_757 : memref<1x1x1024xf32, #tpu.memory_space<hbm>> -> memref<1024xf32, #tpu.memory_space<hbm>>
    %dma_wait3A_759 = arith.constant 0 : i32
    %dma_wait3A_760 = tpu.memref_slice %arg9[%dma_wait3A_752, %add3A, %dma_wait3A_759] : memref<10x32x1024xf32, #tpu.memory_space<hbm>> -> memref<1x1x1024xf32, #tpu.memory_space<hbm>>
    %dma_wait3A_761 = tpu.memref_squeeze %dma_wait3A_760 : memref<1x1x1024xf32, #tpu.memory_space<hbm>> -> memref<1024xf32, #tpu.memory_space<hbm>>
    %dma_wait3A_762 = arith.constant 0 : i32
    %dma_wait3A_763 = tpu.memref_slice %arg21[%dma_wait3A_751, %dma_wait3A_762] : memref<10x1024xf32, #tpu.memory_space<vmem>> -> memref<1x1024xf32, #tpu.memory_space<vmem>>
    %dma_wait3A_764 = tpu.memref_squeeze %dma_wait3A_763 : memref<1x1024xf32, #tpu.memory_space<vmem>> -> memref<1024xf32, #tpu.memory_space<vmem>>
    tpu.wait_dma2 semaphore(%arg30 : memref<!tpu.dma_semaphore, #tpu.memory_space<semaphore_mem>>) src(%dma_wait3A_764 : memref<1024xf32, #tpu.memory_space<vmem>>) dst(%dma_wait3A_761 : memref<1024xf32, #tpu.memory_space<hbm>>)
    %barrier3A_765 = arith.constant 0 : index
    tpu.barrier barrier_id(%barrier3A_765)
    %mul3A_766 = arith.constant 632 : i32
    %mul3A_767 = arith.muli %arg1, %mul3A_766 : i32
    %mul3A_768 = arith.constant 632 : i32
    %mul3A_769 = arith.muli %arg1, %mul3A_768 : i32
    "tpu.region"() ({
      %run_scoped3A = tpu.sem_alloc : memref<!tpu.dma_semaphore, #tpu.memory_space<semaphore_mem>>
      %dma_start3A_770 = arith.constant 0 : i32
      %dma_start3A_771 = tpu.memref_slice %arg8[%arg0, %mul3A_769, %dma_start3A_770] : memref<2x10112x128xf32, #tpu.memory_space<hbm>> -> memref<1x632x128xf32, #tpu.memory_space<hbm>>
      %dma_start3A_772 = tpu.memref_squeeze %dma_start3A_771 : memref<1x632x128xf32, #tpu.memory_space<hbm>> -> memref<632x128xf32, #tpu.memory_space<hbm>>
      %dma_start3A_773 = arith.constant 0 : i32
      %dma_start3A_774 = tpu.memref_slice %arg25[%mul3A_767, %dma_start3A_773] : memref<10112x128xf32, #tpu.memory_space<vmem_shared>> -> memref<632x128xf32, #tpu.memory_space<vmem_shared>>
      tpu.enqueue_dma source(%dma_start3A_774 : memref<632x128xf32, #tpu.memory_space<vmem_shared>>) target(%dma_start3A_772 : memref<632x128xf32, #tpu.memory_space<hbm>>) target_semaphore(%run_scoped3A : memref<!tpu.dma_semaphore, #tpu.memory_space<semaphore_mem>>)
      %dma_wait3A_775 = arith.constant 0 : i32
      %dma_wait3A_776 = tpu.memref_slice %arg8[%arg0, %mul3A_769, %dma_wait3A_775] : memref<2x10112x128xf32, #tpu.memory_space<hbm>> -> memref<1x632x128xf32, #tpu.memory_space<hbm>>
      %dma_wait3A_777 = tpu.memref_squeeze %dma_wait3A_776 : memref<1x632x128xf32, #tpu.memory_space<hbm>> -> memref<632x128xf32, #tpu.memory_space<hbm>>
      %dma_wait3A_778 = arith.constant 0 : i32
      %dma_wait3A_779 = tpu.memref_slice %arg25[%mul3A_767, %dma_wait3A_778] : memref<10112x128xf32, #tpu.memory_space<vmem_shared>> -> memref<632x128xf32, #tpu.memory_space<vmem_shared>>
      tpu.wait_dma2 semaphore(%run_scoped3A : memref<!tpu.dma_semaphore, #tpu.memory_space<semaphore_mem>>) src(%dma_wait3A_779 : memref<632x128xf32, #tpu.memory_space<vmem_shared>>) dst(%dma_wait3A_777 : memref<632x128xf32, #tpu.memory_space<hbm>>)
      tpu.yield
    }) : () -> ()
    return
  }
}

module attributes {stable_mosaic.version = 14 : i64} {
  func.func @_proj_body(%arg0: i32, %arg1: memref<1000x128xf32, #tpu.memory_space<vmem>>, %arg2: memref<128x128xf32, #tpu.memory_space<vmem>>, %arg3: memref<128x128xf32, #tpu.memory_space<vmem>>, %arg4: memref<1x128xf32, #tpu.memory_space<vmem>>, %arg5: memref<1x128xf32, #tpu.memory_space<vmem>>, %arg6: memref<1000x128xf32, #tpu.memory_space<vmem>>, %arg7: memref<1000x1xf32, #tpu.memory_space<vmem>>, %arg8: memref<1000x1xf32, #tpu.memory_space<vmem>>, %arg9: memref<2x128xf32, #tpu.memory_space<vmem>>) attributes {dimension_semantics = [#tpu.dimension_semantics<arbitrary>], iteration_bounds = array<i64: 10>, scalar_prefetch = 0 : i64, scratch_operands = 0 : i64, tpu.core_type = #tpu.core_type<tc>, window_params = [{transform_indices = @transform_0, window_bounds = array<i64: 1000, 128>}, {pipeline_mode = #tpu.pipeline_mode<synchronous>, transform_indices = @transform_1, window_bounds = array<i64: 128, 128>}, {pipeline_mode = #tpu.pipeline_mode<synchronous>, transform_indices = @transform_2, window_bounds = array<i64: 128, 128>}, {pipeline_mode = #tpu.pipeline_mode<synchronous>, transform_indices = @transform_3, window_bounds = array<i64: 1, 128>}, {pipeline_mode = #tpu.pipeline_mode<synchronous>, transform_indices = @transform_4, window_bounds = array<i64: 1, 128>}, {transform_indices = @transform_5, window_bounds = array<i64: 1000, 128>}, {transform_indices = @transform_6, window_bounds = array<i64: 1000, 1>}, {transform_indices = @transform_7, window_bounds = array<i64: 1000, 1>}, {pipeline_mode = #tpu.pipeline_mode<synchronous>, transform_indices = @transform_8, window_bounds = array<i64: 2, 128>}]} {
    %get3A = arith.constant 0 : index
    %get3A_0 = arith.constant 0 : index
    %get3A_1 = vector.load %arg1[%get3A, %get3A_0] : memref<1000x128xf32, #tpu.memory_space<vmem>>, vector<1000x128xf32>
    %get3A_2 = arith.constant 0 : index
    %get3A_3 = arith.constant 0 : index
    %get3A_4 = vector.load %arg2[%get3A_2, %get3A_3] : memref<128x128xf32, #tpu.memory_space<vmem>>, vector<128x128xf32>
    %dot_general3A = arith.constant dense<0.000000e+00> : vector<1000x128xf32>
    %dot_general3A_5 = tpu.matmul %get3A_1, %get3A_4, %dot_general3A {dimension_numbers = #tpu.dot_dimension_numbers<[1], [0], [0], [1], [0, 0, 1, 1], [], []>, transpose_lhs_hint = false} : vector<1000x128xf32>, vector<128x128xf32>, vector<1000x128xf32> -> vector<1000x128xf32>
    %get3A_6 = arith.constant 0 : index
    %get3A_7 = arith.constant 0 : index
    %get3A_8 = vector.load %arg3[%get3A_6, %get3A_7] : memref<128x128xf32, #tpu.memory_space<vmem>>, vector<128x128xf32>
    %dot_general3A_9 = arith.constant dense<0.000000e+00> : vector<1000x128xf32>
    %dot_general3A_10 = tpu.matmul %get3A_1, %get3A_8, %dot_general3A_9 {dimension_numbers = #tpu.dot_dimension_numbers<[1], [0], [0], [1], [0, 0, 1, 1], [], []>, transpose_lhs_hint = false} : vector<1000x128xf32>, vector<128x128xf32>, vector<1000x128xf32> -> vector<1000x128xf32>
    %swap3A = arith.constant 0 : index
    %swap3A_11 = arith.constant 0 : index
    %swap3A_12 = vector.load %arg6[%swap3A, %swap3A_11] : memref<1000x128xf32, #tpu.memory_space<vmem>>, vector<1000x128xf32>
    tpu.vector_store %arg6[%swap3A, %swap3A_11], %dot_general3A_5 {strides = array<i32>} : memref<1000x128xf32, #tpu.memory_space<vmem>>, vector<1000x128xf32>,
    %get3A_13 = arith.constant 0 : index
    %get3A_14 = arith.constant 0 : index
    %get3A_15 = vector.load %arg4[%get3A_13, %get3A_14] : memref<1x128xf32, #tpu.memory_space<vmem>>, vector<1x128xf32>
    %mul3A = vector.broadcast %get3A_15 : vector<1x128xf32> to vector<1000x128xf32>
    %mul3A_16 = arith.mulf %dot_general3A_5, %mul3A : vector<1000x128xf32>
    %reduce_sum3A = arith.constant dense<0.000000e+00> : vector<1000xf32>
    %reduce_sum3A_17 = vector.multi_reduction <add>, %mul3A_16, %reduce_sum3A [1] : vector<1000x128xf32> to vector<1000xf32>
    %broadcast_in_dim3A = vector.shape_cast %reduce_sum3A_17 : vector<1000xf32> to vector<1000x1xf32>
    %get3A_18 = arith.constant 0 : index
    %get3A_19 = arith.constant 0 : index
    %get3A_20 = vector.load %arg5[%get3A_18, %get3A_19] : memref<1x128xf32, #tpu.memory_space<vmem>>, vector<1x128xf32>
    %mul3A_21 = vector.broadcast %get3A_20 : vector<1x128xf32> to vector<1000x128xf32>
    %mul3A_22 = arith.mulf %dot_general3A_10, %mul3A_21 : vector<1000x128xf32>
    %reduce_sum3A_23 = arith.constant dense<0.000000e+00> : vector<1000xf32>
    %reduce_sum3A_24 = vector.multi_reduction <add>, %mul3A_22, %reduce_sum3A_23 [1] : vector<1000x128xf32> to vector<1000xf32>
    %broadcast_in_dim3A_25 = vector.shape_cast %reduce_sum3A_24 : vector<1000xf32> to vector<1000x1xf32>
    %swap3A_26 = arith.constant 0 : index
    %swap3A_27 = arith.constant 0 : index
    %swap3A_28 = vector.load %arg7[%swap3A_26, %swap3A_27] : memref<1000x1xf32, #tpu.memory_space<vmem>>, vector<1000x1xf32>
    tpu.vector_store %arg7[%swap3A_26, %swap3A_27], %broadcast_in_dim3A {strides = array<i32>} : memref<1000x1xf32, #tpu.memory_space<vmem>>, vector<1000x1xf32>,
    %swap3A_29 = arith.constant 0 : index
    %swap3A_30 = arith.constant 0 : index
    %swap3A_31 = vector.load %arg8[%swap3A_29, %swap3A_30] : memref<1000x1xf32, #tpu.memory_space<vmem>>, vector<1000x1xf32>
    tpu.vector_store %arg8[%swap3A_29, %swap3A_30], %broadcast_in_dim3A_25 {strides = array<i32>} : memref<1000x1xf32, #tpu.memory_space<vmem>>, vector<1000x1xf32>,
    %reduce_max3A = vector.shape_cast %broadcast_in_dim3A : vector<1000x1xf32> to vector<1x1000x1xf32>
    %reduce_max3A_32 = arith.constant dense<0xFF800000> : vector<1xf32>
    %reduce_max3A_33 = vector.multi_reduction <maximumf>, %reduce_max3A, %reduce_max3A_32 [1, 2] : vector<1x1000x1xf32> to vector<1xf32>
    %reduce_max3A_34 = vector.shape_cast %reduce_max3A_33 : vector<1xf32> to vector<1x1x1xf32>
    %reduce_max3A_35 = vector.extract %reduce_max3A_34[0, 0, 0] : f32 from vector<1x1x1xf32>
    %broadcast_in_dim3A_36 = vector.broadcast %reduce_max3A_35 : f32 to vector<1x128xf32>
    %reduce_max3A_37 = vector.shape_cast %broadcast_in_dim3A_25 : vector<1000x1xf32> to vector<1x1000x1xf32>
    %reduce_max3A_38 = arith.constant dense<0xFF800000> : vector<1xf32>
    %reduce_max3A_39 = vector.multi_reduction <maximumf>, %reduce_max3A_37, %reduce_max3A_38 [1, 2] : vector<1x1000x1xf32> to vector<1xf32>
    %reduce_max3A_40 = vector.shape_cast %reduce_max3A_39 : vector<1xf32> to vector<1x1x1xf32>
    %reduce_max3A_41 = vector.extract %reduce_max3A_40[0, 0, 0] : f32 from vector<1x1x1xf32>
    %broadcast_in_dim3A_42 = vector.broadcast %reduce_max3A_41 : f32 to vector<1x128xf32>
    %concatenate3A = tpu.concatenate %broadcast_in_dim3A_36, %broadcast_in_dim3A_42 in 0 : vector<1x128xf32>, vector<1x128xf32> -> vector<2x128xf32>
    %eq3A = arith.constant 0 : i32
    %eq3A_43 = arith.cmpi eq, %arg0, %eq3A : i32
    %convert_element_type3A = arith.extui %eq3A_43 : i1 to i32
    %cond3A = arith.constant 0 : i32
    %cond3A_44 = arith.cmpi ne, %convert_element_type3A, %cond3A : i32
    scf.if %cond3A_44 {
      %swap3A_49 = arith.constant 0 : index
      %swap3A_50 = arith.constant 0 : index
      %swap3A_51 = vector.load %arg9[%swap3A_49, %swap3A_50] : memref<2x128xf32, #tpu.memory_space<vmem>>, vector<2x128xf32>
      tpu.vector_store %arg9[%swap3A_49, %swap3A_50], %concatenate3A {strides = array<i32>} : memref<2x128xf32, #tpu.memory_space<vmem>>, vector<2x128xf32>,
    } else {
    }
    %ne3A = arith.constant 0 : i32
    %ne3A_45 = arith.cmpi ne, %arg0, %ne3A : i32
    %convert_element_type3A_46 = arith.extui %ne3A_45 : i1 to i32
    %cond3A_47 = arith.constant 0 : i32
    %cond3A_48 = arith.cmpi ne, %convert_element_type3A_46, %cond3A_47 : i32
    scf.if %cond3A_48 {
      %get3A_49 = arith.constant 0 : index
      %get3A_50 = arith.constant 0 : index
      %get3A_51 = vector.load %arg9[%get3A_49, %get3A_50] : memref<2x128xf32, #tpu.memory_space<vmem>>, vector<2x128xf32>
      %max3A = arith.maximumf %get3A_51, %concatenate3A : vector<2x128xf32>
      %swap3A_52 = arith.constant 0 : index
      %swap3A_53 = arith.constant 0 : index
      %swap3A_54 = vector.load %arg9[%swap3A_52, %swap3A_53] : memref<2x128xf32, #tpu.memory_space<vmem>>, vector<2x128xf32>
      tpu.vector_store %arg9[%swap3A_52, %swap3A_53], %max3A {strides = array<i32>} : memref<2x128xf32, #tpu.memory_space<vmem>>, vector<2x128xf32>,
    } else {
    }
    return
  }
  func.func @transform_0(%arg0: i32) -> (i32, i32) {
    %c0_i32 = arith.constant 0 : i32
    %c0_i32_0 = arith.constant 0 : i32
    return %arg0, %c0_i32 : i32, i32
  }
  func.func @transform_1(%arg0: i32) -> (i32, i32) {
    %c0_i32 = arith.constant 0 : i32
    %c0_i32_0 = arith.constant 0 : i32
    %c0_i32_1 = arith.constant 0 : i32
    return %c0_i32, %c0_i32_0 : i32, i32
  }
  func.func @transform_2(%arg0: i32) -> (i32, i32) {
    %c0_i32 = arith.constant 0 : i32
    %c0_i32_0 = arith.constant 0 : i32
    %c0_i32_1 = arith.constant 0 : i32
    return %c0_i32, %c0_i32_0 : i32, i32
  }
  func.func @transform_3(%arg0: i32) -> (i32, i32) {
    %c0_i32 = arith.constant 0 : i32
    %c0_i32_0 = arith.constant 0 : i32
    %c0_i32_1 = arith.constant 0 : i32
    return %c0_i32, %c0_i32_0 : i32, i32
  }
  func.func @transform_4(%arg0: i32) -> (i32, i32) {
    %c0_i32 = arith.constant 0 : i32
    %c0_i32_0 = arith.constant 0 : i32
    %c0_i32_1 = arith.constant 0 : i32
    return %c0_i32, %c0_i32_0 : i32, i32
  }
  func.func @transform_5(%arg0: i32) -> (i32, i32) {
    %c0_i32 = arith.constant 0 : i32
    %c0_i32_0 = arith.constant 0 : i32
    return %arg0, %c0_i32 : i32, i32
  }
  func.func @transform_6(%arg0: i32) -> (i32, i32) {
    %c0_i32 = arith.constant 0 : i32
    %c0_i32_0 = arith.constant 0 : i32
    return %arg0, %c0_i32 : i32, i32
  }
  func.func @transform_7(%arg0: i32) -> (i32, i32) {
    %c0_i32 = arith.constant 0 : i32
    %c0_i32_0 = arith.constant 0 : i32
    return %arg0, %c0_i32 : i32, i32
  }
  func.func @transform_8(%arg0: i32) -> (i32, i32) {
    %c0_i32 = arith.constant 0 : i32
    %c0_i32_0 = arith.constant 0 : i32
    %c0_i32_1 = arith.constant 0 : i32
    return %c0_i32, %c0_i32_0 : i32, i32
  }
}

module attributes {stable_mosaic.version = 14 : i64} {
  func.func @_fin_body(%arg0: i32, %arg1: memref<2x128x128xf32, #tpu.memory_space<vmem>>, %arg2: memref<1x32x128xf32, #tpu.memory_space<vmem>>, %arg3: memref<1x128xf32, #tpu.memory_space<vmem>>, %arg4: memref<128x128xf32, #tpu.memory_space<vmem>>) attributes {dimension_semantics = [#tpu.dimension_semantics<arbitrary>], iteration_bounds = array<i64: 79>, scalar_prefetch = 0 : i64, scratch_operands = 0 : i64, tpu.core_type = #tpu.core_type<tc>, window_params = [{transform_indices = @transform_0, window_bounds = array<i64: 2, 128, 128>}, {transform_indices = @transform_1, window_bounds = array<i64: 1, 32, 128>}, {pipeline_mode = #tpu.pipeline_mode<synchronous>, transform_indices = @transform_2, window_bounds = array<i64: 1, 128>}, {transform_indices = @transform_3, window_bounds = array<i64: 128, 128>}]} {
    %get3A = arith.constant 0 : index
    %get3A_0 = arith.constant 0 : index
    %get3A_1 = arith.constant 0 : index
    %get3A_2 = vector.load %arg1[%get3A, %get3A_0, %get3A_1] : memref<2x128x128xf32, #tpu.memory_space<vmem>>, vector<1x128x128xf32>
    %get3A_3 = vector.shape_cast %get3A_2 : vector<1x128x128xf32> to vector<128x128xf32>
    %get3A_4 = arith.constant 1 : index
    %get3A_5 = arith.constant 0 : index
    %get3A_6 = arith.constant 0 : index
    %get3A_7 = vector.load %arg1[%get3A_4, %get3A_5, %get3A_6] : memref<2x128x128xf32, #tpu.memory_space<vmem>>, vector<1x128x128xf32>
    %get3A_8 = vector.shape_cast %get3A_7 : vector<1x128x128xf32> to vector<128x128xf32>
    %add3A = arith.addf %get3A_3, %get3A_8 : vector<128x128xf32>
    %get3A_9 = arith.constant 0 : index
    %get3A_10 = arith.constant 0 : index
    %get3A_11 = arith.constant 0 : index
    %get3A_12 = vector.load %arg2[%get3A_9, %get3A_10, %get3A_11] : memref<1x32x128xf32, #tpu.memory_space<vmem>>, vector<1x32x128xf32>
    %get3A_13 = vector.shape_cast %get3A_12 : vector<1x32x128xf32> to vector<32x128xf32>
    %reduce_sum3A = arith.constant dense<0.000000e+00> : vector<128xf32>
    %reduce_sum3A_14 = vector.multi_reduction <add>, %get3A_13, %reduce_sum3A [0] : vector<32x128xf32> to vector<128xf32>
    %broadcast_in_dim3A = vector.shape_cast %reduce_sum3A_14 : vector<128xf32> to vector<128x1xf32>
    %add3A_15 = arith.constant 1.000000e-16 : f32
    %add3A_16 = vector.broadcast %add3A_15 : f32 to vector<128x1xf32>
    %add3A_17 = arith.addf %broadcast_in_dim3A, %add3A_16 : vector<128x1xf32>
    %div3A = vector.broadcast %add3A_17 : vector<128x1xf32> to vector<128x128xf32>
    %div3A_18 = arith.divf %add3A, %div3A : vector<128x128xf32>
    %get3A_19 = arith.constant 0 : index
    %get3A_20 = arith.constant 0 : index
    %get3A_21 = vector.load %arg3[%get3A_19, %get3A_20] : memref<1x128xf32, #tpu.memory_space<vmem>>, vector<1x128xf32>
    %add3A_22 = vector.broadcast %get3A_21 : vector<1x128xf32> to vector<128x128xf32>
    %add3A_23 = arith.addf %div3A_18, %add3A_22 : vector<128x128xf32>
    %max3A = arith.constant 0.000000e+00 : f32
    %max3A_24 = vector.broadcast %max3A : f32 to vector<128x128xf32>
    %max3A_25 = arith.maximumf %add3A_23, %max3A_24 : vector<128x128xf32>
    %swap3A = arith.constant 0 : index
    %swap3A_26 = arith.constant 0 : index
    %swap3A_27 = vector.load %arg4[%swap3A, %swap3A_26] : memref<128x128xf32, #tpu.memory_space<vmem>>, vector<128x128xf32>
    tpu.vector_store %arg4[%swap3A, %swap3A_26], %max3A_25 {strides = array<i32>} : memref<128x128xf32, #tpu.memory_space<vmem>>, vector<128x128xf32>,
    return
  }
  func.func @transform_0(%arg0: i32) -> (i32, i32, i32) {
    %c0_i32 = arith.constant 0 : i32
    %c0_i32_0 = arith.constant 0 : i32
    %c0_i32_1 = arith.constant 0 : i32
    return %c0_i32, %arg0, %c0_i32_0 : i32, i32, i32
  }
  func.func @transform_1(%arg0: i32) -> (i32, i32, i32) {
    %jit3A = arith.constant 8 : i32
    %div3A = arith.divsi %arg0, %jit3A : i32
    %sign3A = arith.constant 0 : i32
    %sign3A_0 = arith.cmpi sgt, %arg0, %sign3A : i32
    %sign3A_1 = arith.extui %sign3A_0 : i1 to i32
    %sign3A_2 = arith.constant 0 : i32
    %sign3A_3 = arith.cmpi slt, %arg0, %sign3A_2 : i32
    %sign3A_4 = arith.extui %sign3A_3 : i1 to i32
    %sign3A_5 = arith.subi %sign3A_1, %sign3A_4 : i32
    %sign3A_6 = arith.constant 0 : i32
    %sign3A_7 = arith.cmpi sgt, %jit3A, %sign3A_6 : i32
    %sign3A_8 = arith.extui %sign3A_7 : i1 to i32
    %sign3A_9 = arith.constant 0 : i32
    %sign3A_10 = arith.cmpi slt, %jit3A, %sign3A_9 : i32
    %sign3A_11 = arith.extui %sign3A_10 : i1 to i32
    %sign3A_12 = arith.subi %sign3A_8, %sign3A_11 : i32
    %ne3A = arith.cmpi ne, %sign3A_5, %sign3A_12 : i32
    %rem3A = arith.remsi %arg0, %jit3A : i32
    %ne3A_13 = arith.constant 0 : i32
    %ne3A_14 = arith.cmpi ne, %rem3A, %ne3A_13 : i32
    %and3A = arith.andi %ne3A, %ne3A_14 : i1
    %sub3A = arith.constant 1 : i32
    %sub3A_15 = arith.subi %div3A, %sub3A : i32
    %select_n3A = arith.select %and3A, %sub3A_15, %div3A : i32
    %jit3A_16 = arith.constant 8 : i32
    %eq3A = arith.constant 0 : i32
    %eq3A_17 = arith.cmpi eq, %jit3A_16, %eq3A : i32
    %jit3A_18 = arith.constant 1 : i32
    %select_n3A_19 = arith.select %eq3A_17, %jit3A_18, %jit3A_16 : i32
    %rem3A_20 = arith.remsi %arg0, %select_n3A_19 : i32
    %ne3A_21 = arith.constant 0 : i32
    %ne3A_22 = arith.cmpi ne, %rem3A_20, %ne3A_21 : i32
    %lt3A = arith.constant 0 : i32
    %lt3A_23 = arith.cmpi slt, %rem3A_20, %lt3A : i32
    %lt3A_24 = arith.constant 0 : i32
    %lt3A_25 = arith.cmpi slt, %select_n3A_19, %lt3A_24 : i32
    %ne3A_26 = arith.xori %lt3A_23, %lt3A_25 : i1
    %and3A_27 = arith.andi %ne3A_26, %ne3A_22 : i1
    %add3A = arith.addi %rem3A_20, %select_n3A_19 : i32
    %select_n3A_28 = arith.select %and3A_27, %add3A, %rem3A_20 : i32
    %c0_i32 = arith.constant 0 : i32
    %c0_i32_29 = arith.constant 0 : i32
    return %select_n3A, %c0_i32, %select_n3A_28 : i32, i32, i32
  }
  func.func @transform_2(%arg0: i32) -> (i32, i32) {
    %c0_i32 = arith.constant 0 : i32
    %c0_i32_0 = arith.constant 0 : i32
    %c0_i32_1 = arith.constant 0 : i32
    return %c0_i32, %c0_i32_0 : i32, i32
  }
  func.func @transform_3(%arg0: i32) -> (i32, i32) {
    %c0_i32 = arith.constant 0 : i32
    %c0_i32_0 = arith.constant 0 : i32
    return %arg0, %c0_i32 : i32, i32
  }
}

</mosaic_0001>

<sc_bundles>
// kernel: kernel.5.cloned.1.call-start
scs
__scs_entry_jumppad:
0x0: {  	(pc) =	sbr.rel $0x88, $3  }
0x1: {  	(tag) =	ssettag $0x0;
	lr =	simm.s32 $0x1  }
0x2: {  	[smem:$0x3F9A] =	sst lr;
	_ =	strace $0xD0000000  }
0x3: {  	_ = 	snop  }
0x4: {  	_ = 	snop  }
0x5: {  	_ = 	snop  }
0x6: {  	_ = 	snop  }
0x7: {  	_ = 	snop  }
__scs_overlays_trampoline_lowered:
0x8: {  	[smem:$0x3FA9] =	sst s0  }
0x9: {  	[smem:$0x3FAA] =	sst s1  }
0xa: {  	[smem:$0x3FAB] =	sst s2  }
0xb: {  	[smem:$0x3FAC] =	sst s3  }
0xc: {  	[smem:$0x3FAD] =	sst s4  }
0xd: {  	[smem:$0x3FAE] =	sst s5  }
0xe: {  	[smem:$0x3FAF] =	sst s6  }
0xf: {  	[smem:$0x3FB0] =	sst s7  }
0x10: {  	[smem:$0x3FB1] =	sst s8  }
0x11: {  	[smem:$0x3FB2] =	sst s9;
	s0 =	simm.s32 @!p0 $0x0  }
0x12: {  	s1 =	sld [smem:$0x3F98];
	s0 =	simm.s32 @p0 $0x1  }
0x13: {  	[smem:$0x3FB3] =	sst s0;
	s0 =	simm.s32 @!p1 $0x0  }
0x14: {  	s2 =	sld [smem:$0x3F97];
	s0 =	simm.s32 @p1 $0x1  }
0x15: {  	[smem:$0x3FB4] =	sst s0;
	s0 =	simm.s32 @!p2 $0x0  }
0x16: {  	s3 =	sld [smem:$0x3FDB];
	s0 =	simm.s32 @p2 $0x1  }
0x17: {  	s4 =	simm.s32 $0x1BF5;
	[smem:$0x3FB6] =	sst s0  }
0x18: {  	s0 =	sld [smem:$0x3F99];
	_ =	swait.ge [sflag:s4], $0x0  }
0x19: {  	s7 =	sld [smem:$0x3F9A]  }
0x1a: {  	s8 =	sadd.s32 $0xFFFFE003, lr  }
0x1b: {  	s9 =	sadd.s32 $0xFFFFFEF7, lr;
	s5 =	simm.s32 $0xFFFFFFFF;
	p2 =	slt.u32 s8, $0xFFFFF086  }
0x1c: {  	p1 =	slt.u32 s9, $0xF7A;
	s5 =	simm.s32 @!p2 $0x0  }
0x1d: {  	s5 =	simm.s32 @p1 $0x1;
	p0 =	seq.s32 s7, s2  }
0x1e: {  	s7 =	smul.u32 @!p0 $0xF7A, s2;
	p2 =	seq.s32 @!p0 s5, $0x0  }
0x1f: {  	s9 =	smul.u32 $0xF7A, s1;
	s8 =	simm.s32 @!p0 $0x1BF5;
	p2 =	por !p2, p0  }
0x20: {  	[sflag:s8] =	ssyncset.s32 @!p0 $0xFFFFF086;
	s6 =	sadd.s32 @!p0 s3, s7;
	s7 =	simm.s32 @!p0 $0x108  }
0x21: {  	s3 =	sadd.s32 s3, s9;
	s6 =	sadd.s32 @!p0 $0x88, s6;
	s7 =	simm.s32 @p2 $0x1082  }
0x22: {  	[simem:s7], [sflag:s8] =	dma.local @!p0 [hbm:s6], $0xF7A  }
0x23: {  	s9 =	sor.u32 $0xD0000000, s2;
	s6 =	simm.s32 $0x108;
	_ =	swait.ge @!p0 [sflag:s8], $0x0  }
0x24: {  	s3 =	sadd.s32 $0x88, s3;
	s6 =	simm.s32 @!p1 $0x1082;
	[sflag:s4] =	ssyncset.s32 $0xFFFFF086  }
0x25: {  	[simem:s6], [sflag:s4] =	dma.local [hbm:s3], $0xF7A  }
0x26: {  	[smem:$0x3F9A] =	sst s1;
	(tag) =	ssettag s2;
	_ =	strace s9  }
0x27: {  	s1 =	sld [smem:$0x3FAA]  }
0x28: {  	s2 =	sld [smem:$0x3FAB]  }
0x29: {  	s4 =	sld [smem:$0x3FAD]  }
0x2a: {  	p0 =	seq.s32 s5, $0x0;
	s5 =	sld [smem:$0x3FAE]  }
0x2b: {  	s6 =	sld [smem:$0x3FAF]  }
0x2c: {  	s7 =	sld [smem:$0x3FB0]  }
0x2d: {  	s3 =	simm.s32 $0x108;
	s8 =	sld [smem:$0x3FB1]  }
0x2e: {  	s3 =	simm.s32 @!p0 $0x1082;
	s9 =	sld [smem:$0x3FB2]  }
0x2f: {  	lr =	sadd.s32 s0, s3;
	s0 =	sld [smem:$0x3FA9]  }
0x30: {  	s3 =	sld [smem:$0x3FAC]  }
0x31: {  	[smem:$0x3FB5] =	sst s10  }
0x32: {  	s10 =	sld [smem:$0x3FB3];
	_ =	sdelay $0x3  }
0x33: {  	p0 =	seq.s32 s10, $0x1;
	s10 =	sld [smem:$0x3FB5];
	_ =	sdelay $0x3  }
0x34: {  	[smem:$0x3FB5] =	sst s10  }
0x35: {  	s10 =	sld [smem:$0x3FB4];
	_ =	sdelay $0x3  }
0x36: {  	p1 =	seq.s32 s10, $0x1;
	s10 =	sld [smem:$0x3FB5];
	_ =	sdelay $0x3  }
0x37: {  	[smem:$0x3FB5] =	sst s10  }
0x38: {  	s10 =	sld [smem:$0x3FB6]  }
0x39: {  	_ = 	snop;
	(pc) =	sbr.ind lr, $3  }
0x3a: {  	_ = 	snop  }
0x3b: {  	_ = 	snop  }
0x3c: {  	p2 =	seq.s32 s10, $0x1;
	s10 =	sld [smem:$0x3FB5]  }
0x3d: {  	_ =	shalt  }
0x3e: {  	_ =	shalt  }
0x3f: {  	_ =	shalt  }
0x40: {  	_ =	shalt  }
0x41: {  	_ =	shalt  }
0x42: {  	_ =	shalt  }
0x43: {  	_ =	shalt  }
0x44: {  	_ =	shalt  }
0x45: {  	_ =	shalt  }
0x46: {  	_ =	shalt  }
0x47: {  	_ =	shalt  }
0x48: {  	_ =	shalt  }
0x49: {  	_ =	shalt  }
0x4a: {  	_ =	shalt  }
0x4b: {  	_ =	shalt  }
0x4c: {  	_ =	shalt  }
0x4d: {  	_ =	shalt  }
0x4e: {  	_ =	shalt  }
0x4f: {  	_ =	shalt  }
0x50: {  	_ =	shalt  }
0x51: {  	_ =	shalt  }
0x52: {  	_ =	shalt  }
0x53: {  	_ =	shalt  }
0x54: {  	_ =	shalt  }
0x55: {  	_ =	shalt  }
0x56: {  	_ =	shalt  }
0x57: {  	_ =	shalt  }
0x58: {  	_ =	shalt  }
0x59: {  	_ =	shalt  }
0x5a: {  	_ =	shalt  }
0x5b: {  	_ =	shalt  }
0x5c: {  	_ =	shalt  }
0x5d: {  	_ =	shalt  }
0x5e: {  	_ =	shalt  }
0x5f: {  	_ =	shalt  }
0x60: {  	_ =	shalt  }
0x61: {  	_ =	shalt  }
0x62: {  	_ =	shalt  }
0x63: {  	_ =	shalt  }
0x64: {  	_ =	shalt  }
0x65: {  	_ =	shalt  }
0x66: {  	_ =	shalt  }
0x67: {  	_ =	shalt  }
0x68: {  	_ =	shalt  }
0x69: {  	_ =	shalt  }
0x6a: {  	_ =	shalt  }
0x6b: {  	_ =	shalt  }
0x6c: {  	_ =	shalt  }
0x6d: {  	_ =	shalt  }
0x6e: {  	_ =	shalt  }
0x6f: {  	_ =	shalt  }
0x70: {  	_ =	shalt  }
0x71: {  	_ =	shalt  }
0x72: {  	_ =	shalt  }
0x73: {  	_ =	shalt  }
0x74: {  	_ =	shalt  }
0x75: {  	_ =	shalt  }
0x76: {  	_ =	shalt  }
0x77: {  	_ =	shalt  }
0x78: {  	_ =	shalt  }
0x79: {  	_ =	shalt  }
0x7a: {  	_ =	shalt  }
0x7b: {  	_ =	shalt  }
0x7c: {  	_ =	shalt  }
0x7d: {  	_ =	shalt  }
0x7e: {  	_ =	shalt  }
0x7f: {  	_ =	shalt  }
0x80: {  	_ =	shalt  }
0x81: {  	_ =	shalt  }
0x82: {  	_ =	shalt  }
0x83: {  	_ =	shalt  }
0x84: {  	_ =	shalt  }
0x85: {  	_ =	shalt  }
0x86: {  	_ =	shalt  }
0x87: {  	_ =	shalt  }
.Lfunc_end0:
.L_simem_size_0:
called_computation_lowered:
.L_overlay_start_0:
0x88: {  	s2 =	sld [smem:$0x3FD9]  }
0x89: {  	s3 =	sld [smem:$0x3FFE];
	_ =	sdelay $0x1  }
0x8a: {  	s1 =	srdreg.scid  }
0x8b: {  	s0 =	sand.u32 $0x1, s1  }
0x8c: {  	s17 =	sshll.u32 s0, $0xA;
	s2 =	sadd.s32 s3, s2  }
0x8d: {  	s2 =	sadd.s32 s2, s17  }
0x8e: {  	[smem:$0x3FC1] =	sst s2  }
0x8f: {  	_ = 	snop  }
0x90: {  	s2 =	sld [smem:$0x3FD0];
	(tm) =	ssettm $0x1  }
0x91: {  	s18 =	sld [smem:$0x3FFB];
	_ =	sdelay $0x3  }
0x92: {  	_ =	strace s18  }
0x93: {  	s3 =	sld [smem:$0x3FFC];
	_ =	sdelay $0x3  }
0x94: {  	_ =	strace s3  }
0x95: {  	s3 =	sld [smem:$0x3FFD];
	_ =	sdelay $0x3  }
0x96: {  	_ =	strace s3  }
0x97: {  	_ =	strace $0x8FFFFFFF  }
0x98: {  	s19 =	sld [smem:$0x3FDB];
	_ =	sdelay $0x1  }
0x99: {  	s4 =	simm.s32 $_scs_section_size  }
0x9a: {  	s5 =	simm.s32 $_size__tile_overlayer_lowered;
	s6 =	simm.s32 $_tile_overlayer_lowered  }
0x9b: {  	s22 =	simm.s32 $0x1BFF;
	s21 =	sshll.u32 s6, $0x1;
	s3 =	sadd.s32 s4, s19  }
0x9c: {  	s7 =	simm.s32 $0x0;
	s20 =	sshll.u32 s5, $0x1;
	s5 =	sadd.s32 s21, s3  }
0x9d: {  	[timem:s7], [sflag:s22] =	dma.local [hbm:s5], s20  }
0x9e: {  	_ =	swait.ge [sflag:s22], s20  }
0x9f: {  	s4 =	ssub.s32 $0x0, s20;
	[sflag:s22] =	ssyncset.done $0x0  }
0xa0: {  	[sflag:s22] =	ssyncadd.s32 s4;
	_ =	sdelay $0x1  }
0xa1: {  	s23 =	simm.s32 $0x1B8B  }
0xa2: {  	_ =	swait.ge [sflag:s23], $0x1  }
0xa3: {  	[sflag:s23] =	ssyncset.done $0x0  }
0xa4: {  	s25 =	simm.s32 $0x1B8E;
	s24 =	sld [smem:$0x3FFE];
	[sflag:s23] =	ssyncadd.s32 $0xFFFFFFFF  }
0xa5: {  	s26 =	simm.s32 $execute0_lowered;
	[smem:$0x3FD2] =	sst s25  }
0xa6: {  	s5 =	sshll.u32 s26, $0x1;
	_ =	strace $0x80000046;
	[dreg:$0x1] =	wrdreg $0xFFFFFFFF  }
0xa7: {  	s28 =	simm.s32 $_size_execute0_lowered;
	s3 =	sadd.s32 s3, s5;
	[dreg:$0x0] =	wrdreg $0x0  }
0xa8: {  	s5 =	sshll.u32 s28, $0x1;
	[dreg:$0x2] =	wrdreg s3  }
0xa9: {  	[dreg:$0x3] =	wrdreg s5  }
0xaa: {  	[dreg:$0x4] =	wrdreg $0xC0  }
0xab: {  	_ =	task [dreg:s7], $0x5FFFF  }
0xac: {  	[dreg:$0x1] =	wrdreg $0xFFFFFFFF  }
0xad: {  	[dreg:$0x0] =	wrdreg $0x60  }
0xae: {  	[dreg:$0x2] =	wrdreg s24  }
0xaf: {  	[dreg:$0x3] =	wrdreg s2  }
0xb0: {  	[dreg:$0x4] =	wrdreg $0xC2800  }
0xb1: {  	[dreg:$0x5] =	wrdreg $0x9  }
0xb2: {  	_ =	task.clear_ibuf [dreg:s7], $0x6FFFF;
	_ =	strace $0x90000046  }
0xb3: {  	s29 =	simm.s32 $0x9;
	_ =	strace $0x80000048  }
0xb4: {  	_ =	swait.ge [sflag:s29], $0x1  }
0xb5: {  	[sflag:s29] =	ssyncadd.s32 $0xFFFFFFFF  }
0xb6: {  	_ =	strace $0x90000048  }
0xb7: {  	_ =	sfence  }
0xb8: {  	s30 =	sld [smem:$0x0];
	_ =	sdelay $0x2  }
0xb9: {  	s31 =	sshll.u32 s1, $0xD;
	s1 =	sshrl.u32 s1, $0x2  }
0xba: {  	s3 =	sand.u32 $0x4000, s31;
	s1 =	sadd.s32 s1, s30  }
0xbb: {  	s0 =	sor.u32 s3, s0;
	s1 =	sshll.u32 s1, $0x11  }
0xbc: {  	s0 =	sor.u32 s1, s0  }
0xbd: {  	s0 =	sadd.s32 $0x8F2B, s0  }
0xbe: {  	[sflag:s0] =	ssyncadd.remote.s32 $0x1  }
0xbf: {  	_ =	sfence.sel $0xFFFF  }
0xc0: {  	[dreg:$0x0] =	wrdreg $0xFFFFFFFF;
	(pc) =	sbr.abs _section_cstart, $3  }
0xc1: {  	[dreg:$0x1] =	wrdreg $0xFFFFFFFF  }
0xc2: {  	_ =	task.clear_ibuf [dreg:s7], $0x2FFFF;
	_ =	strace $0x9FFFFFFF  }
0xc3: {  	(tm) =	ssettm $0x7FFFFFFF  }
tec
execute0_lowered:
.L_overlay_start_1:
0x0: {  	(tag) =	ssettag $0x1  }
0x1: {  	s0 =	rddreg [dreg:$0x0]  }
0x2: {  	s1 =	rddreg [dreg:$0x1]  }
0x3: {  	s2 =	rddreg [dreg:$0x2]  }
0x4: {  	s4 =	simm.s32 $0x0;
	s3 =	srdreg.scid;
	s7 =	stileid.u32  }
0x5: {  	[smem:$0x7FF] =	sst s4;
	s3 =	sand.u32 $0x1, s3;
	s6 =	sadd.s32 $0x20C00, s0  }
0x6: {  	s24 =	smul.u32 $0x13C00, s7;
	s8 =	sadd.s32 $0x21200, s0;
	s12 =	sadd.s32 $0x10A00, s0  }
0x7: {  	s13 =	sadd.s32 $0xA00, s0;
	_ =	strace $0x80000047;
	[dreg:$0x4] =	wrdreg s6  }
0x8: {  	s26 =	sadd.s32 $0x20A00, s0;
	s11 =	smul.u32 $0x4F000, s7;
	[dreg:$0x5] =	wrdreg s8  }
0x9: {  	s10 =	sshll.u32 s7, $0x4;
	s5 =	smul.u32 $0x13C000, s3;
	[dreg:$0x6] =	wrdreg s26  }
0xa: {  	s9 =	sshll.u32 s3, $0x4;
	s3 =	ssub.s32 $0x2, s3;
	[dreg:$0x7] =	wrdreg s12  }
0xb: {  	s25 =	sor.u32 s7, s9;
	s11 =	sshrl.u32 s11, $0x2;
	s5 =	sadd.s32 s24, s5  }
0xc: {  	s9 =	sshll.u32 s25, $0x7;
	s7 =	sshll.u32 s25, $0xB;
	s22 =	sadd.s32 s11, s2  }
0xd: {  	s14 =	sor.u32 $0x10, s7;
	s11 =	sadd.s32 s13, s7;
	[dreg:$0x8] =	wrdreg s22  }
0xe: {  	s9 =	sor.u32 s10, s9;
	s15 =	sadd.s32 s12, s14;
	[dreg:$0x19] =	wrdreg s11  }
0xf: {  	s10 =	sshrl.u32 s3, $0x1;
	s16 =	sadd.s32 s13, s14;
	[dreg:$0x9] =	wrdreg s15  }
0x10: {  	s3 =	ssub.s32 s3, s10;
	s10 =	sadd.s32 s12, s7;
	[dreg:$0xa] =	wrdreg s16  }
0x11: {  	s5 =	sshrl.u32 s5, $0x3;
	s12 =	sadd.s32 $0x1400, s22;
	[dreg:$0x18] =	wrdreg s10  }
0x12: {  	s5 =	sadd.s32 s5, s0;
	s14 =	sadd.s32 $0x3C00, s22;
	[dreg:$0x1a] =	wrdreg s12  }
0x13: {  	s6 =	sadd.s32 $0x21800, s5;
	[dreg:$0x1c] =	wrdreg s14  }
0x14: {  	s9 =	sand.u32 $0xC70, s9;
	s8 =	smax.u32 s3, $0x1;
	[dreg:$0x15] =	wrdreg s6  }
0x15: {  	s0 =	sadd.s32 s9, s0;
	s9 =	sadd.s32 $0x12C00, s22;
	[dreg:$0x16] =	wrdreg s8  }
0x16: {  	s10 =	smov.u32 s13;
	s13 =	sadd.s32 $0x2800, s22;
	[dreg:$0x17] =	wrdreg s9  }
0x17: {  	s15 =	sadd.s32 $0x5000, s22;
	[dreg:$0x1b] =	wrdreg s13  }
0x18: {  	s16 =	sadd.s32 $0x6400, s22;
	[dreg:$0x1d] =	wrdreg s15  }
0x19: {  	s17 =	sadd.s32 $0x70800, s0;
	[dreg:$0x1e] =	wrdreg s16  }
0x1a: {  	s18 =	sadd.s32 $0x71800, s0;
	[dreg:$0xb] =	wrdreg s17  }
0x1b: {  	s19 =	sadd.s32 $0x72800, s0;
	[dreg:$0xc] =	wrdreg s18  }
0x1c: {  	s20 =	sadd.s32 $0x73800, s0;
	[dreg:$0xd] =	wrdreg s19  }
0x1d: {  	s21 =	sadd.s32 $0x74800, s0;
	[dreg:$0xe] =	wrdreg s20  }
0x1e: {  	s30 =	simm.s32 $0x6;
	s23 =	sadd.s32 $0x75800, s0;
	[dreg:$0xf] =	wrdreg s21  }
0x1f: {  	s31 =	simm.s32 $0x2780;
	s24 =	sadd.s32 $0x76800, s0;
	[dreg:$0x10] =	wrdreg s23  }
0x20: {  	s28 =	simm.s32 $0x5780;
	s25 =	sadd.s32 $0x77800, s0;
	[dreg:$0x11] =	wrdreg s24  }
0x21: {  	s29 =	simm.s32 $0xAD80;
	s26 =	sadd.s32 $0x78800, s0;
	[dreg:$0x12] =	wrdreg s25  }
0x22: {  	s11 =	simm.s32 $0x3;
	s0 =	sadd.s32 $0x79800, s0;
	[dreg:$0x13] =	wrdreg s26  }
0x23: {  	s12 =	simm.s32 $0x5100;
	[dreg:$0x14] =	wrdreg s0;
	s17 =	sadd.s32 $0x7800, s22  }
0x24: {  	s3 =	simm.s32 $0x5900;
	s18 =	sadd.s32 $0x8C00, s22;
	[dreg:$0x1f] =	wrdreg s17  }
0x25: {  	s5 =	simm.s32 $0x5800;
	s19 =	sadd.s32 $0xA000, s22;
	[smem:$0x7F6] =	sst s18  }
0x26: {  	s14 =	simm.s32 $0x2;
	s20 =	sadd.s32 $0xB400, s22;
	[smem:$0x7F7] =	sst s19  }
0x27: {  	s8 =	smov.u32 s7;
	s21 =	sadd.s32 $0xC800, s22;
	[smem:$0x7F8] =	sst s20  }
0x28: {  	s6 =	simm.s32 $0x5;
	s23 =	sadd.s32 $0xDC00, s22;
	[smem:$0x7F9] =	sst s21  }
0x29: {  	s9 =	simm.s32 $0x4F00;
	s24 =	sadd.s32 $0xF000, s22;
	[smem:$0x7FA] =	sst s23  }
0x2a: {  	s13 =	simm.s32 $0x28;
	s25 =	sadd.s32 $0x10400, s22;
	[smem:$0x7FB] =	sst s24  }
0x2b: {  	v0 =	vimm.f32 $0.0e+00;
	v1 =	vlaneseq.u32;
	s15 =	simm.s32 $0x5880;
	s26 =	sadd.s32 $0x11800, s22;
	[smem:$0x7FC] =	sst s25  }
0x2c: {  	vm0 =	vcmask $0x3F20;
	v2 =	vor.u32 $0x10, v1;
	v3 =	vadd.s32 $0x18, v1;
	s16 =	simm.s32 $0x0;
	s0 =	simm.s32 $0x9980;
	[smem:$0x7FD] =	sst s26  }
0x2d: {  	v4 =	vadd.s32 $0x168, v1;
	v5 =	vadd.s32 $0x178, v1;
	v6 =	vor.u32 $0x180, v1;
	s24 =	simm.s32 $0x5700;
	s25 =	simm.s32 $0x5980;
	s26 =	simm.s32 $0x1  }
.LBB2_1:
0x2e: {  	[smem:$0x7F5] =	sst s16  }
0x2f: {  	s7 =	rddreg [dreg:$0x4]  }
0x30: {  	[tilespmem:s4], [sflag:$0x6] =	stream.linear.gather [hbm4b:s7+s4], $0x2780, $0x38;
	[tilespmem:$0x1FE80] =	vst v63  }
0x31: {  	_ =	swait.ge [sflag:s30], $0x2780  }
0x32: {  	[sflag:s30] =	ssyncset.done $0x0  }
0x33: {  	s20 =	rddreg [dreg:$0x5];
	[sflag:s30] =	ssyncadd.s32 $0xFFFFD880  }
0x34: {  	[tilespmem:s31], [sflag:$0x6] =	stream.linear.gather [hbm4b:s20+s4], $0x2780, $0x38;
	[tilespmem:$0x1FE80] =	vst v63  }
0x35: {  	_ =	swait.ge [sflag:s30], $0x2780  }
0x36: {  	[sflag:s30] =	ssyncset.done $0x0  }
0x37: {  	s23 =	simm.s32 $0xC180;
	s21 =	rddreg [dreg:$0x6];
	[sflag:s30] =	ssyncadd.s32 $0xFFFFD880  }
0x38: {  	[tilespmem:s23], [sflag:$0x6] =	stream.linear.gather [hbm4b:s21+s4], $0x100, $0x38;
	[tilespmem:$0x1FE80] =	vst v63  }
0x39: {  	_ =	swait.ge [sflag:s30], $0x100  }
0x3a: {  	[sflag:s30] =	ssyncset.done $0x0  }
0x3b: {  	s16 =	simm.s32 $0x0;
	[sflag:s30] =	ssyncadd.s32 $0xFFFFFF00  }
.LBB2_2:
0x3c: {  	s17 =	sshll.u32 s16, $0xA;
	s18 =	sshll.u32 s16, $0x7  }
0x3d: {  	s17 =	sand.u32 $0x2000, s17;
	s18 =	sand.u32 $0x380, s18  }
0x3e: {  	s18 =	sor.u32 s18, s17;
	s17 =	simm.s32 $0x0  }
0x3f: {  	s18 =	sadd.s32 $0x5980, s18;
	s19 =	sand.u32 $0x1C00, s17  }
0x40: {  	s20 =	sand.u32 $0x70, s17;
	s21 =	sadd.s32 s19, s18  }
0x41: {  	s19 =	simm.s32 $0x10;
	s20 =	sadd.s32 s20, s21  }
.LBB2_3:
0x42: {  	p0 =	sne.s32 s19, $0x3F0  }
0x43: {  	[tilespmem:s20+$0x0] =	vst v0;
	s17 =	sadd.s32 $0x80, s17;
	s20 =	smov.u32 s19;
	s19 =	sadd.s32 $0x10, s19  }
.Ltmp0:
0x44: {  	(pc) =	sbr.rel @p0 .LBB2_3-.Ltmp0, $4  }
0x45: {  	_ = 	snop  }
0x46: {  	s21 =	sand.u32 $0x1C00, s17  }
0x47: {  	s20 =	sand.u32 $0x70, s20;
	s21 =	sadd.s32 s21, s18  }
0x48: {  	s20 =	sadd.s32 s20, s21  }
0x49: {  	s16 =	sadd.s32 $0x1, s16  }
0x4a: {  	p0 =	sne.s32 s16, $0xA  }
.Ltmp1:
0x4b: {  	_ = 	snop;
	(pc) =	sbr.rel @p0 .LBB2_2-.Ltmp1, $2  }
0x4c: {  	_ =	sdelay $0x2  }
0x4d: {  	[tilespmem:s20+$0x0] =	vst v0  }
0x4e: {  	s16 =	simm.s32 $0x0;
	s17 =	simm.s32 $0x200  }
.LBB2_6:
0x4f: {  	p0 =	sne.s32 s17, $0x4E00;
	[tilespmem:s16+$0x99F0] =	vst v0  }
0x50: {  	[tilespmem:s16+$0x9980] =	vst v0  }
0x51: {  	[tilespmem:s16+$0x9990] =	vst v0  }
.Ltmp2:
0x52: {  	[tilespmem:s16+$0x99A0] =	vst v0;
	(pc) =	sbr.rel @p0 .LBB2_6-.Ltmp2, $4  }
0x53: {  	[tilespmem:s16+$0x99B0] =	vst v0  }
0x54: {  	[tilespmem:s16+$0x99C0] =	vst v0  }
0x55: {  	[tilespmem:s16+$0x99D0] =	vst v0  }
0x56: {  	[tilespmem:s16+$0x99E0] =	vst v0;
	s16 =	sshra.s32 s17, $0x2;
	s17 =	sadd.s32 $0x200, s17  }
0x57: {  	[tilespmem:s16+$0x99F0] =	vst v0  }
0x58: {  	[tilespmem:s16+$0x9980] =	vst v0  }
0x59: {  	[tilespmem:s16+$0x9990] =	vst v0  }
0x5a: {  	[tilespmem:s16+$0x99A0] =	vst v0  }
0x5b: {  	[tilespmem:s16+$0x99B0] =	vst v0  }
0x5c: {  	[tilespmem:s16+$0x99C0] =	vst v0  }
0x5d: {  	[tilespmem:s16+$0x99D0] =	vst v0  }
0x5e: {  	[tilespmem:s16+$0x99E0] =	vst v0  }
0x5f: {  	[spmem:s22] =	stream.linear.scatter [tilespmem:s0], [sflag:$0x6], $0x1400, $0x38;
	[tilespmem:$0x1FE80] =	vst v63  }
0x60: {  	_ =	swait.ge [sflag:s30], $0x1400  }
0x61: {  	[sflag:s30] =	ssyncset.done $0x0  }
0x62: {  	s7 =	rddreg [dreg:$0x1a];
	[sflag:s30] =	ssyncadd.s32 $0xFFFFEC00  }
0x63: {  	[spmem:s7] =	stream.linear.scatter [tilespmem:s0], [sflag:$0x6], $0x1400, $0x38;
	[tilespmem:$0x1FE80] =	vst v63  }
0x64: {  	_ =	swait.ge [sflag:s30], $0x1400  }
0x65: {  	[sflag:s30] =	ssyncset.done $0x0  }
0x66: {  	s21 =	rddreg [dreg:$0x1b];
	[sflag:s30] =	ssyncadd.s32 $0xFFFFEC00  }
0x67: {  	[spmem:s21] =	stream.linear.scatter [tilespmem:s0], [sflag:$0x6], $0x1400, $0x38;
	[tilespmem:$0x1FE80] =	vst v63  }
0x68: {  	_ =	swait.ge [sflag:s30], $0x1400  }
0x69: {  	[sflag:s30] =	ssyncset.done $0x0  }
0x6a: {  	s22 =	rddreg [dreg:$0x1c];
	[sflag:s30] =	ssyncadd.s32 $0xFFFFEC00  }
0x6b: {  	[spmem:s22] =	stream.linear.scatter [tilespmem:s0], [sflag:$0x6], $0x1400, $0x38;
	[tilespmem:$0x1FE80] =	vst v63  }
0x6c: {  	_ =	swait.ge [sflag:s30], $0x1400  }
0x6d: {  	[sflag:s30] =	ssyncset.done $0x0  }
0x6e: {  	s23 =	rddreg [dreg:$0x1d];
	[sflag:s30] =	ssyncadd.s32 $0xFFFFEC00  }
0x6f: {  	[spmem:s23] =	stream.linear.scatter [tilespmem:s0], [sflag:$0x6], $0x1400, $0x38;
	[tilespmem:$0x1FE80] =	vst v63  }
0x70: {  	_ =	swait.ge [sflag:s30], $0x1400  }
0x71: {  	[sflag:s30] =	ssyncset.done $0x0  }
0x72: {  	s16 =	rddreg [dreg:$0x1e];
	[sflag:s30] =	ssyncadd.s32 $0xFFFFEC00  }
0x73: {  	[spmem:s16] =	stream.linear.scatter [tilespmem:s0], [sflag:$0x6], $0x1400, $0x38;
	[tilespmem:$0x1FE80] =	vst v63  }
0x74: {  	_ =	swait.ge [sflag:s30], $0x1400  }
0x75: {  	[sflag:s30] =	ssyncset.done $0x0  }
0x76: {  	s17 =	rddreg [dreg:$0x1f];
	[sflag:s30] =	ssyncadd.s32 $0xFFFFEC00  }
0x77: {  	[spmem:s17] =	stream.linear.scatter [tilespmem:s0], [sflag:$0x6], $0x1400, $0x38;
	[tilespmem:$0x1FE80] =	vst v63  }
0x78: {  	_ =	swait.ge [sflag:s30], $0x1400  }
0x79: {  	s18 =	sld [smem:$0x7F6]  }
0x7a: {  	[sflag:s30] =	ssyncset.done $0x0  }
0x7b: {  	[sflag:s30] =	ssyncadd.s32 $0xFFFFEC00  }
0x7c: {  	[spmem:s18] =	stream.linear.scatter [tilespmem:s0], [sflag:$0x6], $0x1400, $0x38;
	[tilespmem:$0x1FE80] =	vst v63  }
0x7d: {  	_ =	swait.ge [sflag:s30], $0x1400  }
0x7e: {  	s19 =	sld [smem:$0x7F7]  }
0x7f: {  	[sflag:s30] =	ssyncset.done $0x0  }
0x80: {  	[sflag:s30] =	ssyncadd.s32 $0xFFFFEC00  }
0x81: {  	[spmem:s19] =	stream.linear.scatter [tilespmem:s0], [sflag:$0x6], $0x1400, $0x38;
	[tilespmem:$0x1FE80] =	vst v63  }
0x82: {  	_ =	swait.ge [sflag:s30], $0x1400  }
0x83: {  	s20 =	sld [smem:$0x7F8]  }
0x84: {  	[sflag:s30] =	ssyncset.done $0x0  }
0x85: {  	[sflag:s30] =	ssyncadd.s32 $0xFFFFEC00  }
0x86: {  	[spmem:s20] =	stream.linear.scatter [tilespmem:s0], [sflag:$0x6], $0x1400, $0x38;
	[tilespmem:$0x1FE80] =	vst v63  }
0x87: {  	_ =	swait.ge [sflag:s30], $0x1400  }
0x88: {  	s21 =	sld [smem:$0x7F9]  }
0x89: {  	[sflag:s30] =	ssyncset.done $0x0  }
0x8a: {  	[sflag:s30] =	ssyncadd.s32 $0xFFFFEC00  }
0x8b: {  	[spmem:s21] =	stream.linear.scatter [tilespmem:s0], [sflag:$0x6], $0x1400, $0x38;
	[tilespmem:$0x1FE80] =	vst v63  }
0x8c: {  	_ =	swait.ge [sflag:s30], $0x1400  }
0x8d: {  	s22 =	sld [smem:$0x7FA]  }
0x8e: {  	[sflag:s30] =	ssyncset.done $0x0  }
0x8f: {  	[sflag:s30] =	ssyncadd.s32 $0xFFFFEC00  }
0x90: {  	[spmem:s22] =	stream.linear.scatter [tilespmem:s0], [sflag:$0x6], $0x1400, $0x38;
	[tilespmem:$0x1FE80] =	vst v63  }
0x91: {  	_ =	swait.ge [sflag:s30], $0x1400  }
0x92: {  	s23 =	sld [smem:$0x7FB]  }
0x93: {  	[sflag:s30] =	ssyncset.done $0x0  }
0x94: {  	[sflag:s30] =	ssyncadd.s32 $0xFFFFEC00  }
0x95: {  	[spmem:s23] =	stream.linear.scatter [tilespmem:s0], [sflag:$0x6], $0x1400, $0x38;
	[tilespmem:$0x1FE80] =	vst v63  }
0x96: {  	_ =	swait.ge [sflag:s30], $0x1400  }
0x97: {  	s16 =	sld [smem:$0x7FC]  }
0x98: {  	[sflag:s30] =	ssyncset.done $0x0  }
0x99: {  	[sflag:s30] =	ssyncadd.s32 $0xFFFFEC00  }
0x9a: {  	[spmem:s16] =	stream.linear.scatter [tilespmem:s0], [sflag:$0x6], $0x1400, $0x38;
	[tilespmem:$0x1FE80] =	vst v63  }
0x9b: {  	_ =	swait.ge [sflag:s30], $0x1400  }
0x9c: {  	s17 =	sld [smem:$0x7FD]  }
0x9d: {  	[sflag:s30] =	ssyncset.done $0x0  }
0x9e: {  	[sflag:s30] =	ssyncadd.s32 $0xFFFFEC00  }
0x9f: {  	[spmem:s17] =	stream.linear.scatter [tilespmem:s0], [sflag:$0x6], $0x1400, $0x38;
	[tilespmem:$0x1FE80] =	vst v63  }
0xa0: {  	_ =	swait.ge [sflag:s30], $0x1400  }
0xa1: {  	[sflag:s30] =	ssyncset.done $0x0  }
0xa2: {  	s18 =	rddreg [dreg:$0x17];
	[sflag:s30] =	ssyncadd.s32 $0xFFFFEC00  }
0xa3: {  	[spmem:s18] =	stream.linear.scatter [tilespmem:s0], [sflag:$0x6], $0x1000, $0x38;
	[tilespmem:$0x1FE80] =	vst v63  }
0xa4: {  	_ =	swait.ge [sflag:s30], $0x1000  }
0xa5: {  	[sflag:s30] =	ssyncset.done $0x0  }
0xa6: {  	[sflag:s30] =	ssyncadd.s32 $0xFFFFF000  }
0xa7: {  	s20 =	simm.s32 $0x80;
	[bflag:$0x0] =	sbarrier.arrive $0xFFFF  }
0xa8: {  	s17 =	simm.s32 $0x400;
	s18 =	simm.s32 $0x5300;
	v7 =	vld [tilespmem:$0xC180];
	s19 =	rddreg [dreg:$0x18]  }
0xa9: {  	v8 =	vld [tilespmem:$0xC200];
	[tilespmem:s18], [sflag:$0x5] =	stream.strided.gather [hbm4b:s19+s20], $0x200, s17, s20, $0x38  }
0xaa: {  	s21 =	rddreg [dreg:$0x19];
	s19 =	simm.s32 $0x5500  }
0xab: {  	[tilespmem:s19], [sflag:$0x5] =	stream.strided.gather [hbm4b:s21+s20], $0x200, s17, s20, $0x38;
	[tilespmem:$0x1FE80] =	vst v63  }
0xac: {  	_ =	swait.ge [sflag:s6], $0x200  }
0xad: {  	[sflag:s6] =	ssyncset.done $0x0  }
0xae: {  	[sflag:s6] =	ssyncadd.s32 $0xFFFFFE00  }
0xaf: {  	_ =	swait.ge [sflag:s6], $0x200  }
0xb0: {  	[sflag:s6] =	ssyncset.done $0x0  }
0xb1: {  	[sflag:s6] =	ssyncadd.s32 $0xFFFFFE00  }
0xb2: {  	v9 =	vld [tilespmem:$0x5300]  }
0xb3: {  	v10 =	vld [tilespmem:$0x5500]  }
0xb4: {  	v11 =	vld [tilespmem:$0x5310]  }
0xb5: {  	v12 =	vld [tilespmem:$0x5510]  }
0xb6: {  	v13 =	vld [tilespmem:$0x5320]  }
0xb7: {  	v19 =	vld [tilespmem:$0x5520];
	[tilespmem:$0x4F00] =	vst v9  }
0xb8: {  	v20 =	vld [tilespmem:$0x5330];
	[tilespmem:$0x5100] =	vst v10  }
0xb9: {  	v21 =	vld [tilespmem:$0x5530];
	[tilespmem:$0x4F10] =	vst v11  }
0xba: {  	v22 =	vld [tilespmem:$0x5340];
	[tilespmem:$0x5110] =	vst v12  }
0xbb: {  	v23 =	vld [tilespmem:$0x5540];
	[tilespmem:$0x4F20] =	vst v13  }
0xbc: {  	v24 =	vld [tilespmem:$0x5350];
	[tilespmem:$0x5120] =	vst v19  }
0xbd: {  	v25 =	vld [tilespmem:$0x5550];
	[tilespmem:$0x4F30] =	vst v20  }
0xbe: {  	v26 =	vld [tilespmem:$0x5360];
	[tilespmem:$0x5130] =	vst v21  }
0xbf: {  	v27 =	vld [tilespmem:$0x5560];
	[tilespmem:$0x4F40] =	vst v22  }
0xc0: {  	v28 =	vld [tilespmem:$0x5370];
	[tilespmem:$0x5140] =	vst v23  }
0xc1: {  	v29 =	vld [tilespmem:$0x5570];
	[tilespmem:$0x4F50] =	vst v24  }
0xc2: {  	v30 =	vld [tilespmem:$0x5380];
	[tilespmem:$0x5150] =	vst v25  }
0xc3: {  	v31 =	vld [tilespmem:$0x5580];
	[tilespmem:$0x4F60] =	vst v26  }
0xc4: {  	v32 =	vld [tilespmem:$0x5390];
	[tilespmem:$0x5160] =	vst v27  }
0xc5: {  	v33 =	vld [tilespmem:$0x5590];
	[tilespmem:$0x4F70] =	vst v28  }
0xc6: {  	v34 =	vld [tilespmem:$0x53A0];
	[tilespmem:$0x5170] =	vst v29  }
0xc7: {  	v35 =	vld [tilespmem:$0x55A0];
	[tilespmem:$0x4F80] =	vst v30  }
0xc8: {  	v36 =	vld [tilespmem:$0x53B0];
	[tilespmem:$0x5180] =	vst v31  }
0xc9: {  	v37 =	vld [tilespmem:$0x55B0];
	[tilespmem:$0x4F90] =	vst v32  }
0xca: {  	v38 =	vld [tilespmem:$0x53C0];
	[tilespmem:$0x5190] =	vst v33  }
0xcb: {  	v39 =	vld [tilespmem:$0x55C0];
	[tilespmem:$0x4FA0] =	vst v34  }
0xcc: {  	v40 =	vld [tilespmem:$0x53D0];
	[tilespmem:$0x51A0] =	vst v35  }
0xcd: {  	v41 =	vld [tilespmem:$0x55D0];
	[tilespmem:$0x4FB0] =	vst v36  }
0xce: {  	v42 =	vld [tilespmem:$0x53E0];
	[tilespmem:$0x51B0] =	vst v37  }
0xcf: {  	v43 =	vld [tilespmem:$0x55E0];
	[tilespmem:$0x4FC0] =	vst v38  }
0xd0: {  	v44 =	vld [tilespmem:$0x53F0];
	[tilespmem:$0x51C0] =	vst v39  }
0xd1: {  	v45 =	vld [tilespmem:$0x55F0];
	[tilespmem:$0x4FD0] =	vst v40  }
0xd2: {  	v46 =	vld [tilespmem:$0x5400];
	[tilespmem:$0x51D0] =	vst v41  }
0xd3: {  	v47 =	vld [tilespmem:$0x5600];
	[tilespmem:$0x4FE0] =	vst v42  }
0xd4: {  	v48 =	vld [tilespmem:$0x5410];
	[tilespmem:$0x51E0] =	vst v43  }
0xd5: {  	v49 =	vld [tilespmem:$0x5610];
	[tilespmem:$0x4FF0] =	vst v44  }
0xd6: {  	v50 =	vld [tilespmem:$0x5420];
	[tilespmem:$0x51F0] =	vst v45  }
0xd7: {  	v51 =	vld [tilespmem:$0x5620];
	[tilespmem:$0x5000] =	vst v46  }
0xd8: {  	v52 =	vld [tilespmem:$0x5430];
	[tilespmem:$0x5200] =	vst v47  }
0xd9: {  	v53 =	vld [tilespmem:$0x5630];
	[tilespmem:$0x5010] =	vst v48  }
0xda: {  	v54 =	vld [tilespmem:$0x5440];
	[tilespmem:$0x5210] =	vst v49  }
0xdb: {  	v55 =	vld [tilespmem:$0x5640];
	[tilespmem:$0x5020] =	vst v50  }
0xdc: {  	v56 =	vld [tilespmem:$0x5450];
	[tilespmem:$0x5220] =	vst v51  }
0xdd: {  	v57 =	vld [tilespmem:$0x5650];
	[tilespmem:$0x5030] =	vst v52  }
0xde: {  	v58 =	vld [tilespmem:$0x5460];
	[tilespmem:$0x5230] =	vst v53  }
0xdf: {  	v59 =	vld [tilespmem:$0x5660];
	[tilespmem:$0x5040] =	vst v54  }
0xe0: {  	v60 =	vld [tilespmem:$0x5470];
	[tilespmem:$0x5240] =	vst v55  }
0xe1: {  	v61 =	vld [tilespmem:$0x5670];
	[tilespmem:$0x5050] =	vst v56  }
0xe2: {  	v62 =	vld [tilespmem:$0x5480];
	[tilespmem:$0x5250] =	vst v57  }
0xe3: {  	v63 =	vld [tilespmem:$0x5680];
	[tilespmem:$0x5060] =	vst v58  }
0xe4: {  	[tilespmem:$0x5260] =	vst v59  }
0xe5: {  	[tilespmem:$0x5070] =	vst v60  }
0xe6: {  	[tilespmem:$0x5270] =	vst v61  }
0xe7: {  	[tilespmem:$0x5080] =	vst v62  }
0xe8: {  	s22 =	rddreg [dreg:$0x9];
	[tilespmem:$0x5280] =	vst v63  }
0xe9: {  	[tilespmem:s18], [sflag:$0x5] =	stream.strided.gather [hbm4b:s22+s20], $0x200, s17, s20, $0x38;
	[tilespmem:$0x1FE80] =	vst v63  }
0xea: {  	s23 =	rddreg [dreg:$0xa]  }
0xeb: {  	[tilespmem:s19], [sflag:$0x5] =	stream.strided.gather [hbm4b:s23+s20], $0x200, s17, s20, $0x38;
	[tilespmem:$0x1FE80] =	vst v63  }
0xec: {  	v9 =	vld.idx.msk [tilespmem:v1+s9+$0x0], $0xffff;
	_ =	sdelay $0x4  }
0xed: {  	[tilespmem:$0x5700] =	vst v9  }
0xee: {  	v9 =	vld.idx.msk [tilespmem:v1+s12+$0x0], $0xffff;
	_ =	sdelay $0x4  }
0xef: {  	[tilespmem:$0x5800] =	vst v9  }
0xf0: {  	v9 =	vld.idx.msk [tilespmem:v2+s9+$0x0], $0xffff;
	_ =	sdelay $0x4  }
0xf1: {  	[tilespmem:$0x5710] =	vst v9  }
0xf2: {  	v9 =	vld.idx.msk [tilespmem:v2+s12+$0x0], $0xffff;
	_ =	sdelay $0x4  }
0xf3: {  	[tilespmem:$0x5810] =	vst v9  }
0xf4: {  	v9 =	vld.idx.msk [tilespmem:v3+s9+$0x0], $0xffff;
	_ =	sdelay $0x4  }
0xf5: {  	[tilespmem:$0x5718] =	vst v9  }
0xf6: {  	v9 =	vld.idx.msk [tilespmem:v3+s12+$0x0], $0xffff;
	_ =	sdelay $0x1  }
0xf7: {  	v7 =	vadd.f32 v8, v7;
	_ =	sdelay $0x1  }
0xf8: {  	v8 =	vmul.f32 $2.000000030e-01, v7  }
0xf9: {  	s16 =	simm.s32 $0x0;
	s17 =	simm.s32 $0x0;
	[tilespmem:$0x5818] =	vst v9  }
0xfa: {  	v7 =	vmax.f32 v7, v8;
	[tilespmem:s0], [sflag:$0x1] =	stream.indirect.gather [hbm4b:s1+s13], $0x80, s24, s13, $0xb8;
	[tilespmem:$0x1FE80] =	vst v63  }
.LBB2_8:
0xfb: {  	v8 =	vld [tilespmem:$0x5700]  }
0xfc: {  	v9 =	vld [tilespmem:$0x5800];
	_ =	sdelay $0x6  }
0xfd: {  	v8 =	vld.idx.msk [tilespmem:v8+s4+$0x0], $0xffff  }
0xfe: {  	v10 =	vld.idx.msk [tilespmem:v9+s31+$0x0], $0xffff;
	_ =	sdelay $0x4  }
0xff: {  	v8 =	vadd.f32 v10, v8;
	_ =	sdelay $0x1  }
0x100: {  	v10 =	vmul.f32 $2.000000030e-01, v8;
	_ =	sdelay $0x1  }
0x101: {  	v8 =	vmax.f32 v8, v10  }
0x102: {  	v8 =	vsub.f32 v8, v7;
	_ =	sdelay $0x1  }
0x103: {  	v8 =	vmul.f32 $1.442695020e+00, v8;
	_ =	sdelay $0x1  }
0x104: {  	(erf) = vpow2.f32 v8;
	_ =	sdelay $0x2  }
0x105: {  	v8 =	vshll.u32 v9, $0x3  }
0x106: {  	v10 =	vshrl.u32 v9, $0x3;
	v9 =	vand.u32 $0xFFFFE07F, v9;
	v8 =	vand.u32 $0x1C00, v8  }
0x107: {  	v10 =	vand.u32 $0x380, v10;
	v8 =	vor.u32 v8, v9  }
0x108: {  	v8 =	vor.u32 v10, v8;
	_ =	sdelay $0x2  }
0x109: {  	v9 =	vpop (erf)  }
0x10a: {  	[tilespmem:$0x5900] =	vst v9  }
0x10b: {  	[tilespmem:v8+s25+$0x0] =	vst.idx.add.f32.msk $0xffff, v9  }
0x10c: {  	v8 =	vld [tilespmem:$0x5710]  }
0x10d: {  	v9 =	vld [tilespmem:$0x5810];
	_ =	sdelay $0x6  }
0x10e: {  	v8 =	vld.idx.msk [tilespmem:v8+s4+$0x0], $0xffff  }
0x10f: {  	v10 =	vld.idx.msk [tilespmem:v9+s31+$0x0], $0xffff;
	_ =	sdelay $0x4  }
0x110: {  	v8 =	vadd.f32 v10, v8;
	_ =	sdelay $0x1  }
0x111: {  	v10 =	vmul.f32 $2.000000030e-01, v8;
	_ =	sdelay $0x1  }
0x112: {  	v8 =	vmax.f32 v8, v10  }
0x113: {  	v8 =	vsub.f32 v8, v7;
	_ =	sdelay $0x1  }
0x114: {  	v8 =	vmul.f32 $1.442695020e+00, v8;
	_ =	sdelay $0x1  }
0x115: {  	(erf) = vpow2.f32 v8;
	_ =	sdelay $0x2  }
0x116: {  	v8 =	vshll.u32 v9, $0x3  }
0x117: {  	v10 =	vshrl.u32 v9, $0x3;
	v9 =	vand.u32 $0xFFFFE07F, v9;
	v8 =	vand.u32 $0x1C00, v8  }
0x118: {  	v10 =	vand.u32 $0x380, v10;
	v8 =	vor.u32 v8, v9  }
0x119: {  	v8 =	vor.u32 v10, v8;
	_ =	sdelay $0x2  }
0x11a: {  	v9 =	vpop (erf)  }
0x11b: {  	[tilespmem:$0x5910] =	vst v9  }
0x11c: {  	[tilespmem:v8+s25+$0x0] =	vst.idx.add.f32.msk $0xffff, v9  }
0x11d: {  	v8 =	vld [tilespmem:$0x5718]  }
0x11e: {  	v9 =	vld [tilespmem:$0x5818];
	_ =	sdelay $0x6  }
0x11f: {  	v8 =	vld.idx.msk [tilespmem:v8+s4+$0x0], $0xffff  }
0x120: {  	v10 =	vld.idx.msk [tilespmem:v9+s31+$0x0], $0xffff;
	_ =	sdelay $0x4  }
0x121: {  	v8 =	vadd.f32 v10, v8;
	_ =	sdelay $0x1  }
0x122: {  	v10 =	vmul.f32 $2.000000030e-01, v8;
	_ =	sdelay $0x1  }
0x123: {  	v8 =	vmax.f32 v8, v10  }
0x124: {  	v8 =	vsub.f32 v8, v7;
	_ =	sdelay $0x1  }
0x125: {  	v8 =	vmul.f32 $1.442695020e+00, v8;
	_ =	sdelay $0x1  }
0x126: {  	(erf) = vpow2.f32 v8;
	_ =	sdelay $0x1  }
0x127: {  	s18 =	sshllo.u32 s17, $0x1  }
0x128: {  	s19 =	sand.u32 $0xFF, s18;
	v8 =	vshll.u32 v9, $0x3  }
0x129: {  	s19 =	smul.u32 $0xCD, s19;
	v10 =	vshrl.u32 v9, $0x3;
	v9 =	vand.u32 $0xFFFFE07F, v9;
	v8 =	vand.u32 $0x1C00, v8  }
0x12a: {  	v10 =	vand.u32 $0x380, v10;
	v8 =	vor.u32 v8, v9  }
0x12b: {  	s19 =	sshrl.u32 s19, $0xB;
	v8 =	vor.u32 v10, v8  }
0x12c: {  	s19 =	smul.u32 $0xA, s19;
	_ =	sdelay $0x1  }
0x12d: {  	s18 =	ssub.s32 s18, s19;
	v9 =	vpop (erf)  }
0x12e: {  	p0 =	seq.s32 s17, $0x0;
	s18 =	sand.u32 $0xFF, s18;
	[tilespmem:$0x5918] =	vst v9  }
0x12f: {  	s19 =	simm.s32 @!p0 $0x4;
	s18 =	smul.u32 $0x28, s18;
	[tilespmem:v8+s25+$0x0] =	vst.idx.add.f32.msk vm0, v9  }
0x130: {  	_ =	swait.ge @!p0 [sflag:s19], $0x1400  }
0x131: {  	v8 =	vadd.s32 s18, v1;
	[sflag:s19] =	ssyncset.done @!p0 $0x0  }
0x132: {  	[sflag:s19] =	ssyncadd.s32 @!p0 $0xFFFFEC00  }
0x133: {  	_ =	swait.ge [sflag:s26], $0x1400  }
0x134: {  	[sflag:s26] =	ssyncset.done $0x0  }
0x135: {  	[sflag:s26] =	ssyncadd.s32 $0xFFFFEC00  }
0x136: {  	v9 =	vld.idx.msk [tilespmem:v8+s9+$0x0], $0xffff;
	_ =	sdelay $0x4  }
0x137: {  	[tilespmem:$0x5780] =	vst v9  }
0x138: {  	s21 =	sadd.s32 $0x10, s18;
	v8 =	vld.idx.msk [tilespmem:v8+s12+$0x0], $0xffff  }
0x139: {  	v9 =	vadd.s32 s21, v1;
	_ =	sdelay $0x3  }
0x13a: {  	[tilespmem:$0x5880] =	vst v8  }
0x13b: {  	v8 =	vld.idx.msk [tilespmem:v9+s9+$0x0], $0xffff;
	_ =	sdelay $0x4  }
0x13c: {  	[tilespmem:$0x5790] =	vst v8  }
0x13d: {  	s18 =	sadd.s32 $0x18, s18;
	v8 =	vld.idx.msk [tilespmem:v9+s12+$0x0], $0xffff  }
0x13e: {  	v9 =	vor.u32 s18, v1;
	_ =	sdelay $0x3  }
0x13f: {  	[tilespmem:$0x5890] =	vst v8  }
0x140: {  	v8 =	vld.idx.msk [tilespmem:v9+s9+$0x0], $0xffff;
	_ =	sdelay $0x4  }
0x141: {  	[tilespmem:$0x5798] =	vst v8  }
0x142: {  	v8 =	vld.idx.msk [tilespmem:v9+s12+$0x0], $0xffff;
	v9 =	vmov s16  }
0x143: {  	v9 =	vand.u32 $0xFFFFFFFC, v9  }
0x144: {  	v9 =	vbroadcast v9, $0x0;
	_ =	sdelay $0x2  }
0x145: {  	s18 =	simm.s32 $0x9A80;
	[tilespmem:$0x5898] =	vst v8  }
0x146: {  	[tilespmem:s29], [sflag:$0x2] =	stream.indirect.gather [hbm4b:s1+s13], $0x80, s28, s13, $0xb8;
	[tilespmem:$0x1FE80] =	vst v63  }
0x147: {  	v8 =	vld [tilespmem:s18+$0xFFFFFF70]  }
0x148: {  	v9 =	vld.idx.msk [tilespmem:v9+s3+$0x0], $0xffff  }
0x149: {  	v10 =	vld [tilespmem:s18+$0xFFFFFF00]  }
0x14a: {  	v11 =	vld [tilespmem:s18+$0xFFFFFF20]  }
0x14b: {  	v12 =	vld [tilespmem:s18+$0xFFFFFF50]  }
0x14c: {  	v13 =	vld [tilespmem:s18+$0xFFFFFF40]  }
0x14d: {  	v14 =	vld [tilespmem:s18+$0xFFFFFF60];
	v8 =	vmul.f32 v8, v9  }
0x14e: {  	s22 =	simm.s32 $0x1;
	v15 =	vld [tilespmem:s18+$0xFFFFFF30];
	v10 =	vmul.f32 v10, v9  }
0x14f: {  	v16 =	vld [tilespmem:s18+$0xFFFFFF10];
	v11 =	vmul.f32 v11, v9;
	[tilespmem:s18+$0xFFFFFF70] =	vst v8;
	v8 =	vmov s22  }
0x150: {  	v12 =	vmul.f32 v12, v9;
	[tilespmem:s18+$0xFFFFFF00] =	vst v10;
	v8 =	vand.u32 $0xFFFFFFFD, v8  }
0x151: {  	v10 =	vmul.f32 v13, v9;
	[tilespmem:s18+$0xFFFFFF20] =	vst v11;
	v8 =	vbroadcast v8, $0x0  }
0x152: {  	v11 =	vmul.f32 v14, v9;
	[tilespmem:s18+$0xFFFFFF50] =	vst v12  }
0x153: {  	v12 =	vmul.f32 v15, v9;
	[tilespmem:s18+$0xFFFFFF40] =	vst v10  }
0x154: {  	v9 =	vmul.f32 v16, v9;
	[tilespmem:s18+$0xFFFFFF60] =	vst v11  }
0x155: {  	v13 =	vld [tilespmem:s18+$0xFFFFFFC0];
	[tilespmem:s18+$0xFFFFFF30] =	vst v12  }
0x156: {  	[tilespmem:s18+$0xFFFFFF10] =	vst v9;
	v9 =	vld [tilespmem:s18+$0xFFFFFF90]  }
0x157: {  	v10 =	vld.idx.msk [tilespmem:v8+s3+$0x0], $0xffff  }
0x158: {  	v8 =	vld [tilespmem:s18+$0xFFFFFFA0]  }
0x159: {  	v11 =	vld [tilespmem:s18+$0xFFFFFF80]  }
0x15a: {  	v12 =	vld [tilespmem:s18+$0xFFFFFFB0]  }
0x15b: {  	v14 =	vld [tilespmem:s18+$0xFFFFFFD0]  }
0x15c: {  	v15 =	vld [tilespmem:s18+$0xFFFFFFF0];
	v9 =	vmul.f32 v9, v10  }
0x15d: {  	s23 =	simm.s32 $0x2;
	v8 =	vmul.f32 v8, v10  }
0x15e: {  	v63 =	vld [tilespmem:s18+$0xFFFFFFE0];
	v11 =	vmul.f32 v11, v10;
	[tilespmem:s18+$0xFFFFFF90] =	vst v9;
	v9 =	vmov s23  }
0x15f: {  	v12 =	vmul.f32 v12, v10;
	[tilespmem:s18+$0xFFFFFFA0] =	vst v8;
	v8 =	vand.u32 $0xFFFFFFFE, v9  }
0x160: {  	[tilespmem:s18+$0xFFFFFF80] =	vst v11;
	v11 =	vmul.f32 v14, v10;
	v14 =	vld [tilespmem:s18+$0x0];
	v17 =	vbroadcast v8, $0x0  }
0x161: {  	[tilespmem:s18+$0xFFFFFFB0] =	vst v12;
	v12 =	vmul.f32 v15, v10;
	v9 =	vmul.f32 v13, v10;
	v13 =	vld [tilespmem:s18+$0x60]  }
0x162: {  	v8 =	vld [tilespmem:s18+$0x20];
	[tilespmem:s18+$0xFFFFFFD0] =	vst v11  }
0x163: {  	v10 =	vmul.f32 v63, v10;
	[tilespmem:s18+$0xFFFFFFF0] =	vst v12;
	v11 =	vld [tilespmem:s18+$0x40]  }
0x164: {  	v12 =	vld [tilespmem:s18+$0x10];
	[tilespmem:s18+$0xFFFFFFC0] =	vst v9  }
0x165: {  	s20 =	simm.s32 $0x0;
	v9 =	vld [tilespmem:s18+$0x30];
	[tilespmem:s18+$0xFFFFFFE0] =	vst v10  }
0x166: {  	s19 =	sshll.u32 s17, $0x1;
	s21 =	simm.s32 $0x4;
	s22 =	simm.s32 $0x9A80;
	v10 =	vld.idx.msk [tilespmem:v17+s3+$0x0], $0xffff  }
.LBB2_9:
0x167: {  	p0 =	slt.u32 s21, $0x24  }
0x168: {  	v15 =	vld [tilespmem:s18+$0x50];
	s22 =	sadd.s32 $0x200, s22;
	s23 =	smov.u32 s21;
	s21 =	sadd.s32 $0x4, s21  }
0x169: {  	v16 =	vld [tilespmem:s18+$0x70];
	_ =	sdelay $0x1  }
0x16a: {  	v13 =	vmul.f32 v13, v10;
	v14 =	vmul.f32 v14, v10  }
0x16b: {  	v11 =	vmul.f32 v11, v10;
	v12 =	vmul.f32 v12, v10  }
0x16c: {  	v8 =	vmul.f32 v8, v10;
	v9 =	vmul.f32 v9, v10;
	[tilespmem:s18+$0x60] =	vst v13  }
0x16d: {  	[tilespmem:s18+$0x40] =	vst v11;
	v11 =	vmul.f32 v15, v10;
	v10 =	vmul.f32 v16, v10  }
0x16e: {  	s7 =	sadd.s32 $0x3, s20;
	s20 =	smov.u32 s23;
	[tilespmem:s18+$0x20] =	vst v8;
	v13 =	vld [tilespmem:s18+$0x80]  }
0x16f: {  	v8 =	vld [tilespmem:s22+$0x20];
	[tilespmem:s18+$0x0] =	vst v14;
	v14 =	vmov s7  }
0x170: {  	[tilespmem:s18+$0x50] =	vst v11;
	v11 =	vld [tilespmem:s18+$0xE0]  }
0x171: {  	[tilespmem:s18+$0x30] =	vst v9;
	v15 =	vld [tilespmem:s18+$0xC0]  }
0x172: {  	v9 =	vld [tilespmem:s22+$0x30];
	[tilespmem:s18+$0x10] =	vst v12  }
0x173: {  	[tilespmem:s18+$0x70] =	vst v10;
	v10 =	vld [tilespmem:s18+$0xA0]  }
0x174: {  	v12 =	vld.idx.msk [tilespmem:v14+s3+$0x0], $0xffff  }
0x175: {  	v14 =	vld [tilespmem:s18+$0x90]  }
0x176: {  	v16 =	vld [tilespmem:s18+$0xB0]  }
0x177: {  	v17 =	vld [tilespmem:s18+$0xD0]  }
0x178: {  	v18 =	vld [tilespmem:s18+$0xF0];
	_ =	sdelay $0x1  }
0x179: {  	v13 =	vmul.f32 v13, v12;
	v14 =	vmul.f32 v14, v12  }
0x17a: {  	v10 =	vmul.f32 v10, v12;
	v16 =	vmul.f32 v16, v12  }
0x17b: {  	v19 =	vmov s20;
	[tilespmem:s18+$0x80] =	vst v13;
	v13 =	vmul.f32 v15, v12;
	v15 =	vmul.f32 v17, v12  }
0x17c: {  	v17 =	vand.u32 $0xFFFFFFFC, v19;
	[tilespmem:s18+$0xA0] =	vst v10;
	v10 =	vmul.f32 v11, v12;
	v11 =	vmul.f32 v18, v12  }
0x17d: {  	v12 =	vbroadcast v17, $0x0;
	[tilespmem:s18+$0xC0] =	vst v13  }
0x17e: {  	[tilespmem:s18+$0xF0] =	vst v11  }
0x17f: {  	v11 =	vld [tilespmem:s22+$0xFFFFFF40];
	[tilespmem:s18+$0xE0] =	vst v10  }
0x180: {  	v10 =	vld [tilespmem:s22+$0xFFFFFF50];
	[tilespmem:s18+$0x90] =	vst v14  }
0x181: {  	v13 =	vld [tilespmem:s22+$0xFFFFFF60];
	[tilespmem:s18+$0xB0] =	vst v16  }
0x182: {  	v14 =	vld [tilespmem:s22+$0xFFFFFF70];
	[tilespmem:s18+$0xD0] =	vst v15;
	s18 =	smov.u32 s22  }
0x183: {  	v12 =	vld.idx.msk [tilespmem:v12+s3+$0x0], $0xffff  }
0x184: {  	v15 =	vld [tilespmem:s22+$0xFFFFFF00]  }
0x185: {  	v16 =	vld [tilespmem:s22+$0xFFFFFF20]  }
0x186: {  	v17 =	vld [tilespmem:s22+$0xFFFFFF10]  }
0x187: {  	v18 =	vld [tilespmem:s22+$0xFFFFFF30];
	_ =	sdelay $0x1  }
0x188: {  	v14 =	vmul.f32 v14, v12;
	v15 =	vmul.f32 v15, v12  }
0x189: {  	s7 =	sadd.s32 $0x1, s20;
	v13 =	vmul.f32 v13, v12;
	v16 =	vmul.f32 v16, v12  }
0x18a: {  	v10 =	vmul.f32 v10, v12;
	v17 =	vmul.f32 v17, v12;
	[tilespmem:s22+$0xFFFFFF70] =	vst v14;
	v14 =	vmov s7  }
0x18b: {  	v11 =	vmul.f32 v11, v12;
	[tilespmem:s22+$0xFFFFFF00] =	vst v15;
	v15 =	vmul.f32 v18, v12;
	v12 =	vand.u32 $0xFFFFFFFD, v14  }
0x18c: {  	[tilespmem:s22+$0xFFFFFF20] =	vst v16;
	v12 =	vbroadcast v12, $0x0  }
0x18d: {  	[tilespmem:s22+$0xFFFFFF50] =	vst v10  }
0x18e: {  	[tilespmem:s22+$0xFFFFFF40] =	vst v11;
	v10 =	vld [tilespmem:s22+$0xFFFFFFF0]  }
0x18f: {  	[tilespmem:s22+$0xFFFFFF60] =	vst v13;
	v11 =	vld [tilespmem:s22+$0xFFFFFFC0]  }
0x190: {  	[tilespmem:s22+$0xFFFFFF30] =	vst v15;
	v13 =	vld [tilespmem:s22+$0xFFFFFFD0]  }
0x191: {  	[tilespmem:s22+$0xFFFFFF10] =	vst v17;
	v14 =	vld [tilespmem:s22+$0xFFFFFF90]  }
0x192: {  	v12 =	vld.idx.msk [tilespmem:v12+s3+$0x0], $0xffff  }
0x193: {  	v15 =	vld [tilespmem:s22+$0xFFFFFF80]  }
0x194: {  	v16 =	vld [tilespmem:s22+$0xFFFFFFA0]  }
0x195: {  	v17 =	vld [tilespmem:s22+$0xFFFFFFB0]  }
0x196: {  	v18 =	vld [tilespmem:s22+$0xFFFFFFE0];
	_ =	sdelay $0x1  }
0x197: {  	v14 =	vmul.f32 v14, v12;
	v15 =	vmul.f32 v15, v12  }
0x198: {  	s7 =	sadd.s32 $0x2, s20;
	v13 =	vmul.f32 v13, v12;
	v16 =	vmul.f32 v16, v12  }
0x199: {  	v11 =	vmul.f32 v11, v12;
	[tilespmem:s22+$0xFFFFFF90] =	vst v14;
	v14 =	vmul.f32 v17, v12;
	v17 =	vmov s7  }
0x19a: {  	v10 =	vmul.f32 v10, v12;
	[tilespmem:s22+$0xFFFFFFA0] =	vst v16;
	v16 =	vmul.f32 v18, v12;
	v12 =	vand.u32 $0xFFFFFFFE, v17  }
0x19b: {  	[tilespmem:s22+$0xFFFFFF80] =	vst v15;
	v12 =	vbroadcast v12, $0x0  }
0x19c: {  	[tilespmem:s22+$0xFFFFFFB0] =	vst v14  }
0x19d: {  	[tilespmem:s22+$0xFFFFFFC0] =	vst v11  }
0x19e: {  	[tilespmem:s22+$0xFFFFFFD0] =	vst v13  }
.Ltmp3:
0x19f: {  	[tilespmem:s22+$0xFFFFFFF0] =	vst v10;
	v11 =	vld [tilespmem:s22+$0x40];
	(pc) =	sbr.rel @p0 .LBB2_9-.Ltmp3, $4  }
0x1a0: {  	[tilespmem:s22+$0xFFFFFFE0] =	vst v16;
	v13 =	vld [tilespmem:s22+$0x60]  }
0x1a1: {  	v10 =	vld.idx.msk [tilespmem:v12+s3+$0x0], $0xffff  }
0x1a2: {  	v14 =	vld [tilespmem:s22+$0x0]  }
0x1a3: {  	v12 =	vld [tilespmem:s22+$0x10]  }
0x1a4: {  	_ =	sdelay $0x1  }
0x1a5: {  	v13 =	vmul.f32 v13, v10  }
0x1a6: {  	v15 =	vld [tilespmem:s18+$0x50];
	v11 =	vmul.f32 v11, v10  }
0x1a7: {  	v16 =	vld [tilespmem:s18+$0x70];
	v8 =	vmul.f32 v8, v10;
	[tilespmem:s18+$0x60] =	vst v13  }
0x1a8: {  	v39 =	vmul.f32 v14, v10;
	[tilespmem:s18+$0x40] =	vst v11  }
0x1a9: {  	s7 =	sadd.s32 $0x3, s20;
	[tilespmem:s18+$0x20] =	vst v8;
	v8 =	vmul.f32 v9, v10  }
0x1aa: {  	v42 =	vmov s7;
	v12 =	vmul.f32 v12, v10;
	[tilespmem:s18+$0x0] =	vst v39  }
0x1ab: {  	v40 =	vmul.f32 v15, v10;
	[tilespmem:s18+$0x30] =	vst v8  }
0x1ac: {  	v43 =	vmul.f32 v16, v10;
	[tilespmem:s18+$0x10] =	vst v12  }
0x1ad: {  	[tilespmem:s18+$0x50] =	vst v40  }
0x1ae: {  	v41 =	vld [tilespmem:s18+$0x80];
	[tilespmem:s18+$0x70] =	vst v43  }
0x1af: {  	v8 =	vld.idx.msk [tilespmem:v42+s3+$0x0], $0xffff  }
0x1b0: {  	v44 =	vld [tilespmem:s18+$0xA0]  }
0x1b1: {  	v45 =	vld [tilespmem:s18+$0xC0]  }
0x1b2: {  	v46 =	vld [tilespmem:s18+$0xF0]  }
0x1b3: {  	v47 =	vld [tilespmem:s18+$0xE0]  }
0x1b4: {  	v48 =	vld [tilespmem:s18+$0x90];
	v9 =	vmul.f32 v41, v8  }
0x1b5: {  	v49 =	vld [tilespmem:s18+$0xB0];
	v10 =	vmul.f32 v44, v8  }
0x1b6: {  	v50 =	vld [tilespmem:s18+$0xD0];
	v51 =	vmul.f32 v45, v8;
	[tilespmem:s18+$0x80] =	vst v9  }
0x1b7: {  	v52 =	vmul.f32 v46, v8;
	[tilespmem:s18+$0xA0] =	vst v10  }
0x1b8: {  	v53 =	vmul.f32 v47, v8;
	[tilespmem:s18+$0xC0] =	vst v51  }
0x1b9: {  	v54 =	vmul.f32 v48, v8;
	[tilespmem:s18+$0xF0] =	vst v52  }
0x1ba: {  	v55 =	vmul.f32 v49, v8;
	[tilespmem:s18+$0xE0] =	vst v53  }
0x1bb: {  	v8 =	vmul.f32 v50, v8;
	[tilespmem:s18+$0x90] =	vst v54  }
0x1bc: {  	[tilespmem:s18+$0xB0] =	vst v55  }
0x1bd: {  	[tilespmem:s18+$0xD0] =	vst v8  }
0x1be: {  	[spmem:s2] =	stream.indirect.scatter.add.f32 [tilespmem:s0], [sflag:$0x3], $0x80, s5, s13, $0xb8;
	[tilespmem:$0x1FE80] =	vst v63  }
0x1bf: {  	v8 =	vld [tilespmem:$0x5780]  }
0x1c0: {  	v9 =	vld [tilespmem:$0x5880];
	_ =	sdelay $0x6  }
0x1c1: {  	v8 =	vld.idx.msk [tilespmem:v8+s4+$0x0], $0xffff  }
0x1c2: {  	v10 =	vld.idx.msk [tilespmem:v9+s31+$0x0], $0xffff;
	_ =	sdelay $0x4  }
0x1c3: {  	v8 =	vadd.f32 v10, v8;
	_ =	sdelay $0x1  }
0x1c4: {  	v10 =	vmul.f32 $2.000000030e-01, v8;
	_ =	sdelay $0x1  }
0x1c5: {  	v8 =	vmax.f32 v8, v10  }
0x1c6: {  	v8 =	vsub.f32 v8, v7;
	_ =	sdelay $0x1  }
0x1c7: {  	v8 =	vmul.f32 $1.442695020e+00, v8;
	_ =	sdelay $0x1  }
0x1c8: {  	(erf) = vpow2.f32 v8;
	_ =	sdelay $0x2  }
0x1c9: {  	v8 =	vshll.u32 v9, $0x3  }
0x1ca: {  	v56 =	vshrl.u32 v9, $0x3;
	v9 =	vand.u32 $0xFFFFE07F, v9;
	v8 =	vand.u32 $0x1C00, v8  }
0x1cb: {  	v10 =	vand.u32 $0x380, v56;
	v8 =	vor.u32 v8, v9  }
0x1cc: {  	v8 =	vor.u32 v10, v8;
	_ =	sdelay $0x2  }
0x1cd: {  	v57 =	vpop (erf)  }
0x1ce: {  	[tilespmem:$0x5900] =	vst v57  }
0x1cf: {  	[tilespmem:v8+s25+$0x0] =	vst.idx.add.f32.msk $0xffff, v57  }
0x1d0: {  	v8 =	vld [tilespmem:$0x5790]  }
0x1d1: {  	v9 =	vld [tilespmem:$0x5890];
	_ =	sdelay $0x6  }
0x1d2: {  	v8 =	vld.idx.msk [tilespmem:v8+s4+$0x0], $0xffff  }
0x1d3: {  	v58 =	vld.idx.msk [tilespmem:v9+s31+$0x0], $0xffff;
	_ =	sdelay $0x4  }
0x1d4: {  	v8 =	vadd.f32 v58, v8;
	_ =	sdelay $0x1  }
0x1d5: {  	v10 =	vmul.f32 $2.000000030e-01, v8;
	_ =	sdelay $0x1  }
0x1d6: {  	v8 =	vmax.f32 v8, v10  }
0x1d7: {  	v8 =	vsub.f32 v8, v7;
	_ =	sdelay $0x1  }
0x1d8: {  	v8 =	vmul.f32 $1.442695020e+00, v8;
	_ =	sdelay $0x1  }
0x1d9: {  	(erf) = vpow2.f32 v8;
	_ =	sdelay $0x2  }
0x1da: {  	v8 =	vshll.u32 v9, $0x3  }
0x1db: {  	v59 =	vshrl.u32 v9, $0x3;
	v9 =	vand.u32 $0xFFFFE07F, v9;
	v8 =	vand.u32 $0x1C00, v8  }
0x1dc: {  	v10 =	vand.u32 $0x380, v59;
	v8 =	vor.u32 v8, v9  }
0x1dd: {  	v8 =	vor.u32 v10, v8;
	_ =	sdelay $0x2  }
0x1de: {  	v60 =	vpop (erf)  }
0x1df: {  	[tilespmem:$0x5910] =	vst v60  }
0x1e0: {  	[tilespmem:v8+s25+$0x0] =	vst.idx.add.f32.msk $0xffff, v60  }
0x1e1: {  	v8 =	vld [tilespmem:$0x5798]  }
0x1e2: {  	v9 =	vld [tilespmem:$0x5898];
	_ =	sdelay $0x6  }
0x1e3: {  	v8 =	vld.idx.msk [tilespmem:v8+s4+$0x0], $0xffff  }
0x1e4: {  	v61 =	vld.idx.msk [tilespmem:v9+s31+$0x0], $0xffff;
	_ =	sdelay $0x4  }
0x1e5: {  	v8 =	vadd.f32 v61, v8;
	_ =	sdelay $0x1  }
0x1e6: {  	v10 =	vmul.f32 $2.000000030e-01, v8;
	_ =	sdelay $0x1  }
0x1e7: {  	v8 =	vmax.f32 v8, v10  }
0x1e8: {  	v8 =	vsub.f32 v8, v7;
	_ =	sdelay $0x1  }
0x1e9: {  	v8 =	vmul.f32 $1.442695020e+00, v8;
	_ =	sdelay $0x1  }
0x1ea: {  	(erf) = vpow2.f32 v8;
	_ =	sdelay $0x2  }
0x1eb: {  	v8 =	vshll.u32 v9, $0x3  }
0x1ec: {  	v62 =	vshrl.u32 v9, $0x3;
	v9 =	vand.u32 $0xFFFFE07F, v9;
	v8 =	vand.u32 $0x1C00, v8  }
0x1ed: {  	s22 =	sadd.s32 $0x2, s19;
	v10 =	vand.u32 $0x380, v62;
	v8 =	vor.u32 v8, v9  }
0x1ee: {  	s23 =	smulhi.u32 $0x66666667, s22;
	v8 =	vor.u32 v10, v8;
	_ =	sdelay $0x1  }
0x1ef: {  	s19 =	sshrl.u32 s23, $0x2  }
0x1f0: {  	s18 =	smul.u32 $0xFFFFFFF6, s19;
	v63 =	vpop (erf)  }
0x1f1: {  	[tilespmem:$0x5918] =	vst v63  }
0x1f2: {  	s18 =	sadd.s32 s22, s18;
	[tilespmem:v8+s25+$0x0] =	vst.idx.add.f32.msk vm0, v63  }
0x1f3: {  	p0 =	sne.s32 s18, $0x0;
	_ =	swait.ge [sflag:s11], $0x1400  }
.Ltmp4:
0x1f4: {  	[sflag:s11] =	ssyncset.done $0x0;
	(pc) =	sbr.rel @p0 .LBB2_12-.Ltmp4, $4  }
0x1f5: {  	[sflag:s11] =	ssyncadd.s32 $0xFFFFEC00  }
0x1f6: {  	_ =	swait.ge [sflag:s14], $0x1400  }
0x1f7: {  	[sflag:s14] =	ssyncset.done $0x0  }
0x1f8: {  	[sflag:s14] =	ssyncadd.s32 $0xFFFFEC00  }
0x1f9: {  	_ =	swait.ge [sflag:s6], $0x200  }
0x1fa: {  	[sflag:s6] =	ssyncset.done $0x0  }
0x1fb: {  	[sflag:s6] =	ssyncadd.s32 $0xFFFFFE00  }
0x1fc: {  	_ =	swait.ge [sflag:s6], $0x200  }
0x1fd: {  	[sflag:s6] =	ssyncset.done $0x0  }
0x1fe: {  	[sflag:s6] =	ssyncadd.s32 $0xFFFFFE00  }
0x1ff: {  	v8 =	vld [tilespmem:$0x5300]  }
0x200: {  	v9 =	vld [tilespmem:$0x5500]  }
0x201: {  	v10 =	vld [tilespmem:$0x5310]  }
0x202: {  	v11 =	vld [tilespmem:$0x5510]  }
0x203: {  	v12 =	vld [tilespmem:$0x5320]  }
0x204: {  	v28 =	vld [tilespmem:$0x5330];
	[tilespmem:$0x4F00] =	vst v8  }
0x205: {  	v29 =	vld [tilespmem:$0x5530];
	[tilespmem:$0x5100] =	vst v9  }
0x206: {  	v30 =	vld [tilespmem:$0x5340];
	[tilespmem:$0x4F10] =	vst v10  }
0x207: {  	v31 =	vld [tilespmem:$0x5540];
	[tilespmem:$0x5110] =	vst v11  }
0x208: {  	v8 =	vld [tilespmem:$0x5520];
	[tilespmem:$0x4F20] =	vst v12  }
0x209: {  	v32 =	vld [tilespmem:$0x5550];
	[tilespmem:$0x4F30] =	vst v28  }
0x20a: {  	v33 =	vld [tilespmem:$0x5360];
	[tilespmem:$0x5130] =	vst v29  }
0x20b: {  	v34 =	vld [tilespmem:$0x5560];
	[tilespmem:$0x4F40] =	vst v30  }
0x20c: {  	v35 =	vld [tilespmem:$0x5370];
	[tilespmem:$0x5140] =	vst v31  }
0x20d: {  	[tilespmem:$0x5120] =	vst v8;
	v8 =	vld [tilespmem:$0x5350]  }
0x20e: {  	v36 =	vld [tilespmem:$0x5380];
	[tilespmem:$0x5150] =	vst v32  }
0x20f: {  	v37 =	vld [tilespmem:$0x5580];
	[tilespmem:$0x4F60] =	vst v33  }
0x210: {  	v38 =	vld [tilespmem:$0x5390];
	[tilespmem:$0x5160] =	vst v34  }
0x211: {  	v39 =	vld [tilespmem:$0x5590];
	[tilespmem:$0x4F70] =	vst v35  }
0x212: {  	[tilespmem:$0x4F50] =	vst v8;
	v8 =	vld [tilespmem:$0x5570]  }
0x213: {  	v40 =	vld [tilespmem:$0x55A0];
	[tilespmem:$0x4F80] =	vst v36  }
0x214: {  	v41 =	vld [tilespmem:$0x53B0];
	[tilespmem:$0x5180] =	vst v37  }
0x215: {  	v42 =	vld [tilespmem:$0x55B0];
	[tilespmem:$0x4F90] =	vst v38  }
0x216: {  	v43 =	vld [tilespmem:$0x53C0];
	[tilespmem:$0x5190] =	vst v39  }
0x217: {  	[tilespmem:$0x5170] =	vst v8;
	v8 =	vld [tilespmem:$0x53A0]  }
0x218: {  	v44 =	vld [tilespmem:$0x53D0];
	[tilespmem:$0x51A0] =	vst v40  }
0x219: {  	v45 =	vld [tilespmem:$0x55D0];
	[tilespmem:$0x4FB0] =	vst v41  }
0x21a: {  	v46 =	vld [tilespmem:$0x53E0];
	[tilespmem:$0x51B0] =	vst v42  }
0x21b: {  	v47 =	vld [tilespmem:$0x55E0];
	[tilespmem:$0x4FC0] =	vst v43  }
0x21c: {  	[tilespmem:$0x4FA0] =	vst v8;
	v8 =	vld [tilespmem:$0x55C0]  }
0x21d: {  	v48 =	vld [tilespmem:$0x55F0];
	[tilespmem:$0x4FD0] =	vst v44  }
0x21e: {  	v49 =	vld [tilespmem:$0x5400];
	[tilespmem:$0x51D0] =	vst v45  }
0x21f: {  	v50 =	vld [tilespmem:$0x5600];
	[tilespmem:$0x4FE0] =	vst v46  }
0x220: {  	v51 =	vld [tilespmem:$0x5410];
	[tilespmem:$0x51E0] =	vst v47  }
0x221: {  	[tilespmem:$0x51C0] =	vst v8;
	v8 =	vld [tilespmem:$0x53F0]  }
0x222: {  	v52 =	vld [tilespmem:$0x5420];
	[tilespmem:$0x51F0] =	vst v48  }
0x223: {  	v53 =	vld [tilespmem:$0x5620];
	[tilespmem:$0x5000] =	vst v49  }
0x224: {  	v54 =	vld [tilespmem:$0x5430];
	[tilespmem:$0x5200] =	vst v50  }
0x225: {  	v55 =	vld [tilespmem:$0x5630];
	[tilespmem:$0x5010] =	vst v51  }
0x226: {  	[tilespmem:$0x4FF0] =	vst v8;
	v8 =	vld [tilespmem:$0x5610]  }
0x227: {  	v56 =	vld [tilespmem:$0x5640];
	[tilespmem:$0x5020] =	vst v52  }
0x228: {  	v57 =	vld [tilespmem:$0x5450];
	[tilespmem:$0x5220] =	vst v53  }
0x229: {  	v58 =	vld [tilespmem:$0x5650];
	[tilespmem:$0x5030] =	vst v54  }
0x22a: {  	v59 =	vld [tilespmem:$0x5460];
	[tilespmem:$0x5230] =	vst v55  }
0x22b: {  	[tilespmem:$0x5210] =	vst v8;
	v8 =	vld [tilespmem:$0x5440]  }
0x22c: {  	v60 =	vld [tilespmem:$0x5470];
	[tilespmem:$0x5240] =	vst v56  }
0x22d: {  	v61 =	vld [tilespmem:$0x5670];
	[tilespmem:$0x5050] =	vst v57  }
0x22e: {  	v62 =	vld [tilespmem:$0x5480];
	[tilespmem:$0x5250] =	vst v58  }
0x22f: {  	p0 =	sgt.u32 s17, $0x76;
	v63 =	vld [tilespmem:$0x5680];
	[tilespmem:$0x5060] =	vst v59  }
0x230: {  	s7 =	sadd.s32 @!p0 $0x1, s19;
	[tilespmem:$0x5040] =	vst v8;
	v8 =	vld [tilespmem:$0x5660]  }
0x231: {  	s19 =	sshll.u32 @!p0 s7, $0x6;
	[tilespmem:$0x5070] =	vst v60  }
0x232: {  	s7 =	sshll.u32 @!p0 s7, $0x4;
	s19 =	sand.u32 @!p0 $0xFFFFE00, s19;
	[tilespmem:$0x5270] =	vst v61  }
0x233: {  	s7 =	sand.u32 @!p0 $0x70, s7;
	s19 =	sadd.s32 @!p0 s8, s19;
	[tilespmem:$0x5080] =	vst v62  }
0x234: {  	s20 =	simm.s32 @!p0 $0x80;
	s7 =	sor.u32 @!p0 s7, s19;
	s19 =	rddreg [dreg:$0x7];
	[tilespmem:$0x5280] =	vst v63  }
0x235: {  	s21 =	simm.s32 @!p0 $0x400;
	s22 =	simm.s32 @!p0 $0x5300;
	s19 =	sadd.s32 @!p0 s19, s7;
	[tilespmem:$0x5260] =	vst v8  }
0x236: {  	[tilespmem:s22], [sflag:$0x5] =	stream.strided.gather @!p0 [hbm4b:s19+s20], $0x200, s21, s20, $0x38;
	[tilespmem:$0x1FE80] =	vst v63  }
0x237: {  	s7 =	sadd.s32 @!p0 s10, s7;
	s19 =	simm.s32 @!p0 $0x5500  }
0x238: {  	[tilespmem:s19], [sflag:$0x5] =	stream.strided.gather @!p0 [hbm4b:s7+s20], $0x200, s21, s20, $0x38;
	[tilespmem:$0x1FE80] =	vst v63  }
.LBB2_12:
0x239: {  	s7 =	smul.u32 $0x28, s18;
	_ =	sdelay $0x1  }
0x23a: {  	v8 =	vor.u32 s7, v1;
	_ =	sdelay $0x4  }
0x23b: {  	v9 =	vld.idx.msk [tilespmem:v8+s9+$0x0], $0xffff;
	_ =	sdelay $0x4  }
0x23c: {  	[tilespmem:$0x5700] =	vst v9  }
0x23d: {  	s18 =	sadd.s32 $0x10, s7;
	v8 =	vld.idx.msk [tilespmem:v8+s12+$0x0], $0xffff  }
0x23e: {  	v9 =	vor.u32 s18, v1;
	_ =	sdelay $0x3  }
0x23f: {  	[tilespmem:$0x5800] =	vst v8  }
0x240: {  	v8 =	vld.idx.msk [tilespmem:v9+s9+$0x0], $0xffff;
	_ =	sdelay $0x4  }
0x241: {  	[tilespmem:$0x5710] =	vst v8  }
0x242: {  	s7 =	sadd.s32 $0x18, s7;
	v8 =	vld.idx.msk [tilespmem:v9+s12+$0x0], $0xffff  }
0x243: {  	v9 =	vadd.s32 s7, v1;
	_ =	sdelay $0x3  }
0x244: {  	[tilespmem:$0x5810] =	vst v8  }
0x245: {  	v8 =	vld.idx.msk [tilespmem:v9+s9+$0x0], $0xffff;
	_ =	sdelay $0x4  }
0x246: {  	s19 =	simm.s32 $0x0;
	[tilespmem:$0x5718] =	vst v8  }
0x247: {  	v8 =	vld.idx.msk [tilespmem:v9+s12+$0x0], $0xffff;
	v9 =	vmov s19  }
0x248: {  	v9 =	vand.u32 $0xFFFFFFFC, v9  }
0x249: {  	v9 =	vbroadcast v9, $0x0;
	_ =	sdelay $0x2  }
0x24a: {  	s18 =	simm.s32 $0xAE80;
	[tilespmem:$0x5818] =	vst v8  }
0x24b: {  	[tilespmem:s0], [sflag:$0x1] =	stream.indirect.gather [hbm4b:s1+s13], $0x80, s24, s13, $0xb8;
	[tilespmem:$0x1FE80] =	vst v63  }
0x24c: {  	v8 =	vld [tilespmem:s18+$0xFFFFFF70]  }
0x24d: {  	v9 =	vld.idx.msk [tilespmem:v9+s3+$0x0], $0xffff  }
0x24e: {  	v10 =	vld [tilespmem:s18+$0xFFFFFF00]  }
0x24f: {  	v11 =	vld [tilespmem:s18+$0xFFFFFF20]  }
0x250: {  	v12 =	vld [tilespmem:s18+$0xFFFFFF50]  }
0x251: {  	v13 =	vld [tilespmem:s18+$0xFFFFFF40]  }
0x252: {  	v14 =	vld [tilespmem:s18+$0xFFFFFF60];
	v8 =	vmul.f32 v8, v9  }
0x253: {  	s22 =	simm.s32 $0x1;
	v15 =	vld [tilespmem:s18+$0xFFFFFF30];
	v10 =	vmul.f32 v10, v9  }
0x254: {  	v16 =	vld [tilespmem:s18+$0xFFFFFF10];
	v11 =	vmul.f32 v11, v9;
	[tilespmem:s18+$0xFFFFFF70] =	vst v8;
	v8 =	vmov s22  }
0x255: {  	v12 =	vmul.f32 v12, v9;
	[tilespmem:s18+$0xFFFFFF00] =	vst v10;
	v8 =	vand.u32 $0xFFFFFFFD, v8  }
0x256: {  	v10 =	vmul.f32 v13, v9;
	[tilespmem:s18+$0xFFFFFF20] =	vst v11;
	v8 =	vbroadcast v8, $0x0  }
0x257: {  	v11 =	vmul.f32 v14, v9;
	[tilespmem:s18+$0xFFFFFF50] =	vst v12  }
0x258: {  	v12 =	vmul.f32 v15, v9;
	[tilespmem:s18+$0xFFFFFF40] =	vst v10  }
0x259: {  	v9 =	vmul.f32 v16, v9;
	[tilespmem:s18+$0xFFFFFF60] =	vst v11  }
0x25a: {  	v13 =	vld [tilespmem:s18+$0xFFFFFFC0];
	[tilespmem:s18+$0xFFFFFF30] =	vst v12  }
0x25b: {  	[tilespmem:s18+$0xFFFFFF10] =	vst v9;
	v9 =	vld [tilespmem:s18+$0xFFFFFF90]  }
0x25c: {  	v10 =	vld.idx.msk [tilespmem:v8+s3+$0x0], $0xffff  }
0x25d: {  	v8 =	vld [tilespmem:s18+$0xFFFFFFA0]  }
0x25e: {  	v11 =	vld [tilespmem:s18+$0xFFFFFF80]  }
0x25f: {  	v12 =	vld [tilespmem:s18+$0xFFFFFFB0]  }
0x260: {  	v14 =	vld [tilespmem:s18+$0xFFFFFFD0]  }
0x261: {  	v15 =	vld [tilespmem:s18+$0xFFFFFFF0];
	v9 =	vmul.f32 v9, v10  }
0x262: {  	s23 =	simm.s32 $0x2;
	v8 =	vmul.f32 v8, v10  }
0x263: {  	v63 =	vld [tilespmem:s18+$0xFFFFFFE0];
	v11 =	vmul.f32 v11, v10;
	[tilespmem:s18+$0xFFFFFF90] =	vst v9;
	v9 =	vmov s23  }
0x264: {  	v12 =	vmul.f32 v12, v10;
	[tilespmem:s18+$0xFFFFFFA0] =	vst v8;
	v8 =	vand.u32 $0xFFFFFFFE, v9  }
0x265: {  	[tilespmem:s18+$0xFFFFFF80] =	vst v11;
	v11 =	vmul.f32 v14, v10;
	v14 =	vld [tilespmem:s18+$0x0];
	v17 =	vbroadcast v8, $0x0  }
0x266: {  	[tilespmem:s18+$0xFFFFFFB0] =	vst v12;
	v12 =	vmul.f32 v15, v10;
	v9 =	vmul.f32 v13, v10;
	v13 =	vld [tilespmem:s18+$0x60]  }
0x267: {  	v8 =	vld [tilespmem:s18+$0x20];
	[tilespmem:s18+$0xFFFFFFD0] =	vst v11  }
0x268: {  	v10 =	vmul.f32 v63, v10;
	[tilespmem:s18+$0xFFFFFFF0] =	vst v12;
	v11 =	vld [tilespmem:s18+$0x40]  }
0x269: {  	v12 =	vld [tilespmem:s18+$0x10];
	[tilespmem:s18+$0xFFFFFFC0] =	vst v9  }
0x26a: {  	v9 =	vld [tilespmem:s18+$0x30];
	[tilespmem:s18+$0xFFFFFFE0] =	vst v10  }
0x26b: {  	s20 =	simm.s32 $0x4;
	s21 =	simm.s32 $0xAE80;
	v10 =	vld.idx.msk [tilespmem:v17+s3+$0x0], $0xffff  }
.LBB2_13:
0x26c: {  	p0 =	slt.u32 s20, $0x24  }
0x26d: {  	v15 =	vld [tilespmem:s18+$0x50];
	s21 =	sadd.s32 $0x200, s21;
	s7 =	smov.u32 s20;
	s20 =	sadd.s32 $0x4, s20  }
0x26e: {  	v16 =	vld [tilespmem:s18+$0x70];
	_ =	sdelay $0x1  }
0x26f: {  	v13 =	vmul.f32 v13, v10;
	v14 =	vmul.f32 v14, v10  }
0x270: {  	v11 =	vmul.f32 v11, v10;
	v12 =	vmul.f32 v12, v10  }
0x271: {  	v8 =	vmul.f32 v8, v10;
	v9 =	vmul.f32 v9, v10;
	[tilespmem:s18+$0x60] =	vst v13  }
0x272: {  	[tilespmem:s18+$0x40] =	vst v11;
	v11 =	vmul.f32 v15, v10;
	v10 =	vmul.f32 v16, v10  }
0x273: {  	s22 =	sadd.s32 $0x3, s19;
	s19 =	smov.u32 s7;
	[tilespmem:s18+$0x20] =	vst v8;
	v13 =	vld [tilespmem:s18+$0x80]  }
0x274: {  	v8 =	vld [tilespmem:s21+$0x20];
	[tilespmem:s18+$0x0] =	vst v14;
	v14 =	vmov s22  }
0x275: {  	[tilespmem:s18+$0x50] =	vst v11;
	v11 =	vld [tilespmem:s18+$0xE0]  }
0x276: {  	[tilespmem:s18+$0x30] =	vst v9;
	v15 =	vld [tilespmem:s18+$0xC0]  }
0x277: {  	v9 =	vld [tilespmem:s21+$0x30];
	[tilespmem:s18+$0x10] =	vst v12  }
0x278: {  	[tilespmem:s18+$0x70] =	vst v10;
	v10 =	vld [tilespmem:s18+$0xA0]  }
0x279: {  	v12 =	vld.idx.msk [tilespmem:v14+s3+$0x0], $0xffff  }
0x27a: {  	v14 =	vld [tilespmem:s18+$0x90]  }
0x27b: {  	v16 =	vld [tilespmem:s18+$0xB0]  }
0x27c: {  	v17 =	vld [tilespmem:s18+$0xD0]  }
0x27d: {  	v18 =	vld [tilespmem:s18+$0xF0];
	_ =	sdelay $0x1  }
0x27e: {  	v13 =	vmul.f32 v13, v12;
	v14 =	vmul.f32 v14, v12  }
0x27f: {  	v10 =	vmul.f32 v10, v12;
	v16 =	vmul.f32 v16, v12  }
0x280: {  	v19 =	vmov s19;
	[tilespmem:s18+$0x80] =	vst v13;
	v13 =	vmul.f32 v15, v12;
	v15 =	vmul.f32 v17, v12  }
0x281: {  	v17 =	vand.u32 $0xFFFFFFFC, v19;
	[tilespmem:s18+$0xA0] =	vst v10;
	v10 =	vmul.f32 v11, v12;
	v11 =	vmul.f32 v18, v12  }
0x282: {  	v12 =	vbroadcast v17, $0x0;
	[tilespmem:s18+$0xC0] =	vst v13  }
0x283: {  	[tilespmem:s18+$0xF0] =	vst v11  }
0x284: {  	v11 =	vld [tilespmem:s21+$0xFFFFFF40];
	[tilespmem:s18+$0xE0] =	vst v10  }
0x285: {  	v10 =	vld [tilespmem:s21+$0xFFFFFF50];
	[tilespmem:s18+$0x90] =	vst v14  }
0x286: {  	v13 =	vld [tilespmem:s21+$0xFFFFFF60];
	[tilespmem:s18+$0xB0] =	vst v16  }
0x287: {  	v14 =	vld [tilespmem:s21+$0xFFFFFF70];
	[tilespmem:s18+$0xD0] =	vst v15;
	s18 =	smov.u32 s21  }
0x288: {  	v12 =	vld.idx.msk [tilespmem:v12+s3+$0x0], $0xffff  }
0x289: {  	v15 =	vld [tilespmem:s21+$0xFFFFFF00]  }
0x28a: {  	v16 =	vld [tilespmem:s21+$0xFFFFFF20]  }
0x28b: {  	v17 =	vld [tilespmem:s21+$0xFFFFFF10]  }
0x28c: {  	v18 =	vld [tilespmem:s21+$0xFFFFFF30];
	_ =	sdelay $0x1  }
0x28d: {  	v14 =	vmul.f32 v14, v12;
	v15 =	vmul.f32 v15, v12  }
0x28e: {  	s7 =	sadd.s32 $0x1, s19;
	v13 =	vmul.f32 v13, v12;
	v16 =	vmul.f32 v16, v12  }
0x28f: {  	v10 =	vmul.f32 v10, v12;
	v17 =	vmul.f32 v17, v12;
	[tilespmem:s21+$0xFFFFFF70] =	vst v14;
	v14 =	vmov s7  }
0x290: {  	v11 =	vmul.f32 v11, v12;
	[tilespmem:s21+$0xFFFFFF00] =	vst v15;
	v15 =	vmul.f32 v18, v12;
	v12 =	vand.u32 $0xFFFFFFFD, v14  }
0x291: {  	[tilespmem:s21+$0xFFFFFF20] =	vst v16;
	v12 =	vbroadcast v12, $0x0  }
0x292: {  	[tilespmem:s21+$0xFFFFFF50] =	vst v10  }
0x293: {  	[tilespmem:s21+$0xFFFFFF40] =	vst v11;
	v10 =	vld [tilespmem:s21+$0xFFFFFFF0]  }
0x294: {  	[tilespmem:s21+$0xFFFFFF60] =	vst v13;
	v11 =	vld [tilespmem:s21+$0xFFFFFFC0]  }
0x295: {  	[tilespmem:s21+$0xFFFFFF30] =	vst v15;
	v13 =	vld [tilespmem:s21+$0xFFFFFFD0]  }
0x296: {  	[tilespmem:s21+$0xFFFFFF10] =	vst v17;
	v14 =	vld [tilespmem:s21+$0xFFFFFF90]  }
0x297: {  	v12 =	vld.idx.msk [tilespmem:v12+s3+$0x0], $0xffff  }
0x298: {  	v15 =	vld [tilespmem:s21+$0xFFFFFF80]  }
0x299: {  	v16 =	vld [tilespmem:s21+$0xFFFFFFA0]  }
0x29a: {  	v17 =	vld [tilespmem:s21+$0xFFFFFFB0]  }
0x29b: {  	v18 =	vld [tilespmem:s21+$0xFFFFFFE0];
	_ =	sdelay $0x1  }
0x29c: {  	v14 =	vmul.f32 v14, v12;
	v15 =	vmul.f32 v15, v12  }
0x29d: {  	s7 =	sadd.s32 $0x2, s19;
	v13 =	vmul.f32 v13, v12;
	v16 =	vmul.f32 v16, v12  }
0x29e: {  	v11 =	vmul.f32 v11, v12;
	[tilespmem:s21+$0xFFFFFF90] =	vst v14;
	v14 =	vmul.f32 v17, v12;
	v17 =	vmov s7  }
0x29f: {  	v10 =	vmul.f32 v10, v12;
	[tilespmem:s21+$0xFFFFFFA0] =	vst v16;
	v16 =	vmul.f32 v18, v12;
	v12 =	vand.u32 $0xFFFFFFFE, v17  }
0x2a0: {  	[tilespmem:s21+$0xFFFFFF80] =	vst v15;
	v12 =	vbroadcast v12, $0x0  }
0x2a1: {  	[tilespmem:s21+$0xFFFFFFB0] =	vst v14  }
0x2a2: {  	[tilespmem:s21+$0xFFFFFFC0] =	vst v11  }
0x2a3: {  	[tilespmem:s21+$0xFFFFFFD0] =	vst v13  }
.Ltmp5:
0x2a4: {  	[tilespmem:s21+$0xFFFFFFF0] =	vst v10;
	v11 =	vld [tilespmem:s21+$0x40];
	(pc) =	sbr.rel @p0 .LBB2_13-.Ltmp5, $4  }
0x2a5: {  	[tilespmem:s21+$0xFFFFFFE0] =	vst v16;
	v13 =	vld [tilespmem:s21+$0x60]  }
0x2a6: {  	v10 =	vld.idx.msk [tilespmem:v12+s3+$0x0], $0xffff  }
0x2a7: {  	v14 =	vld [tilespmem:s21+$0x0]  }
0x2a8: {  	v12 =	vld [tilespmem:s21+$0x10]  }
0x2a9: {  	_ =	sdelay $0x1  }
0x2aa: {  	v13 =	vmul.f32 v13, v10  }
0x2ab: {  	v15 =	vld [tilespmem:s18+$0x50];
	v11 =	vmul.f32 v11, v10  }
0x2ac: {  	v16 =	vld [tilespmem:s18+$0x70];
	v8 =	vmul.f32 v8, v10;
	[tilespmem:s18+$0x60] =	vst v13  }
0x2ad: {  	v47 =	vmul.f32 v14, v10;
	[tilespmem:s18+$0x40] =	vst v11  }
0x2ae: {  	s7 =	sadd.s32 $0x3, s19;
	[tilespmem:s18+$0x20] =	vst v8;
	v8 =	vmul.f32 v9, v10  }
0x2af: {  	v50 =	vmov s7;
	v12 =	vmul.f32 v12, v10;
	[tilespmem:s18+$0x0] =	vst v47  }
0x2b0: {  	v48 =	vmul.f32 v15, v10;
	[tilespmem:s18+$0x30] =	vst v8  }
0x2b1: {  	v51 =	vmul.f32 v16, v10;
	[tilespmem:s18+$0x10] =	vst v12  }
0x2b2: {  	[tilespmem:s18+$0x50] =	vst v48  }
0x2b3: {  	v49 =	vld [tilespmem:s18+$0x80];
	[tilespmem:s18+$0x70] =	vst v51  }
0x2b4: {  	v8 =	vld.idx.msk [tilespmem:v50+s3+$0x0], $0xffff  }
0x2b5: {  	v52 =	vld [tilespmem:s18+$0xA0]  }
0x2b6: {  	v53 =	vld [tilespmem:s18+$0xC0]  }
0x2b7: {  	v54 =	vld [tilespmem:s18+$0xF0]  }
0x2b8: {  	v55 =	vld [tilespmem:s18+$0xE0]  }
0x2b9: {  	v56 =	vld [tilespmem:s18+$0x90];
	v9 =	vmul.f32 v49, v8  }
0x2ba: {  	v57 =	vld [tilespmem:s18+$0xB0];
	v10 =	vmul.f32 v52, v8  }
0x2bb: {  	v58 =	vld [tilespmem:s18+$0xD0];
	v59 =	vmul.f32 v53, v8;
	[tilespmem:s18+$0x80] =	vst v9  }
0x2bc: {  	v60 =	vmul.f32 v54, v8;
	[tilespmem:s18+$0xA0] =	vst v10  }
0x2bd: {  	s17 =	sadd.s32 $0x1, s17;
	v61 =	vmul.f32 v55, v8;
	[tilespmem:s18+$0xC0] =	vst v59  }
0x2be: {  	p0 =	sne.s32 s17, $0x7C;
	v62 =	vmul.f32 v56, v8;
	[tilespmem:s18+$0xF0] =	vst v60  }
.Ltmp6:
0x2bf: {  	v63 =	vmul.f32 v57, v8;
	[tilespmem:s18+$0xE0] =	vst v61;
	(pc) =	sbr.rel @p0 .LBB2_8-.Ltmp6, $4  }
0x2c0: {  	v8 =	vmul.f32 v58, v8;
	[tilespmem:s18+$0x90] =	vst v62  }
0x2c1: {  	[tilespmem:s18+$0xB0] =	vst v63  }
0x2c2: {  	[tilespmem:s18+$0xD0] =	vst v8  }
0x2c3: {  	[spmem:s2] =	stream.indirect.scatter.add.f32 [tilespmem:s29], [sflag:$0x4], $0x80, s15, s13, $0xb8;
	[tilespmem:$0x1FE80] =	vst v63  }
0x2c4: {  	v8 =	vld [tilespmem:$0x5700]  }
0x2c5: {  	v9 =	vld [tilespmem:$0x5800];
	_ =	sdelay $0x5  }
0x2c6: {  	s16 =	simm.s32 $0x0  }
0x2c7: {  	v8 =	vld.idx.msk [tilespmem:v8+s16+$0x0], $0xffff  }
0x2c8: {  	v10 =	vld.idx.msk [tilespmem:v9+s31+$0x0], $0xffff;
	_ =	sdelay $0x4  }
0x2c9: {  	v8 =	vadd.f32 v10, v8;
	_ =	sdelay $0x1  }
0x2ca: {  	v10 =	vmul.f32 $2.000000030e-01, v8;
	_ =	sdelay $0x1  }
0x2cb: {  	v8 =	vmax.f32 v8, v10  }
0x2cc: {  	v8 =	vsub.f32 v8, v7;
	_ =	sdelay $0x1  }
0x2cd: {  	v8 =	vmul.f32 $1.442695020e+00, v8;
	_ =	sdelay $0x1  }
0x2ce: {  	(erf) = vpow2.f32 v8;
	_ =	sdelay $0x2  }
0x2cf: {  	v8 =	vshll.u32 v9, $0x3  }
0x2d0: {  	v10 =	vshrl.u32 v9, $0x3;
	v9 =	vand.u32 $0xFFFFE07F, v9;
	v8 =	vand.u32 $0x1C00, v8  }
0x2d1: {  	v10 =	vand.u32 $0x380, v10;
	v8 =	vor.u32 v8, v9  }
0x2d2: {  	v8 =	vor.u32 v10, v8;
	_ =	sdelay $0x2  }
0x2d3: {  	v9 =	vpop (erf)  }
0x2d4: {  	[tilespmem:$0x5900] =	vst v9  }
0x2d5: {  	[tilespmem:v8+s25+$0x0] =	vst.idx.add.f32.msk $0xffff, v9  }
0x2d6: {  	v8 =	vld [tilespmem:$0x5710]  }
0x2d7: {  	v9 =	vld [tilespmem:$0x5810];
	_ =	sdelay $0x6  }
0x2d8: {  	v8 =	vld.idx.msk [tilespmem:v8+s16+$0x0], $0xffff  }
0x2d9: {  	v10 =	vld.idx.msk [tilespmem:v9+s31+$0x0], $0xffff;
	_ =	sdelay $0x4  }
0x2da: {  	v8 =	vadd.f32 v10, v8;
	_ =	sdelay $0x1  }
0x2db: {  	v10 =	vmul.f32 $2.000000030e-01, v8;
	_ =	sdelay $0x1  }
0x2dc: {  	v8 =	vmax.f32 v8, v10  }
0x2dd: {  	v8 =	vsub.f32 v8, v7;
	_ =	sdelay $0x1  }
0x2de: {  	v8 =	vmul.f32 $1.442695020e+00, v8;
	_ =	sdelay $0x1  }
0x2df: {  	(erf) = vpow2.f32 v8;
	_ =	sdelay $0x2  }
0x2e0: {  	v8 =	vshll.u32 v9, $0x3  }
0x2e1: {  	v10 =	vshrl.u32 v9, $0x3;
	v9 =	vand.u32 $0xFFFFE07F, v9;
	v8 =	vand.u32 $0x1C00, v8  }
0x2e2: {  	v10 =	vand.u32 $0x380, v10;
	v8 =	vor.u32 v8, v9  }
0x2e3: {  	v8 =	vor.u32 v10, v8;
	_ =	sdelay $0x2  }
0x2e4: {  	v9 =	vpop (erf)  }
0x2e5: {  	[tilespmem:$0x5910] =	vst v9  }
0x2e6: {  	[tilespmem:v8+s25+$0x0] =	vst.idx.add.f32.msk $0xffff, v9  }
0x2e7: {  	v8 =	vld [tilespmem:$0x5718]  }
0x2e8: {  	v9 =	vld [tilespmem:$0x5818];
	_ =	sdelay $0x6  }
0x2e9: {  	v8 =	vld.idx.msk [tilespmem:v8+s16+$0x0], $0xffff  }
0x2ea: {  	v10 =	vld.idx.msk [tilespmem:v9+s31+$0x0], $0xffff;
	_ =	sdelay $0x4  }
0x2eb: {  	v8 =	vadd.f32 v10, v8;
	_ =	sdelay $0x1  }
0x2ec: {  	v10 =	vmul.f32 $2.000000030e-01, v8;
	_ =	sdelay $0x1  }
0x2ed: {  	v8 =	vmax.f32 v8, v10  }
0x2ee: {  	v8 =	vsub.f32 v8, v7;
	_ =	sdelay $0x1  }
0x2ef: {  	v8 =	vmul.f32 $1.442695020e+00, v8;
	_ =	sdelay $0x1  }
0x2f0: {  	(erf) = vpow2.f32 v8;
	_ =	sdelay $0x2  }
0x2f1: {  	v8 =	vshll.u32 v9, $0x3  }
0x2f2: {  	v10 =	vshrl.u32 v9, $0x3;
	v9 =	vand.u32 $0xFFFFE07F, v9;
	v8 =	vand.u32 $0x1C00, v8  }
0x2f3: {  	v10 =	vand.u32 $0x380, v10;
	v8 =	vor.u32 v8, v9  }
0x2f4: {  	v8 =	vor.u32 v10, v8;
	_ =	sdelay $0x2  }
0x2f5: {  	v9 =	vpop (erf)  }
0x2f6: {  	[tilespmem:$0x5918] =	vst v9  }
0x2f7: {  	s21 =	simm.s32 $0x4;
	[tilespmem:v8+s25+$0x0] =	vst.idx.add.f32.msk vm0, v9  }
0x2f8: {  	_ =	swait.ge [sflag:s21], $0x1400  }
0x2f9: {  	[sflag:s21] =	ssyncset.done $0x0  }
0x2fa: {  	[sflag:s21] =	ssyncadd.s32 $0xFFFFEC00  }
0x2fb: {  	_ =	swait.ge [sflag:s26], $0x1400  }
0x2fc: {  	[sflag:s26] =	ssyncset.done $0x0  }
0x2fd: {  	[sflag:s26] =	ssyncadd.s32 $0xFFFFEC00  }
0x2fe: {  	v8 =	vld.idx.msk [tilespmem:v4+s9+$0x0], $0xffff;
	_ =	sdelay $0x4  }
0x2ff: {  	[tilespmem:$0x5780] =	vst v8  }
0x300: {  	v8 =	vld.idx.msk [tilespmem:v4+s12+$0x0], $0xffff;
	_ =	sdelay $0x4  }
0x301: {  	[tilespmem:$0x5880] =	vst v8  }
0x302: {  	v8 =	vld.idx.msk [tilespmem:v5+s9+$0x0], $0xffff;
	_ =	sdelay $0x4  }
0x303: {  	[tilespmem:$0x5790] =	vst v8  }
0x304: {  	v8 =	vld.idx.msk [tilespmem:v5+s12+$0x0], $0xffff;
	_ =	sdelay $0x4  }
0x305: {  	[tilespmem:$0x5890] =	vst v8  }
0x306: {  	v8 =	vld.idx.msk [tilespmem:v6+s9+$0x0], $0xffff;
	_ =	sdelay $0x4  }
0x307: {  	[tilespmem:$0x5798] =	vst v8  }
0x308: {  	v9 =	vmov s16;
	v8 =	vld.idx.msk [tilespmem:v6+s12+$0x0], $0xffff  }
0x309: {  	v9 =	vand.u32 $0xFFFFFFFC, v9  }
0x30a: {  	v9 =	vbroadcast v9, $0x0;
	_ =	sdelay $0x2  }
0x30b: {  	s17 =	simm.s32 $0x9A80;
	[tilespmem:$0x5898] =	vst v8  }
0x30c: {  	[tilespmem:s29], [sflag:$0x2] =	stream.indirect.gather [hbm4b:s1+s13], $0x80, s28, s13, $0xb8;
	[tilespmem:$0x1FE80] =	vst v63  }
0x30d: {  	v8 =	vld [tilespmem:s17+$0xFFFFFF70]  }
0x30e: {  	v9 =	vld.idx.msk [tilespmem:v9+s3+$0x0], $0xffff  }
0x30f: {  	v10 =	vld [tilespmem:s17+$0xFFFFFF00]  }
0x310: {  	v11 =	vld [tilespmem:s17+$0xFFFFFF20]  }
0x311: {  	v12 =	vld [tilespmem:s17+$0xFFFFFF50]  }
0x312: {  	v13 =	vld [tilespmem:s17+$0xFFFFFF40]  }
0x313: {  	v14 =	vld [tilespmem:s17+$0xFFFFFF60];
	v8 =	vmul.f32 v8, v9  }
0x314: {  	s7 =	simm.s32 $0x1;
	v15 =	vld [tilespmem:s17+$0xFFFFFF30];
	v10 =	vmul.f32 v10, v9  }
0x315: {  	v16 =	vld [tilespmem:s17+$0xFFFFFF10];
	v11 =	vmul.f32 v11, v9;
	[tilespmem:s17+$0xFFFFFF70] =	vst v8;
	v8 =	vmov s7  }
0x316: {  	v12 =	vmul.f32 v12, v9;
	[tilespmem:s17+$0xFFFFFF00] =	vst v10;
	v8 =	vand.u32 $0xFFFFFFFD, v8  }
0x317: {  	v10 =	vmul.f32 v13, v9;
	[tilespmem:s17+$0xFFFFFF20] =	vst v11;
	v8 =	vbroadcast v8, $0x0  }
0x318: {  	v11 =	vmul.f32 v14, v9;
	[tilespmem:s17+$0xFFFFFF50] =	vst v12  }
0x319: {  	v12 =	vmul.f32 v15, v9;
	[tilespmem:s17+$0xFFFFFF40] =	vst v10  }
0x31a: {  	v9 =	vmul.f32 v16, v9;
	[tilespmem:s17+$0xFFFFFF60] =	vst v11  }
0x31b: {  	v13 =	vld [tilespmem:s17+$0xFFFFFFC0];
	[tilespmem:s17+$0xFFFFFF30] =	vst v12  }
0x31c: {  	[tilespmem:s17+$0xFFFFFF10] =	vst v9;
	v9 =	vld [tilespmem:s17+$0xFFFFFF90]  }
0x31d: {  	v10 =	vld.idx.msk [tilespmem:v8+s3+$0x0], $0xffff  }
0x31e: {  	v8 =	vld [tilespmem:s17+$0xFFFFFFA0]  }
0x31f: {  	v11 =	vld [tilespmem:s17+$0xFFFFFF80]  }
0x320: {  	v12 =	vld [tilespmem:s17+$0xFFFFFFB0]  }
0x321: {  	v14 =	vld [tilespmem:s17+$0xFFFFFFD0]  }
0x322: {  	v15 =	vld [tilespmem:s17+$0xFFFFFFF0];
	v9 =	vmul.f32 v9, v10  }
0x323: {  	s23 =	simm.s32 $0x2;
	v8 =	vmul.f32 v8, v10  }
0x324: {  	v63 =	vld [tilespmem:s17+$0xFFFFFFE0];
	v11 =	vmul.f32 v11, v10;
	[tilespmem:s17+$0xFFFFFF90] =	vst v9;
	v9 =	vmov s23  }
0x325: {  	v12 =	vmul.f32 v12, v10;
	[tilespmem:s17+$0xFFFFFFA0] =	vst v8;
	v8 =	vand.u32 $0xFFFFFFFE, v9  }
0x326: {  	[tilespmem:s17+$0xFFFFFF80] =	vst v11;
	v11 =	vmul.f32 v14, v10;
	v14 =	vld [tilespmem:s17+$0x0];
	v17 =	vbroadcast v8, $0x0  }
0x327: {  	[tilespmem:s17+$0xFFFFFFB0] =	vst v12;
	v12 =	vmul.f32 v15, v10;
	v9 =	vmul.f32 v13, v10;
	v13 =	vld [tilespmem:s17+$0x60]  }
0x328: {  	v8 =	vld [tilespmem:s17+$0x20];
	[tilespmem:s17+$0xFFFFFFD0] =	vst v11  }
0x329: {  	v10 =	vmul.f32 v63, v10;
	[tilespmem:s17+$0xFFFFFFF0] =	vst v12;
	v11 =	vld [tilespmem:s17+$0x40]  }
0x32a: {  	v12 =	vld [tilespmem:s17+$0x10];
	[tilespmem:s17+$0xFFFFFFC0] =	vst v9  }
0x32b: {  	v9 =	vld [tilespmem:s17+$0x30];
	[tilespmem:s17+$0xFFFFFFE0] =	vst v10  }
0x32c: {  	s18 =	simm.s32 $0x4;
	s19 =	simm.s32 $0x9A80;
	v10 =	vld.idx.msk [tilespmem:v17+s3+$0x0], $0xffff  }
.LBB2_16:
0x32d: {  	p0 =	slt.u32 s18, $0x24  }
0x32e: {  	v15 =	vld [tilespmem:s17+$0x50];
	s19 =	sadd.s32 $0x200, s19;
	s7 =	smov.u32 s18;
	s18 =	sadd.s32 $0x4, s18  }
0x32f: {  	v16 =	vld [tilespmem:s17+$0x70];
	_ =	sdelay $0x1  }
0x330: {  	v13 =	vmul.f32 v13, v10;
	v14 =	vmul.f32 v14, v10  }
0x331: {  	v11 =	vmul.f32 v11, v10;
	v12 =	vmul.f32 v12, v10  }
0x332: {  	v8 =	vmul.f32 v8, v10;
	v9 =	vmul.f32 v9, v10;
	[tilespmem:s17+$0x60] =	vst v13  }
0x333: {  	[tilespmem:s17+$0x40] =	vst v11;
	v11 =	vmul.f32 v15, v10;
	v10 =	vmul.f32 v16, v10  }
0x334: {  	s20 =	sadd.s32 $0x3, s16;
	s16 =	smov.u32 s7;
	[tilespmem:s17+$0x20] =	vst v8;
	v13 =	vld [tilespmem:s17+$0x80]  }
0x335: {  	v8 =	vld [tilespmem:s19+$0x20];
	[tilespmem:s17+$0x0] =	vst v14;
	v14 =	vmov s20  }
0x336: {  	[tilespmem:s17+$0x50] =	vst v11;
	v11 =	vld [tilespmem:s17+$0xE0]  }
0x337: {  	[tilespmem:s17+$0x30] =	vst v9;
	v15 =	vld [tilespmem:s17+$0xC0]  }
0x338: {  	v9 =	vld [tilespmem:s19+$0x30];
	[tilespmem:s17+$0x10] =	vst v12  }
0x339: {  	[tilespmem:s17+$0x70] =	vst v10;
	v10 =	vld [tilespmem:s17+$0xA0]  }
0x33a: {  	v12 =	vld.idx.msk [tilespmem:v14+s3+$0x0], $0xffff  }
0x33b: {  	v14 =	vld [tilespmem:s17+$0x90]  }
0x33c: {  	v16 =	vld [tilespmem:s17+$0xB0]  }
0x33d: {  	v17 =	vld [tilespmem:s17+$0xD0]  }
0x33e: {  	v18 =	vld [tilespmem:s17+$0xF0];
	_ =	sdelay $0x1  }
0x33f: {  	v13 =	vmul.f32 v13, v12;
	v14 =	vmul.f32 v14, v12  }
0x340: {  	v10 =	vmul.f32 v10, v12;
	v16 =	vmul.f32 v16, v12  }
0x341: {  	v19 =	vmov s16;
	[tilespmem:s17+$0x80] =	vst v13;
	v13 =	vmul.f32 v15, v12;
	v15 =	vmul.f32 v17, v12  }
0x342: {  	v17 =	vand.u32 $0xFFFFFFFC, v19;
	[tilespmem:s17+$0xA0] =	vst v10;
	v10 =	vmul.f32 v11, v12;
	v11 =	vmul.f32 v18, v12  }
0x343: {  	v12 =	vbroadcast v17, $0x0;
	[tilespmem:s17+$0xC0] =	vst v13  }
0x344: {  	[tilespmem:s17+$0xF0] =	vst v11  }
0x345: {  	v11 =	vld [tilespmem:s19+$0xFFFFFF40];
	[tilespmem:s17+$0xE0] =	vst v10  }
0x346: {  	v10 =	vld [tilespmem:s19+$0xFFFFFF50];
	[tilespmem:s17+$0x90] =	vst v14  }
0x347: {  	v13 =	vld [tilespmem:s19+$0xFFFFFF60];
	[tilespmem:s17+$0xB0] =	vst v16  }
0x348: {  	v14 =	vld [tilespmem:s19+$0xFFFFFF70];
	[tilespmem:s17+$0xD0] =	vst v15;
	s17 =	smov.u32 s19  }
0x349: {  	v12 =	vld.idx.msk [tilespmem:v12+s3+$0x0], $0xffff  }
0x34a: {  	v15 =	vld [tilespmem:s19+$0xFFFFFF00]  }
0x34b: {  	v16 =	vld [tilespmem:s19+$0xFFFFFF20]  }
0x34c: {  	v17 =	vld [tilespmem:s19+$0xFFFFFF10]  }
0x34d: {  	v18 =	vld [tilespmem:s19+$0xFFFFFF30];
	_ =	sdelay $0x1  }
0x34e: {  	v14 =	vmul.f32 v14, v12;
	v15 =	vmul.f32 v15, v12  }
0x34f: {  	s7 =	sadd.s32 $0x1, s16;
	v13 =	vmul.f32 v13, v12;
	v16 =	vmul.f32 v16, v12  }
0x350: {  	v10 =	vmul.f32 v10, v12;
	v17 =	vmul.f32 v17, v12;
	[tilespmem:s19+$0xFFFFFF70] =	vst v14;
	v14 =	vmov s7  }
0x351: {  	v11 =	vmul.f32 v11, v12;
	[tilespmem:s19+$0xFFFFFF00] =	vst v15;
	v15 =	vmul.f32 v18, v12;
	v12 =	vand.u32 $0xFFFFFFFD, v14  }
0x352: {  	[tilespmem:s19+$0xFFFFFF20] =	vst v16;
	v12 =	vbroadcast v12, $0x0  }
0x353: {  	[tilespmem:s19+$0xFFFFFF50] =	vst v10  }
0x354: {  	[tilespmem:s19+$0xFFFFFF40] =	vst v11;
	v10 =	vld [tilespmem:s19+$0xFFFFFFF0]  }
0x355: {  	[tilespmem:s19+$0xFFFFFF60] =	vst v13;
	v11 =	vld [tilespmem:s19+$0xFFFFFFC0]  }
0x356: {  	[tilespmem:s19+$0xFFFFFF30] =	vst v15;
	v13 =	vld [tilespmem:s19+$0xFFFFFFD0]  }
0x357: {  	[tilespmem:s19+$0xFFFFFF10] =	vst v17;
	v14 =	vld [tilespmem:s19+$0xFFFFFF90]  }
0x358: {  	v12 =	vld.idx.msk [tilespmem:v12+s3+$0x0], $0xffff  }
0x359: {  	v15 =	vld [tilespmem:s19+$0xFFFFFF80]  }
0x35a: {  	v16 =	vld [tilespmem:s19+$0xFFFFFFA0]  }
0x35b: {  	v17 =	vld [tilespmem:s19+$0xFFFFFFB0]  }
0x35c: {  	v18 =	vld [tilespmem:s19+$0xFFFFFFE0];
	_ =	sdelay $0x1  }
0x35d: {  	v14 =	vmul.f32 v14, v12;
	v15 =	vmul.f32 v15, v12  }
0x35e: {  	s7 =	sadd.s32 $0x2, s16;
	v13 =	vmul.f32 v13, v12;
	v16 =	vmul.f32 v16, v12  }
0x35f: {  	v11 =	vmul.f32 v11, v12;
	[tilespmem:s19+$0xFFFFFF90] =	vst v14;
	v14 =	vmul.f32 v17, v12;
	v17 =	vmov s7  }
0x360: {  	v10 =	vmul.f32 v10, v12;
	[tilespmem:s19+$0xFFFFFFA0] =	vst v16;
	v16 =	vmul.f32 v18, v12;
	v12 =	vand.u32 $0xFFFFFFFE, v17  }
0x361: {  	[tilespmem:s19+$0xFFFFFF80] =	vst v15;
	v12 =	vbroadcast v12, $0x0  }
0x362: {  	[tilespmem:s19+$0xFFFFFFB0] =	vst v14  }
0x363: {  	[tilespmem:s19+$0xFFFFFFC0] =	vst v11  }
0x364: {  	[tilespmem:s19+$0xFFFFFFD0] =	vst v13  }
.Ltmp7:
0x365: {  	[tilespmem:s19+$0xFFFFFFF0] =	vst v10;
	v11 =	vld [tilespmem:s19+$0x40];
	(pc) =	sbr.rel @p0 .LBB2_16-.Ltmp7, $4  }
0x366: {  	[tilespmem:s19+$0xFFFFFFE0] =	vst v16;
	v13 =	vld [tilespmem:s19+$0x60]  }
0x367: {  	v10 =	vld.idx.msk [tilespmem:v12+s3+$0x0], $0xffff  }
0x368: {  	v14 =	vld [tilespmem:s19+$0x0]  }
0x369: {  	v12 =	vld [tilespmem:s19+$0x10]  }
0x36a: {  	_ =	sdelay $0x1  }
0x36b: {  	v13 =	vmul.f32 v13, v10  }
0x36c: {  	v15 =	vld [tilespmem:s17+$0x50];
	v11 =	vmul.f32 v11, v10  }
0x36d: {  	v16 =	vld [tilespmem:s17+$0x70];
	v8 =	vmul.f32 v8, v10;
	[tilespmem:s17+$0x60] =	vst v13  }
0x36e: {  	v13 =	vmul.f32 v14, v10;
	[tilespmem:s17+$0x40] =	vst v11  }
0x36f: {  	s7 =	sadd.s32 $0x3, s16;
	[tilespmem:s17+$0x20] =	vst v8;
	v8 =	vmul.f32 v9, v10  }
0x370: {  	v12 =	vmul.f32 v12, v10;
	[tilespmem:s17+$0x0] =	vst v13;
	v13 =	vmov s7  }
0x371: {  	v11 =	vmul.f32 v15, v10;
	[tilespmem:s17+$0x30] =	vst v8  }
0x372: {  	v10 =	vmul.f32 v16, v10;
	[tilespmem:s17+$0x10] =	vst v12  }
0x373: {  	[tilespmem:s17+$0x50] =	vst v11  }
0x374: {  	v9 =	vld [tilespmem:s17+$0x80];
	[tilespmem:s17+$0x70] =	vst v10  }
0x375: {  	v8 =	vld.idx.msk [tilespmem:v13+s3+$0x0], $0xffff  }
0x376: {  	v10 =	vld [tilespmem:s17+$0xA0]  }
0x377: {  	v11 =	vld [tilespmem:s17+$0xC0]  }
0x378: {  	v12 =	vld [tilespmem:s17+$0xF0]  }
0x379: {  	v13 =	vld [tilespmem:s17+$0xE0]  }
0x37a: {  	v14 =	vld [tilespmem:s17+$0x90];
	v9 =	vmul.f32 v9, v8  }
0x37b: {  	v15 =	vld [tilespmem:s17+$0xB0];
	v10 =	vmul.f32 v10, v8  }
0x37c: {  	v62 =	vld [tilespmem:s17+$0xD0];
	[tilespmem:s17+$0x80] =	vst v9;
	v9 =	vmul.f32 v11, v8  }
0x37d: {  	[tilespmem:s17+$0xA0] =	vst v10;
	v10 =	vmul.f32 v12, v8  }
0x37e: {  	v11 =	vmul.f32 v13, v8;
	[tilespmem:s17+$0xC0] =	vst v9  }
0x37f: {  	v9 =	vmul.f32 v14, v8;
	[tilespmem:s17+$0xF0] =	vst v10  }
0x380: {  	v10 =	vmul.f32 v15, v8;
	[tilespmem:s17+$0xE0] =	vst v11  }
0x381: {  	v8 =	vmul.f32 v62, v8;
	[tilespmem:s17+$0x90] =	vst v9  }
0x382: {  	[tilespmem:s17+$0xB0] =	vst v10  }
0x383: {  	[tilespmem:s17+$0xD0] =	vst v8  }
0x384: {  	[spmem:s2] =	stream.indirect.scatter.add.f32 [tilespmem:s0], [sflag:$0x3], $0x80, s5, s13, $0xb8;
	[tilespmem:$0x1FE80] =	vst v63  }
0x385: {  	v8 =	vld [tilespmem:$0x5780]  }
0x386: {  	v9 =	vld [tilespmem:$0x5880];
	_ =	sdelay $0x5  }
0x387: {  	s16 =	simm.s32 $0x0  }
0x388: {  	v8 =	vld.idx.msk [tilespmem:v8+s16+$0x0], $0xffff  }
0x389: {  	v10 =	vld.idx.msk [tilespmem:v9+s31+$0x0], $0xffff;
	_ =	sdelay $0x4  }
0x38a: {  	v8 =	vadd.f32 v10, v8;
	_ =	sdelay $0x1  }
0x38b: {  	v10 =	vmul.f32 $2.000000030e-01, v8;
	_ =	sdelay $0x1  }
0x38c: {  	v8 =	vmax.f32 v8, v10  }
0x38d: {  	v8 =	vsub.f32 v8, v7;
	_ =	sdelay $0x1  }
0x38e: {  	v8 =	vmul.f32 $1.442695020e+00, v8;
	_ =	sdelay $0x1  }
0x38f: {  	(erf) = vpow2.f32 v8;
	_ =	sdelay $0x2  }
0x390: {  	v8 =	vshll.u32 v9, $0x3  }
0x391: {  	v10 =	vshrl.u32 v9, $0x3;
	v9 =	vand.u32 $0xFFFFE07F, v9;
	v8 =	vand.u32 $0x1C00, v8  }
0x392: {  	v10 =	vand.u32 $0x380, v10;
	v8 =	vor.u32 v8, v9  }
0x393: {  	v8 =	vor.u32 v10, v8;
	_ =	sdelay $0x2  }
0x394: {  	v9 =	vpop (erf)  }
0x395: {  	[tilespmem:$0x5900] =	vst v9  }
0x396: {  	[tilespmem:v8+s25+$0x0] =	vst.idx.add.f32.msk $0xffff, v9  }
0x397: {  	v8 =	vld [tilespmem:$0x5790]  }
0x398: {  	v9 =	vld [tilespmem:$0x5890];
	_ =	sdelay $0x6  }
0x399: {  	v8 =	vld.idx.msk [tilespmem:v8+s16+$0x0], $0xffff  }
0x39a: {  	v10 =	vld.idx.msk [tilespmem:v9+s31+$0x0], $0xffff;
	_ =	sdelay $0x4  }
0x39b: {  	v8 =	vadd.f32 v10, v8;
	_ =	sdelay $0x1  }
0x39c: {  	v10 =	vmul.f32 $2.000000030e-01, v8;
	_ =	sdelay $0x1  }
0x39d: {  	v8 =	vmax.f32 v8, v10  }
0x39e: {  	v8 =	vsub.f32 v8, v7;
	_ =	sdelay $0x1  }
0x39f: {  	v8 =	vmul.f32 $1.442695020e+00, v8;
	_ =	sdelay $0x1  }
0x3a0: {  	(erf) = vpow2.f32 v8;
	_ =	sdelay $0x2  }
0x3a1: {  	v8 =	vshll.u32 v9, $0x3  }
0x3a2: {  	v10 =	vshrl.u32 v9, $0x3;
	v9 =	vand.u32 $0xFFFFE07F, v9;
	v8 =	vand.u32 $0x1C00, v8  }
0x3a3: {  	v10 =	vand.u32 $0x380, v10;
	v8 =	vor.u32 v8, v9  }
0x3a4: {  	v8 =	vor.u32 v10, v8;
	_ =	sdelay $0x2  }
0x3a5: {  	v9 =	vpop (erf)  }
0x3a6: {  	[tilespmem:$0x5910] =	vst v9  }
0x3a7: {  	[tilespmem:v8+s25+$0x0] =	vst.idx.add.f32.msk $0xffff, v9  }
0x3a8: {  	v8 =	vld [tilespmem:$0x5798]  }
0x3a9: {  	v9 =	vld [tilespmem:$0x5898];
	_ =	sdelay $0x6  }
0x3aa: {  	v8 =	vld.idx.msk [tilespmem:v8+s16+$0x0], $0xffff  }
0x3ab: {  	v10 =	vld.idx.msk [tilespmem:v9+s31+$0x0], $0xffff;
	_ =	sdelay $0x4  }
0x3ac: {  	v8 =	vadd.f32 v10, v8;
	_ =	sdelay $0x1  }
0x3ad: {  	v10 =	vmul.f32 $2.000000030e-01, v8;
	_ =	sdelay $0x1  }
0x3ae: {  	v8 =	vmax.f32 v8, v10  }
0x3af: {  	v7 =	vsub.f32 v8, v7;
	_ =	sdelay $0x1  }
0x3b0: {  	v7 =	vmul.f32 $1.442695020e+00, v7;
	_ =	sdelay $0x1  }
0x3b1: {  	(erf) = vpow2.f32 v7;
	_ =	sdelay $0x2  }
0x3b2: {  	v7 =	vshll.u32 v9, $0x3  }
0x3b3: {  	v8 =	vshrl.u32 v9, $0x3;
	v9 =	vand.u32 $0xFFFFE07F, v9;
	v7 =	vand.u32 $0x1C00, v7  }
0x3b4: {  	v8 =	vand.u32 $0x380, v8;
	v7 =	vor.u32 v7, v9  }
0x3b5: {  	v7 =	vor.u32 v8, v7;
	_ =	sdelay $0x2  }
0x3b6: {  	v8 =	vpop (erf)  }
0x3b7: {  	[tilespmem:$0x5918] =	vst v8  }
0x3b8: {  	[tilespmem:v7+s25+$0x0] =	vst.idx.add.f32.msk vm0, v8;
	v7 =	vmov s16  }
0x3b9: {  	_ =	swait.ge [sflag:s11], $0x1400;
	v7 =	vand.u32 $0xFFFFFFFC, v7  }
0x3ba: {  	[sflag:s11] =	ssyncset.done $0x0;
	v7 =	vbroadcast v7, $0x0  }
0x3bb: {  	[sflag:s11] =	ssyncadd.s32 $0xFFFFEC00  }
0x3bc: {  	_ =	swait.ge [sflag:s14], $0x1400  }
0x3bd: {  	[sflag:s14] =	ssyncset.done $0x0  }
0x3be: {  	s17 =	simm.s32 $0xAE80;
	[sflag:s14] =	ssyncadd.s32 $0xFFFFEC00  }
0x3bf: {  	v8 =	vld [tilespmem:s17+$0xFFFFFF70]  }
0x3c0: {  	v7 =	vld.idx.msk [tilespmem:v7+s3+$0x0], $0xffff  }
0x3c1: {  	v9 =	vld [tilespmem:s17+$0xFFFFFF00]  }
0x3c2: {  	v10 =	vld [tilespmem:s17+$0xFFFFFF20]  }
0x3c3: {  	v11 =	vld [tilespmem:s17+$0xFFFFFF50]  }
0x3c4: {  	v12 =	vld [tilespmem:s17+$0xFFFFFF40]  }
0x3c5: {  	v13 =	vld [tilespmem:s17+$0xFFFFFF60];
	v8 =	vmul.f32 v8, v7  }
0x3c6: {  	s22 =	simm.s32 $0x1;
	v14 =	vld [tilespmem:s17+$0xFFFFFF30];
	v9 =	vmul.f32 v9, v7  }
0x3c7: {  	v15 =	vld [tilespmem:s17+$0xFFFFFF10];
	v10 =	vmul.f32 v10, v7;
	[tilespmem:s17+$0xFFFFFF70] =	vst v8;
	v8 =	vmov s22  }
0x3c8: {  	v11 =	vmul.f32 v11, v7;
	[tilespmem:s17+$0xFFFFFF00] =	vst v9;
	v8 =	vand.u32 $0xFFFFFFFD, v8  }
0x3c9: {  	v9 =	vmul.f32 v12, v7;
	[tilespmem:s17+$0xFFFFFF20] =	vst v10;
	v8 =	vbroadcast v8, $0x0  }
0x3ca: {  	v10 =	vmul.f32 v13, v7;
	[tilespmem:s17+$0xFFFFFF50] =	vst v11  }
0x3cb: {  	v11 =	vmul.f32 v14, v7;
	[tilespmem:s17+$0xFFFFFF40] =	vst v9  }
0x3cc: {  	v7 =	vmul.f32 v15, v7;
	[tilespmem:s17+$0xFFFFFF60] =	vst v10  }
0x3cd: {  	[tilespmem:s17+$0xFFFFFF30] =	vst v11  }
0x3ce: {  	[tilespmem:s17+$0xFFFFFF10] =	vst v7;
	v7 =	vld [tilespmem:s17+$0xFFFFFF90]  }
0x3cf: {  	v9 =	vld.idx.msk [tilespmem:v8+s3+$0x0], $0xffff  }
0x3d0: {  	v8 =	vld [tilespmem:s17+$0xFFFFFFA0]  }
0x3d1: {  	v10 =	vld [tilespmem:s17+$0xFFFFFF80]  }
0x3d2: {  	v11 =	vld [tilespmem:s17+$0xFFFFFFB0]  }
0x3d3: {  	v12 =	vld [tilespmem:s17+$0xFFFFFFC0]  }
0x3d4: {  	v13 =	vld [tilespmem:s17+$0xFFFFFFD0];
	v7 =	vmul.f32 v7, v9  }
0x3d5: {  	s23 =	simm.s32 $0x2;
	v14 =	vld [tilespmem:s17+$0xFFFFFFF0];
	v8 =	vmul.f32 v8, v9  }
0x3d6: {  	v15 =	vld [tilespmem:s17+$0xFFFFFFE0];
	v10 =	vmul.f32 v10, v9;
	[tilespmem:s17+$0xFFFFFF90] =	vst v7;
	v7 =	vmov s23  }
0x3d7: {  	v11 =	vmul.f32 v11, v9;
	[tilespmem:s17+$0xFFFFFFA0] =	vst v8;
	v7 =	vand.u32 $0xFFFFFFFE, v7  }
0x3d8: {  	v8 =	vmul.f32 v12, v9;
	[tilespmem:s17+$0xFFFFFF80] =	vst v10;
	v12 =	vld [tilespmem:s17+$0x60];
	v63 =	vbroadcast v7, $0x0  }
0x3d9: {  	v10 =	vmul.f32 v13, v9;
	[tilespmem:s17+$0xFFFFFFB0] =	vst v11;
	v13 =	vld [tilespmem:s17+$0x0]  }
0x3da: {  	v11 =	vmul.f32 v14, v9;
	v7 =	vld [tilespmem:s17+$0x20];
	[tilespmem:s17+$0xFFFFFFC0] =	vst v8  }
0x3db: {  	v9 =	vmul.f32 v15, v9;
	v8 =	vld [tilespmem:s17+$0x30];
	[tilespmem:s17+$0xFFFFFFD0] =	vst v10  }
0x3dc: {  	[tilespmem:s17+$0xFFFFFFF0] =	vst v11;
	v10 =	vld [tilespmem:s17+$0x40]  }
0x3dd: {  	[tilespmem:s17+$0xFFFFFFE0] =	vst v9;
	v11 =	vld [tilespmem:s17+$0x10]  }
0x3de: {  	s18 =	simm.s32 $0x4;
	s19 =	simm.s32 $0xAE80;
	s22 =	rddreg [dreg:$0x8];
	v9 =	vld.idx.msk [tilespmem:v63+s3+$0x0], $0xffff  }
.LBB2_18:
0x3df: {  	p0 =	slt.u32 s18, $0x24  }
0x3e0: {  	v14 =	vld [tilespmem:s17+$0x50];
	s19 =	sadd.s32 $0x200, s19;
	s7 =	smov.u32 s18;
	s18 =	sadd.s32 $0x4, s18  }
0x3e1: {  	v15 =	vld [tilespmem:s17+$0x70];
	_ =	sdelay $0x1  }
0x3e2: {  	v12 =	vmul.f32 v12, v9;
	v13 =	vmul.f32 v13, v9  }
0x3e3: {  	v10 =	vmul.f32 v10, v9;
	v11 =	vmul.f32 v11, v9  }
0x3e4: {  	v7 =	vmul.f32 v7, v9;
	v8 =	vmul.f32 v8, v9;
	[tilespmem:s17+$0x60] =	vst v12  }
0x3e5: {  	[tilespmem:s17+$0x40] =	vst v10;
	v10 =	vmul.f32 v14, v9;
	v9 =	vmul.f32 v15, v9  }
0x3e6: {  	s20 =	sadd.s32 $0x3, s16;
	s16 =	smov.u32 s7;
	[tilespmem:s17+$0x20] =	vst v7;
	v12 =	vld [tilespmem:s17+$0x80]  }
0x3e7: {  	v7 =	vld [tilespmem:s19+$0x20];
	[tilespmem:s17+$0x0] =	vst v13;
	v13 =	vmov s20  }
0x3e8: {  	[tilespmem:s17+$0x50] =	vst v10;
	v10 =	vld [tilespmem:s17+$0xE0]  }
0x3e9: {  	[tilespmem:s17+$0x30] =	vst v8;
	v14 =	vld [tilespmem:s17+$0xC0]  }
0x3ea: {  	v8 =	vld [tilespmem:s19+$0x30];
	[tilespmem:s17+$0x10] =	vst v11  }
0x3eb: {  	[tilespmem:s17+$0x70] =	vst v9;
	v9 =	vld [tilespmem:s17+$0xA0]  }
0x3ec: {  	v11 =	vld.idx.msk [tilespmem:v13+s3+$0x0], $0xffff  }
0x3ed: {  	v13 =	vld [tilespmem:s17+$0x90]  }
0x3ee: {  	v15 =	vld [tilespmem:s17+$0xB0]  }
0x3ef: {  	v16 =	vld [tilespmem:s17+$0xD0]  }
0x3f0: {  	v17 =	vld [tilespmem:s17+$0xF0];
	_ =	sdelay $0x1  }
0x3f1: {  	v12 =	vmul.f32 v12, v11;
	v13 =	vmul.f32 v13, v11  }
0x3f2: {  	v9 =	vmul.f32 v9, v11;
	v15 =	vmul.f32 v15, v11  }
0x3f3: {  	v18 =	vmov s16;
	[tilespmem:s17+$0x80] =	vst v12;
	v12 =	vmul.f32 v14, v11;
	v14 =	vmul.f32 v16, v11  }
0x3f4: {  	v16 =	vand.u32 $0xFFFFFFFC, v18;
	[tilespmem:s17+$0xA0] =	vst v9;
	v9 =	vmul.f32 v10, v11;
	v10 =	vmul.f32 v17, v11  }
0x3f5: {  	v11 =	vbroadcast v16, $0x0;
	[tilespmem:s17+$0xC0] =	vst v12  }
0x3f6: {  	[tilespmem:s17+$0xF0] =	vst v10  }
0x3f7: {  	v10 =	vld [tilespmem:s19+$0xFFFFFF40];
	[tilespmem:s17+$0xE0] =	vst v9  }
0x3f8: {  	v9 =	vld [tilespmem:s19+$0xFFFFFF50];
	[tilespmem:s17+$0x90] =	vst v13  }
0x3f9: {  	v12 =	vld [tilespmem:s19+$0xFFFFFF60];
	[tilespmem:s17+$0xB0] =	vst v15  }
0x3fa: {  	v13 =	vld [tilespmem:s19+$0xFFFFFF70];
	[tilespmem:s17+$0xD0] =	vst v14;
	s17 =	smov.u32 s19  }
0x3fb: {  	v11 =	vld.idx.msk [tilespmem:v11+s3+$0x0], $0xffff  }
0x3fc: {  	v14 =	vld [tilespmem:s19+$0xFFFFFF00]  }
0x3fd: {  	v15 =	vld [tilespmem:s19+$0xFFFFFF20]  }
0x3fe: {  	v16 =	vld [tilespmem:s19+$0xFFFFFF10]  }
0x3ff: {  	v17 =	vld [tilespmem:s19+$0xFFFFFF30];
	_ =	sdelay $0x1  }
0x400: {  	v13 =	vmul.f32 v13, v11;
	v14 =	vmul.f32 v14, v11  }
0x401: {  	s7 =	sadd.s32 $0x1, s16;
	v12 =	vmul.f32 v12, v11;
	v15 =	vmul.f32 v15, v11  }
0x402: {  	v9 =	vmul.f32 v9, v11;
	v16 =	vmul.f32 v16, v11;
	[tilespmem:s19+$0xFFFFFF70] =	vst v13;
	v13 =	vmov s7  }
0x403: {  	v10 =	vmul.f32 v10, v11;
	[tilespmem:s19+$0xFFFFFF00] =	vst v14;
	v14 =	vmul.f32 v17, v11;
	v11 =	vand.u32 $0xFFFFFFFD, v13  }
0x404: {  	[tilespmem:s19+$0xFFFFFF20] =	vst v15;
	v11 =	vbroadcast v11, $0x0  }
0x405: {  	[tilespmem:s19+$0xFFFFFF50] =	vst v9  }
0x406: {  	[tilespmem:s19+$0xFFFFFF40] =	vst v10;
	v9 =	vld [tilespmem:s19+$0xFFFFFFF0]  }
0x407: {  	[tilespmem:s19+$0xFFFFFF60] =	vst v12;
	v10 =	vld [tilespmem:s19+$0xFFFFFFC0]  }
0x408: {  	[tilespmem:s19+$0xFFFFFF30] =	vst v14;
	v12 =	vld [tilespmem:s19+$0xFFFFFFD0]  }
0x409: {  	[tilespmem:s19+$0xFFFFFF10] =	vst v16;
	v13 =	vld [tilespmem:s19+$0xFFFFFF90]  }
0x40a: {  	v11 =	vld.idx.msk [tilespmem:v11+s3+$0x0], $0xffff  }
0x40b: {  	v14 =	vld [tilespmem:s19+$0xFFFFFF80]  }
0x40c: {  	v15 =	vld [tilespmem:s19+$0xFFFFFFA0]  }
0x40d: {  	v16 =	vld [tilespmem:s19+$0xFFFFFFB0]  }
0x40e: {  	v17 =	vld [tilespmem:s19+$0xFFFFFFE0];
	_ =	sdelay $0x1  }
0x40f: {  	v13 =	vmul.f32 v13, v11;
	v14 =	vmul.f32 v14, v11  }
0x410: {  	s7 =	sadd.s32 $0x2, s16;
	v12 =	vmul.f32 v12, v11;
	v15 =	vmul.f32 v15, v11  }
0x411: {  	v10 =	vmul.f32 v10, v11;
	[tilespmem:s19+$0xFFFFFF90] =	vst v13;
	v13 =	vmul.f32 v16, v11;
	v16 =	vmov s7  }
0x412: {  	v9 =	vmul.f32 v9, v11;
	[tilespmem:s19+$0xFFFFFFA0] =	vst v15;
	v15 =	vmul.f32 v17, v11;
	v11 =	vand.u32 $0xFFFFFFFE, v16  }
0x413: {  	[tilespmem:s19+$0xFFFFFF80] =	vst v14;
	v11 =	vbroadcast v11, $0x0  }
0x414: {  	[tilespmem:s19+$0xFFFFFFB0] =	vst v13  }
0x415: {  	[tilespmem:s19+$0xFFFFFFC0] =	vst v10  }
0x416: {  	[tilespmem:s19+$0xFFFFFFD0] =	vst v12  }
.Ltmp8:
0x417: {  	[tilespmem:s19+$0xFFFFFFF0] =	vst v9;
	v10 =	vld [tilespmem:s19+$0x40];
	(pc) =	sbr.rel @p0 .LBB2_18-.Ltmp8, $4  }
0x418: {  	[tilespmem:s19+$0xFFFFFFE0] =	vst v15;
	v12 =	vld [tilespmem:s19+$0x60]  }
0x419: {  	v9 =	vld.idx.msk [tilespmem:v11+s3+$0x0], $0xffff  }
0x41a: {  	v13 =	vld [tilespmem:s19+$0x0]  }
0x41b: {  	v11 =	vld [tilespmem:s19+$0x10]  }
0x41c: {  	_ =	sdelay $0x1  }
0x41d: {  	v12 =	vmul.f32 v12, v9  }
0x41e: {  	v14 =	vld [tilespmem:s17+$0x50];
	v10 =	vmul.f32 v10, v9  }
0x41f: {  	v15 =	vld [tilespmem:s17+$0x70];
	v7 =	vmul.f32 v7, v9;
	[tilespmem:s17+$0x60] =	vst v12  }
0x420: {  	v50 =	vmul.f32 v13, v9;
	[tilespmem:s17+$0x40] =	vst v10  }
0x421: {  	s7 =	sadd.s32 $0x3, s16;
	[tilespmem:s17+$0x20] =	vst v7;
	v7 =	vmul.f32 v8, v9  }
0x422: {  	v52 =	vmov s7;
	v11 =	vmul.f32 v11, v9;
	[tilespmem:s17+$0x0] =	vst v50  }
0x423: {  	v51 =	vmul.f32 v14, v9;
	[tilespmem:s17+$0x30] =	vst v7  }
0x424: {  	v53 =	vmul.f32 v15, v9;
	[tilespmem:s17+$0x10] =	vst v11  }
0x425: {  	[tilespmem:s17+$0x50] =	vst v51  }
0x426: {  	v8 =	vld [tilespmem:s17+$0x80];
	[tilespmem:s17+$0x70] =	vst v53  }
0x427: {  	v7 =	vld.idx.msk [tilespmem:v52+s3+$0x0], $0xffff  }
0x428: {  	v54 =	vld [tilespmem:s17+$0xA0]  }
0x429: {  	v56 =	vld [tilespmem:s17+$0xF0]  }
0x42a: {  	v57 =	vld [tilespmem:s17+$0xE0]  }
0x42b: {  	v55 =	vld [tilespmem:s17+$0xC0]  }
0x42c: {  	v59 =	vld [tilespmem:s17+$0xB0];
	v8 =	vmul.f32 v8, v7  }
0x42d: {  	v58 =	vld [tilespmem:s17+$0x90];
	v9 =	vmul.f32 v54, v7  }
0x42e: {  	v60 =	vld [tilespmem:s17+$0xD0];
	v61 =	vmul.f32 v56, v7;
	[tilespmem:s17+$0x80] =	vst v8  }
0x42f: {  	v62 =	vmul.f32 v57, v7;
	[tilespmem:s17+$0xA0] =	vst v9  }
0x430: {  	v8 =	vmul.f32 v55, v7;
	[tilespmem:s17+$0xF0] =	vst v61  }
0x431: {  	v63 =	vmul.f32 v59, v7;
	[tilespmem:s17+$0xE0] =	vst v62  }
0x432: {  	[tilespmem:s17+$0xC0] =	vst v8;
	v8 =	vmul.f32 v58, v7  }
0x433: {  	[tilespmem:s17+$0xB0] =	vst v63;
	v7 =	vmul.f32 v60, v7  }
0x434: {  	[tilespmem:s17+$0x90] =	vst v8  }
0x435: {  	[tilespmem:s17+$0xD0] =	vst v7  }
0x436: {  	[spmem:s2] =	stream.indirect.scatter.add.f32 [tilespmem:s29], [sflag:$0x4], $0x80, s15, s13, $0xb8;
	[tilespmem:$0x1FE80] =	vst v63  }
0x437: {  	_ =	swait.ge [sflag:s21], $0x1400  }
0x438: {  	[sflag:s21] =	ssyncset.done $0x0  }
0x439: {  	s16 =	rddreg [dreg:$0xb];
	[sflag:s21] =	ssyncadd.s32 $0xFFFFEC00  }
0x43a: {  	[hbm4b:s16+s4] =	stream.linear.scatter [tilespmem:s25], [sflag:$0x5], $0x80, $0x38;
	[tilespmem:$0x1FE80] =	vst v63  }
0x43b: {  	s20 =	simm.s32 $0x5D80;
	s19 =	sadd.s32 $0x80, s16  }
0x43c: {  	[hbm4b:s19+s4] =	stream.linear.scatter [tilespmem:s20], [sflag:$0x5], $0x80, $0x38;
	[tilespmem:$0x1FE80] =	vst v63  }
0x43d: {  	s23 =	simm.s32 $0x6180;
	s21 =	sadd.s32 $0x100, s16  }
0x43e: {  	[hbm4b:s21+s4] =	stream.linear.scatter [tilespmem:s23], [sflag:$0x5], $0x80, $0x38;
	[tilespmem:$0x1FE80] =	vst v63  }
0x43f: {  	s18 =	simm.s32 $0x6580;
	s17 =	sadd.s32 $0x180, s16  }
0x440: {  	[hbm4b:s17+s4] =	stream.linear.scatter [tilespmem:s18], [sflag:$0x5], $0x80, $0x38;
	[tilespmem:$0x1FE80] =	vst v63  }
0x441: {  	s19 =	sadd.s32 $0x200, s16;
	s20 =	simm.s32 $0x6980  }
0x442: {  	[hbm4b:s19+s4] =	stream.linear.scatter [tilespmem:s20], [sflag:$0x5], $0x80, $0x38;
	[tilespmem:$0x1FE80] =	vst v63  }
0x443: {  	s21 =	sadd.s32 $0x280, s16;
	s23 =	simm.s32 $0x6D80  }
0x444: {  	[hbm4b:s21+s4] =	stream.linear.scatter [tilespmem:s23], [sflag:$0x5], $0x80, $0x38;
	[tilespmem:$0x1FE80] =	vst v63  }
0x445: {  	s18 =	sadd.s32 $0x300, s16;
	s19 =	simm.s32 $0x7180  }
0x446: {  	[hbm4b:s18+s4] =	stream.linear.scatter [tilespmem:s19], [sflag:$0x5], $0x80, $0x38;
	[tilespmem:$0x1FE80] =	vst v63  }
0x447: {  	s20 =	sadd.s32 $0x380, s16;
	s21 =	simm.s32 $0x7580  }
0x448: {  	[hbm4b:s20+s4] =	stream.linear.scatter [tilespmem:s21], [sflag:$0x5], $0x80, $0x38;
	[tilespmem:$0x1FE80] =	vst v63  }
0x449: {  	s16 =	rddreg [dreg:$0xc];
	s23 =	simm.s32 $0x5A00  }
0x44a: {  	[hbm4b:s16+s4] =	stream.linear.scatter [tilespmem:s23], [sflag:$0x5], $0x80, $0x38;
	[tilespmem:$0x1FE80] =	vst v63  }
0x44b: {  	s17 =	sadd.s32 $0x80, s16;
	s18 =	simm.s32 $0x5E00  }
0x44c: {  	[hbm4b:s17+s4] =	stream.linear.scatter [tilespmem:s18], [sflag:$0x5], $0x80, $0x38;
	[tilespmem:$0x1FE80] =	vst v63  }
0x44d: {  	s19 =	sadd.s32 $0x100, s16;
	s20 =	simm.s32 $0x6200  }
0x44e: {  	[hbm4b:s19+s4] =	stream.linear.scatter [tilespmem:s20], [sflag:$0x5], $0x80, $0x38;
	[tilespmem:$0x1FE80] =	vst v63  }
0x44f: {  	s21 =	sadd.s32 $0x180, s16;
	s23 =	simm.s32 $0x6600  }
0x450: {  	[hbm4b:s21+s4] =	stream.linear.scatter [tilespmem:s23], [sflag:$0x5], $0x80, $0x38;
	[tilespmem:$0x1FE80] =	vst v63  }
0x451: {  	s17 =	sadd.s32 $0x200, s16;
	s18 =	simm.s32 $0x6A00  }
0x452: {  	[hbm4b:s17+s4] =	stream.linear.scatter [tilespmem:s18], [sflag:$0x5], $0x80, $0x38;
	[tilespmem:$0x1FE80] =	vst v63  }
0x453: {  	s19 =	sadd.s32 $0x280, s16;
	s20 =	simm.s32 $0x6E00  }
0x454: {  	[hbm4b:s19+s4] =	stream.linear.scatter [tilespmem:s20], [sflag:$0x5], $0x80, $0x38;
	[tilespmem:$0x1FE80] =	vst v63  }
0x455: {  	s21 =	sadd.s32 $0x300, s16;
	s23 =	simm.s32 $0x7200  }
0x456: {  	[hbm4b:s21+s4] =	stream.linear.scatter [tilespmem:s23], [sflag:$0x5], $0x80, $0x38;
	[tilespmem:$0x1FE80] =	vst v63  }
0x457: {  	s16 =	sadd.s32 $0x380, s16;
	s17 =	simm.s32 $0x7600  }
0x458: {  	[hbm4b:s16+s4] =	stream.linear.scatter [tilespmem:s17], [sflag:$0x5], $0x80, $0x38;
	[tilespmem:$0x1FE80] =	vst v63  }
0x459: {  	s18 =	simm.s32 $0x5A80;
	s16 =	rddreg [dreg:$0xd]  }
0x45a: {  	[hbm4b:s16+s4] =	stream.linear.scatter [tilespmem:s18], [sflag:$0x5], $0x80, $0x38;
	[tilespmem:$0x1FE80] =	vst v63  }
0x45b: {  	s20 =	simm.s32 $0x5E80;
	s19 =	sadd.s32 $0x80, s16  }
0x45c: {  	[hbm4b:s19+s4] =	stream.linear.scatter [tilespmem:s20], [sflag:$0x5], $0x80, $0x38;
	[tilespmem:$0x1FE80] =	vst v63  }
0x45d: {  	s23 =	simm.s32 $0x6280;
	s21 =	sadd.s32 $0x100, s16  }
0x45e: {  	[hbm4b:s21+s4] =	stream.linear.scatter [tilespmem:s23], [sflag:$0x5], $0x80, $0x38;
	[tilespmem:$0x1FE80] =	vst v63  }
0x45f: {  	s17 =	sadd.s32 $0x180, s16;
	s18 =	simm.s32 $0x6680  }
0x460: {  	[hbm4b:s17+s4] =	stream.linear.scatter [tilespmem:s18], [sflag:$0x5], $0x80, $0x38;
	[tilespmem:$0x1FE80] =	vst v63  }
0x461: {  	s19 =	sadd.s32 $0x200, s16;
	s20 =	simm.s32 $0x6A80  }
0x462: {  	[hbm4b:s19+s4] =	stream.linear.scatter [tilespmem:s20], [sflag:$0x5], $0x80, $0x38;
	[tilespmem:$0x1FE80] =	vst v63  }
0x463: {  	s21 =	sadd.s32 $0x280, s16;
	s23 =	simm.s32 $0x6E80  }
0x464: {  	[hbm4b:s21+s4] =	stream.linear.scatter [tilespmem:s23], [sflag:$0x5], $0x80, $0x38;
	[tilespmem:$0x1FE80] =	vst v63  }
0x465: {  	s18 =	sadd.s32 $0x300, s16;
	s19 =	simm.s32 $0x7280  }
0x466: {  	[hbm4b:s18+s4] =	stream.linear.scatter [tilespmem:s19], [sflag:$0x5], $0x80, $0x38;
	[tilespmem:$0x1FE80] =	vst v63  }
0x467: {  	s20 =	sadd.s32 $0x380, s16;
	s21 =	simm.s32 $0x7680  }
0x468: {  	[hbm4b:s20+s4] =	stream.linear.scatter [tilespmem:s21], [sflag:$0x5], $0x80, $0x38;
	[tilespmem:$0x1FE80] =	vst v63  }
0x469: {  	s16 =	rddreg [dreg:$0xe];
	s23 =	simm.s32 $0x5B00  }
0x46a: {  	[hbm4b:s16+s4] =	stream.linear.scatter [tilespmem:s23], [sflag:$0x5], $0x80, $0x38;
	[tilespmem:$0x1FE80] =	vst v63  }
0x46b: {  	s17 =	sadd.s32 $0x80, s16;
	s18 =	simm.s32 $0x5F00  }
0x46c: {  	[hbm4b:s17+s4] =	stream.linear.scatter [tilespmem:s18], [sflag:$0x5], $0x80, $0x38;
	[tilespmem:$0x1FE80] =	vst v63  }
0x46d: {  	s19 =	sadd.s32 $0x100, s16;
	s20 =	simm.s32 $0x6300  }
0x46e: {  	[hbm4b:s19+s4] =	stream.linear.scatter [tilespmem:s20], [sflag:$0x5], $0x80, $0x38;
	[tilespmem:$0x1FE80] =	vst v63  }
0x46f: {  	s21 =	sadd.s32 $0x180, s16;
	s23 =	simm.s32 $0x6700  }
0x470: {  	[hbm4b:s21+s4] =	stream.linear.scatter [tilespmem:s23], [sflag:$0x5], $0x80, $0x38;
	[tilespmem:$0x1FE80] =	vst v63  }
0x471: {  	s17 =	sadd.s32 $0x200, s16;
	s18 =	simm.s32 $0x6B00  }
0x472: {  	[hbm4b:s17+s4] =	stream.linear.scatter [tilespmem:s18], [sflag:$0x5], $0x80, $0x38;
	[tilespmem:$0x1FE80] =	vst v63  }
0x473: {  	s19 =	sadd.s32 $0x280, s16;
	s20 =	simm.s32 $0x6F00  }
0x474: {  	[hbm4b:s19+s4] =	stream.linear.scatter [tilespmem:s20], [sflag:$0x5], $0x80, $0x38;
	[tilespmem:$0x1FE80] =	vst v63  }
0x475: {  	s21 =	sadd.s32 $0x300, s16;
	s23 =	simm.s32 $0x7300  }
0x476: {  	[hbm4b:s21+s4] =	stream.linear.scatter [tilespmem:s23], [sflag:$0x5], $0x80, $0x38;
	[tilespmem:$0x1FE80] =	vst v63  }
0x477: {  	s16 =	sadd.s32 $0x380, s16;
	s17 =	simm.s32 $0x7700  }
0x478: {  	[hbm4b:s16+s4] =	stream.linear.scatter [tilespmem:s17], [sflag:$0x5], $0x80, $0x38;
	[tilespmem:$0x1FE80] =	vst v63  }
0x479: {  	s18 =	simm.s32 $0x5B80;
	s16 =	rddreg [dreg:$0xf]  }
0x47a: {  	[hbm4b:s16+s4] =	stream.linear.scatter [tilespmem:s18], [sflag:$0x5], $0x80, $0x38;
	[tilespmem:$0x1FE80] =	vst v63  }
0x47b: {  	s20 =	simm.s32 $0x5F80;
	s19 =	sadd.s32 $0x80, s16  }
0x47c: {  	[hbm4b:s19+s4] =	stream.linear.scatter [tilespmem:s20], [sflag:$0x5], $0x80, $0x38;
	[tilespmem:$0x1FE80] =	vst v63  }
0x47d: {  	s23 =	simm.s32 $0x6380;
	s21 =	sadd.s32 $0x100, s16  }
0x47e: {  	[hbm4b:s21+s4] =	stream.linear.scatter [tilespmem:s23], [sflag:$0x5], $0x80, $0x38;
	[tilespmem:$0x1FE80] =	vst v63  }
0x47f: {  	s17 =	sadd.s32 $0x180, s16;
	s18 =	simm.s32 $0x6780  }
0x480: {  	[hbm4b:s17+s4] =	stream.linear.scatter [tilespmem:s18], [sflag:$0x5], $0x80, $0x38;
	[tilespmem:$0x1FE80] =	vst v63  }
0x481: {  	s19 =	sadd.s32 $0x200, s16;
	s20 =	simm.s32 $0x6B80  }
0x482: {  	[hbm4b:s19+s4] =	stream.linear.scatter [tilespmem:s20], [sflag:$0x5], $0x80, $0x38;
	[tilespmem:$0x1FE80] =	vst v63  }
0x483: {  	s21 =	sadd.s32 $0x280, s16;
	s23 =	simm.s32 $0x6F80  }
0x484: {  	[hbm4b:s21+s4] =	stream.linear.scatter [tilespmem:s23], [sflag:$0x5], $0x80, $0x38;
	[tilespmem:$0x1FE80] =	vst v63  }
0x485: {  	s18 =	sadd.s32 $0x300, s16;
	s19 =	simm.s32 $0x7380  }
0x486: {  	[hbm4b:s18+s4] =	stream.linear.scatter [tilespmem:s19], [sflag:$0x5], $0x80, $0x38;
	[tilespmem:$0x1FE80] =	vst v63  }
0x487: {  	s20 =	sadd.s32 $0x380, s16;
	s21 =	simm.s32 $0x7780  }
0x488: {  	[hbm4b:s20+s4] =	stream.linear.scatter [tilespmem:s21], [sflag:$0x5], $0x80, $0x38;
	[tilespmem:$0x1FE80] =	vst v63  }
0x489: {  	s16 =	rddreg [dreg:$0x10];
	s23 =	simm.s32 $0x5C00  }
0x48a: {  	[hbm4b:s16+s4] =	stream.linear.scatter [tilespmem:s23], [sflag:$0x5], $0x80, $0x38;
	[tilespmem:$0x1FE80] =	vst v63  }
0x48b: {  	s17 =	sadd.s32 $0x80, s16;
	s18 =	simm.s32 $0x6000  }
0x48c: {  	[hbm4b:s17+s4] =	stream.linear.scatter [tilespmem:s18], [sflag:$0x5], $0x80, $0x38;
	[tilespmem:$0x1FE80] =	vst v63  }
0x48d: {  	s19 =	sadd.s32 $0x100, s16;
	s20 =	simm.s32 $0x6400  }
0x48e: {  	[hbm4b:s19+s4] =	stream.linear.scatter [tilespmem:s20], [sflag:$0x5], $0x80, $0x38;
	[tilespmem:$0x1FE80] =	vst v63  }
0x48f: {  	s21 =	sadd.s32 $0x180, s16;
	s23 =	simm.s32 $0x6800  }
0x490: {  	[hbm4b:s21+s4] =	stream.linear.scatter [tilespmem:s23], [sflag:$0x5], $0x80, $0x38;
	[tilespmem:$0x1FE80] =	vst v63  }
0x491: {  	s17 =	sadd.s32 $0x200, s16;
	s18 =	simm.s32 $0x6C00  }
0x492: {  	[hbm4b:s17+s4] =	stream.linear.scatter [tilespmem:s18], [sflag:$0x5], $0x80, $0x38;
	[tilespmem:$0x1FE80] =	vst v63  }
0x493: {  	s19 =	sadd.s32 $0x280, s16;
	s20 =	simm.s32 $0x7000  }
0x494: {  	[hbm4b:s19+s4] =	stream.linear.scatter [tilespmem:s20], [sflag:$0x5], $0x80, $0x38;
	[tilespmem:$0x1FE80] =	vst v63  }
0x495: {  	s21 =	sadd.s32 $0x300, s16;
	s23 =	simm.s32 $0x7400  }
0x496: {  	[hbm4b:s21+s4] =	stream.linear.scatter [tilespmem:s23], [sflag:$0x5], $0x80, $0x38;
	[tilespmem:$0x1FE80] =	vst v63  }
0x497: {  	s16 =	sadd.s32 $0x380, s16;
	s17 =	simm.s32 $0x7800  }
0x498: {  	[hbm4b:s16+s4] =	stream.linear.scatter [tilespmem:s17], [sflag:$0x5], $0x80, $0x38;
	[tilespmem:$0x1FE80] =	vst v63  }
0x499: {  	s18 =	simm.s32 $0x5C80;
	s16 =	rddreg [dreg:$0x11]  }
0x49a: {  	[hbm4b:s16+s4] =	stream.linear.scatter [tilespmem:s18], [sflag:$0x5], $0x80, $0x38;
	[tilespmem:$0x1FE80] =	vst v63  }
0x49b: {  	s20 =	simm.s32 $0x6080;
	s19 =	sadd.s32 $0x80, s16  }
0x49c: {  	[hbm4b:s19+s4] =	stream.linear.scatter [tilespmem:s20], [sflag:$0x5], $0x80, $0x38;
	[tilespmem:$0x1FE80] =	vst v63  }
0x49d: {  	s23 =	simm.s32 $0x6480;
	s21 =	sadd.s32 $0x100, s16  }
0x49e: {  	[hbm4b:s21+s4] =	stream.linear.scatter [tilespmem:s23], [sflag:$0x5], $0x80, $0x38;
	[tilespmem:$0x1FE80] =	vst v63  }
0x49f: {  	s17 =	sadd.s32 $0x180, s16;
	s18 =	simm.s32 $0x6880  }
0x4a0: {  	[hbm4b:s17+s4] =	stream.linear.scatter [tilespmem:s18], [sflag:$0x5], $0x80, $0x38;
	[tilespmem:$0x1FE80] =	vst v63  }
0x4a1: {  	s19 =	sadd.s32 $0x200, s16;
	s20 =	simm.s32 $0x6C80  }
0x4a2: {  	[hbm4b:s19+s4] =	stream.linear.scatter [tilespmem:s20], [sflag:$0x5], $0x80, $0x38;
	[tilespmem:$0x1FE80] =	vst v63  }
0x4a3: {  	s21 =	sadd.s32 $0x280, s16;
	s23 =	simm.s32 $0x7080  }
0x4a4: {  	[hbm4b:s21+s4] =	stream.linear.scatter [tilespmem:s23], [sflag:$0x5], $0x80, $0x38;
	[tilespmem:$0x1FE80] =	vst v63  }
0x4a5: {  	s18 =	sadd.s32 $0x300, s16;
	s19 =	simm.s32 $0x7480  }
0x4a6: {  	[hbm4b:s18+s4] =	stream.linear.scatter [tilespmem:s19], [sflag:$0x5], $0x80, $0x38;
	[tilespmem:$0x1FE80] =	vst v63  }
0x4a7: {  	s20 =	sadd.s32 $0x380, s16;
	s21 =	simm.s32 $0x7880  }
0x4a8: {  	[hbm4b:s20+s4] =	stream.linear.scatter [tilespmem:s21], [sflag:$0x5], $0x80, $0x38;
	[tilespmem:$0x1FE80] =	vst v63  }
0x4a9: {  	s16 =	rddreg [dreg:$0x12];
	s23 =	simm.s32 $0x5D00  }
0x4aa: {  	[hbm4b:s16+s4] =	stream.linear.scatter [tilespmem:s23], [sflag:$0x5], $0x80, $0x38;
	[tilespmem:$0x1FE80] =	vst v63  }
0x4ab: {  	s17 =	sadd.s32 $0x80, s16;
	s18 =	simm.s32 $0x6100  }
0x4ac: {  	[hbm4b:s17+s4] =	stream.linear.scatter [tilespmem:s18], [sflag:$0x5], $0x80, $0x38;
	[tilespmem:$0x1FE80] =	vst v63  }
0x4ad: {  	s19 =	sadd.s32 $0x100, s16;
	s20 =	simm.s32 $0x6500  }
0x4ae: {  	[hbm4b:s19+s4] =	stream.linear.scatter [tilespmem:s20], [sflag:$0x5], $0x80, $0x38;
	[tilespmem:$0x1FE80] =	vst v63  }
0x4af: {  	s21 =	sadd.s32 $0x180, s16;
	s23 =	simm.s32 $0x6900  }
0x4b0: {  	[hbm4b:s21+s4] =	stream.linear.scatter [tilespmem:s23], [sflag:$0x5], $0x80, $0x38;
	[tilespmem:$0x1FE80] =	vst v63  }
0x4b1: {  	s17 =	sadd.s32 $0x200, s16;
	s18 =	simm.s32 $0x6D00  }
0x4b2: {  	[hbm4b:s17+s4] =	stream.linear.scatter [tilespmem:s18], [sflag:$0x5], $0x80, $0x38;
	[tilespmem:$0x1FE80] =	vst v63  }
0x4b3: {  	s19 =	sadd.s32 $0x280, s16;
	s20 =	simm.s32 $0x7100  }
0x4b4: {  	[hbm4b:s19+s4] =	stream.linear.scatter [tilespmem:s20], [sflag:$0x5], $0x80, $0x38;
	[tilespmem:$0x1FE80] =	vst v63  }
0x4b5: {  	s21 =	sadd.s32 $0x300, s16;
	s23 =	simm.s32 $0x7500  }
0x4b6: {  	[hbm4b:s21+s4] =	stream.linear.scatter [tilespmem:s23], [sflag:$0x5], $0x80, $0x38;
	[tilespmem:$0x1FE80] =	vst v63  }
0x4b7: {  	s16 =	sadd.s32 $0x380, s16;
	s17 =	simm.s32 $0x7900  }
0x4b8: {  	[hbm4b:s16+s4] =	stream.linear.scatter [tilespmem:s17], [sflag:$0x5], $0x80, $0x38;
	[tilespmem:$0x1FE80] =	vst v63  }
0x4b9: {  	s18 =	simm.s32 $0x7980;
	s16 =	rddreg [dreg:$0x13]  }
0x4ba: {  	[hbm4b:s16+s4] =	stream.linear.scatter [tilespmem:s18], [sflag:$0x5], $0x80, $0x38;
	[tilespmem:$0x1FE80] =	vst v63  }
0x4bb: {  	s20 =	simm.s32 $0x7D80;
	s19 =	sadd.s32 $0x80, s16  }
0x4bc: {  	[hbm4b:s19+s4] =	stream.linear.scatter [tilespmem:s20], [sflag:$0x5], $0x80, $0x38;
	[tilespmem:$0x1FE80] =	vst v63  }
0x4bd: {  	s23 =	simm.s32 $0x8180;
	s21 =	sadd.s32 $0x100, s16  }
0x4be: {  	[hbm4b:s21+s4] =	stream.linear.scatter [tilespmem:s23], [sflag:$0x5], $0x80, $0x38;
	[tilespmem:$0x1FE80] =	vst v63  }
0x4bf: {  	s17 =	sadd.s32 $0x180, s16;
	s18 =	simm.s32 $0x8580  }
0x4c0: {  	[hbm4b:s17+s4] =	stream.linear.scatter [tilespmem:s18], [sflag:$0x5], $0x80, $0x38;
	[tilespmem:$0x1FE80] =	vst v63  }
0x4c1: {  	s19 =	sadd.s32 $0x200, s16;
	s20 =	simm.s32 $0x8980  }
0x4c2: {  	[hbm4b:s19+s4] =	stream.linear.scatter [tilespmem:s20], [sflag:$0x5], $0x80, $0x38;
	[tilespmem:$0x1FE80] =	vst v63  }
0x4c3: {  	s21 =	sadd.s32 $0x280, s16;
	s23 =	simm.s32 $0x8D80  }
0x4c4: {  	[hbm4b:s21+s4] =	stream.linear.scatter [tilespmem:s23], [sflag:$0x5], $0x80, $0x38;
	[tilespmem:$0x1FE80] =	vst v63  }
0x4c5: {  	s18 =	sadd.s32 $0x300, s16;
	s19 =	simm.s32 $0x9180  }
0x4c6: {  	[hbm4b:s18+s4] =	stream.linear.scatter [tilespmem:s19], [sflag:$0x5], $0x80, $0x38;
	[tilespmem:$0x1FE80] =	vst v63  }
0x4c7: {  	s20 =	sadd.s32 $0x380, s16;
	s21 =	simm.s32 $0x9580  }
0x4c8: {  	[hbm4b:s20+s4] =	stream.linear.scatter [tilespmem:s21], [sflag:$0x5], $0x80, $0x38;
	[tilespmem:$0x1FE80] =	vst v63  }
0x4c9: {  	s16 =	rddreg [dreg:$0x14];
	s23 =	simm.s32 $0x7A00  }
0x4ca: {  	[hbm4b:s16+s4] =	stream.linear.scatter [tilespmem:s23], [sflag:$0x5], $0x80, $0x38;
	[tilespmem:$0x1FE80] =	vst v63  }
0x4cb: {  	s17 =	sadd.s32 $0x80, s16;
	s18 =	simm.s32 $0x7E00  }
0x4cc: {  	[hbm4b:s17+s4] =	stream.linear.scatter [tilespmem:s18], [sflag:$0x5], $0x80, $0x38;
	[tilespmem:$0x1FE80] =	vst v63  }
0x4cd: {  	s19 =	sadd.s32 $0x100, s16;
	s20 =	simm.s32 $0x8200  }
0x4ce: {  	[hbm4b:s19+s4] =	stream.linear.scatter [tilespmem:s20], [sflag:$0x5], $0x80, $0x38;
	[tilespmem:$0x1FE80] =	vst v63  }
0x4cf: {  	s21 =	sadd.s32 $0x180, s16;
	s23 =	simm.s32 $0x8600  }
0x4d0: {  	[hbm4b:s21+s4] =	stream.linear.scatter [tilespmem:s23], [sflag:$0x5], $0x80, $0x38;
	[tilespmem:$0x1FE80] =	vst v63  }
0x4d1: {  	s17 =	sadd.s32 $0x200, s16;
	s18 =	simm.s32 $0x8A00  }
0x4d2: {  	[hbm4b:s17+s4] =	stream.linear.scatter [tilespmem:s18], [sflag:$0x5], $0x80, $0x38;
	[tilespmem:$0x1FE80] =	vst v63  }
0x4d3: {  	s19 =	sadd.s32 $0x280, s16;
	s20 =	simm.s32 $0x8E00  }
0x4d4: {  	[hbm4b:s19+s4] =	stream.linear.scatter [tilespmem:s20], [sflag:$0x5], $0x80, $0x38;
	[tilespmem:$0x1FE80] =	vst v63  }
0x4d5: {  	s21 =	sadd.s32 $0x300, s16;
	s23 =	simm.s32 $0x9200  }
0x4d6: {  	[hbm4b:s21+s4] =	stream.linear.scatter [tilespmem:s23], [sflag:$0x5], $0x80, $0x38;
	[tilespmem:$0x1FE80] =	vst v63  }
0x4d7: {  	s16 =	sadd.s32 $0x380, s16;
	s17 =	simm.s32 $0x9600  }
0x4d8: {  	[hbm4b:s16+s4] =	stream.linear.scatter [tilespmem:s17], [sflag:$0x5], $0x80, $0x38;
	[tilespmem:$0x1FE80] =	vst v63  }
0x4d9: {  	_ =	swait.ge [sflag:s6], $0x400  }
0x4da: {  	[sflag:s6] =	ssyncset.done $0x0  }
0x4db: {  	[sflag:s6] =	ssyncadd.s32 $0xFFFFFC00  }
0x4dc: {  	_ =	swait.ge [sflag:s6], $0x400  }
0x4dd: {  	[sflag:s6] =	ssyncset.done $0x0  }
0x4de: {  	[sflag:s6] =	ssyncadd.s32 $0xFFFFFC00  }
0x4df: {  	_ =	swait.ge [sflag:s6], $0x400  }
0x4e0: {  	[sflag:s6] =	ssyncset.done $0x0  }
0x4e1: {  	[sflag:s6] =	ssyncadd.s32 $0xFFFFFC00  }
0x4e2: {  	_ =	swait.ge [sflag:s6], $0x400  }
0x4e3: {  	[sflag:s6] =	ssyncset.done $0x0  }
0x4e4: {  	[sflag:s6] =	ssyncadd.s32 $0xFFFFFC00  }
0x4e5: {  	_ =	swait.ge [sflag:s6], $0x400  }
0x4e6: {  	[sflag:s6] =	ssyncset.done $0x0  }
0x4e7: {  	[sflag:s6] =	ssyncadd.s32 $0xFFFFFC00  }
0x4e8: {  	_ =	swait.ge [sflag:s6], $0x400  }
0x4e9: {  	[sflag:s6] =	ssyncset.done $0x0  }
0x4ea: {  	[sflag:s6] =	ssyncadd.s32 $0xFFFFFC00  }
0x4eb: {  	_ =	swait.ge [sflag:s6], $0x400  }
0x4ec: {  	[sflag:s6] =	ssyncset.done $0x0  }
0x4ed: {  	[sflag:s6] =	ssyncadd.s32 $0xFFFFFC00  }
0x4ee: {  	_ =	swait.ge [sflag:s6], $0x400  }
0x4ef: {  	[sflag:s6] =	ssyncset.done $0x0  }
0x4f0: {  	[sflag:s6] =	ssyncadd.s32 $0xFFFFFC00  }
0x4f1: {  	_ =	swait.ge [sflag:s6], $0x400  }
0x4f2: {  	[sflag:s6] =	ssyncset.done $0x0  }
0x4f3: {  	[sflag:s6] =	ssyncadd.s32 $0xFFFFFC00  }
0x4f4: {  	_ =	swait.ge [sflag:s6], $0x400  }
0x4f5: {  	[sflag:s6] =	ssyncset.done $0x0  }
0x4f6: {  	s18 =	stileid.u32;
	[sflag:s6] =	ssyncadd.s32 $0xFFFFFC00  }
0x4f7: {  	s7 =	sshll.u32 s18, $0x6;
	[bflag:$0x0] =	sbarrier.arrive $0xFFFF  }
0x4f8: {  	s7 =	sor.u32 $0x1C06, s7;
	s19 =	sshrl.u32 s22, $0x3;
	s20 =	rddreg [dreg:$0x15]  }
0x4f9: {  	[hbm:s20], [sflag:s7] =	dma.local [spmem:s19], $0x2780  }
0x4fa: {  	_ =	swait.ge [sflag:s30], $0x2780  }
0x4fb: {  	s21 =	sld [smem:$0x7F5];
	_ =	sdelay $0x2  }
0x4fc: {  	s23 =	rddreg [dreg:$0x16];
	s16 =	sadd.s32 $0x1, s21  }
0x4fd: {  	p0 =	sne.s32 s16, s23  }
.Ltmp9:
0x4fe: {  	_ = 	snop;
	(pc) =	sbr.rel @p0 .LBB2_1-.Ltmp9, $3  }
0x4ff: {  	_ =	sdelay $0x1  }
0x500: {  	[sflag:s30] =	ssyncset.done $0x0  }
0x501: {  	[sflag:s30] =	ssyncadd.s32 $0xFFFFD880  }
0x502: {  	_ =	sfence.sel $0x180000  }
0x503: {  	[bflag:$0x0] =	sbarrier.arrive $0xFFFF  }
0x504: {  	_ =	strace $0x90000047  }
0x505: {  	s0 =	stileid.u32;
	[bflag:$0x2] =	sbarrier.arrive $0xFFFF  }
0x506: {  	p0 =	sne.s32 s0, $0x0;
	s0 =	rddreg [dreg:$0x3]  }
0x507: {  	s0 =	sadd.s32 @!p0 $0x100000, s0  }
0x508: {  	[sflag:s0] =	ssyncadd.tile.s32 @!p0 $0x1;
	_ =	shalt  }
.Lfunc_end2:
_tile_overlayer_lowered:
.L_overlay_start_2:
0x509: {  	(tag) =	ssettag $0x2  }
0x50a: {  	s0 =	rddreg [dreg:$0x0];
	s2 =	stileid.u32  }
0x50b: {  	s1 =	rddreg [dreg:$0x1];
	p0 =	sne.s32 s2, $0x0  }
0x50c: {  	s3 =	rddreg [dreg:$0x2];
	[bflag:$0x3] =	sbarrier.arrive $0xFFFF;
	s2 =	simm.s32 @!p0 $0x1C06  }
0x50d: {  	[timem:s3], [sflag:s2] =	dma.local @!p0 [hbm:s0], s1  }
0x50e: {  	s0 =	simm.s32 @!p0 $0x6  }
0x50f: {  	_ =	swait.ge @!p0 [sflag:s0], s1  }
0x510: {  	s1 =	ssub.s32 @!p0 $0x0, s1;
	[sflag:s0] =	ssyncset.done @!p0 $0x0  }
0x511: {  	[sflag:s0] =	ssyncadd.s32 @!p0 s1  }
0x512: {  	[bflag:$0x3] =	sbarrier.arrive $0xFFFF  }
0x513: {  	_ =	shalt  }

</sc_bundles>
